<compile_context>
chip_gen: v7x
topology: tpu7x:2x2x1
jax: 0.10.2.dev20260603
libtpu: 0.0.44.dev20260713+nightly
codegen_flags: <defaults>
</compile_context>

<pallas_src>
import functools

import jax
import jax.numpy as jnp
from jax import lax
from jax.experimental import pallas as pl
from jax.experimental.pallas import tpu as pltpu
from jax.experimental.pallas import tpu_sc as plsc

_NUM_U = 805
_NUM_I = 390
_N_SH = 1195
_D = 64
_K_U = 20
_K_I = 9

_VP = 1280
_AW = 128
_FO = 64
_NC = 2
_NS = 16
_EB = 128
_RB = 10
_E_PAD = _NC * _NS * _RB * _EB
_ROWS_PER_TILE = _VP // _NS



_NBUF = 4
_GLAG = 2


def _sc_agg_body(table_hbm, src_hbm, dst_hbm, zeros_hbm, out_hbm,
                 src_v, dst_v, bufs_v, stage_v, acc_sh,
                 gsem0, gsem1, ssem0, ssem1):
    c = lax.axis_index("c")
    s = lax.axis_index("s")
    wid = c * _NS + s
    row0 = s * _ROWS_PER_TILE
    gsems = (gsem0, gsem1)
    ssems = (ssem0, ssem1)

    pltpu.sync_copy(zeros_hbm.at[pl.ds(row0, _ROWS_PER_TILE)], stage_v)
    pltpu.sync_copy(stage_v, acc_sh.at[pl.ds(row0, _ROWS_PER_TILE)])

    pltpu.sync_copy(src_hbm.at[wid], src_v)
    pltpu.sync_copy(dst_hbm.at[wid], dst_v)
    plsc.subcore_barrier()

    gcp = [None] * _RB
    scp = [None] * _RB
    for r in range(_GLAG):
        gcp[r] = pltpu.async_copy(table_hbm.at[src_v.at[r]],
                                  bufs_v.at[r % _NBUF], gsems[r % _GLAG])
    for r in range(_RB):
        gcp[r].wait()
        nr = r + _GLAG
        if nr < _RB:
            if nr - _NBUF >= 0:
                scp[nr - _NBUF].wait()
            gcp[nr] = pltpu.async_copy(table_hbm.at[src_v.at[nr]],
                                       bufs_v.at[nr % _NBUF],
                                       gsems[nr % _GLAG])
        scp[r] = pltpu.async_copy(bufs_v.at[r % _NBUF],
                                  acc_sh.at[dst_v.at[r]],
                                  ssems[r % (_NBUF - _GLAG)], add=True)
    for r in range(_RB - _NBUF, _RB):
        if r >= 0:
            scp[r].wait()
    plsc.subcore_barrier()

    pltpu.sync_copy(acc_sh.at[pl.ds(row0, _ROWS_PER_TILE)], stage_v)
    pltpu.sync_copy(stage_v, out_hbm.at[c, pl.ds(row0, _ROWS_PER_TILE)])


@functools.cache
def _make_sc_agg():
    return pl.kernel(
        _sc_agg_body,
        out_type=jax.ShapeDtypeStruct((_NC, _VP, _AW), jnp.float32),
        mesh=plsc.VectorSubcoreMesh(core_axis_name="c", subcore_axis_name="s",
                                    num_cores=_NC, num_subcores=_NS),
        scratch_types=[
            pltpu.VMEM((_RB, _EB), jnp.int32),
            pltpu.VMEM((_RB, _EB), jnp.int32),
            pltpu.VMEM((_NBUF, _EB, _AW), jnp.float32),
            pltpu.VMEM((_ROWS_PER_TILE, _AW), jnp.float32),
            pltpu.VMEM_SHARED((_VP, _AW), jnp.float32),
            pltpu.SemaphoreType.DMA,
            pltpu.SemaphoreType.DMA,
            pltpu.SemaphoreType.DMA,
            pltpu.SemaphoreType.DMA,
        ],
    )


def _sc_agg(table, src, dst, zeros):
    return _make_sc_agg()(table, src, dst, zeros)



def _aug(lin):
    row = lax.broadcasted_iota(jnp.int32, (_VP, 1), 0)
    valid = (row < _N_SH).astype(jnp.float32)
    lin = lin * valid
    col = lax.broadcasted_iota(jnp.int32, (_VP, _FO), 1)
    cnt = jnp.where((col == 0) & (row < _N_SH), 1.0, 0.0).astype(jnp.float32)
    return jnp.concatenate([cnt, lin], axis=1)


def _tc_pre_body(sh_ref, w_ref, b_ref, out_ref):
    lin = lax.dot_general(sh_ref[...], w_ref[...], (((1,), (1,)), ((), ())),
                          preferred_element_type=jnp.float32) + b_ref[...]
    out_ref[...] = _aug(lin)


def _combined_mean_tanh(acc):
    a = acc[0] + acc[1]
    cnt = a[:, 0:1]
    feat = a[:, _FO:_AW]
    return jnp.tanh(feat / jnp.maximum(cnt, 1.0))


def _tc_mid_body(acc_ref, w_ref, b_ref, out_ref):
    x2 = _combined_mean_tanh(acc_ref[...])
    lin = lax.dot_general(x2, w_ref[...], (((1,), (1,)), ((), ())),
                          preferred_element_type=jnp.float32) + b_ref[...]
    out_ref[...] = _aug(lin)


def _l2norm_cols(xT):
    n = jnp.sqrt(jnp.sum(xT * xT, axis=0, keepdims=True))
    return xT / jnp.maximum(n, 1e-12)


def _kmeans_t(xT, k):
    n = xT.shape[1]
    centsT = xT[:, :k]
    jio = lax.broadcasted_iota(jnp.int32, (k, 1), 0)
    ones = jnp.ones((1, n), jnp.float32)

    def assign(centsT):
        bd = jnp.full((1, n), jnp.inf, jnp.float32)
        bi = jnp.zeros((1, n), jnp.int32)
        for j in range(k):
            diff = xT - centsT[:, j:j + 1]
            dj = jnp.sum(diff * diff, axis=0, keepdims=True)
            upd = dj < bd
            bd = jnp.where(upd, dj, bd)
            bi = jnp.where(upd, j, bi)
        return bi

    for _ in range(4):
        bi = assign(centsT)
        onehotT = (bi == jio).astype(jnp.float32)
        sT = lax.dot_general(xT, onehotT, (((1,), (1,)), ((), ())),
                             precision=lax.Precision.HIGHEST,
                             preferred_element_type=jnp.float32)
        cnt = lax.dot_general(ones, onehotT, (((1,), (1,)), ((), ())),
                              precision=lax.Precision.HIGHEST,
                              preferred_element_type=jnp.float32)
        centsT = sT / jnp.maximum(cnt, 1.0)
    bi = assign(centsT)
    onehotT = (bi == jio).astype(jnp.float32)
    centsT = _l2norm_cols(centsT)
    gatheredT = lax.dot_general(centsT, onehotT, (((1,), (0,)), ((), ())),
                                precision=lax.Precision.HIGHEST,
                                preferred_element_type=jnp.float32)
    return gatheredT


def _tc_final_body(acc_ref, sh_ref, presc_ref, mlpw_ref, mlpb_ref,
                   g_ref, bta_ref, out_ref):
    x6 = _combined_mean_tanh(acc_ref[...])
    x6T = x6.T
    shT = sh_ref[...].T

    s_iT = _l2norm_cols(shT[:, :_NUM_U])
    s_uT = _l2norm_cols(shT[:, _NUM_U:_N_SH])
    n_iT = _kmeans_t(x6T[:, :_NUM_U], _K_U)
    n_uT = _kmeans_t(x6T[:, _NUM_U:_N_SH], _K_I)

    esT = s_uT + n_uT
    ehT = s_iT + n_iT

    presc = presc_ref[...]
    e_synd = lax.dot_general(presc, esT, (((1,), (1,)), ((), ())),
                             preferred_element_type=jnp.float32)
    pre_sum = jnp.sum(presc, axis=1, keepdims=True)
    en = e_synd / pre_sum
    en = lax.dot_general(en, mlpw_ref[...], (((1,), (1,)), ((), ())),
                         preferred_element_type=jnp.float32) + mlpb_ref[...]
    mean = jnp.mean(en, axis=0, keepdims=True)
    var = jnp.mean((en - mean) * (en - mean), axis=0, keepdims=True)
    en = (en - mean) / jnp.sqrt(var + 1e-5) * g_ref[...] + bta_ref[...]
    en = jnp.maximum(en, 0.0)
    out_ref[...] = lax.dot_general(en, ehT, (((1,), (0,)), ((), ())),
                                   preferred_element_type=jnp.float32)


def _tc_pre(sh_pad, w1, b1, interpret=False):
    return pl.pallas_call(
        _tc_pre_body,
        out_shape=jax.ShapeDtypeStruct((_VP, _AW), jnp.float32),
        interpret=interpret,
    )(sh_pad, w1, b1)


def _tc_mid(acc, w2, b2, interpret=False):
    return pl.pallas_call(
        _tc_mid_body,
        out_shape=jax.ShapeDtypeStruct((_VP, _AW), jnp.float32),
        interpret=interpret,
    )(acc, w2, b2)


def _tc_final(acc, sh_pad, presc, mlp_w, mlp_b, gamma, beta, interpret=False):
    return pl.pallas_call(
        _tc_final_body,
        out_shape=jax.ShapeDtypeStruct((1024, _NUM_U), jnp.float32),
        interpret=interpret,
    )(acc, sh_pad, presc, mlp_w, mlp_b, gamma, beta)


def kernel(x_SH, edge_index_SH, x_SS, edge_index_SS, x_HH, edge_index_HH,
           prescription, SH_table, W1, b1, W2, b2, W1h, b1h, W2h, b2h,
           mlp_W, mlp_b, bn_gamma, bn_beta):
    sh_pad = jnp.pad(SH_table.astype(jnp.float32), ((0, _VP - _N_SH), (0, 0)))
    ne = edge_index_SH.shape[1]
    npad = _E_PAD - ne
    src_e = edge_index_SH[0].astype(jnp.int32)
    src = jnp.concatenate([src_e, src_e[:npad]]).reshape(_NC * _NS, _RB, _EB)
    dst = jnp.pad(edge_index_SH[1].astype(jnp.int32), (0, npad),
                  constant_values=_VP - 1).reshape(_NC * _NS, _RB, _EB)
    zeros = jnp.zeros((_VP, _AW), jnp.float32)

    b1r = b1.reshape(1, _D).astype(jnp.float32)
    b2r = b2.reshape(1, _D).astype(jnp.float32)
    mlpb = mlp_b.reshape(1, _D).astype(jnp.float32)
    gamma = bn_gamma.reshape(1, _D).astype(jnp.float32)
    beta = bn_beta.reshape(1, _D).astype(jnp.float32)

    aug1 = _tc_pre(sh_pad, W1.astype(jnp.float32), b1r)
    acc1 = _sc_agg(aug1, src, dst, zeros)
    aug2 = _tc_mid(acc1, W2.astype(jnp.float32), b2r)
    acc2 = _sc_agg(aug2, src, dst, zeros)
    return _tc_final(acc2, sh_pad, prescription.astype(jnp.float32),
                     mlp_W.astype(jnp.float32), mlpb, gamma, beta)

# --- scband reference (transcript-rebuilt; emitter-appended) ---
"""Pipeline reference for scband-kdhr-19000935318034 (READ-ONLY COPY).

The authoritative reference and input builder live on the scoring server;
editing this copy changes nothing except your own understanding.
"""

import jax, jax.numpy as jnp
import numpy as np

NUM_U = 805
NUM_I = 390
N_SH = 1195
D = 64
SSL_TEMP = 0.05
K_U = 20
K_I = 9


def l2norm(x, axis=1, eps=1e-12):
    n = jnp.sqrt(jnp.sum(x * x, axis=axis, keepdims=True))
    return x / jnp.maximum(n, eps)


def gcn_conv(x, edge_index, W, b, num_nodes):
    # message: lin(x_j) gathered from source nodes
    msg = x[edge_index[0]] @ W.T + b
    # mean aggregation into destination nodes (PyG aggr='mean'; isolated nodes -> 0)
    s = jax.ops.segment_sum(msg, edge_index[1], num_segments=num_nodes)
    c = jax.ops.segment_sum(jnp.ones((edge_index.shape[1],), x.dtype), edge_index[1], num_segments=num_nodes)
    out = s / jnp.clip(c, 1.0)[:, None]
    return jnp.tanh(out)


def kmeans(x, k, iters=4):
    cents = x[:k]
    for _ in range(iters):
        d = jnp.sum((x[:, None, :] - cents[None, :, :]) ** 2, axis=-1)
        assign = jnp.argmin(d, axis=1)
        s = jax.ops.segment_sum(x, assign, num_segments=k)
        c = jax.ops.segment_sum(jnp.ones((x.shape[0],), x.dtype), assign, num_segments=k)
        cents = s / jnp.clip(c, 1.0)[:, None]
    d = jnp.sum((x[:, None, :] - cents[None, :, :]) ** 2, axis=-1)
    assign = jnp.argmin(d, axis=1)
    cents = l2norm(cents, axis=1)
    return cents, assign


def setup_inputs(seed: int = 0) -> dict:
    key = jax.random.key(seed)
    ks = [jax.random.fold_in(key, i) for i in range(20)]
    inp = {}
    inp['x_SH'] = jnp.arange(N_SH, dtype=jnp.int64) if jax.config.jax_enable_x64 else jnp.arange(N_SH, dtype=jnp.int32)
    inp['edge_index_SH'] = jax.random.randint(ks[0], (2, 38240), 0, N_SH)
    inp['x_SS'] = jnp.arange(NUM_U)
    inp['edge_index_SS'] = jax.random.randint(ks[1], (2, 25760), 0, NUM_U)
    inp['x_HH'] = jnp.arange(NUM_I)
    inp['edge_index_HH'] = jax.random.randint(ks[2], (2, 12480), 0, NUM_I)
    inp['prescription'] = jax.random.uniform(ks[3], (1024, NUM_I), dtype=jnp.float32)
    inp['SH_table'] = jax.random.normal(ks[4], (N_SH, D), dtype=jnp.float32)
    sc = 1.0 / np.sqrt(D)
    inp['W1'] = jax.random.normal(ks[5], (D, D), dtype=jnp.float32) * sc
    inp['b1'] = jnp.zeros((D,), jnp.float32)
    inp['W2'] = jax.random.normal(ks[6], (D, D), dtype=jnp.float32) * sc
    inp['b2'] = jnp.zeros((D,), jnp.float32)
    inp['W1h'] = jax.random.normal(ks[7], (D, D), dtype=jnp.float32) * sc
    inp['b1h'] = jnp.zeros((D,), jnp.float32)
    inp['W2h'] = jax.random.normal(ks[8], (D, D), dtype=jnp.float32) * sc
    inp['b2h'] = jnp.zeros((D,), jnp.float32)
    inp['mlp_W'] = jax.random.normal(ks[9], (64, D), dtype=jnp.float32) * sc
    inp['mlp_b'] = jnp.zeros((64,), jnp.float32)
    inp['bn_gamma'] = jnp.ones((64,), jnp.float32)
    inp['bn_beta'] = jnp.zeros((64,), jnp.float32)
    return inp


def reference(x_SH, edge_index_SH, x_SS, edge_index_SS, x_HH, edge_index_HH, prescription,
              SH_table, W1, b1, W2, b2, W1h, b1h, W2h, b2h, mlp_W, mlp_b, bn_gamma, bn_beta):
    x1 = SH_table[x_SH]
    x2 = gcn_conv(x1, edge_index_SH, W1, b1, N_SH)
    x6 = gcn_conv(x2, edge_index_SH, W2, b2, N_SH)
    x11 = SH_table[x_SH]
    x22 = gcn_conv(x11, edge_index_SH, W1h, b1h, N_SH)
    x66 = gcn_conv(x22, edge_index_SH, W2h, b2h, N_SH)
    p_u, p_i = x11[:NUM_U], x11[NUM_U:]
    c_u, c_i = x6[:NUM_U], x6[NUM_U:]
    # ssl_layer_loss side outputs: normalized previous (embedding) tables
    s_i = l2norm(p_u, axis=1)  # norm_all_user_emb [805, D]
    s_u = l2norm(p_i, axis=1)  # norm_all_item_emb [390, D]
    # ProtoNCE side outputs (kmeans prototypes, deterministic Lloyd iterations)
    u_cents, u2c = kmeans(c_u, K_U)
    i_cents, i2c = kmeans(c_i, K_I)
    n_u = i_cents[i2c]  # [390, D]
    n_i = u_cents[u2c]  # [805, D]
    es = (s_u + n_u).reshape(NUM_I, -1)
    eh = (s_i + n_i).reshape(NUM_U, -1)
    e_synd = prescription @ es
    preSum = jnp.sum(prescription, axis=1, keepdims=True)
    en = e_synd / preSum
    en = en @ mlp_W.T + mlp_b
    mean = jnp.mean(en, axis=0)
    var = jnp.var(en, axis=0)
    en = (en - mean) / jnp.sqrt(var + 1e-5) * bn_gamma + bn_beta
    en = jax.nn.relu(en)
    pre = en @ eh.T
    return pre

if __name__ == "__main__":
    import jax
    _d = setup_inputs()
    print(jax.jit(kernel)(*tuple(_d.values())))

</pallas_src>

<mosaic_0001>
#map = affine_map<(d0, d1) -> (0, 0)>
#map1 = affine_map<(d0, d1) -> (0, 0, 0)>
module attributes {stable_mosaic.version = 14 : i64} {
  func.func @_sc_agg_body(%arg0: i32, %arg1: i32, %arg2: memref<1280x128xf32, #tpu.memory_space<hbm>>, %arg3: memref<32x10x128xi32, #tpu.memory_space<hbm>>, %arg4: memref<32x10x128xi32, #tpu.memory_space<hbm>>, %arg5: memref<1280x128xf32, #tpu.memory_space<hbm>>, %arg6: memref<2x1280x128xf32, #tpu.memory_space<hbm>>, %arg7: memref<10x128xi32, #tpu.memory_space<vmem>>, %arg8: memref<10x128xi32, #tpu.memory_space<vmem>>, %arg9: memref<4x128x128xf32, #tpu.memory_space<vmem>>, %arg10: memref<80x128xf32, #tpu.memory_space<vmem>>, %arg11: memref<1280x128xf32, #tpu.memory_space<vmem_shared>>, %arg12: memref<!tpu.dma_semaphore, #tpu.memory_space<semaphore_mem>>, %arg13: memref<!tpu.dma_semaphore, #tpu.memory_space<semaphore_mem>>, %arg14: memref<!tpu.dma_semaphore, #tpu.memory_space<semaphore_mem>>, %arg15: memref<!tpu.dma_semaphore, #tpu.memory_space<semaphore_mem>>) attributes {dimension_semantics = [#tpu.dimension_semantics<core_parallel>, #tpu.dimension_semantics<subcore_parallel>], iteration_bounds = array<i64: 2, 16>, scalar_prefetch = 0 : i64, scratch_operands = 9 : i64, tpu.core_type = #tpu.core_type<sc_vector_subcore>, window_params = [{transform_indices = #map}, {transform_indices = #map1}, {transform_indices = #map1}, {transform_indices = #map}, {transform_indices = #map1}]} {
    %mul3A = arith.constant 16 : i32
    %mul3A_0 = arith.muli %arg0, %mul3A : i32
    %add3A = arith.addi %mul3A_0, %arg1 : i32
    %mul3A_1 = arith.constant 80 : i32
    %mul3A_2 = arith.muli %arg1, %mul3A_1 : i32
    "tpu.region"() ({
      %run_scoped3A = tpu.sem_alloc : memref<!tpu.dma_semaphore, #tpu.memory_space<semaphore_mem>>
      %dma_start3A_482 = arith.constant 0 : i32
      %dma_start3A_483 = tpu.memref_slice %arg5[%mul3A_2, %dma_start3A_482] : memref<1280x128xf32, #tpu.memory_space<hbm>> -> memref<80x128xf32, #tpu.memory_space<hbm>>
      %dma_start3A_484 = arith.constant 0 : i32
      %dma_start3A_485 = tpu.memref_slice %arg5[%mul3A_2, %dma_start3A_484] : memref<1280x128xf32, #tpu.memory_space<hbm>> -> memref<80x128xf32, #tpu.memory_space<hbm>>
      tpu.enqueue_dma source(%dma_start3A_485 : memref<80x128xf32, #tpu.memory_space<hbm>>) target(%arg10 : memref<80x128xf32, #tpu.memory_space<vmem>>) target_semaphore(%run_scoped3A : memref<!tpu.dma_semaphore, #tpu.memory_space<semaphore_mem>>)
      %dma_wait3A_486 = arith.constant 0 : i32
      %dma_wait3A_487 = tpu.memref_slice %arg5[%mul3A_2, %dma_wait3A_486] : memref<1280x128xf32, #tpu.memory_space<hbm>> -> memref<80x128xf32, #tpu.memory_space<hbm>>
      %dma_wait3A_488 = arith.constant 0 : i32
      %dma_wait3A_489 = tpu.memref_slice %arg5[%mul3A_2, %dma_wait3A_488] : memref<1280x128xf32, #tpu.memory_space<hbm>> -> memref<80x128xf32, #tpu.memory_space<hbm>>
      tpu.wait_dma2 semaphore(%run_scoped3A : memref<!tpu.dma_semaphore, #tpu.memory_space<semaphore_mem>>) src(%dma_wait3A_489 : memref<80x128xf32, #tpu.memory_space<hbm>>) dst(%arg10 : memref<80x128xf32, #tpu.memory_space<vmem>>)
      tpu.yield
    }) : () -> ()
    "tpu.region"() ({
      %run_scoped3A = tpu.sem_alloc : memref<!tpu.dma_semaphore, #tpu.memory_space<semaphore_mem>>
      %dma_start3A_482 = arith.constant 0 : i32
      %dma_start3A_483 = tpu.memref_slice %arg11[%mul3A_2, %dma_start3A_482] : memref<1280x128xf32, #tpu.memory_space<vmem_shared>> -> memref<80x128xf32, #tpu.memory_space<vmem_shared>>
      %dma_start3A_484 = arith.constant 0 : i32
      %dma_start3A_485 = tpu.memref_slice %arg11[%mul3A_2, %dma_start3A_484] : memref<1280x128xf32, #tpu.memory_space<vmem_shared>> -> memref<80x128xf32, #tpu.memory_space<vmem_shared>>
      tpu.enqueue_dma source(%arg10 : memref<80x128xf32, #tpu.memory_space<vmem>>) target(%dma_start3A_485 : memref<80x128xf32, #tpu.memory_space<vmem_shared>>) target_semaphore(%run_scoped3A : memref<!tpu.dma_semaphore, #tpu.memory_space<semaphore_mem>>)
      %dma_wait3A_486 = arith.constant 0 : i32
      %dma_wait3A_487 = tpu.memref_slice %arg11[%mul3A_2, %dma_wait3A_486] : memref<1280x128xf32, #tpu.memory_space<vmem_shared>> -> memref<80x128xf32, #tpu.memory_space<vmem_shared>>
      %dma_wait3A_488 = arith.constant 0 : i32
      %dma_wait3A_489 = tpu.memref_slice %arg11[%mul3A_2, %dma_wait3A_488] : memref<1280x128xf32, #tpu.memory_space<vmem_shared>> -> memref<80x128xf32, #tpu.memory_space<vmem_shared>>
      tpu.wait_dma2 semaphore(%run_scoped3A : memref<!tpu.dma_semaphore, #tpu.memory_space<semaphore_mem>>) src(%arg10 : memref<80x128xf32, #tpu.memory_space<vmem>>) dst(%dma_wait3A_489 : memref<80x128xf32, #tpu.memory_space<vmem_shared>>)
      tpu.yield
    }) : () -> ()
    "tpu.region"() ({
      %run_scoped3A = tpu.sem_alloc : memref<!tpu.dma_semaphore, #tpu.memory_space<semaphore_mem>>
      %dma_start3A_482 = arith.constant 0 : i32
      %dma_start3A_483 = arith.constant 0 : i32
      %dma_start3A_484 = tpu.memref_slice %arg3[%add3A, %dma_start3A_482, %dma_start3A_483] : memref<32x10x128xi32, #tpu.memory_space<hbm>> -> memref<1x10x128xi32, #tpu.memory_space<hbm>>
      %dma_start3A_485 = tpu.memref_squeeze %dma_start3A_484 : memref<1x10x128xi32, #tpu.memory_space<hbm>> -> memref<10x128xi32, #tpu.memory_space<hbm>>
      %dma_start3A_486 = arith.constant 0 : i32
      %dma_start3A_487 = arith.constant 0 : i32
      %dma_start3A_488 = tpu.memref_slice %arg3[%add3A, %dma_start3A_486, %dma_start3A_487] : memref<32x10x128xi32, #tpu.memory_space<hbm>> -> memref<1x10x128xi32, #tpu.memory_space<hbm>>
      %dma_start3A_489 = tpu.memref_squeeze %dma_start3A_488 : memref<1x10x128xi32, #tpu.memory_space<hbm>> -> memref<10x128xi32, #tpu.memory_space<hbm>>
      tpu.enqueue_dma source(%dma_start3A_489 : memref<10x128xi32, #tpu.memory_space<hbm>>) target(%arg7 : memref<10x128xi32, #tpu.memory_space<vmem>>) target_semaphore(%run_scoped3A : memref<!tpu.dma_semaphore, #tpu.memory_space<semaphore_mem>>)
      %dma_wait3A_490 = arith.constant 0 : i32
      %dma_wait3A_491 = arith.constant 0 : i32
      %dma_wait3A_492 = tpu.memref_slice %arg3[%add3A, %dma_wait3A_490, %dma_wait3A_491] : memref<32x10x128xi32, #tpu.memory_space<hbm>> -> memref<1x10x128xi32, #tpu.memory_space<hbm>>
      %dma_wait3A_493 = tpu.memref_squeeze %dma_wait3A_492 : memref<1x10x128xi32, #tpu.memory_space<hbm>> -> memref<10x128xi32, #tpu.memory_space<hbm>>
      %dma_wait3A_494 = arith.constant 0 : i32
      %dma_wait3A_495 = arith.constant 0 : i32
      %dma_wait3A_496 = tpu.memref_slice %arg3[%add3A, %dma_wait3A_494, %dma_wait3A_495] : memref<32x10x128xi32, #tpu.memory_space<hbm>> -> memref<1x10x128xi32, #tpu.memory_space<hbm>>
      %dma_wait3A_497 = tpu.memref_squeeze %dma_wait3A_496 : memref<1x10x128xi32, #tpu.memory_space<hbm>> -> memref<10x128xi32, #tpu.memory_space<hbm>>
      tpu.wait_dma2 semaphore(%run_scoped3A : memref<!tpu.dma_semaphore, #tpu.memory_space<semaphore_mem>>) src(%dma_wait3A_497 : memref<10x128xi32, #tpu.memory_space<hbm>>) dst(%arg7 : memref<10x128xi32, #tpu.memory_space<vmem>>)
      tpu.yield
    }) : () -> ()
    "tpu.region"() ({
      %run_scoped3A = tpu.sem_alloc : memref<!tpu.dma_semaphore, #tpu.memory_space<semaphore_mem>>
      %dma_start3A_482 = arith.constant 0 : i32
      %dma_start3A_483 = arith.constant 0 : i32
      %dma_start3A_484 = tpu.memref_slice %arg4[%add3A, %dma_start3A_482, %dma_start3A_483] : memref<32x10x128xi32, #tpu.memory_space<hbm>> -> memref<1x10x128xi32, #tpu.memory_space<hbm>>
      %dma_start3A_485 = tpu.memref_squeeze %dma_start3A_484 : memref<1x10x128xi32, #tpu.memory_space<hbm>> -> memref<10x128xi32, #tpu.memory_space<hbm>>
      %dma_start3A_486 = arith.constant 0 : i32
      %dma_start3A_487 = arith.constant 0 : i32
      %dma_start3A_488 = tpu.memref_slice %arg4[%add3A, %dma_start3A_486, %dma_start3A_487] : memref<32x10x128xi32, #tpu.memory_space<hbm>> -> memref<1x10x128xi32, #tpu.memory_space<hbm>>
      %dma_start3A_489 = tpu.memref_squeeze %dma_start3A_488 : memref<1x10x128xi32, #tpu.memory_space<hbm>> -> memref<10x128xi32, #tpu.memory_space<hbm>>
      tpu.enqueue_dma source(%dma_start3A_489 : memref<10x128xi32, #tpu.memory_space<hbm>>) target(%arg8 : memref<10x128xi32, #tpu.memory_space<vmem>>) target_semaphore(%run_scoped3A : memref<!tpu.dma_semaphore, #tpu.memory_space<semaphore_mem>>)
      %dma_wait3A_490 = arith.constant 0 : i32
      %dma_wait3A_491 = arith.constant 0 : i32
      %dma_wait3A_492 = tpu.memref_slice %arg4[%add3A, %dma_wait3A_490, %dma_wait3A_491] : memref<32x10x128xi32, #tpu.memory_space<hbm>> -> memref<1x10x128xi32, #tpu.memory_space<hbm>>
      %dma_wait3A_493 = tpu.memref_squeeze %dma_wait3A_492 : memref<1x10x128xi32, #tpu.memory_space<hbm>> -> memref<10x128xi32, #tpu.memory_space<hbm>>
      %dma_wait3A_494 = arith.constant 0 : i32
      %dma_wait3A_495 = arith.constant 0 : i32
      %dma_wait3A_496 = tpu.memref_slice %arg4[%add3A, %dma_wait3A_494, %dma_wait3A_495] : memref<32x10x128xi32, #tpu.memory_space<hbm>> -> memref<1x10x128xi32, #tpu.memory_space<hbm>>
      %dma_wait3A_497 = tpu.memref_squeeze %dma_wait3A_496 : memref<1x10x128xi32, #tpu.memory_space<hbm>> -> memref<10x128xi32, #tpu.memory_space<hbm>>
      tpu.wait_dma2 semaphore(%run_scoped3A : memref<!tpu.dma_semaphore, #tpu.memory_space<semaphore_mem>>) src(%dma_wait3A_497 : memref<10x128xi32, #tpu.memory_space<hbm>>) dst(%arg8 : memref<10x128xi32, #tpu.memory_space<vmem>>)
      tpu.yield
    }) : () -> ()
    %barrier3A = arith.constant 0 : index
    tpu.barrier barrier_id(%barrier3A)
    %dma_start3A = arith.constant 0 : i32
    %dma_start3A_3 = arith.constant 0 : i32
    %dma_start3A_4 = arith.constant 0 : i32
    %dma_start3A_5 = arith.constant 0 : i32
    %dma_start3A_6 = tpu.memref_slice %arg9[%dma_start3A_3, %dma_start3A_4, %dma_start3A_5] : memref<4x128x128xf32, #tpu.memory_space<vmem>> -> memref<1x128x128xf32, #tpu.memory_space<vmem>>
    %dma_start3A_7 = tpu.memref_squeeze %dma_start3A_6 : memref<1x128x128xf32, #tpu.memory_space<vmem>> -> memref<128x128xf32, #tpu.memory_space<vmem>>
    %dma_start3A_8 = arith.constant 0 : i32
    %dma_start3A_9 = tpu.memref_slice %arg7[%dma_start3A, %dma_start3A_8] : memref<10x128xi32, #tpu.memory_space<vmem>> -> memref<1x128xi32, #tpu.memory_space<vmem>>
    %dma_start3A_10 = tpu.memref_squeeze %dma_start3A_9 : memref<1x128xi32, #tpu.memory_space<vmem>> -> memref<128xi32, #tpu.memory_space<vmem>>
    %dma_start3A_11 = arith.constant 0 : i32
    %dma_start3A_12 = arith.constant 0 : i32
    %dma_start3A_13 = tpu.memref_slice %arg2[%dma_start3A_11, %dma_start3A_12] : memref<1280x128xf32, #tpu.memory_space<hbm>> -> memref<1280x128xf32, #tpu.memory_space<hbm>>
    tpu.enqueue_indirect_dma source(%dma_start3A_13 : memref<1280x128xf32, #tpu.memory_space<hbm>>) target(%dma_start3A_7 : memref<128x128xf32, #tpu.memory_space<vmem>>) offsets(%dma_start3A_10 : memref<128xi32, #tpu.memory_space<vmem>>) semaphore(%arg12 : memref<!tpu.dma_semaphore, #tpu.memory_space<semaphore_mem>>)
    %dma_start3A_14 = arith.constant 1 : i32
    %dma_start3A_15 = arith.constant 1 : i32
    %dma_start3A_16 = arith.constant 0 : i32
    %dma_start3A_17 = arith.constant 0 : i32
    %dma_start3A_18 = tpu.memref_slice %arg9[%dma_start3A_15, %dma_start3A_16, %dma_start3A_17] : memref<4x128x128xf32, #tpu.memory_space<vmem>> -> memref<1x128x128xf32, #tpu.memory_space<vmem>>
    %dma_start3A_19 = tpu.memref_squeeze %dma_start3A_18 : memref<1x128x128xf32, #tpu.memory_space<vmem>> -> memref<128x128xf32, #tpu.memory_space<vmem>>
    %dma_start3A_20 = arith.constant 0 : i32
    %dma_start3A_21 = tpu.memref_slice %arg7[%dma_start3A_14, %dma_start3A_20] : memref<10x128xi32, #tpu.memory_space<vmem>> -> memref<1x128xi32, #tpu.memory_space<vmem>>
    %dma_start3A_22 = tpu.memref_squeeze %dma_start3A_21 : memref<1x128xi32, #tpu.memory_space<vmem>> -> memref<128xi32, #tpu.memory_space<vmem>>
    %dma_start3A_23 = arith.constant 0 : i32
    %dma_start3A_24 = arith.constant 0 : i32
    %dma_start3A_25 = tpu.memref_slice %arg2[%dma_start3A_23, %dma_start3A_24] : memref<1280x128xf32, #tpu.memory_space<hbm>> -> memref<1280x128xf32, #tpu.memory_space<hbm>>
    tpu.enqueue_indirect_dma source(%dma_start3A_25 : memref<1280x128xf32, #tpu.memory_space<hbm>>) target(%dma_start3A_19 : memref<128x128xf32, #tpu.memory_space<vmem>>) offsets(%dma_start3A_22 : memref<128xi32, #tpu.memory_space<vmem>>) semaphore(%arg13 : memref<!tpu.dma_semaphore, #tpu.memory_space<semaphore_mem>>)
    %dma_wait3A = arith.constant 0 : i32
    %dma_wait3A_26 = arith.constant 0 : i32
    %dma_wait3A_27 = arith.constant 0 : i32
    %dma_wait3A_28 = arith.constant 0 : i32
    %dma_wait3A_29 = tpu.memref_slice %arg9[%dma_wait3A_26, %dma_wait3A_27, %dma_wait3A_28] : memref<4x128x128xf32, #tpu.memory_space<vmem>> -> memref<1x128x128xf32, #tpu.memory_space<vmem>>
    %dma_wait3A_30 = tpu.memref_squeeze %dma_wait3A_29 : memref<1x128x128xf32, #tpu.memory_space<vmem>> -> memref<128x128xf32, #tpu.memory_space<vmem>>
    %dma_wait3A_31 = arith.constant 0 : i32
    %dma_wait3A_32 = tpu.memref_slice %arg7[%dma_wait3A, %dma_wait3A_31] : memref<10x128xi32, #tpu.memory_space<vmem>> -> memref<1x128xi32, #tpu.memory_space<vmem>>
    %dma_wait3A_33 = tpu.memref_squeeze %dma_wait3A_32 : memref<1x128xi32, #tpu.memory_space<vmem>> -> memref<128xi32, #tpu.memory_space<vmem>>
    %dma_wait3A_34 = arith.constant 0 : i32
    %dma_wait3A_35 = arith.constant 0 : i32
    %dma_wait3A_36 = tpu.memref_slice %arg2[%dma_wait3A_34, %dma_wait3A_35] : memref<1280x128xf32, #tpu.memory_space<hbm>> -> memref<1280x128xf32, #tpu.memory_space<hbm>>
    tpu.wait_indirect_dma semaphore(%arg12 : memref<!tpu.dma_semaphore, #tpu.memory_space<semaphore_mem>>) src(%dma_wait3A_36 : memref<1280x128xf32, #tpu.memory_space<hbm>>) dst(%dma_wait3A_30 : memref<128x128xf32, #tpu.memory_space<vmem>>)
    %dma_start3A_37 = arith.constant 2 : i32
    %dma_start3A_38 = arith.constant 2 : i32
    %dma_start3A_39 = arith.constant 0 : i32
    %dma_start3A_40 = arith.constant 0 : i32
    %dma_start3A_41 = tpu.memref_slice %arg9[%dma_start3A_38, %dma_start3A_39, %dma_start3A_40] : memref<4x128x128xf32, #tpu.memory_space<vmem>> -> memref<1x128x128xf32, #tpu.memory_space<vmem>>
    %dma_start3A_42 = tpu.memref_squeeze %dma_start3A_41 : memref<1x128x128xf32, #tpu.memory_space<vmem>> -> memref<128x128xf32, #tpu.memory_space<vmem>>
    %dma_start3A_43 = arith.constant 0 : i32
    %dma_start3A_44 = tpu.memref_slice %arg7[%dma_start3A_37, %dma_start3A_43] : memref<10x128xi32, #tpu.memory_space<vmem>> -> memref<1x128xi32, #tpu.memory_space<vmem>>
    %dma_start3A_45 = tpu.memref_squeeze %dma_start3A_44 : memref<1x128xi32, #tpu.memory_space<vmem>> -> memref<128xi32, #tpu.memory_space<vmem>>
    %dma_start3A_46 = arith.constant 0 : i32
    %dma_start3A_47 = arith.constant 0 : i32
    %dma_start3A_48 = tpu.memref_slice %arg2[%dma_start3A_46, %dma_start3A_47] : memref<1280x128xf32, #tpu.memory_space<hbm>> -> memref<1280x128xf32, #tpu.memory_space<hbm>>
    tpu.enqueue_indirect_dma source(%dma_start3A_48 : memref<1280x128xf32, #tpu.memory_space<hbm>>) target(%dma_start3A_42 : memref<128x128xf32, #tpu.memory_space<vmem>>) offsets(%dma_start3A_45 : memref<128xi32, #tpu.memory_space<vmem>>) semaphore(%arg12 : memref<!tpu.dma_semaphore, #tpu.memory_space<semaphore_mem>>)
    %dma_start3A_49 = arith.constant 0 : i32
    %dma_start3A_50 = arith.constant 0 : i32
    %dma_start3A_51 = arith.constant 0 : i32
    %dma_start3A_52 = arith.constant 0 : i32
    %dma_start3A_53 = tpu.memref_slice %arg9[%dma_start3A_49, %dma_start3A_51, %dma_start3A_52] : memref<4x128x128xf32, #tpu.memory_space<vmem>> -> memref<1x128x128xf32, #tpu.memory_space<vmem>>
    %dma_start3A_54 = tpu.memref_squeeze %dma_start3A_53 : memref<1x128x128xf32, #tpu.memory_space<vmem>> -> memref<128x128xf32, #tpu.memory_space<vmem>>
    %dma_start3A_55 = arith.constant 0 : i32
    %dma_start3A_56 = tpu.memref_slice %arg8[%dma_start3A_50, %dma_start3A_55] : memref<10x128xi32, #tpu.memory_space<vmem>> -> memref<1x128xi32, #tpu.memory_space<vmem>>
    %dma_start3A_57 = tpu.memref_squeeze %dma_start3A_56 : memref<1x128xi32, #tpu.memory_space<vmem>> -> memref<128xi32, #tpu.memory_space<vmem>>
    %dma_start3A_58 = arith.constant 0 : i32
    %dma_start3A_59 = arith.constant 0 : i32
    %dma_start3A_60 = tpu.memref_slice %arg11[%dma_start3A_58, %dma_start3A_59] : memref<1280x128xf32, #tpu.memory_space<vmem_shared>> -> memref<1280x128xf32, #tpu.memory_space<vmem_shared>>
    tpu.enqueue_indirect_dma source(%dma_start3A_54 : memref<128x128xf32, #tpu.memory_space<vmem>>) target(%dma_start3A_60 : memref<1280x128xf32, #tpu.memory_space<vmem_shared>>) offsets(%dma_start3A_57 : memref<128xi32, #tpu.memory_space<vmem>>) semaphore(%arg14 : memref<!tpu.dma_semaphore, #tpu.memory_space<semaphore_mem>>) {add = true}
    %dma_wait3A_61 = arith.constant 1 : i32
    %dma_wait3A_62 = arith.constant 1 : i32
    %dma_wait3A_63 = arith.constant 0 : i32
    %dma_wait3A_64 = arith.constant 0 : i32
    %dma_wait3A_65 = tpu.memref_slice %arg9[%dma_wait3A_62, %dma_wait3A_63, %dma_wait3A_64] : memref<4x128x128xf32, #tpu.memory_space<vmem>> -> memref<1x128x128xf32, #tpu.memory_space<vmem>>
    %dma_wait3A_66 = tpu.memref_squeeze %dma_wait3A_65 : memref<1x128x128xf32, #tpu.memory_space<vmem>> -> memref<128x128xf32, #tpu.memory_space<vmem>>
    %dma_wait3A_67 = arith.constant 0 : i32
    %dma_wait3A_68 = tpu.memref_slice %arg7[%dma_wait3A_61, %dma_wait3A_67] : memref<10x128xi32, #tpu.memory_space<vmem>> -> memref<1x128xi32, #tpu.memory_space<vmem>>
    %dma_wait3A_69 = tpu.memref_squeeze %dma_wait3A_68 : memref<1x128xi32, #tpu.memory_space<vmem>> -> memref<128xi32, #tpu.memory_space<vmem>>
    %dma_wait3A_70 = arith.constant 0 : i32
    %dma_wait3A_71 = arith.constant 0 : i32
    %dma_wait3A_72 = tpu.memref_slice %arg2[%dma_wait3A_70, %dma_wait3A_71] : memref<1280x128xf32, #tpu.memory_space<hbm>> -> memref<1280x128xf32, #tpu.memory_space<hbm>>
    tpu.wait_indirect_dma semaphore(%arg13 : memref<!tpu.dma_semaphore, #tpu.memory_space<semaphore_mem>>) src(%dma_wait3A_72 : memref<1280x128xf32, #tpu.memory_space<hbm>>) dst(%dma_wait3A_66 : memref<128x128xf32, #tpu.memory_space<vmem>>)
    %dma_start3A_73 = arith.constant 3 : i32
    %dma_start3A_74 = arith.constant 3 : i32
    %dma_start3A_75 = arith.constant 0 : i32
    %dma_start3A_76 = arith.constant 0 : i32
    %dma_start3A_77 = tpu.memref_slice %arg9[%dma_start3A_74, %dma_start3A_75, %dma_start3A_76] : memref<4x128x128xf32, #tpu.memory_space<vmem>> -> memref<1x128x128xf32, #tpu.memory_space<vmem>>
    %dma_start3A_78 = tpu.memref_squeeze %dma_start3A_77 : memref<1x128x128xf32, #tpu.memory_space<vmem>> -> memref<128x128xf32, #tpu.memory_space<vmem>>
    %dma_start3A_79 = arith.constant 0 : i32
    %dma_start3A_80 = tpu.memref_slice %arg7[%dma_start3A_73, %dma_start3A_79] : memref<10x128xi32, #tpu.memory_space<vmem>> -> memref<1x128xi32, #tpu.memory_space<vmem>>
    %dma_start3A_81 = tpu.memref_squeeze %dma_start3A_80 : memref<1x128xi32, #tpu.memory_space<vmem>> -> memref<128xi32, #tpu.memory_space<vmem>>
    %dma_start3A_82 = arith.constant 0 : i32
    %dma_start3A_83 = arith.constant 0 : i32
    %dma_start3A_84 = tpu.memref_slice %arg2[%dma_start3A_82, %dma_start3A_83] : memref<1280x128xf32, #tpu.memory_space<hbm>> -> memref<1280x128xf32, #tpu.memory_space<hbm>>
    tpu.enqueue_indirect_dma source(%dma_start3A_84 : memref<1280x128xf32, #tpu.memory_space<hbm>>) target(%dma_start3A_78 : memref<128x128xf32, #tpu.memory_space<vmem>>) offsets(%dma_start3A_81 : memref<128xi32, #tpu.memory_space<vmem>>) semaphore(%arg13 : memref<!tpu.dma_semaphore, #tpu.memory_space<semaphore_mem>>)
    %dma_start3A_85 = arith.constant 1 : i32
    %dma_start3A_86 = arith.constant 1 : i32
    %dma_start3A_87 = arith.constant 0 : i32
    %dma_start3A_88 = arith.constant 0 : i32
    %dma_start3A_89 = tpu.memref_slice %arg9[%dma_start3A_85, %dma_start3A_87, %dma_start3A_88] : memref<4x128x128xf32, #tpu.memory_space<vmem>> -> memref<1x128x128xf32, #tpu.memory_space<vmem>>
    %dma_start3A_90 = tpu.memref_squeeze %dma_start3A_89 : memref<1x128x128xf32, #tpu.memory_space<vmem>> -> memref<128x128xf32, #tpu.memory_space<vmem>>
    %dma_start3A_91 = arith.constant 0 : i32
    %dma_start3A_92 = tpu.memref_slice %arg8[%dma_start3A_86, %dma_start3A_91] : memref<10x128xi32, #tpu.memory_space<vmem>> -> memref<1x128xi32, #tpu.memory_space<vmem>>
    %dma_start3A_93 = tpu.memref_squeeze %dma_start3A_92 : memref<1x128xi32, #tpu.memory_space<vmem>> -> memref<128xi32, #tpu.memory_space<vmem>>
    %dma_start3A_94 = arith.constant 0 : i32
    %dma_start3A_95 = arith.constant 0 : i32
    %dma_start3A_96 = tpu.memref_slice %arg11[%dma_start3A_94, %dma_start3A_95] : memref<1280x128xf32, #tpu.memory_space<vmem_shared>> -> memref<1280x128xf32, #tpu.memory_space<vmem_shared>>
    tpu.enqueue_indirect_dma source(%dma_start3A_90 : memref<128x128xf32, #tpu.memory_space<vmem>>) target(%dma_start3A_96 : memref<1280x128xf32, #tpu.memory_space<vmem_shared>>) offsets(%dma_start3A_93 : memref<128xi32, #tpu.memory_space<vmem>>) semaphore(%arg15 : memref<!tpu.dma_semaphore, #tpu.memory_space<semaphore_mem>>) {add = true}
    %dma_wait3A_97 = arith.constant 2 : i32
    %dma_wait3A_98 = arith.constant 2 : i32
    %dma_wait3A_99 = arith.constant 0 : i32
    %dma_wait3A_100 = arith.constant 0 : i32
    %dma_wait3A_101 = tpu.memref_slice %arg9[%dma_wait3A_98, %dma_wait3A_99, %dma_wait3A_100] : memref<4x128x128xf32, #tpu.memory_space<vmem>> -> memref<1x128x128xf32, #tpu.memory_space<vmem>>
    %dma_wait3A_102 = tpu.memref_squeeze %dma_wait3A_101 : memref<1x128x128xf32, #tpu.memory_space<vmem>> -> memref<128x128xf32, #tpu.memory_space<vmem>>
    %dma_wait3A_103 = arith.constant 0 : i32
    %dma_wait3A_104 = tpu.memref_slice %arg7[%dma_wait3A_97, %dma_wait3A_103] : memref<10x128xi32, #tpu.memory_space<vmem>> -> memref<1x128xi32, #tpu.memory_space<vmem>>
    %dma_wait3A_105 = tpu.memref_squeeze %dma_wait3A_104 : memref<1x128xi32, #tpu.memory_space<vmem>> -> memref<128xi32, #tpu.memory_space<vmem>>
    %dma_wait3A_106 = arith.constant 0 : i32
    %dma_wait3A_107 = arith.constant 0 : i32
    %dma_wait3A_108 = tpu.memref_slice %arg2[%dma_wait3A_106, %dma_wait3A_107] : memref<1280x128xf32, #tpu.memory_space<hbm>> -> memref<1280x128xf32, #tpu.memory_space<hbm>>
    tpu.wait_indirect_dma semaphore(%arg12 : memref<!tpu.dma_semaphore, #tpu.memory_space<semaphore_mem>>) src(%dma_wait3A_108 : memref<1280x128xf32, #tpu.memory_space<hbm>>) dst(%dma_wait3A_102 : memref<128x128xf32, #tpu.memory_space<vmem>>)
    %dma_wait3A_109 = arith.constant 0 : i32
    %dma_wait3A_110 = arith.constant 0 : i32
    %dma_wait3A_111 = arith.constant 0 : i32
    %dma_wait3A_112 = arith.constant 0 : i32
    %dma_wait3A_113 = tpu.memref_slice %arg9[%dma_wait3A_109, %dma_wait3A_111, %dma_wait3A_112] : memref<4x128x128xf32, #tpu.memory_space<vmem>> -> memref<1x128x128xf32, #tpu.memory_space<vmem>>
    %dma_wait3A_114 = tpu.memref_squeeze %dma_wait3A_113 : memref<1x128x128xf32, #tpu.memory_space<vmem>> -> memref<128x128xf32, #tpu.memory_space<vmem>>
    %dma_wait3A_115 = arith.constant 0 : i32
    %dma_wait3A_116 = tpu.memref_slice %arg8[%dma_wait3A_110, %dma_wait3A_115] : memref<10x128xi32, #tpu.memory_space<vmem>> -> memref<1x128xi32, #tpu.memory_space<vmem>>
    %dma_wait3A_117 = tpu.memref_squeeze %dma_wait3A_116 : memref<1x128xi32, #tpu.memory_space<vmem>> -> memref<128xi32, #tpu.memory_space<vmem>>
    %dma_wait3A_118 = arith.constant 0 : i32
    %dma_wait3A_119 = arith.constant 0 : i32
    %dma_wait3A_120 = tpu.memref_slice %arg11[%dma_wait3A_118, %dma_wait3A_119] : memref<1280x128xf32, #tpu.memory_space<vmem_shared>> -> memref<1280x128xf32, #tpu.memory_space<vmem_shared>>
    tpu.wait_indirect_dma semaphore(%arg14 : memref<!tpu.dma_semaphore, #tpu.memory_space<semaphore_mem>>) src(%dma_wait3A_114 : memref<128x128xf32, #tpu.memory_space<vmem>>) dst(%dma_wait3A_120 : memref<1280x128xf32, #tpu.memory_space<vmem_shared>>)
    %dma_start3A_121 = arith.constant 4 : i32
    %dma_start3A_122 = arith.constant 0 : i32
    %dma_start3A_123 = arith.constant 0 : i32
    %dma_start3A_124 = arith.constant 0 : i32
    %dma_start3A_125 = tpu.memref_slice %arg9[%dma_start3A_122, %dma_start3A_123, %dma_start3A_124] : memref<4x128x128xf32, #tpu.memory_space<vmem>> -> memref<1x128x128xf32, #tpu.memory_space<vmem>>
    %dma_start3A_126 = tpu.memref_squeeze %dma_start3A_125 : memref<1x128x128xf32, #tpu.memory_space<vmem>> -> memref<128x128xf32, #tpu.memory_space<vmem>>
    %dma_start3A_127 = arith.constant 0 : i32
    %dma_start3A_128 = tpu.memref_slice %arg7[%dma_start3A_121, %dma_start3A_127] : memref<10x128xi32, #tpu.memory_space<vmem>> -> memref<1x128xi32, #tpu.memory_space<vmem>>
    %dma_start3A_129 = tpu.memref_squeeze %dma_start3A_128 : memref<1x128xi32, #tpu.memory_space<vmem>> -> memref<128xi32, #tpu.memory_space<vmem>>
    %dma_start3A_130 = arith.constant 0 : i32
    %dma_start3A_131 = arith.constant 0 : i32
    %dma_start3A_132 = tpu.memref_slice %arg2[%dma_start3A_130, %dma_start3A_131] : memref<1280x128xf32, #tpu.memory_space<hbm>> -> memref<1280x128xf32, #tpu.memory_space<hbm>>
    tpu.enqueue_indirect_dma source(%dma_start3A_132 : memref<1280x128xf32, #tpu.memory_space<hbm>>) target(%dma_start3A_126 : memref<128x128xf32, #tpu.memory_space<vmem>>) offsets(%dma_start3A_129 : memref<128xi32, #tpu.memory_space<vmem>>) semaphore(%arg12 : memref<!tpu.dma_semaphore, #tpu.memory_space<semaphore_mem>>)
    %dma_start3A_133 = arith.constant 2 : i32
    %dma_start3A_134 = arith.constant 2 : i32
    %dma_start3A_135 = arith.constant 0 : i32
    %dma_start3A_136 = arith.constant 0 : i32
    %dma_start3A_137 = tpu.memref_slice %arg9[%dma_start3A_133, %dma_start3A_135, %dma_start3A_136] : memref<4x128x128xf32, #tpu.memory_space<vmem>> -> memref<1x128x128xf32, #tpu.memory_space<vmem>>
    %dma_start3A_138 = tpu.memref_squeeze %dma_start3A_137 : memref<1x128x128xf32, #tpu.memory_space<vmem>> -> memref<128x128xf32, #tpu.memory_space<vmem>>
    %dma_start3A_139 = arith.constant 0 : i32
    %dma_start3A_140 = tpu.memref_slice %arg8[%dma_start3A_134, %dma_start3A_139] : memref<10x128xi32, #tpu.memory_space<vmem>> -> memref<1x128xi32, #tpu.memory_space<vmem>>
    %dma_start3A_141 = tpu.memref_squeeze %dma_start3A_140 : memref<1x128xi32, #tpu.memory_space<vmem>> -> memref<128xi32, #tpu.memory_space<vmem>>
    %dma_start3A_142 = arith.constant 0 : i32
    %dma_start3A_143 = arith.constant 0 : i32
    %dma_start3A_144 = tpu.memref_slice %arg11[%dma_start3A_142, %dma_start3A_143] : memref<1280x128xf32, #tpu.memory_space<vmem_shared>> -> memref<1280x128xf32, #tpu.memory_space<vmem_shared>>
    tpu.enqueue_indirect_dma source(%dma_start3A_138 : memref<128x128xf32, #tpu.memory_space<vmem>>) target(%dma_start3A_144 : memref<1280x128xf32, #tpu.memory_space<vmem_shared>>) offsets(%dma_start3A_141 : memref<128xi32, #tpu.memory_space<vmem>>) semaphore(%arg14 : memref<!tpu.dma_semaphore, #tpu.memory_space<semaphore_mem>>) {add = true}
    %dma_wait3A_145 = arith.constant 3 : i32
    %dma_wait3A_146 = arith.constant 3 : i32
    %dma_wait3A_147 = arith.constant 0 : i32
    %dma_wait3A_148 = arith.constant 0 : i32
    %dma_wait3A_149 = tpu.memref_slice %arg9[%dma_wait3A_146, %dma_wait3A_147, %dma_wait3A_148] : memref<4x128x128xf32, #tpu.memory_space<vmem>> -> memref<1x128x128xf32, #tpu.memory_space<vmem>>
    %dma_wait3A_150 = tpu.memref_squeeze %dma_wait3A_149 : memref<1x128x128xf32, #tpu.memory_space<vmem>> -> memref<128x128xf32, #tpu.memory_space<vmem>>
    %dma_wait3A_151 = arith.constant 0 : i32
    %dma_wait3A_152 = tpu.memref_slice %arg7[%dma_wait3A_145, %dma_wait3A_151] : memref<10x128xi32, #tpu.memory_space<vmem>> -> memref<1x128xi32, #tpu.memory_space<vmem>>
    %dma_wait3A_153 = tpu.memref_squeeze %dma_wait3A_152 : memref<1x128xi32, #tpu.memory_space<vmem>> -> memref<128xi32, #tpu.memory_space<vmem>>
    %dma_wait3A_154 = arith.constant 0 : i32
    %dma_wait3A_155 = arith.constant 0 : i32
    %dma_wait3A_156 = tpu.memref_slice %arg2[%dma_wait3A_154, %dma_wait3A_155] : memref<1280x128xf32, #tpu.memory_space<hbm>> -> memref<1280x128xf32, #tpu.memory_space<hbm>>
    tpu.wait_indirect_dma semaphore(%arg13 : memref<!tpu.dma_semaphore, #tpu.memory_space<semaphore_mem>>) src(%dma_wait3A_156 : memref<1280x128xf32, #tpu.memory_space<hbm>>) dst(%dma_wait3A_150 : memref<128x128xf32, #tpu.memory_space<vmem>>)
    %dma_wait3A_157 = arith.constant 1 : i32
    %dma_wait3A_158 = arith.constant 1 : i32
    %dma_wait3A_159 = arith.constant 0 : i32
    %dma_wait3A_160 = arith.constant 0 : i32
    %dma_wait3A_161 = tpu.memref_slice %arg9[%dma_wait3A_157, %dma_wait3A_159, %dma_wait3A_160] : memref<4x128x128xf32, #tpu.memory_space<vmem>> -> memref<1x128x128xf32, #tpu.memory_space<vmem>>
    %dma_wait3A_162 = tpu.memref_squeeze %dma_wait3A_161 : memref<1x128x128xf32, #tpu.memory_space<vmem>> -> memref<128x128xf32, #tpu.memory_space<vmem>>
    %dma_wait3A_163 = arith.constant 0 : i32
    %dma_wait3A_164 = tpu.memref_slice %arg8[%dma_wait3A_158, %dma_wait3A_163] : memref<10x128xi32, #tpu.memory_space<vmem>> -> memref<1x128xi32, #tpu.memory_space<vmem>>
    %dma_wait3A_165 = tpu.memref_squeeze %dma_wait3A_164 : memref<1x128xi32, #tpu.memory_space<vmem>> -> memref<128xi32, #tpu.memory_space<vmem>>
    %dma_wait3A_166 = arith.constant 0 : i32
    %dma_wait3A_167 = arith.constant 0 : i32
    %dma_wait3A_168 = tpu.memref_slice %arg11[%dma_wait3A_166, %dma_wait3A_167] : memref<1280x128xf32, #tpu.memory_space<vmem_shared>> -> memref<1280x128xf32, #tpu.memory_space<vmem_shared>>
    tpu.wait_indirect_dma semaphore(%arg15 : memref<!tpu.dma_semaphore, #tpu.memory_space<semaphore_mem>>) src(%dma_wait3A_162 : memref<128x128xf32, #tpu.memory_space<vmem>>) dst(%dma_wait3A_168 : memref<1280x128xf32, #tpu.memory_space<vmem_shared>>)
    %dma_start3A_169 = arith.constant 5 : i32
    %dma_start3A_170 = arith.constant 1 : i32
    %dma_start3A_171 = arith.constant 0 : i32
    %dma_start3A_172 = arith.constant 0 : i32
    %dma_start3A_173 = tpu.memref_slice %arg9[%dma_start3A_170, %dma_start3A_171, %dma_start3A_172] : memref<4x128x128xf32, #tpu.memory_space<vmem>> -> memref<1x128x128xf32, #tpu.memory_space<vmem>>
    %dma_start3A_174 = tpu.memref_squeeze %dma_start3A_173 : memref<1x128x128xf32, #tpu.memory_space<vmem>> -> memref<128x128xf32, #tpu.memory_space<vmem>>
    %dma_start3A_175 = arith.constant 0 : i32
    %dma_start3A_176 = tpu.memref_slice %arg7[%dma_start3A_169, %dma_start3A_175] : memref<10x128xi32, #tpu.memory_space<vmem>> -> memref<1x128xi32, #tpu.memory_space<vmem>>
    %dma_start3A_177 = tpu.memref_squeeze %dma_start3A_176 : memref<1x128xi32, #tpu.memory_space<vmem>> -> memref<128xi32, #tpu.memory_space<vmem>>
    %dma_start3A_178 = arith.constant 0 : i32
    %dma_start3A_179 = arith.constant 0 : i32
    %dma_start3A_180 = tpu.memref_slice %arg2[%dma_start3A_178, %dma_start3A_179] : memref<1280x128xf32, #tpu.memory_space<hbm>> -> memref<1280x128xf32, #tpu.memory_space<hbm>>
    tpu.enqueue_indirect_dma source(%dma_start3A_180 : memref<1280x128xf32, #tpu.memory_space<hbm>>) target(%dma_start3A_174 : memref<128x128xf32, #tpu.memory_space<vmem>>) offsets(%dma_start3A_177 : memref<128xi32, #tpu.memory_space<vmem>>) semaphore(%arg13 : memref<!tpu.dma_semaphore, #tpu.memory_space<semaphore_mem>>)
    %dma_start3A_181 = arith.constant 3 : i32
    %dma_start3A_182 = arith.constant 3 : i32
    %dma_start3A_183 = arith.constant 0 : i32
    %dma_start3A_184 = arith.constant 0 : i32
    %dma_start3A_185 = tpu.memref_slice %arg9[%dma_start3A_181, %dma_start3A_183, %dma_start3A_184] : memref<4x128x128xf32, #tpu.memory_space<vmem>> -> memref<1x128x128xf32, #tpu.memory_space<vmem>>
    %dma_start3A_186 = tpu.memref_squeeze %dma_start3A_185 : memref<1x128x128xf32, #tpu.memory_space<vmem>> -> memref<128x128xf32, #tpu.memory_space<vmem>>
    %dma_start3A_187 = arith.constant 0 : i32
    %dma_start3A_188 = tpu.memref_slice %arg8[%dma_start3A_182, %dma_start3A_187] : memref<10x128xi32, #tpu.memory_space<vmem>> -> memref<1x128xi32, #tpu.memory_space<vmem>>
    %dma_start3A_189 = tpu.memref_squeeze %dma_start3A_188 : memref<1x128xi32, #tpu.memory_space<vmem>> -> memref<128xi32, #tpu.memory_space<vmem>>
    %dma_start3A_190 = arith.constant 0 : i32
    %dma_start3A_191 = arith.constant 0 : i32
    %dma_start3A_192 = tpu.memref_slice %arg11[%dma_start3A_190, %dma_start3A_191] : memref<1280x128xf32, #tpu.memory_space<vmem_shared>> -> memref<1280x128xf32, #tpu.memory_space<vmem_shared>>
    tpu.enqueue_indirect_dma source(%dma_start3A_186 : memref<128x128xf32, #tpu.memory_space<vmem>>) target(%dma_start3A_192 : memref<1280x128xf32, #tpu.memory_space<vmem_shared>>) offsets(%dma_start3A_189 : memref<128xi32, #tpu.memory_space<vmem>>) semaphore(%arg15 : memref<!tpu.dma_semaphore, #tpu.memory_space<semaphore_mem>>) {add = true}
    %dma_wait3A_193 = arith.constant 4 : i32
    %dma_wait3A_194 = arith.constant 0 : i32
    %dma_wait3A_195 = arith.constant 0 : i32
    %dma_wait3A_196 = arith.constant 0 : i32
    %dma_wait3A_197 = tpu.memref_slice %arg9[%dma_wait3A_194, %dma_wait3A_195, %dma_wait3A_196] : memref<4x128x128xf32, #tpu.memory_space<vmem>> -> memref<1x128x128xf32, #tpu.memory_space<vmem>>
    %dma_wait3A_198 = tpu.memref_squeeze %dma_wait3A_197 : memref<1x128x128xf32, #tpu.memory_space<vmem>> -> memref<128x128xf32, #tpu.memory_space<vmem>>
    %dma_wait3A_199 = arith.constant 0 : i32
    %dma_wait3A_200 = tpu.memref_slice %arg7[%dma_wait3A_193, %dma_wait3A_199] : memref<10x128xi32, #tpu.memory_space<vmem>> -> memref<1x128xi32, #tpu.memory_space<vmem>>
    %dma_wait3A_201 = tpu.memref_squeeze %dma_wait3A_200 : memref<1x128xi32, #tpu.memory_space<vmem>> -> memref<128xi32, #tpu.memory_space<vmem>>
    %dma_wait3A_202 = arith.constant 0 : i32
    %dma_wait3A_203 = arith.constant 0 : i32
    %dma_wait3A_204 = tpu.memref_slice %arg2[%dma_wait3A_202, %dma_wait3A_203] : memref<1280x128xf32, #tpu.memory_space<hbm>> -> memref<1280x128xf32, #tpu.memory_space<hbm>>
    tpu.wait_indirect_dma semaphore(%arg12 : memref<!tpu.dma_semaphore, #tpu.memory_space<semaphore_mem>>) src(%dma_wait3A_204 : memref<1280x128xf32, #tpu.memory_space<hbm>>) dst(%dma_wait3A_198 : memref<128x128xf32, #tpu.memory_space<vmem>>)
    %dma_wait3A_205 = arith.constant 2 : i32
    %dma_wait3A_206 = arith.constant 2 : i32
    %dma_wait3A_207 = arith.constant 0 : i32
    %dma_wait3A_208 = arith.constant 0 : i32
    %dma_wait3A_209 = tpu.memref_slice %arg9[%dma_wait3A_205, %dma_wait3A_207, %dma_wait3A_208] : memref<4x128x128xf32, #tpu.memory_space<vmem>> -> memref<1x128x128xf32, #tpu.memory_space<vmem>>
    %dma_wait3A_210 = tpu.memref_squeeze %dma_wait3A_209 : memref<1x128x128xf32, #tpu.memory_space<vmem>> -> memref<128x128xf32, #tpu.memory_space<vmem>>
    %dma_wait3A_211 = arith.constant 0 : i32
    %dma_wait3A_212 = tpu.memref_slice %arg8[%dma_wait3A_206, %dma_wait3A_211] : memref<10x128xi32, #tpu.memory_space<vmem>> -> memref<1x128xi32, #tpu.memory_space<vmem>>
    %dma_wait3A_213 = tpu.memref_squeeze %dma_wait3A_212 : memref<1x128xi32, #tpu.memory_space<vmem>> -> memref<128xi32, #tpu.memory_space<vmem>>
    %dma_wait3A_214 = arith.constant 0 : i32
    %dma_wait3A_215 = arith.constant 0 : i32
    %dma_wait3A_216 = tpu.memref_slice %arg11[%dma_wait3A_214, %dma_wait3A_215] : memref<1280x128xf32, #tpu.memory_space<vmem_shared>> -> memref<1280x128xf32, #tpu.memory_space<vmem_shared>>
    tpu.wait_indirect_dma semaphore(%arg14 : memref<!tpu.dma_semaphore, #tpu.memory_space<semaphore_mem>>) src(%dma_wait3A_210 : memref<128x128xf32, #tpu.memory_space<vmem>>) dst(%dma_wait3A_216 : memref<1280x128xf32, #tpu.memory_space<vmem_shared>>)
    %dma_start3A_217 = arith.constant 6 : i32
    %dma_start3A_218 = arith.constant 2 : i32
    %dma_start3A_219 = arith.constant 0 : i32
    %dma_start3A_220 = arith.constant 0 : i32
    %dma_start3A_221 = tpu.memref_slice %arg9[%dma_start3A_218, %dma_start3A_219, %dma_start3A_220] : memref<4x128x128xf32, #tpu.memory_space<vmem>> -> memref<1x128x128xf32, #tpu.memory_space<vmem>>
    %dma_start3A_222 = tpu.memref_squeeze %dma_start3A_221 : memref<1x128x128xf32, #tpu.memory_space<vmem>> -> memref<128x128xf32, #tpu.memory_space<vmem>>
    %dma_start3A_223 = arith.constant 0 : i32
    %dma_start3A_224 = tpu.memref_slice %arg7[%dma_start3A_217, %dma_start3A_223] : memref<10x128xi32, #tpu.memory_space<vmem>> -> memref<1x128xi32, #tpu.memory_space<vmem>>
    %dma_start3A_225 = tpu.memref_squeeze %dma_start3A_224 : memref<1x128xi32, #tpu.memory_space<vmem>> -> memref<128xi32, #tpu.memory_space<vmem>>
    %dma_start3A_226 = arith.constant 0 : i32
    %dma_start3A_227 = arith.constant 0 : i32
    %dma_start3A_228 = tpu.memref_slice %arg2[%dma_start3A_226, %dma_start3A_227] : memref<1280x128xf32, #tpu.memory_space<hbm>> -> memref<1280x128xf32, #tpu.memory_space<hbm>>
    tpu.enqueue_indirect_dma source(%dma_start3A_228 : memref<1280x128xf32, #tpu.memory_space<hbm>>) target(%dma_start3A_222 : memref<128x128xf32, #tpu.memory_space<vmem>>) offsets(%dma_start3A_225 : memref<128xi32, #tpu.memory_space<vmem>>) semaphore(%arg12 : memref<!tpu.dma_semaphore, #tpu.memory_space<semaphore_mem>>)
    %dma_start3A_229 = arith.constant 0 : i32
    %dma_start3A_230 = arith.constant 4 : i32
    %dma_start3A_231 = arith.constant 0 : i32
    %dma_start3A_232 = arith.constant 0 : i32
    %dma_start3A_233 = tpu.memref_slice %arg9[%dma_start3A_229, %dma_start3A_231, %dma_start3A_232] : memref<4x128x128xf32, #tpu.memory_space<vmem>> -> memref<1x128x128xf32, #tpu.memory_space<vmem>>
    %dma_start3A_234 = tpu.memref_squeeze %dma_start3A_233 : memref<1x128x128xf32, #tpu.memory_space<vmem>> -> memref<128x128xf32, #tpu.memory_space<vmem>>
    %dma_start3A_235 = arith.constant 0 : i32
    %dma_start3A_236 = tpu.memref_slice %arg8[%dma_start3A_230, %dma_start3A_235] : memref<10x128xi32, #tpu.memory_space<vmem>> -> memref<1x128xi32, #tpu.memory_space<vmem>>
    %dma_start3A_237 = tpu.memref_squeeze %dma_start3A_236 : memref<1x128xi32, #tpu.memory_space<vmem>> -> memref<128xi32, #tpu.memory_space<vmem>>
    %dma_start3A_238 = arith.constant 0 : i32
    %dma_start3A_239 = arith.constant 0 : i32
    %dma_start3A_240 = tpu.memref_slice %arg11[%dma_start3A_238, %dma_start3A_239] : memref<1280x128xf32, #tpu.memory_space<vmem_shared>> -> memref<1280x128xf32, #tpu.memory_space<vmem_shared>>
    tpu.enqueue_indirect_dma source(%dma_start3A_234 : memref<128x128xf32, #tpu.memory_space<vmem>>) target(%dma_start3A_240 : memref<1280x128xf32, #tpu.memory_space<vmem_shared>>) offsets(%dma_start3A_237 : memref<128xi32, #tpu.memory_space<vmem>>) semaphore(%arg14 : memref<!tpu.dma_semaphore, #tpu.memory_space<semaphore_mem>>) {add = true}
    %dma_wait3A_241 = arith.constant 5 : i32
    %dma_wait3A_242 = arith.constant 1 : i32
    %dma_wait3A_243 = arith.constant 0 : i32
    %dma_wait3A_244 = arith.constant 0 : i32
    %dma_wait3A_245 = tpu.memref_slice %arg9[%dma_wait3A_242, %dma_wait3A_243, %dma_wait3A_244] : memref<4x128x128xf32, #tpu.memory_space<vmem>> -> memref<1x128x128xf32, #tpu.memory_space<vmem>>
    %dma_wait3A_246 = tpu.memref_squeeze %dma_wait3A_245 : memref<1x128x128xf32, #tpu.memory_space<vmem>> -> memref<128x128xf32, #tpu.memory_space<vmem>>
    %dma_wait3A_247 = arith.constant 0 : i32
    %dma_wait3A_248 = tpu.memref_slice %arg7[%dma_wait3A_241, %dma_wait3A_247] : memref<10x128xi32, #tpu.memory_space<vmem>> -> memref<1x128xi32, #tpu.memory_space<vmem>>
    %dma_wait3A_249 = tpu.memref_squeeze %dma_wait3A_248 : memref<1x128xi32, #tpu.memory_space<vmem>> -> memref<128xi32, #tpu.memory_space<vmem>>
    %dma_wait3A_250 = arith.constant 0 : i32
    %dma_wait3A_251 = arith.constant 0 : i32
    %dma_wait3A_252 = tpu.memref_slice %arg2[%dma_wait3A_250, %dma_wait3A_251] : memref<1280x128xf32, #tpu.memory_space<hbm>> -> memref<1280x128xf32, #tpu.memory_space<hbm>>
    tpu.wait_indirect_dma semaphore(%arg13 : memref<!tpu.dma_semaphore, #tpu.memory_space<semaphore_mem>>) src(%dma_wait3A_252 : memref<1280x128xf32, #tpu.memory_space<hbm>>) dst(%dma_wait3A_246 : memref<128x128xf32, #tpu.memory_space<vmem>>)
    %dma_wait3A_253 = arith.constant 3 : i32
    %dma_wait3A_254 = arith.constant 3 : i32
    %dma_wait3A_255 = arith.constant 0 : i32
    %dma_wait3A_256 = arith.constant 0 : i32
    %dma_wait3A_257 = tpu.memref_slice %arg9[%dma_wait3A_253, %dma_wait3A_255, %dma_wait3A_256] : memref<4x128x128xf32, #tpu.memory_space<vmem>> -> memref<1x128x128xf32, #tpu.memory_space<vmem>>
    %dma_wait3A_258 = tpu.memref_squeeze %dma_wait3A_257 : memref<1x128x128xf32, #tpu.memory_space<vmem>> -> memref<128x128xf32, #tpu.memory_space<vmem>>
    %dma_wait3A_259 = arith.constant 0 : i32
    %dma_wait3A_260 = tpu.memref_slice %arg8[%dma_wait3A_254, %dma_wait3A_259] : memref<10x128xi32, #tpu.memory_space<vmem>> -> memref<1x128xi32, #tpu.memory_space<vmem>>
    %dma_wait3A_261 = tpu.memref_squeeze %dma_wait3A_260 : memref<1x128xi32, #tpu.memory_space<vmem>> -> memref<128xi32, #tpu.memory_space<vmem>>
    %dma_wait3A_262 = arith.constant 0 : i32
    %dma_wait3A_263 = arith.constant 0 : i32
    %dma_wait3A_264 = tpu.memref_slice %arg11[%dma_wait3A_262, %dma_wait3A_263] : memref<1280x128xf32, #tpu.memory_space<vmem_shared>> -> memref<1280x128xf32, #tpu.memory_space<vmem_shared>>
    tpu.wait_indirect_dma semaphore(%arg15 : memref<!tpu.dma_semaphore, #tpu.memory_space<semaphore_mem>>) src(%dma_wait3A_258 : memref<128x128xf32, #tpu.memory_space<vmem>>) dst(%dma_wait3A_264 : memref<1280x128xf32, #tpu.memory_space<vmem_shared>>)
    %dma_start3A_265 = arith.constant 7 : i32
    %dma_start3A_266 = arith.constant 3 : i32
    %dma_start3A_267 = arith.constant 0 : i32
    %dma_start3A_268 = arith.constant 0 : i32
    %dma_start3A_269 = tpu.memref_slice %arg9[%dma_start3A_266, %dma_start3A_267, %dma_start3A_268] : memref<4x128x128xf32, #tpu.memory_space<vmem>> -> memref<1x128x128xf32, #tpu.memory_space<vmem>>
    %dma_start3A_270 = tpu.memref_squeeze %dma_start3A_269 : memref<1x128x128xf32, #tpu.memory_space<vmem>> -> memref<128x128xf32, #tpu.memory_space<vmem>>
    %dma_start3A_271 = arith.constant 0 : i32
    %dma_start3A_272 = tpu.memref_slice %arg7[%dma_start3A_265, %dma_start3A_271] : memref<10x128xi32, #tpu.memory_space<vmem>> -> memref<1x128xi32, #tpu.memory_space<vmem>>
    %dma_start3A_273 = tpu.memref_squeeze %dma_start3A_272 : memref<1x128xi32, #tpu.memory_space<vmem>> -> memref<128xi32, #tpu.memory_space<vmem>>
    %dma_start3A_274 = arith.constant 0 : i32
    %dma_start3A_275 = arith.constant 0 : i32
    %dma_start3A_276 = tpu.memref_slice %arg2[%dma_start3A_274, %dma_start3A_275] : memref<1280x128xf32, #tpu.memory_space<hbm>> -> memref<1280x128xf32, #tpu.memory_space<hbm>>
    tpu.enqueue_indirect_dma source(%dma_start3A_276 : memref<1280x128xf32, #tpu.memory_space<hbm>>) target(%dma_start3A_270 : memref<128x128xf32, #tpu.memory_space<vmem>>) offsets(%dma_start3A_273 : memref<128xi32, #tpu.memory_space<vmem>>) semaphore(%arg13 : memref<!tpu.dma_semaphore, #tpu.memory_space<semaphore_mem>>)
    %dma_start3A_277 = arith.constant 1 : i32
    %dma_start3A_278 = arith.constant 5 : i32
    %dma_start3A_279 = arith.constant 0 : i32
    %dma_start3A_280 = arith.constant 0 : i32
    %dma_start3A_281 = tpu.memref_slice %arg9[%dma_start3A_277, %dma_start3A_279, %dma_start3A_280] : memref<4x128x128xf32, #tpu.memory_space<vmem>> -> memref<1x128x128xf32, #tpu.memory_space<vmem>>
    %dma_start3A_282 = tpu.memref_squeeze %dma_start3A_281 : memref<1x128x128xf32, #tpu.memory_space<vmem>> -> memref<128x128xf32, #tpu.memory_space<vmem>>
    %dma_start3A_283 = arith.constant 0 : i32
    %dma_start3A_284 = tpu.memref_slice %arg8[%dma_start3A_278, %dma_start3A_283] : memref<10x128xi32, #tpu.memory_space<vmem>> -> memref<1x128xi32, #tpu.memory_space<vmem>>
    %dma_start3A_285 = tpu.memref_squeeze %dma_start3A_284 : memref<1x128xi32, #tpu.memory_space<vmem>> -> memref<128xi32, #tpu.memory_space<vmem>>
    %dma_start3A_286 = arith.constant 0 : i32
    %dma_start3A_287 = arith.constant 0 : i32
    %dma_start3A_288 = tpu.memref_slice %arg11[%dma_start3A_286, %dma_start3A_287] : memref<1280x128xf32, #tpu.memory_space<vmem_shared>> -> memref<1280x128xf32, #tpu.memory_space<vmem_shared>>
    tpu.enqueue_indirect_dma source(%dma_start3A_282 : memref<128x128xf32, #tpu.memory_space<vmem>>) target(%dma_start3A_288 : memref<1280x128xf32, #tpu.memory_space<vmem_shared>>) offsets(%dma_start3A_285 : memref<128xi32, #tpu.memory_space<vmem>>) semaphore(%arg15 : memref<!tpu.dma_semaphore, #tpu.memory_space<semaphore_mem>>) {add = true}
    %dma_wait3A_289 = arith.constant 6 : i32
    %dma_wait3A_290 = arith.constant 2 : i32
    %dma_wait3A_291 = arith.constant 0 : i32
    %dma_wait3A_292 = arith.constant 0 : i32
    %dma_wait3A_293 = tpu.memref_slice %arg9[%dma_wait3A_290, %dma_wait3A_291, %dma_wait3A_292] : memref<4x128x128xf32, #tpu.memory_space<vmem>> -> memref<1x128x128xf32, #tpu.memory_space<vmem>>
    %dma_wait3A_294 = tpu.memref_squeeze %dma_wait3A_293 : memref<1x128x128xf32, #tpu.memory_space<vmem>> -> memref<128x128xf32, #tpu.memory_space<vmem>>
    %dma_wait3A_295 = arith.constant 0 : i32
    %dma_wait3A_296 = tpu.memref_slice %arg7[%dma_wait3A_289, %dma_wait3A_295] : memref<10x128xi32, #tpu.memory_space<vmem>> -> memref<1x128xi32, #tpu.memory_space<vmem>>
    %dma_wait3A_297 = tpu.memref_squeeze %dma_wait3A_296 : memref<1x128xi32, #tpu.memory_space<vmem>> -> memref<128xi32, #tpu.memory_space<vmem>>
    %dma_wait3A_298 = arith.constant 0 : i32
    %dma_wait3A_299 = arith.constant 0 : i32
    %dma_wait3A_300 = tpu.memref_slice %arg2[%dma_wait3A_298, %dma_wait3A_299] : memref<1280x128xf32, #tpu.memory_space<hbm>> -> memref<1280x128xf32, #tpu.memory_space<hbm>>
    tpu.wait_indirect_dma semaphore(%arg12 : memref<!tpu.dma_semaphore, #tpu.memory_space<semaphore_mem>>) src(%dma_wait3A_300 : memref<1280x128xf32, #tpu.memory_space<hbm>>) dst(%dma_wait3A_294 : memref<128x128xf32, #tpu.memory_space<vmem>>)
    %dma_wait3A_301 = arith.constant 0 : i32
    %dma_wait3A_302 = arith.constant 4 : i32
    %dma_wait3A_303 = arith.constant 0 : i32
    %dma_wait3A_304 = arith.constant 0 : i32
    %dma_wait3A_305 = tpu.memref_slice %arg9[%dma_wait3A_301, %dma_wait3A_303, %dma_wait3A_304] : memref<4x128x128xf32, #tpu.memory_space<vmem>> -> memref<1x128x128xf32, #tpu.memory_space<vmem>>
    %dma_wait3A_306 = tpu.memref_squeeze %dma_wait3A_305 : memref<1x128x128xf32, #tpu.memory_space<vmem>> -> memref<128x128xf32, #tpu.memory_space<vmem>>
    %dma_wait3A_307 = arith.constant 0 : i32
    %dma_wait3A_308 = tpu.memref_slice %arg8[%dma_wait3A_302, %dma_wait3A_307] : memref<10x128xi32, #tpu.memory_space<vmem>> -> memref<1x128xi32, #tpu.memory_space<vmem>>
    %dma_wait3A_309 = tpu.memref_squeeze %dma_wait3A_308 : memref<1x128xi32, #tpu.memory_space<vmem>> -> memref<128xi32, #tpu.memory_space<vmem>>
    %dma_wait3A_310 = arith.constant 0 : i32
    %dma_wait3A_311 = arith.constant 0 : i32
    %dma_wait3A_312 = tpu.memref_slice %arg11[%dma_wait3A_310, %dma_wait3A_311] : memref<1280x128xf32, #tpu.memory_space<vmem_shared>> -> memref<1280x128xf32, #tpu.memory_space<vmem_shared>>
    tpu.wait_indirect_dma semaphore(%arg14 : memref<!tpu.dma_semaphore, #tpu.memory_space<semaphore_mem>>) src(%dma_wait3A_306 : memref<128x128xf32, #tpu.memory_space<vmem>>) dst(%dma_wait3A_312 : memref<1280x128xf32, #tpu.memory_space<vmem_shared>>)
    %dma_start3A_313 = arith.constant 8 : i32
    %dma_start3A_314 = arith.constant 0 : i32
    %dma_start3A_315 = arith.constant 0 : i32
    %dma_start3A_316 = arith.constant 0 : i32
    %dma_start3A_317 = tpu.memref_slice %arg9[%dma_start3A_314, %dma_start3A_315, %dma_start3A_316] : memref<4x128x128xf32, #tpu.memory_space<vmem>> -> memref<1x128x128xf32, #tpu.memory_space<vmem>>
    %dma_start3A_318 = tpu.memref_squeeze %dma_start3A_317 : memref<1x128x128xf32, #tpu.memory_space<vmem>> -> memref<128x128xf32, #tpu.memory_space<vmem>>
    %dma_start3A_319 = arith.constant 0 : i32
    %dma_start3A_320 = tpu.memref_slice %arg7[%dma_start3A_313, %dma_start3A_319] : memref<10x128xi32, #tpu.memory_space<vmem>> -> memref<1x128xi32, #tpu.memory_space<vmem>>
    %dma_start3A_321 = tpu.memref_squeeze %dma_start3A_320 : memref<1x128xi32, #tpu.memory_space<vmem>> -> memref<128xi32, #tpu.memory_space<vmem>>
    %dma_start3A_322 = arith.constant 0 : i32
    %dma_start3A_323 = arith.constant 0 : i32
    %dma_start3A_324 = tpu.memref_slice %arg2[%dma_start3A_322, %dma_start3A_323] : memref<1280x128xf32, #tpu.memory_space<hbm>> -> memref<1280x128xf32, #tpu.memory_space<hbm>>
    tpu.enqueue_indirect_dma source(%dma_start3A_324 : memref<1280x128xf32, #tpu.memory_space<hbm>>) target(%dma_start3A_318 : memref<128x128xf32, #tpu.memory_space<vmem>>) offsets(%dma_start3A_321 : memref<128xi32, #tpu.memory_space<vmem>>) semaphore(%arg12 : memref<!tpu.dma_semaphore, #tpu.memory_space<semaphore_mem>>)
    %dma_start3A_325 = arith.constant 2 : i32
    %dma_start3A_326 = arith.constant 6 : i32
    %dma_start3A_327 = arith.constant 0 : i32
    %dma_start3A_328 = arith.constant 0 : i32
    %dma_start3A_329 = tpu.memref_slice %arg9[%dma_start3A_325, %dma_start3A_327, %dma_start3A_328] : memref<4x128x128xf32, #tpu.memory_space<vmem>> -> memref<1x128x128xf32, #tpu.memory_space<vmem>>
    %dma_start3A_330 = tpu.memref_squeeze %dma_start3A_329 : memref<1x128x128xf32, #tpu.memory_space<vmem>> -> memref<128x128xf32, #tpu.memory_space<vmem>>
    %dma_start3A_331 = arith.constant 0 : i32
    %dma_start3A_332 = tpu.memref_slice %arg8[%dma_start3A_326, %dma_start3A_331] : memref<10x128xi32, #tpu.memory_space<vmem>> -> memref<1x128xi32, #tpu.memory_space<vmem>>
    %dma_start3A_333 = tpu.memref_squeeze %dma_start3A_332 : memref<1x128xi32, #tpu.memory_space<vmem>> -> memref<128xi32, #tpu.memory_space<vmem>>
    %dma_start3A_334 = arith.constant 0 : i32
    %dma_start3A_335 = arith.constant 0 : i32
    %dma_start3A_336 = tpu.memref_slice %arg11[%dma_start3A_334, %dma_start3A_335] : memref<1280x128xf32, #tpu.memory_space<vmem_shared>> -> memref<1280x128xf32, #tpu.memory_space<vmem_shared>>
    tpu.enqueue_indirect_dma source(%dma_start3A_330 : memref<128x128xf32, #tpu.memory_space<vmem>>) target(%dma_start3A_336 : memref<1280x128xf32, #tpu.memory_space<vmem_shared>>) offsets(%dma_start3A_333 : memref<128xi32, #tpu.memory_space<vmem>>) semaphore(%arg14 : memref<!tpu.dma_semaphore, #tpu.memory_space<semaphore_mem>>) {add = true}
    %dma_wait3A_337 = arith.constant 7 : i32
    %dma_wait3A_338 = arith.constant 3 : i32
    %dma_wait3A_339 = arith.constant 0 : i32
    %dma_wait3A_340 = arith.constant 0 : i32
    %dma_wait3A_341 = tpu.memref_slice %arg9[%dma_wait3A_338, %dma_wait3A_339, %dma_wait3A_340] : memref<4x128x128xf32, #tpu.memory_space<vmem>> -> memref<1x128x128xf32, #tpu.memory_space<vmem>>
    %dma_wait3A_342 = tpu.memref_squeeze %dma_wait3A_341 : memref<1x128x128xf32, #tpu.memory_space<vmem>> -> memref<128x128xf32, #tpu.memory_space<vmem>>
    %dma_wait3A_343 = arith.constant 0 : i32
    %dma_wait3A_344 = tpu.memref_slice %arg7[%dma_wait3A_337, %dma_wait3A_343] : memref<10x128xi32, #tpu.memory_space<vmem>> -> memref<1x128xi32, #tpu.memory_space<vmem>>
    %dma_wait3A_345 = tpu.memref_squeeze %dma_wait3A_344 : memref<1x128xi32, #tpu.memory_space<vmem>> -> memref<128xi32, #tpu.memory_space<vmem>>
    %dma_wait3A_346 = arith.constant 0 : i32
    %dma_wait3A_347 = arith.constant 0 : i32
    %dma_wait3A_348 = tpu.memref_slice %arg2[%dma_wait3A_346, %dma_wait3A_347] : memref<1280x128xf32, #tpu.memory_space<hbm>> -> memref<1280x128xf32, #tpu.memory_space<hbm>>
    tpu.wait_indirect_dma semaphore(%arg13 : memref<!tpu.dma_semaphore, #tpu.memory_space<semaphore_mem>>) src(%dma_wait3A_348 : memref<1280x128xf32, #tpu.memory_space<hbm>>) dst(%dma_wait3A_342 : memref<128x128xf32, #tpu.memory_space<vmem>>)
    %dma_wait3A_349 = arith.constant 1 : i32
    %dma_wait3A_350 = arith.constant 5 : i32
    %dma_wait3A_351 = arith.constant 0 : i32
    %dma_wait3A_352 = arith.constant 0 : i32
    %dma_wait3A_353 = tpu.memref_slice %arg9[%dma_wait3A_349, %dma_wait3A_351, %dma_wait3A_352] : memref<4x128x128xf32, #tpu.memory_space<vmem>> -> memref<1x128x128xf32, #tpu.memory_space<vmem>>
    %dma_wait3A_354 = tpu.memref_squeeze %dma_wait3A_353 : memref<1x128x128xf32, #tpu.memory_space<vmem>> -> memref<128x128xf32, #tpu.memory_space<vmem>>
    %dma_wait3A_355 = arith.constant 0 : i32
    %dma_wait3A_356 = tpu.memref_slice %arg8[%dma_wait3A_350, %dma_wait3A_355] : memref<10x128xi32, #tpu.memory_space<vmem>> -> memref<1x128xi32, #tpu.memory_space<vmem>>
    %dma_wait3A_357 = tpu.memref_squeeze %dma_wait3A_356 : memref<1x128xi32, #tpu.memory_space<vmem>> -> memref<128xi32, #tpu.memory_space<vmem>>
    %dma_wait3A_358 = arith.constant 0 : i32
    %dma_wait3A_359 = arith.constant 0 : i32
    %dma_wait3A_360 = tpu.memref_slice %arg11[%dma_wait3A_358, %dma_wait3A_359] : memref<1280x128xf32, #tpu.memory_space<vmem_shared>> -> memref<1280x128xf32, #tpu.memory_space<vmem_shared>>
    tpu.wait_indirect_dma semaphore(%arg15 : memref<!tpu.dma_semaphore, #tpu.memory_space<semaphore_mem>>) src(%dma_wait3A_354 : memref<128x128xf32, #tpu.memory_space<vmem>>) dst(%dma_wait3A_360 : memref<1280x128xf32, #tpu.memory_space<vmem_shared>>)
    %dma_start3A_361 = arith.constant 9 : i32
    %dma_start3A_362 = arith.constant 1 : i32
    %dma_start3A_363 = arith.constant 0 : i32
    %dma_start3A_364 = arith.constant 0 : i32
    %dma_start3A_365 = tpu.memref_slice %arg9[%dma_start3A_362, %dma_start3A_363, %dma_start3A_364] : memref<4x128x128xf32, #tpu.memory_space<vmem>> -> memref<1x128x128xf32, #tpu.memory_space<vmem>>
    %dma_start3A_366 = tpu.memref_squeeze %dma_start3A_365 : memref<1x128x128xf32, #tpu.memory_space<vmem>> -> memref<128x128xf32, #tpu.memory_space<vmem>>
    %dma_start3A_367 = arith.constant 0 : i32
    %dma_start3A_368 = tpu.memref_slice %arg7[%dma_start3A_361, %dma_start3A_367] : memref<10x128xi32, #tpu.memory_space<vmem>> -> memref<1x128xi32, #tpu.memory_space<vmem>>
    %dma_start3A_369 = tpu.memref_squeeze %dma_start3A_368 : memref<1x128xi32, #tpu.memory_space<vmem>> -> memref<128xi32, #tpu.memory_space<vmem>>
    %dma_start3A_370 = arith.constant 0 : i32
    %dma_start3A_371 = arith.constant 0 : i32
    %dma_start3A_372 = tpu.memref_slice %arg2[%dma_start3A_370, %dma_start3A_371] : memref<1280x128xf32, #tpu.memory_space<hbm>> -> memref<1280x128xf32, #tpu.memory_space<hbm>>
    tpu.enqueue_indirect_dma source(%dma_start3A_372 : memref<1280x128xf32, #tpu.memory_space<hbm>>) target(%dma_start3A_366 : memref<128x128xf32, #tpu.memory_space<vmem>>) offsets(%dma_start3A_369 : memref<128xi32, #tpu.memory_space<vmem>>) semaphore(%arg13 : memref<!tpu.dma_semaphore, #tpu.memory_space<semaphore_mem>>)
    %dma_start3A_373 = arith.constant 3 : i32
    %dma_start3A_374 = arith.constant 7 : i32
    %dma_start3A_375 = arith.constant 0 : i32
    %dma_start3A_376 = arith.constant 0 : i32
    %dma_start3A_377 = tpu.memref_slice %arg9[%dma_start3A_373, %dma_start3A_375, %dma_start3A_376] : memref<4x128x128xf32, #tpu.memory_space<vmem>> -> memref<1x128x128xf32, #tpu.memory_space<vmem>>
    %dma_start3A_378 = tpu.memref_squeeze %dma_start3A_377 : memref<1x128x128xf32, #tpu.memory_space<vmem>> -> memref<128x128xf32, #tpu.memory_space<vmem>>
    %dma_start3A_379 = arith.constant 0 : i32
    %dma_start3A_380 = tpu.memref_slice %arg8[%dma_start3A_374, %dma_start3A_379] : memref<10x128xi32, #tpu.memory_space<vmem>> -> memref<1x128xi32, #tpu.memory_space<vmem>>
    %dma_start3A_381 = tpu.memref_squeeze %dma_start3A_380 : memref<1x128xi32, #tpu.memory_space<vmem>> -> memref<128xi32, #tpu.memory_space<vmem>>
    %dma_start3A_382 = arith.constant 0 : i32
    %dma_start3A_383 = arith.constant 0 : i32
    %dma_start3A_384 = tpu.memref_slice %arg11[%dma_start3A_382, %dma_start3A_383] : memref<1280x128xf32, #tpu.memory_space<vmem_shared>> -> memref<1280x128xf32, #tpu.memory_space<vmem_shared>>
    tpu.enqueue_indirect_dma source(%dma_start3A_378 : memref<128x128xf32, #tpu.memory_space<vmem>>) target(%dma_start3A_384 : memref<1280x128xf32, #tpu.memory_space<vmem_shared>>) offsets(%dma_start3A_381 : memref<128xi32, #tpu.memory_space<vmem>>) semaphore(%arg15 : memref<!tpu.dma_semaphore, #tpu.memory_space<semaphore_mem>>) {add = true}
    %dma_wait3A_385 = arith.constant 8 : i32
    %dma_wait3A_386 = arith.constant 0 : i32
    %dma_wait3A_387 = arith.constant 0 : i32
    %dma_wait3A_388 = arith.constant 0 : i32
    %dma_wait3A_389 = tpu.memref_slice %arg9[%dma_wait3A_386, %dma_wait3A_387, %dma_wait3A_388] : memref<4x128x128xf32, #tpu.memory_space<vmem>> -> memref<1x128x128xf32, #tpu.memory_space<vmem>>
    %dma_wait3A_390 = tpu.memref_squeeze %dma_wait3A_389 : memref<1x128x128xf32, #tpu.memory_space<vmem>> -> memref<128x128xf32, #tpu.memory_space<vmem>>
    %dma_wait3A_391 = arith.constant 0 : i32
    %dma_wait3A_392 = tpu.memref_slice %arg7[%dma_wait3A_385, %dma_wait3A_391] : memref<10x128xi32, #tpu.memory_space<vmem>> -> memref<1x128xi32, #tpu.memory_space<vmem>>
    %dma_wait3A_393 = tpu.memref_squeeze %dma_wait3A_392 : memref<1x128xi32, #tpu.memory_space<vmem>> -> memref<128xi32, #tpu.memory_space<vmem>>
    %dma_wait3A_394 = arith.constant 0 : i32
    %dma_wait3A_395 = arith.constant 0 : i32
    %dma_wait3A_396 = tpu.memref_slice %arg2[%dma_wait3A_394, %dma_wait3A_395] : memref<1280x128xf32, #tpu.memory_space<hbm>> -> memref<1280x128xf32, #tpu.memory_space<hbm>>
    tpu.wait_indirect_dma semaphore(%arg12 : memref<!tpu.dma_semaphore, #tpu.memory_space<semaphore_mem>>) src(%dma_wait3A_396 : memref<1280x128xf32, #tpu.memory_space<hbm>>) dst(%dma_wait3A_390 : memref<128x128xf32, #tpu.memory_space<vmem>>)
    %dma_start3A_397 = arith.constant 0 : i32
    %dma_start3A_398 = arith.constant 8 : i32
    %dma_start3A_399 = arith.constant 0 : i32
    %dma_start3A_400 = arith.constant 0 : i32
    %dma_start3A_401 = tpu.memref_slice %arg9[%dma_start3A_397, %dma_start3A_399, %dma_start3A_400] : memref<4x128x128xf32, #tpu.memory_space<vmem>> -> memref<1x128x128xf32, #tpu.memory_space<vmem>>
    %dma_start3A_402 = tpu.memref_squeeze %dma_start3A_401 : memref<1x128x128xf32, #tpu.memory_space<vmem>> -> memref<128x128xf32, #tpu.memory_space<vmem>>
    %dma_start3A_403 = arith.constant 0 : i32
    %dma_start3A_404 = tpu.memref_slice %arg8[%dma_start3A_398, %dma_start3A_403] : memref<10x128xi32, #tpu.memory_space<vmem>> -> memref<1x128xi32, #tpu.memory_space<vmem>>
    %dma_start3A_405 = tpu.memref_squeeze %dma_start3A_404 : memref<1x128xi32, #tpu.memory_space<vmem>> -> memref<128xi32, #tpu.memory_space<vmem>>
    %dma_start3A_406 = arith.constant 0 : i32
    %dma_start3A_407 = arith.constant 0 : i32
    %dma_start3A_408 = tpu.memref_slice %arg11[%dma_start3A_406, %dma_start3A_407] : memref<1280x128xf32, #tpu.memory_space<vmem_shared>> -> memref<1280x128xf32, #tpu.memory_space<vmem_shared>>
    tpu.enqueue_indirect_dma source(%dma_start3A_402 : memref<128x128xf32, #tpu.memory_space<vmem>>) target(%dma_start3A_408 : memref<1280x128xf32, #tpu.memory_space<vmem_shared>>) offsets(%dma_start3A_405 : memref<128xi32, #tpu.memory_space<vmem>>) semaphore(%arg14 : memref<!tpu.dma_semaphore, #tpu.memory_space<semaphore_mem>>) {add = true}
    %dma_wait3A_409 = arith.constant 9 : i32
    %dma_wait3A_410 = arith.constant 1 : i32
    %dma_wait3A_411 = arith.constant 0 : i32
    %dma_wait3A_412 = arith.constant 0 : i32
    %dma_wait3A_413 = tpu.memref_slice %arg9[%dma_wait3A_410, %dma_wait3A_411, %dma_wait3A_412] : memref<4x128x128xf32, #tpu.memory_space<vmem>> -> memref<1x128x128xf32, #tpu.memory_space<vmem>>
    %dma_wait3A_414 = tpu.memref_squeeze %dma_wait3A_413 : memref<1x128x128xf32, #tpu.memory_space<vmem>> -> memref<128x128xf32, #tpu.memory_space<vmem>>
    %dma_wait3A_415 = arith.constant 0 : i32
    %dma_wait3A_416 = tpu.memref_slice %arg7[%dma_wait3A_409, %dma_wait3A_415] : memref<10x128xi32, #tpu.memory_space<vmem>> -> memref<1x128xi32, #tpu.memory_space<vmem>>
    %dma_wait3A_417 = tpu.memref_squeeze %dma_wait3A_416 : memref<1x128xi32, #tpu.memory_space<vmem>> -> memref<128xi32, #tpu.memory_space<vmem>>
    %dma_wait3A_418 = arith.constant 0 : i32
    %dma_wait3A_419 = arith.constant 0 : i32
    %dma_wait3A_420 = tpu.memref_slice %arg2[%dma_wait3A_418, %dma_wait3A_419] : memref<1280x128xf32, #tpu.memory_space<hbm>> -> memref<1280x128xf32, #tpu.memory_space<hbm>>
    tpu.wait_indirect_dma semaphore(%arg13 : memref<!tpu.dma_semaphore, #tpu.memory_space<semaphore_mem>>) src(%dma_wait3A_420 : memref<1280x128xf32, #tpu.memory_space<hbm>>) dst(%dma_wait3A_414 : memref<128x128xf32, #tpu.memory_space<vmem>>)
    %dma_start3A_421 = arith.constant 1 : i32
    %dma_start3A_422 = arith.constant 9 : i32
    %dma_start3A_423 = arith.constant 0 : i32
    %dma_start3A_424 = arith.constant 0 : i32
    %dma_start3A_425 = tpu.memref_slice %arg9[%dma_start3A_421, %dma_start3A_423, %dma_start3A_424] : memref<4x128x128xf32, #tpu.memory_space<vmem>> -> memref<1x128x128xf32, #tpu.memory_space<vmem>>
    %dma_start3A_426 = tpu.memref_squeeze %dma_start3A_425 : memref<1x128x128xf32, #tpu.memory_space<vmem>> -> memref<128x128xf32, #tpu.memory_space<vmem>>
    %dma_start3A_427 = arith.constant 0 : i32
    %dma_start3A_428 = tpu.memref_slice %arg8[%dma_start3A_422, %dma_start3A_427] : memref<10x128xi32, #tpu.memory_space<vmem>> -> memref<1x128xi32, #tpu.memory_space<vmem>>
    %dma_start3A_429 = tpu.memref_squeeze %dma_start3A_428 : memref<1x128xi32, #tpu.memory_space<vmem>> -> memref<128xi32, #tpu.memory_space<vmem>>
    %dma_start3A_430 = arith.constant 0 : i32
    %dma_start3A_431 = arith.constant 0 : i32
    %dma_start3A_432 = tpu.memref_slice %arg11[%dma_start3A_430, %dma_start3A_431] : memref<1280x128xf32, #tpu.memory_space<vmem_shared>> -> memref<1280x128xf32, #tpu.memory_space<vmem_shared>>
    tpu.enqueue_indirect_dma source(%dma_start3A_426 : memref<128x128xf32, #tpu.memory_space<vmem>>) target(%dma_start3A_432 : memref<1280x128xf32, #tpu.memory_space<vmem_shared>>) offsets(%dma_start3A_429 : memref<128xi32, #tpu.memory_space<vmem>>) semaphore(%arg15 : memref<!tpu.dma_semaphore, #tpu.memory_space<semaphore_mem>>) {add = true}
    %dma_wait3A_433 = arith.constant 2 : i32
    %dma_wait3A_434 = arith.constant 6 : i32
    %dma_wait3A_435 = arith.constant 0 : i32
    %dma_wait3A_436 = arith.constant 0 : i32
    %dma_wait3A_437 = tpu.memref_slice %arg9[%dma_wait3A_433, %dma_wait3A_435, %dma_wait3A_436] : memref<4x128x128xf32, #tpu.memory_space<vmem>> -> memref<1x128x128xf32, #tpu.memory_space<vmem>>
    %dma_wait3A_438 = tpu.memref_squeeze %dma_wait3A_437 : memref<1x128x128xf32, #tpu.memory_space<vmem>> -> memref<128x128xf32, #tpu.memory_space<vmem>>
    %dma_wait3A_439 = arith.constant 0 : i32
    %dma_wait3A_440 = tpu.memref_slice %arg8[%dma_wait3A_434, %dma_wait3A_439] : memref<10x128xi32, #tpu.memory_space<vmem>> -> memref<1x128xi32, #tpu.memory_space<vmem>>
    %dma_wait3A_441 = tpu.memref_squeeze %dma_wait3A_440 : memref<1x128xi32, #tpu.memory_space<vmem>> -> memref<128xi32, #tpu.memory_space<vmem>>
    %dma_wait3A_442 = arith.constant 0 : i32
    %dma_wait3A_443 = arith.constant 0 : i32
    %dma_wait3A_444 = tpu.memref_slice %arg11[%dma_wait3A_442, %dma_wait3A_443] : memref<1280x128xf32, #tpu.memory_space<vmem_shared>> -> memref<1280x128xf32, #tpu.memory_space<vmem_shared>>
    tpu.wait_indirect_dma semaphore(%arg14 : memref<!tpu.dma_semaphore, #tpu.memory_space<semaphore_mem>>) src(%dma_wait3A_438 : memref<128x128xf32, #tpu.memory_space<vmem>>) dst(%dma_wait3A_444 : memref<1280x128xf32, #tpu.memory_space<vmem_shared>>)
    %dma_wait3A_445 = arith.constant 3 : i32
    %dma_wait3A_446 = arith.constant 7 : i32
    %dma_wait3A_447 = arith.constant 0 : i32
    %dma_wait3A_448 = arith.constant 0 : i32
    %dma_wait3A_449 = tpu.memref_slice %arg9[%dma_wait3A_445, %dma_wait3A_447, %dma_wait3A_448] : memref<4x128x128xf32, #tpu.memory_space<vmem>> -> memref<1x128x128xf32, #tpu.memory_space<vmem>>
    %dma_wait3A_450 = tpu.memref_squeeze %dma_wait3A_449 : memref<1x128x128xf32, #tpu.memory_space<vmem>> -> memref<128x128xf32, #tpu.memory_space<vmem>>
    %dma_wait3A_451 = arith.constant 0 : i32
    %dma_wait3A_452 = tpu.memref_slice %arg8[%dma_wait3A_446, %dma_wait3A_451] : memref<10x128xi32, #tpu.memory_space<vmem>> -> memref<1x128xi32, #tpu.memory_space<vmem>>
    %dma_wait3A_453 = tpu.memref_squeeze %dma_wait3A_452 : memref<1x128xi32, #tpu.memory_space<vmem>> -> memref<128xi32, #tpu.memory_space<vmem>>
    %dma_wait3A_454 = arith.constant 0 : i32
    %dma_wait3A_455 = arith.constant 0 : i32
    %dma_wait3A_456 = tpu.memref_slice %arg11[%dma_wait3A_454, %dma_wait3A_455] : memref<1280x128xf32, #tpu.memory_space<vmem_shared>> -> memref<1280x128xf32, #tpu.memory_space<vmem_shared>>
    tpu.wait_indirect_dma semaphore(%arg15 : memref<!tpu.dma_semaphore, #tpu.memory_space<semaphore_mem>>) src(%dma_wait3A_450 : memref<128x128xf32, #tpu.memory_space<vmem>>) dst(%dma_wait3A_456 : memref<1280x128xf32, #tpu.memory_space<vmem_shared>>)
    %dma_wait3A_457 = arith.constant 0 : i32
    %dma_wait3A_458 = arith.constant 8 : i32
    %dma_wait3A_459 = arith.constant 0 : i32
    %dma_wait3A_460 = arith.constant 0 : i32
    %dma_wait3A_461 = tpu.memref_slice %arg9[%dma_wait3A_457, %dma_wait3A_459, %dma_wait3A_460] : memref<4x128x128xf32, #tpu.memory_space<vmem>> -> memref<1x128x128xf32, #tpu.memory_space<vmem>>
    %dma_wait3A_462 = tpu.memref_squeeze %dma_wait3A_461 : memref<1x128x128xf32, #tpu.memory_space<vmem>> -> memref<128x128xf32, #tpu.memory_space<vmem>>
    %dma_wait3A_463 = arith.constant 0 : i32
    %dma_wait3A_464 = tpu.memref_slice %arg8[%dma_wait3A_458, %dma_wait3A_463] : memref<10x128xi32, #tpu.memory_space<vmem>> -> memref<1x128xi32, #tpu.memory_space<vmem>>
    %dma_wait3A_465 = tpu.memref_squeeze %dma_wait3A_464 : memref<1x128xi32, #tpu.memory_space<vmem>> -> memref<128xi32, #tpu.memory_space<vmem>>
    %dma_wait3A_466 = arith.constant 0 : i32
    %dma_wait3A_467 = arith.constant 0 : i32
    %dma_wait3A_468 = tpu.memref_slice %arg11[%dma_wait3A_466, %dma_wait3A_467] : memref<1280x128xf32, #tpu.memory_space<vmem_shared>> -> memref<1280x128xf32, #tpu.memory_space<vmem_shared>>
    tpu.wait_indirect_dma semaphore(%arg14 : memref<!tpu.dma_semaphore, #tpu.memory_space<semaphore_mem>>) src(%dma_wait3A_462 : memref<128x128xf32, #tpu.memory_space<vmem>>) dst(%dma_wait3A_468 : memref<1280x128xf32, #tpu.memory_space<vmem_shared>>)
    %dma_wait3A_469 = arith.constant 1 : i32
    %dma_wait3A_470 = arith.constant 9 : i32
    %dma_wait3A_471 = arith.constant 0 : i32
    %dma_wait3A_472 = arith.constant 0 : i32
    %dma_wait3A_473 = tpu.memref_slice %arg9[%dma_wait3A_469, %dma_wait3A_471, %dma_wait3A_472] : memref<4x128x128xf32, #tpu.memory_space<vmem>> -> memref<1x128x128xf32, #tpu.memory_space<vmem>>
    %dma_wait3A_474 = tpu.memref_squeeze %dma_wait3A_473 : memref<1x128x128xf32, #tpu.memory_space<vmem>> -> memref<128x128xf32, #tpu.memory_space<vmem>>
    %dma_wait3A_475 = arith.constant 0 : i32
    %dma_wait3A_476 = tpu.memref_slice %arg8[%dma_wait3A_470, %dma_wait3A_475] : memref<10x128xi32, #tpu.memory_space<vmem>> -> memref<1x128xi32, #tpu.memory_space<vmem>>
    %dma_wait3A_477 = tpu.memref_squeeze %dma_wait3A_476 : memref<1x128xi32, #tpu.memory_space<vmem>> -> memref<128xi32, #tpu.memory_space<vmem>>
    %dma_wait3A_478 = arith.constant 0 : i32
    %dma_wait3A_479 = arith.constant 0 : i32
    %dma_wait3A_480 = tpu.memref_slice %arg11[%dma_wait3A_478, %dma_wait3A_479] : memref<1280x128xf32, #tpu.memory_space<vmem_shared>> -> memref<1280x128xf32, #tpu.memory_space<vmem_shared>>
    tpu.wait_indirect_dma semaphore(%arg15 : memref<!tpu.dma_semaphore, #tpu.memory_space<semaphore_mem>>) src(%dma_wait3A_474 : memref<128x128xf32, #tpu.memory_space<vmem>>) dst(%dma_wait3A_480 : memref<1280x128xf32, #tpu.memory_space<vmem_shared>>)
    %barrier3A_481 = arith.constant 0 : index
    tpu.barrier barrier_id(%barrier3A_481)
    "tpu.region"() ({
      %run_scoped3A = tpu.sem_alloc : memref<!tpu.dma_semaphore, #tpu.memory_space<semaphore_mem>>
      %dma_start3A_482 = arith.constant 0 : i32
      %dma_start3A_483 = tpu.memref_slice %arg11[%mul3A_2, %dma_start3A_482] : memref<1280x128xf32, #tpu.memory_space<vmem_shared>> -> memref<80x128xf32, #tpu.memory_space<vmem_shared>>
      %dma_start3A_484 = arith.constant 0 : i32
      %dma_start3A_485 = tpu.memref_slice %arg11[%mul3A_2, %dma_start3A_484] : memref<1280x128xf32, #tpu.memory_space<vmem_shared>> -> memref<80x128xf32, #tpu.memory_space<vmem_shared>>
      tpu.enqueue_dma source(%dma_start3A_485 : memref<80x128xf32, #tpu.memory_space<vmem_shared>>) target(%arg10 : memref<80x128xf32, #tpu.memory_space<vmem>>) target_semaphore(%run_scoped3A : memref<!tpu.dma_semaphore, #tpu.memory_space<semaphore_mem>>)
      %dma_wait3A_486 = arith.constant 0 : i32
      %dma_wait3A_487 = tpu.memref_slice %arg11[%mul3A_2, %dma_wait3A_486] : memref<1280x128xf32, #tpu.memory_space<vmem_shared>> -> memref<80x128xf32, #tpu.memory_space<vmem_shared>>
      %dma_wait3A_488 = arith.constant 0 : i32
      %dma_wait3A_489 = tpu.memref_slice %arg11[%mul3A_2, %dma_wait3A_488] : memref<1280x128xf32, #tpu.memory_space<vmem_shared>> -> memref<80x128xf32, #tpu.memory_space<vmem_shared>>
      tpu.wait_dma2 semaphore(%run_scoped3A : memref<!tpu.dma_semaphore, #tpu.memory_space<semaphore_mem>>) src(%dma_wait3A_489 : memref<80x128xf32, #tpu.memory_space<vmem_shared>>) dst(%arg10 : memref<80x128xf32, #tpu.memory_space<vmem>>)
      tpu.yield
    }) : () -> ()
    "tpu.region"() ({
      %run_scoped3A = tpu.sem_alloc : memref<!tpu.dma_semaphore, #tpu.memory_space<semaphore_mem>>
      %dma_start3A_482 = arith.constant 0 : i32
      %dma_start3A_483 = tpu.memref_slice %arg6[%arg0, %mul3A_2, %dma_start3A_482] : memref<2x1280x128xf32, #tpu.memory_space<hbm>> -> memref<1x80x128xf32, #tpu.memory_space<hbm>>
      %dma_start3A_484 = tpu.memref_squeeze %dma_start3A_483 : memref<1x80x128xf32, #tpu.memory_space<hbm>> -> memref<80x128xf32, #tpu.memory_space<hbm>>
      %dma_start3A_485 = arith.constant 0 : i32
      %dma_start3A_486 = tpu.memref_slice %arg6[%arg0, %mul3A_2, %dma_start3A_485] : memref<2x1280x128xf32, #tpu.memory_space<hbm>> -> memref<1x80x128xf32, #tpu.memory_space<hbm>>
      %dma_start3A_487 = tpu.memref_squeeze %dma_start3A_486 : memref<1x80x128xf32, #tpu.memory_space<hbm>> -> memref<80x128xf32, #tpu.memory_space<hbm>>
      tpu.enqueue_dma source(%arg10 : memref<80x128xf32, #tpu.memory_space<vmem>>) target(%dma_start3A_487 : memref<80x128xf32, #tpu.memory_space<hbm>>) target_semaphore(%run_scoped3A : memref<!tpu.dma_semaphore, #tpu.memory_space<semaphore_mem>>)
      %dma_wait3A_488 = arith.constant 0 : i32
      %dma_wait3A_489 = tpu.memref_slice %arg6[%arg0, %mul3A_2, %dma_wait3A_488] : memref<2x1280x128xf32, #tpu.memory_space<hbm>> -> memref<1x80x128xf32, #tpu.memory_space<hbm>>
      %dma_wait3A_490 = tpu.memref_squeeze %dma_wait3A_489 : memref<1x80x128xf32, #tpu.memory_space<hbm>> -> memref<80x128xf32, #tpu.memory_space<hbm>>
      %dma_wait3A_491 = arith.constant 0 : i32
      %dma_wait3A_492 = tpu.memref_slice %arg6[%arg0, %mul3A_2, %dma_wait3A_491] : memref<2x1280x128xf32, #tpu.memory_space<hbm>> -> memref<1x80x128xf32, #tpu.memory_space<hbm>>
      %dma_wait3A_493 = tpu.memref_squeeze %dma_wait3A_492 : memref<1x80x128xf32, #tpu.memory_space<hbm>> -> memref<80x128xf32, #tpu.memory_space<hbm>>
      tpu.wait_dma2 semaphore(%run_scoped3A : memref<!tpu.dma_semaphore, #tpu.memory_space<semaphore_mem>>) src(%arg10 : memref<80x128xf32, #tpu.memory_space<vmem>>) dst(%dma_wait3A_493 : memref<80x128xf32, #tpu.memory_space<hbm>>)
      tpu.yield
    }) : () -> ()
    return
  }
}

#map = affine_map<(d0, d1) -> (0, 0)>
#map1 = affine_map<(d0, d1) -> (0, 0, 0)>
module attributes {stable_mosaic.version = 14 : i64} {
  func.func @_sc_agg_body(%arg0: i32, %arg1: i32, %arg2: memref<1280x128xf32, #tpu.memory_space<hbm>>, %arg3: memref<32x10x128xi32, #tpu.memory_space<hbm>>, %arg4: memref<32x10x128xi32, #tpu.memory_space<hbm>>, %arg5: memref<1280x128xf32, #tpu.memory_space<hbm>>, %arg6: memref<2x1280x128xf32, #tpu.memory_space<hbm>>, %arg7: memref<10x128xi32, #tpu.memory_space<vmem>>, %arg8: memref<10x128xi32, #tpu.memory_space<vmem>>, %arg9: memref<4x128x128xf32, #tpu.memory_space<vmem>>, %arg10: memref<80x128xf32, #tpu.memory_space<vmem>>, %arg11: memref<1280x128xf32, #tpu.memory_space<vmem_shared>>, %arg12: memref<!tpu.dma_semaphore, #tpu.memory_space<semaphore_mem>>, %arg13: memref<!tpu.dma_semaphore, #tpu.memory_space<semaphore_mem>>, %arg14: memref<!tpu.dma_semaphore, #tpu.memory_space<semaphore_mem>>, %arg15: memref<!tpu.dma_semaphore, #tpu.memory_space<semaphore_mem>>) attributes {dimension_semantics = [#tpu.dimension_semantics<core_parallel>, #tpu.dimension_semantics<subcore_parallel>], iteration_bounds = array<i64: 2, 16>, scalar_prefetch = 0 : i64, scratch_operands = 9 : i64, tpu.core_type = #tpu.core_type<sc_vector_subcore>, window_params = [{transform_indices = #map}, {transform_indices = #map1}, {transform_indices = #map1}, {transform_indices = #map}, {transform_indices = #map1}]} {
    %mul3A = arith.constant 16 : i32
    %mul3A_0 = arith.muli %arg0, %mul3A : i32
    %add3A = arith.addi %mul3A_0, %arg1 : i32
    %mul3A_1 = arith.constant 80 : i32
    %mul3A_2 = arith.muli %arg1, %mul3A_1 : i32
    "tpu.region"() ({
      %run_scoped3A = tpu.sem_alloc : memref<!tpu.dma_semaphore, #tpu.memory_space<semaphore_mem>>
      %dma_start3A_482 = arith.constant 0 : i32
      %dma_start3A_483 = tpu.memref_slice %arg5[%mul3A_2, %dma_start3A_482] : memref<1280x128xf32, #tpu.memory_space<hbm>> -> memref<80x128xf32, #tpu.memory_space<hbm>>
      %dma_start3A_484 = arith.constant 0 : i32
      %dma_start3A_485 = tpu.memref_slice %arg5[%mul3A_2, %dma_start3A_484] : memref<1280x128xf32, #tpu.memory_space<hbm>> -> memref<80x128xf32, #tpu.memory_space<hbm>>
      tpu.enqueue_dma source(%dma_start3A_485 : memref<80x128xf32, #tpu.memory_space<hbm>>) target(%arg10 : memref<80x128xf32, #tpu.memory_space<vmem>>) target_semaphore(%run_scoped3A : memref<!tpu.dma_semaphore, #tpu.memory_space<semaphore_mem>>)
      %dma_wait3A_486 = arith.constant 0 : i32
      %dma_wait3A_487 = tpu.memref_slice %arg5[%mul3A_2, %dma_wait3A_486] : memref<1280x128xf32, #tpu.memory_space<hbm>> -> memref<80x128xf32, #tpu.memory_space<hbm>>
      %dma_wait3A_488 = arith.constant 0 : i32
      %dma_wait3A_489 = tpu.memref_slice %arg5[%mul3A_2, %dma_wait3A_488] : memref<1280x128xf32, #tpu.memory_space<hbm>> -> memref<80x128xf32, #tpu.memory_space<hbm>>
      tpu.wait_dma2 semaphore(%run_scoped3A : memref<!tpu.dma_semaphore, #tpu.memory_space<semaphore_mem>>) src(%dma_wait3A_489 : memref<80x128xf32, #tpu.memory_space<hbm>>) dst(%arg10 : memref<80x128xf32, #tpu.memory_space<vmem>>)
      tpu.yield
    }) : () -> ()
    "tpu.region"() ({
      %run_scoped3A = tpu.sem_alloc : memref<!tpu.dma_semaphore, #tpu.memory_space<semaphore_mem>>
      %dma_start3A_482 = arith.constant 0 : i32
      %dma_start3A_483 = tpu.memref_slice %arg11[%mul3A_2, %dma_start3A_482] : memref<1280x128xf32, #tpu.memory_space<vmem_shared>> -> memref<80x128xf32, #tpu.memory_space<vmem_shared>>
      %dma_start3A_484 = arith.constant 0 : i32
      %dma_start3A_485 = tpu.memref_slice %arg11[%mul3A_2, %dma_start3A_484] : memref<1280x128xf32, #tpu.memory_space<vmem_shared>> -> memref<80x128xf32, #tpu.memory_space<vmem_shared>>
      tpu.enqueue_dma source(%arg10 : memref<80x128xf32, #tpu.memory_space<vmem>>) target(%dma_start3A_485 : memref<80x128xf32, #tpu.memory_space<vmem_shared>>) target_semaphore(%run_scoped3A : memref<!tpu.dma_semaphore, #tpu.memory_space<semaphore_mem>>)
      %dma_wait3A_486 = arith.constant 0 : i32
      %dma_wait3A_487 = tpu.memref_slice %arg11[%mul3A_2, %dma_wait3A_486] : memref<1280x128xf32, #tpu.memory_space<vmem_shared>> -> memref<80x128xf32, #tpu.memory_space<vmem_shared>>
      %dma_wait3A_488 = arith.constant 0 : i32
      %dma_wait3A_489 = tpu.memref_slice %arg11[%mul3A_2, %dma_wait3A_488] : memref<1280x128xf32, #tpu.memory_space<vmem_shared>> -> memref<80x128xf32, #tpu.memory_space<vmem_shared>>
      tpu.wait_dma2 semaphore(%run_scoped3A : memref<!tpu.dma_semaphore, #tpu.memory_space<semaphore_mem>>) src(%arg10 : memref<80x128xf32, #tpu.memory_space<vmem>>) dst(%dma_wait3A_489 : memref<80x128xf32, #tpu.memory_space<vmem_shared>>)
      tpu.yield
    }) : () -> ()
    "tpu.region"() ({
      %run_scoped3A = tpu.sem_alloc : memref<!tpu.dma_semaphore, #tpu.memory_space<semaphore_mem>>
      %dma_start3A_482 = arith.constant 0 : i32
      %dma_start3A_483 = arith.constant 0 : i32
      %dma_start3A_484 = tpu.memref_slice %arg3[%add3A, %dma_start3A_482, %dma_start3A_483] : memref<32x10x128xi32, #tpu.memory_space<hbm>> -> memref<1x10x128xi32, #tpu.memory_space<hbm>>
      %dma_start3A_485 = tpu.memref_squeeze %dma_start3A_484 : memref<1x10x128xi32, #tpu.memory_space<hbm>> -> memref<10x128xi32, #tpu.memory_space<hbm>>
      %dma_start3A_486 = arith.constant 0 : i32
      %dma_start3A_487 = arith.constant 0 : i32
      %dma_start3A_488 = tpu.memref_slice %arg3[%add3A, %dma_start3A_486, %dma_start3A_487] : memref<32x10x128xi32, #tpu.memory_space<hbm>> -> memref<1x10x128xi32, #tpu.memory_space<hbm>>
      %dma_start3A_489 = tpu.memref_squeeze %dma_start3A_488 : memref<1x10x128xi32, #tpu.memory_space<hbm>> -> memref<10x128xi32, #tpu.memory_space<hbm>>
      tpu.enqueue_dma source(%dma_start3A_489 : memref<10x128xi32, #tpu.memory_space<hbm>>) target(%arg7 : memref<10x128xi32, #tpu.memory_space<vmem>>) target_semaphore(%run_scoped3A : memref<!tpu.dma_semaphore, #tpu.memory_space<semaphore_mem>>)
      %dma_wait3A_490 = arith.constant 0 : i32
      %dma_wait3A_491 = arith.constant 0 : i32
      %dma_wait3A_492 = tpu.memref_slice %arg3[%add3A, %dma_wait3A_490, %dma_wait3A_491] : memref<32x10x128xi32, #tpu.memory_space<hbm>> -> memref<1x10x128xi32, #tpu.memory_space<hbm>>
      %dma_wait3A_493 = tpu.memref_squeeze %dma_wait3A_492 : memref<1x10x128xi32, #tpu.memory_space<hbm>> -> memref<10x128xi32, #tpu.memory_space<hbm>>
      %dma_wait3A_494 = arith.constant 0 : i32
      %dma_wait3A_495 = arith.constant 0 : i32
      %dma_wait3A_496 = tpu.memref_slice %arg3[%add3A, %dma_wait3A_494, %dma_wait3A_495] : memref<32x10x128xi32, #tpu.memory_space<hbm>> -> memref<1x10x128xi32, #tpu.memory_space<hbm>>
      %dma_wait3A_497 = tpu.memref_squeeze %dma_wait3A_496 : memref<1x10x128xi32, #tpu.memory_space<hbm>> -> memref<10x128xi32, #tpu.memory_space<hbm>>
      tpu.wait_dma2 semaphore(%run_scoped3A : memref<!tpu.dma_semaphore, #tpu.memory_space<semaphore_mem>>) src(%dma_wait3A_497 : memref<10x128xi32, #tpu.memory_space<hbm>>) dst(%arg7 : memref<10x128xi32, #tpu.memory_space<vmem>>)
      tpu.yield
    }) : () -> ()
    "tpu.region"() ({
      %run_scoped3A = tpu.sem_alloc : memref<!tpu.dma_semaphore, #tpu.memory_space<semaphore_mem>>
      %dma_start3A_482 = arith.constant 0 : i32
      %dma_start3A_483 = arith.constant 0 : i32
      %dma_start3A_484 = tpu.memref_slice %arg4[%add3A, %dma_start3A_482, %dma_start3A_483] : memref<32x10x128xi32, #tpu.memory_space<hbm>> -> memref<1x10x128xi32, #tpu.memory_space<hbm>>
      %dma_start3A_485 = tpu.memref_squeeze %dma_start3A_484 : memref<1x10x128xi32, #tpu.memory_space<hbm>> -> memref<10x128xi32, #tpu.memory_space<hbm>>
      %dma_start3A_486 = arith.constant 0 : i32
      %dma_start3A_487 = arith.constant 0 : i32
      %dma_start3A_488 = tpu.memref_slice %arg4[%add3A, %dma_start3A_486, %dma_start3A_487] : memref<32x10x128xi32, #tpu.memory_space<hbm>> -> memref<1x10x128xi32, #tpu.memory_space<hbm>>
      %dma_start3A_489 = tpu.memref_squeeze %dma_start3A_488 : memref<1x10x128xi32, #tpu.memory_space<hbm>> -> memref<10x128xi32, #tpu.memory_space<hbm>>
      tpu.enqueue_dma source(%dma_start3A_489 : memref<10x128xi32, #tpu.memory_space<hbm>>) target(%arg8 : memref<10x128xi32, #tpu.memory_space<vmem>>) target_semaphore(%run_scoped3A : memref<!tpu.dma_semaphore, #tpu.memory_space<semaphore_mem>>)
      %dma_wait3A_490 = arith.constant 0 : i32
      %dma_wait3A_491 = arith.constant 0 : i32
      %dma_wait3A_492 = tpu.memref_slice %arg4[%add3A, %dma_wait3A_490, %dma_wait3A_491] : memref<32x10x128xi32, #tpu.memory_space<hbm>> -> memref<1x10x128xi32, #tpu.memory_space<hbm>>
      %dma_wait3A_493 = tpu.memref_squeeze %dma_wait3A_492 : memref<1x10x128xi32, #tpu.memory_space<hbm>> -> memref<10x128xi32, #tpu.memory_space<hbm>>
      %dma_wait3A_494 = arith.constant 0 : i32
      %dma_wait3A_495 = arith.constant 0 : i32
      %dma_wait3A_496 = tpu.memref_slice %arg4[%add3A, %dma_wait3A_494, %dma_wait3A_495] : memref<32x10x128xi32, #tpu.memory_space<hbm>> -> memref<1x10x128xi32, #tpu.memory_space<hbm>>
      %dma_wait3A_497 = tpu.memref_squeeze %dma_wait3A_496 : memref<1x10x128xi32, #tpu.memory_space<hbm>> -> memref<10x128xi32, #tpu.memory_space<hbm>>
      tpu.wait_dma2 semaphore(%run_scoped3A : memref<!tpu.dma_semaphore, #tpu.memory_space<semaphore_mem>>) src(%dma_wait3A_497 : memref<10x128xi32, #tpu.memory_space<hbm>>) dst(%arg8 : memref<10x128xi32, #tpu.memory_space<vmem>>)
      tpu.yield
    }) : () -> ()
    %barrier3A = arith.constant 0 : index
    tpu.barrier barrier_id(%barrier3A)
    %dma_start3A = arith.constant 0 : i32
    %dma_start3A_3 = arith.constant 0 : i32
    %dma_start3A_4 = arith.constant 0 : i32
    %dma_start3A_5 = arith.constant 0 : i32
    %dma_start3A_6 = tpu.memref_slice %arg9[%dma_start3A_3, %dma_start3A_4, %dma_start3A_5] : memref<4x128x128xf32, #tpu.memory_space<vmem>> -> memref<1x128x128xf32, #tpu.memory_space<vmem>>
    %dma_start3A_7 = tpu.memref_squeeze %dma_start3A_6 : memref<1x128x128xf32, #tpu.memory_space<vmem>> -> memref<128x128xf32, #tpu.memory_space<vmem>>
    %dma_start3A_8 = arith.constant 0 : i32
    %dma_start3A_9 = tpu.memref_slice %arg7[%dma_start3A, %dma_start3A_8] : memref<10x128xi32, #tpu.memory_space<vmem>> -> memref<1x128xi32, #tpu.memory_space<vmem>>
    %dma_start3A_10 = tpu.memref_squeeze %dma_start3A_9 : memref<1x128xi32, #tpu.memory_space<vmem>> -> memref<128xi32, #tpu.memory_space<vmem>>
    %dma_start3A_11 = arith.constant 0 : i32
    %dma_start3A_12 = arith.constant 0 : i32
    %dma_start3A_13 = tpu.memref_slice %arg2[%dma_start3A_11, %dma_start3A_12] : memref<1280x128xf32, #tpu.memory_space<hbm>> -> memref<1280x128xf32, #tpu.memory_space<hbm>>
    tpu.enqueue_indirect_dma source(%dma_start3A_13 : memref<1280x128xf32, #tpu.memory_space<hbm>>) target(%dma_start3A_7 : memref<128x128xf32, #tpu.memory_space<vmem>>) offsets(%dma_start3A_10 : memref<128xi32, #tpu.memory_space<vmem>>) semaphore(%arg12 : memref<!tpu.dma_semaphore, #tpu.memory_space<semaphore_mem>>)
    %dma_start3A_14 = arith.constant 1 : i32
    %dma_start3A_15 = arith.constant 1 : i32
    %dma_start3A_16 = arith.constant 0 : i32
    %dma_start3A_17 = arith.constant 0 : i32
    %dma_start3A_18 = tpu.memref_slice %arg9[%dma_start3A_15, %dma_start3A_16, %dma_start3A_17] : memref<4x128x128xf32, #tpu.memory_space<vmem>> -> memref<1x128x128xf32, #tpu.memory_space<vmem>>
    %dma_start3A_19 = tpu.memref_squeeze %dma_start3A_18 : memref<1x128x128xf32, #tpu.memory_space<vmem>> -> memref<128x128xf32, #tpu.memory_space<vmem>>
    %dma_start3A_20 = arith.constant 0 : i32
    %dma_start3A_21 = tpu.memref_slice %arg7[%dma_start3A_14, %dma_start3A_20] : memref<10x128xi32, #tpu.memory_space<vmem>> -> memref<1x128xi32, #tpu.memory_space<vmem>>
    %dma_start3A_22 = tpu.memref_squeeze %dma_start3A_21 : memref<1x128xi32, #tpu.memory_space<vmem>> -> memref<128xi32, #tpu.memory_space<vmem>>
    %dma_start3A_23 = arith.constant 0 : i32
    %dma_start3A_24 = arith.constant 0 : i32
    %dma_start3A_25 = tpu.memref_slice %arg2[%dma_start3A_23, %dma_start3A_24] : memref<1280x128xf32, #tpu.memory_space<hbm>> -> memref<1280x128xf32, #tpu.memory_space<hbm>>
    tpu.enqueue_indirect_dma source(%dma_start3A_25 : memref<1280x128xf32, #tpu.memory_space<hbm>>) target(%dma_start3A_19 : memref<128x128xf32, #tpu.memory_space<vmem>>) offsets(%dma_start3A_22 : memref<128xi32, #tpu.memory_space<vmem>>) semaphore(%arg13 : memref<!tpu.dma_semaphore, #tpu.memory_space<semaphore_mem>>)
    %dma_wait3A = arith.constant 0 : i32
    %dma_wait3A_26 = arith.constant 0 : i32
    %dma_wait3A_27 = arith.constant 0 : i32
    %dma_wait3A_28 = arith.constant 0 : i32
    %dma_wait3A_29 = tpu.memref_slice %arg9[%dma_wait3A_26, %dma_wait3A_27, %dma_wait3A_28] : memref<4x128x128xf32, #tpu.memory_space<vmem>> -> memref<1x128x128xf32, #tpu.memory_space<vmem>>
    %dma_wait3A_30 = tpu.memref_squeeze %dma_wait3A_29 : memref<1x128x128xf32, #tpu.memory_space<vmem>> -> memref<128x128xf32, #tpu.memory_space<vmem>>
    %dma_wait3A_31 = arith.constant 0 : i32
    %dma_wait3A_32 = tpu.memref_slice %arg7[%dma_wait3A, %dma_wait3A_31] : memref<10x128xi32, #tpu.memory_space<vmem>> -> memref<1x128xi32, #tpu.memory_space<vmem>>
    %dma_wait3A_33 = tpu.memref_squeeze %dma_wait3A_32 : memref<1x128xi32, #tpu.memory_space<vmem>> -> memref<128xi32, #tpu.memory_space<vmem>>
    %dma_wait3A_34 = arith.constant 0 : i32
    %dma_wait3A_35 = arith.constant 0 : i32
    %dma_wait3A_36 = tpu.memref_slice %arg2[%dma_wait3A_34, %dma_wait3A_35] : memref<1280x128xf32, #tpu.memory_space<hbm>> -> memref<1280x128xf32, #tpu.memory_space<hbm>>
    tpu.wait_indirect_dma semaphore(%arg12 : memref<!tpu.dma_semaphore, #tpu.memory_space<semaphore_mem>>) src(%dma_wait3A_36 : memref<1280x128xf32, #tpu.memory_space<hbm>>) dst(%dma_wait3A_30 : memref<128x128xf32, #tpu.memory_space<vmem>>)
    %dma_start3A_37 = arith.constant 2 : i32
    %dma_start3A_38 = arith.constant 2 : i32
    %dma_start3A_39 = arith.constant 0 : i32
    %dma_start3A_40 = arith.constant 0 : i32
    %dma_start3A_41 = tpu.memref_slice %arg9[%dma_start3A_38, %dma_start3A_39, %dma_start3A_40] : memref<4x128x128xf32, #tpu.memory_space<vmem>> -> memref<1x128x128xf32, #tpu.memory_space<vmem>>
    %dma_start3A_42 = tpu.memref_squeeze %dma_start3A_41 : memref<1x128x128xf32, #tpu.memory_space<vmem>> -> memref<128x128xf32, #tpu.memory_space<vmem>>
    %dma_start3A_43 = arith.constant 0 : i32
    %dma_start3A_44 = tpu.memref_slice %arg7[%dma_start3A_37, %dma_start3A_43] : memref<10x128xi32, #tpu.memory_space<vmem>> -> memref<1x128xi32, #tpu.memory_space<vmem>>
    %dma_start3A_45 = tpu.memref_squeeze %dma_start3A_44 : memref<1x128xi32, #tpu.memory_space<vmem>> -> memref<128xi32, #tpu.memory_space<vmem>>
    %dma_start3A_46 = arith.constant 0 : i32
    %dma_start3A_47 = arith.constant 0 : i32
    %dma_start3A_48 = tpu.memref_slice %arg2[%dma_start3A_46, %dma_start3A_47] : memref<1280x128xf32, #tpu.memory_space<hbm>> -> memref<1280x128xf32, #tpu.memory_space<hbm>>
    tpu.enqueue_indirect_dma source(%dma_start3A_48 : memref<1280x128xf32, #tpu.memory_space<hbm>>) target(%dma_start3A_42 : memref<128x128xf32, #tpu.memory_space<vmem>>) offsets(%dma_start3A_45 : memref<128xi32, #tpu.memory_space<vmem>>) semaphore(%arg12 : memref<!tpu.dma_semaphore, #tpu.memory_space<semaphore_mem>>)
    %dma_start3A_49 = arith.constant 0 : i32
    %dma_start3A_50 = arith.constant 0 : i32
    %dma_start3A_51 = arith.constant 0 : i32
    %dma_start3A_52 = arith.constant 0 : i32
    %dma_start3A_53 = tpu.memref_slice %arg9[%dma_start3A_49, %dma_start3A_51, %dma_start3A_52] : memref<4x128x128xf32, #tpu.memory_space<vmem>> -> memref<1x128x128xf32, #tpu.memory_space<vmem>>
    %dma_start3A_54 = tpu.memref_squeeze %dma_start3A_53 : memref<1x128x128xf32, #tpu.memory_space<vmem>> -> memref<128x128xf32, #tpu.memory_space<vmem>>
    %dma_start3A_55 = arith.constant 0 : i32
    %dma_start3A_56 = tpu.memref_slice %arg8[%dma_start3A_50, %dma_start3A_55] : memref<10x128xi32, #tpu.memory_space<vmem>> -> memref<1x128xi32, #tpu.memory_space<vmem>>
    %dma_start3A_57 = tpu.memref_squeeze %dma_start3A_56 : memref<1x128xi32, #tpu.memory_space<vmem>> -> memref<128xi32, #tpu.memory_space<vmem>>
    %dma_start3A_58 = arith.constant 0 : i32
    %dma_start3A_59 = arith.constant 0 : i32
    %dma_start3A_60 = tpu.memref_slice %arg11[%dma_start3A_58, %dma_start3A_59] : memref<1280x128xf32, #tpu.memory_space<vmem_shared>> -> memref<1280x128xf32, #tpu.memory_space<vmem_shared>>
    tpu.enqueue_indirect_dma source(%dma_start3A_54 : memref<128x128xf32, #tpu.memory_space<vmem>>) target(%dma_start3A_60 : memref<1280x128xf32, #tpu.memory_space<vmem_shared>>) offsets(%dma_start3A_57 : memref<128xi32, #tpu.memory_space<vmem>>) semaphore(%arg14 : memref<!tpu.dma_semaphore, #tpu.memory_space<semaphore_mem>>) {add = true}
    %dma_wait3A_61 = arith.constant 1 : i32
    %dma_wait3A_62 = arith.constant 1 : i32
    %dma_wait3A_63 = arith.constant 0 : i32
    %dma_wait3A_64 = arith.constant 0 : i32
    %dma_wait3A_65 = tpu.memref_slice %arg9[%dma_wait3A_62, %dma_wait3A_63, %dma_wait3A_64] : memref<4x128x128xf32, #tpu.memory_space<vmem>> -> memref<1x128x128xf32, #tpu.memory_space<vmem>>
    %dma_wait3A_66 = tpu.memref_squeeze %dma_wait3A_65 : memref<1x128x128xf32, #tpu.memory_space<vmem>> -> memref<128x128xf32, #tpu.memory_space<vmem>>
    %dma_wait3A_67 = arith.constant 0 : i32
    %dma_wait3A_68 = tpu.memref_slice %arg7[%dma_wait3A_61, %dma_wait3A_67] : memref<10x128xi32, #tpu.memory_space<vmem>> -> memref<1x128xi32, #tpu.memory_space<vmem>>
    %dma_wait3A_69 = tpu.memref_squeeze %dma_wait3A_68 : memref<1x128xi32, #tpu.memory_space<vmem>> -> memref<128xi32, #tpu.memory_space<vmem>>
    %dma_wait3A_70 = arith.constant 0 : i32
    %dma_wait3A_71 = arith.constant 0 : i32
    %dma_wait3A_72 = tpu.memref_slice %arg2[%dma_wait3A_70, %dma_wait3A_71] : memref<1280x128xf32, #tpu.memory_space<hbm>> -> memref<1280x128xf32, #tpu.memory_space<hbm>>
    tpu.wait_indirect_dma semaphore(%arg13 : memref<!tpu.dma_semaphore, #tpu.memory_space<semaphore_mem>>) src(%dma_wait3A_72 : memref<1280x128xf32, #tpu.memory_space<hbm>>) dst(%dma_wait3A_66 : memref<128x128xf32, #tpu.memory_space<vmem>>)
    %dma_start3A_73 = arith.constant 3 : i32
    %dma_start3A_74 = arith.constant 3 : i32
    %dma_start3A_75 = arith.constant 0 : i32
    %dma_start3A_76 = arith.constant 0 : i32
    %dma_start3A_77 = tpu.memref_slice %arg9[%dma_start3A_74, %dma_start3A_75, %dma_start3A_76] : memref<4x128x128xf32, #tpu.memory_space<vmem>> -> memref<1x128x128xf32, #tpu.memory_space<vmem>>
    %dma_start3A_78 = tpu.memref_squeeze %dma_start3A_77 : memref<1x128x128xf32, #tpu.memory_space<vmem>> -> memref<128x128xf32, #tpu.memory_space<vmem>>
    %dma_start3A_79 = arith.constant 0 : i32
    %dma_start3A_80 = tpu.memref_slice %arg7[%dma_start3A_73, %dma_start3A_79] : memref<10x128xi32, #tpu.memory_space<vmem>> -> memref<1x128xi32, #tpu.memory_space<vmem>>
    %dma_start3A_81 = tpu.memref_squeeze %dma_start3A_80 : memref<1x128xi32, #tpu.memory_space<vmem>> -> memref<128xi32, #tpu.memory_space<vmem>>
    %dma_start3A_82 = arith.constant 0 : i32
    %dma_start3A_83 = arith.constant 0 : i32
    %dma_start3A_84 = tpu.memref_slice %arg2[%dma_start3A_82, %dma_start3A_83] : memref<1280x128xf32, #tpu.memory_space<hbm>> -> memref<1280x128xf32, #tpu.memory_space<hbm>>
    tpu.enqueue_indirect_dma source(%dma_start3A_84 : memref<1280x128xf32, #tpu.memory_space<hbm>>) target(%dma_start3A_78 : memref<128x128xf32, #tpu.memory_space<vmem>>) offsets(%dma_start3A_81 : memref<128xi32, #tpu.memory_space<vmem>>) semaphore(%arg13 : memref<!tpu.dma_semaphore, #tpu.memory_space<semaphore_mem>>)
    %dma_start3A_85 = arith.constant 1 : i32
    %dma_start3A_86 = arith.constant 1 : i32
    %dma_start3A_87 = arith.constant 0 : i32
    %dma_start3A_88 = arith.constant 0 : i32
    %dma_start3A_89 = tpu.memref_slice %arg9[%dma_start3A_85, %dma_start3A_87, %dma_start3A_88] : memref<4x128x128xf32, #tpu.memory_space<vmem>> -> memref<1x128x128xf32, #tpu.memory_space<vmem>>
    %dma_start3A_90 = tpu.memref_squeeze %dma_start3A_89 : memref<1x128x128xf32, #tpu.memory_space<vmem>> -> memref<128x128xf32, #tpu.memory_space<vmem>>
    %dma_start3A_91 = arith.constant 0 : i32
    %dma_start3A_92 = tpu.memref_slice %arg8[%dma_start3A_86, %dma_start3A_91] : memref<10x128xi32, #tpu.memory_space<vmem>> -> memref<1x128xi32, #tpu.memory_space<vmem>>
    %dma_start3A_93 = tpu.memref_squeeze %dma_start3A_92 : memref<1x128xi32, #tpu.memory_space<vmem>> -> memref<128xi32, #tpu.memory_space<vmem>>
    %dma_start3A_94 = arith.constant 0 : i32
    %dma_start3A_95 = arith.constant 0 : i32
    %dma_start3A_96 = tpu.memref_slice %arg11[%dma_start3A_94, %dma_start3A_95] : memref<1280x128xf32, #tpu.memory_space<vmem_shared>> -> memref<1280x128xf32, #tpu.memory_space<vmem_shared>>
    tpu.enqueue_indirect_dma source(%dma_start3A_90 : memref<128x128xf32, #tpu.memory_space<vmem>>) target(%dma_start3A_96 : memref<1280x128xf32, #tpu.memory_space<vmem_shared>>) offsets(%dma_start3A_93 : memref<128xi32, #tpu.memory_space<vmem>>) semaphore(%arg15 : memref<!tpu.dma_semaphore, #tpu.memory_space<semaphore_mem>>) {add = true}
    %dma_wait3A_97 = arith.constant 2 : i32
    %dma_wait3A_98 = arith.constant 2 : i32
    %dma_wait3A_99 = arith.constant 0 : i32
    %dma_wait3A_100 = arith.constant 0 : i32
    %dma_wait3A_101 = tpu.memref_slice %arg9[%dma_wait3A_98, %dma_wait3A_99, %dma_wait3A_100] : memref<4x128x128xf32, #tpu.memory_space<vmem>> -> memref<1x128x128xf32, #tpu.memory_space<vmem>>
    %dma_wait3A_102 = tpu.memref_squeeze %dma_wait3A_101 : memref<1x128x128xf32, #tpu.memory_space<vmem>> -> memref<128x128xf32, #tpu.memory_space<vmem>>
    %dma_wait3A_103 = arith.constant 0 : i32
    %dma_wait3A_104 = tpu.memref_slice %arg7[%dma_wait3A_97, %dma_wait3A_103] : memref<10x128xi32, #tpu.memory_space<vmem>> -> memref<1x128xi32, #tpu.memory_space<vmem>>
    %dma_wait3A_105 = tpu.memref_squeeze %dma_wait3A_104 : memref<1x128xi32, #tpu.memory_space<vmem>> -> memref<128xi32, #tpu.memory_space<vmem>>
    %dma_wait3A_106 = arith.constant 0 : i32
    %dma_wait3A_107 = arith.constant 0 : i32
    %dma_wait3A_108 = tpu.memref_slice %arg2[%dma_wait3A_106, %dma_wait3A_107] : memref<1280x128xf32, #tpu.memory_space<hbm>> -> memref<1280x128xf32, #tpu.memory_space<hbm>>
    tpu.wait_indirect_dma semaphore(%arg12 : memref<!tpu.dma_semaphore, #tpu.memory_space<semaphore_mem>>) src(%dma_wait3A_108 : memref<1280x128xf32, #tpu.memory_space<hbm>>) dst(%dma_wait3A_102 : memref<128x128xf32, #tpu.memory_space<vmem>>)
    %dma_wait3A_109 = arith.constant 0 : i32
    %dma_wait3A_110 = arith.constant 0 : i32
    %dma_wait3A_111 = arith.constant 0 : i32
    %dma_wait3A_112 = arith.constant 0 : i32
    %dma_wait3A_113 = tpu.memref_slice %arg9[%dma_wait3A_109, %dma_wait3A_111, %dma_wait3A_112] : memref<4x128x128xf32, #tpu.memory_space<vmem>> -> memref<1x128x128xf32, #tpu.memory_space<vmem>>
    %dma_wait3A_114 = tpu.memref_squeeze %dma_wait3A_113 : memref<1x128x128xf32, #tpu.memory_space<vmem>> -> memref<128x128xf32, #tpu.memory_space<vmem>>
    %dma_wait3A_115 = arith.constant 0 : i32
    %dma_wait3A_116 = tpu.memref_slice %arg8[%dma_wait3A_110, %dma_wait3A_115] : memref<10x128xi32, #tpu.memory_space<vmem>> -> memref<1x128xi32, #tpu.memory_space<vmem>>
    %dma_wait3A_117 = tpu.memref_squeeze %dma_wait3A_116 : memref<1x128xi32, #tpu.memory_space<vmem>> -> memref<128xi32, #tpu.memory_space<vmem>>
    %dma_wait3A_118 = arith.constant 0 : i32
    %dma_wait3A_119 = arith.constant 0 : i32
    %dma_wait3A_120 = tpu.memref_slice %arg11[%dma_wait3A_118, %dma_wait3A_119] : memref<1280x128xf32, #tpu.memory_space<vmem_shared>> -> memref<1280x128xf32, #tpu.memory_space<vmem_shared>>
    tpu.wait_indirect_dma semaphore(%arg14 : memref<!tpu.dma_semaphore, #tpu.memory_space<semaphore_mem>>) src(%dma_wait3A_114 : memref<128x128xf32, #tpu.memory_space<vmem>>) dst(%dma_wait3A_120 : memref<1280x128xf32, #tpu.memory_space<vmem_shared>>)
    %dma_start3A_121 = arith.constant 4 : i32
    %dma_start3A_122 = arith.constant 0 : i32
    %dma_start3A_123 = arith.constant 0 : i32
    %dma_start3A_124 = arith.constant 0 : i32
    %dma_start3A_125 = tpu.memref_slice %arg9[%dma_start3A_122, %dma_start3A_123, %dma_start3A_124] : memref<4x128x128xf32, #tpu.memory_space<vmem>> -> memref<1x128x128xf32, #tpu.memory_space<vmem>>
    %dma_start3A_126 = tpu.memref_squeeze %dma_start3A_125 : memref<1x128x128xf32, #tpu.memory_space<vmem>> -> memref<128x128xf32, #tpu.memory_space<vmem>>
    %dma_start3A_127 = arith.constant 0 : i32
    %dma_start3A_128 = tpu.memref_slice %arg7[%dma_start3A_121, %dma_start3A_127] : memref<10x128xi32, #tpu.memory_space<vmem>> -> memref<1x128xi32, #tpu.memory_space<vmem>>
    %dma_start3A_129 = tpu.memref_squeeze %dma_start3A_128 : memref<1x128xi32, #tpu.memory_space<vmem>> -> memref<128xi32, #tpu.memory_space<vmem>>
    %dma_start3A_130 = arith.constant 0 : i32
    %dma_start3A_131 = arith.constant 0 : i32
    %dma_start3A_132 = tpu.memref_slice %arg2[%dma_start3A_130, %dma_start3A_131] : memref<1280x128xf32, #tpu.memory_space<hbm>> -> memref<1280x128xf32, #tpu.memory_space<hbm>>
    tpu.enqueue_indirect_dma source(%dma_start3A_132 : memref<1280x128xf32, #tpu.memory_space<hbm>>) target(%dma_start3A_126 : memref<128x128xf32, #tpu.memory_space<vmem>>) offsets(%dma_start3A_129 : memref<128xi32, #tpu.memory_space<vmem>>) semaphore(%arg12 : memref<!tpu.dma_semaphore, #tpu.memory_space<semaphore_mem>>)
    %dma_start3A_133 = arith.constant 2 : i32
    %dma_start3A_134 = arith.constant 2 : i32
    %dma_start3A_135 = arith.constant 0 : i32
    %dma_start3A_136 = arith.constant 0 : i32
    %dma_start3A_137 = tpu.memref_slice %arg9[%dma_start3A_133, %dma_start3A_135, %dma_start3A_136] : memref<4x128x128xf32, #tpu.memory_space<vmem>> -> memref<1x128x128xf32, #tpu.memory_space<vmem>>
    %dma_start3A_138 = tpu.memref_squeeze %dma_start3A_137 : memref<1x128x128xf32, #tpu.memory_space<vmem>> -> memref<128x128xf32, #tpu.memory_space<vmem>>
    %dma_start3A_139 = arith.constant 0 : i32
    %dma_start3A_140 = tpu.memref_slice %arg8[%dma_start3A_134, %dma_start3A_139] : memref<10x128xi32, #tpu.memory_space<vmem>> -> memref<1x128xi32, #tpu.memory_space<vmem>>
    %dma_start3A_141 = tpu.memref_squeeze %dma_start3A_140 : memref<1x128xi32, #tpu.memory_space<vmem>> -> memref<128xi32, #tpu.memory_space<vmem>>
    %dma_start3A_142 = arith.constant 0 : i32
    %dma_start3A_143 = arith.constant 0 : i32
    %dma_start3A_144 = tpu.memref_slice %arg11[%dma_start3A_142, %dma_start3A_143] : memref<1280x128xf32, #tpu.memory_space<vmem_shared>> -> memref<1280x128xf32, #tpu.memory_space<vmem_shared>>
    tpu.enqueue_indirect_dma source(%dma_start3A_138 : memref<128x128xf32, #tpu.memory_space<vmem>>) target(%dma_start3A_144 : memref<1280x128xf32, #tpu.memory_space<vmem_shared>>) offsets(%dma_start3A_141 : memref<128xi32, #tpu.memory_space<vmem>>) semaphore(%arg14 : memref<!tpu.dma_semaphore, #tpu.memory_space<semaphore_mem>>) {add = true}
    %dma_wait3A_145 = arith.constant 3 : i32
    %dma_wait3A_146 = arith.constant 3 : i32
    %dma_wait3A_147 = arith.constant 0 : i32
    %dma_wait3A_148 = arith.constant 0 : i32
    %dma_wait3A_149 = tpu.memref_slice %arg9[%dma_wait3A_146, %dma_wait3A_147, %dma_wait3A_148] : memref<4x128x128xf32, #tpu.memory_space<vmem>> -> memref<1x128x128xf32, #tpu.memory_space<vmem>>
    %dma_wait3A_150 = tpu.memref_squeeze %dma_wait3A_149 : memref<1x128x128xf32, #tpu.memory_space<vmem>> -> memref<128x128xf32, #tpu.memory_space<vmem>>
    %dma_wait3A_151 = arith.constant 0 : i32
    %dma_wait3A_152 = tpu.memref_slice %arg7[%dma_wait3A_145, %dma_wait3A_151] : memref<10x128xi32, #tpu.memory_space<vmem>> -> memref<1x128xi32, #tpu.memory_space<vmem>>
    %dma_wait3A_153 = tpu.memref_squeeze %dma_wait3A_152 : memref<1x128xi32, #tpu.memory_space<vmem>> -> memref<128xi32, #tpu.memory_space<vmem>>
    %dma_wait3A_154 = arith.constant 0 : i32
    %dma_wait3A_155 = arith.constant 0 : i32
    %dma_wait3A_156 = tpu.memref_slice %arg2[%dma_wait3A_154, %dma_wait3A_155] : memref<1280x128xf32, #tpu.memory_space<hbm>> -> memref<1280x128xf32, #tpu.memory_space<hbm>>
    tpu.wait_indirect_dma semaphore(%arg13 : memref<!tpu.dma_semaphore, #tpu.memory_space<semaphore_mem>>) src(%dma_wait3A_156 : memref<1280x128xf32, #tpu.memory_space<hbm>>) dst(%dma_wait3A_150 : memref<128x128xf32, #tpu.memory_space<vmem>>)
    %dma_wait3A_157 = arith.constant 1 : i32
    %dma_wait3A_158 = arith.constant 1 : i32
    %dma_wait3A_159 = arith.constant 0 : i32
    %dma_wait3A_160 = arith.constant 0 : i32
    %dma_wait3A_161 = tpu.memref_slice %arg9[%dma_wait3A_157, %dma_wait3A_159, %dma_wait3A_160] : memref<4x128x128xf32, #tpu.memory_space<vmem>> -> memref<1x128x128xf32, #tpu.memory_space<vmem>>
    %dma_wait3A_162 = tpu.memref_squeeze %dma_wait3A_161 : memref<1x128x128xf32, #tpu.memory_space<vmem>> -> memref<128x128xf32, #tpu.memory_space<vmem>>
    %dma_wait3A_163 = arith.constant 0 : i32
    %dma_wait3A_164 = tpu.memref_slice %arg8[%dma_wait3A_158, %dma_wait3A_163] : memref<10x128xi32, #tpu.memory_space<vmem>> -> memref<1x128xi32, #tpu.memory_space<vmem>>
    %dma_wait3A_165 = tpu.memref_squeeze %dma_wait3A_164 : memref<1x128xi32, #tpu.memory_space<vmem>> -> memref<128xi32, #tpu.memory_space<vmem>>
    %dma_wait3A_166 = arith.constant 0 : i32
    %dma_wait3A_167 = arith.constant 0 : i32
    %dma_wait3A_168 = tpu.memref_slice %arg11[%dma_wait3A_166, %dma_wait3A_167] : memref<1280x128xf32, #tpu.memory_space<vmem_shared>> -> memref<1280x128xf32, #tpu.memory_space<vmem_shared>>
    tpu.wait_indirect_dma semaphore(%arg15 : memref<!tpu.dma_semaphore, #tpu.memory_space<semaphore_mem>>) src(%dma_wait3A_162 : memref<128x128xf32, #tpu.memory_space<vmem>>) dst(%dma_wait3A_168 : memref<1280x128xf32, #tpu.memory_space<vmem_shared>>)
    %dma_start3A_169 = arith.constant 5 : i32
    %dma_start3A_170 = arith.constant 1 : i32
    %dma_start3A_171 = arith.constant 0 : i32
    %dma_start3A_172 = arith.constant 0 : i32
    %dma_start3A_173 = tpu.memref_slice %arg9[%dma_start3A_170, %dma_start3A_171, %dma_start3A_172] : memref<4x128x128xf32, #tpu.memory_space<vmem>> -> memref<1x128x128xf32, #tpu.memory_space<vmem>>
    %dma_start3A_174 = tpu.memref_squeeze %dma_start3A_173 : memref<1x128x128xf32, #tpu.memory_space<vmem>> -> memref<128x128xf32, #tpu.memory_space<vmem>>
    %dma_start3A_175 = arith.constant 0 : i32
    %dma_start3A_176 = tpu.memref_slice %arg7[%dma_start3A_169, %dma_start3A_175] : memref<10x128xi32, #tpu.memory_space<vmem>> -> memref<1x128xi32, #tpu.memory_space<vmem>>
    %dma_start3A_177 = tpu.memref_squeeze %dma_start3A_176 : memref<1x128xi32, #tpu.memory_space<vmem>> -> memref<128xi32, #tpu.memory_space<vmem>>
    %dma_start3A_178 = arith.constant 0 : i32
    %dma_start3A_179 = arith.constant 0 : i32
    %dma_start3A_180 = tpu.memref_slice %arg2[%dma_start3A_178, %dma_start3A_179] : memref<1280x128xf32, #tpu.memory_space<hbm>> -> memref<1280x128xf32, #tpu.memory_space<hbm>>
    tpu.enqueue_indirect_dma source(%dma_start3A_180 : memref<1280x128xf32, #tpu.memory_space<hbm>>) target(%dma_start3A_174 : memref<128x128xf32, #tpu.memory_space<vmem>>) offsets(%dma_start3A_177 : memref<128xi32, #tpu.memory_space<vmem>>) semaphore(%arg13 : memref<!tpu.dma_semaphore, #tpu.memory_space<semaphore_mem>>)
    %dma_start3A_181 = arith.constant 3 : i32
    %dma_start3A_182 = arith.constant 3 : i32
    %dma_start3A_183 = arith.constant 0 : i32
    %dma_start3A_184 = arith.constant 0 : i32
    %dma_start3A_185 = tpu.memref_slice %arg9[%dma_start3A_181, %dma_start3A_183, %dma_start3A_184] : memref<4x128x128xf32, #tpu.memory_space<vmem>> -> memref<1x128x128xf32, #tpu.memory_space<vmem>>
    %dma_start3A_186 = tpu.memref_squeeze %dma_start3A_185 : memref<1x128x128xf32, #tpu.memory_space<vmem>> -> memref<128x128xf32, #tpu.memory_space<vmem>>
    %dma_start3A_187 = arith.constant 0 : i32
    %dma_start3A_188 = tpu.memref_slice %arg8[%dma_start3A_182, %dma_start3A_187] : memref<10x128xi32, #tpu.memory_space<vmem>> -> memref<1x128xi32, #tpu.memory_space<vmem>>
    %dma_start3A_189 = tpu.memref_squeeze %dma_start3A_188 : memref<1x128xi32, #tpu.memory_space<vmem>> -> memref<128xi32, #tpu.memory_space<vmem>>
    %dma_start3A_190 = arith.constant 0 : i32
    %dma_start3A_191 = arith.constant 0 : i32
    %dma_start3A_192 = tpu.memref_slice %arg11[%dma_start3A_190, %dma_start3A_191] : memref<1280x128xf32, #tpu.memory_space<vmem_shared>> -> memref<1280x128xf32, #tpu.memory_space<vmem_shared>>
    tpu.enqueue_indirect_dma source(%dma_start3A_186 : memref<128x128xf32, #tpu.memory_space<vmem>>) target(%dma_start3A_192 : memref<1280x128xf32, #tpu.memory_space<vmem_shared>>) offsets(%dma_start3A_189 : memref<128xi32, #tpu.memory_space<vmem>>) semaphore(%arg15 : memref<!tpu.dma_semaphore, #tpu.memory_space<semaphore_mem>>) {add = true}
    %dma_wait3A_193 = arith.constant 4 : i32
    %dma_wait3A_194 = arith.constant 0 : i32
    %dma_wait3A_195 = arith.constant 0 : i32
    %dma_wait3A_196 = arith.constant 0 : i32
    %dma_wait3A_197 = tpu.memref_slice %arg9[%dma_wait3A_194, %dma_wait3A_195, %dma_wait3A_196] : memref<4x128x128xf32, #tpu.memory_space<vmem>> -> memref<1x128x128xf32, #tpu.memory_space<vmem>>
    %dma_wait3A_198 = tpu.memref_squeeze %dma_wait3A_197 : memref<1x128x128xf32, #tpu.memory_space<vmem>> -> memref<128x128xf32, #tpu.memory_space<vmem>>
    %dma_wait3A_199 = arith.constant 0 : i32
    %dma_wait3A_200 = tpu.memref_slice %arg7[%dma_wait3A_193, %dma_wait3A_199] : memref<10x128xi32, #tpu.memory_space<vmem>> -> memref<1x128xi32, #tpu.memory_space<vmem>>
    %dma_wait3A_201 = tpu.memref_squeeze %dma_wait3A_200 : memref<1x128xi32, #tpu.memory_space<vmem>> -> memref<128xi32, #tpu.memory_space<vmem>>
    %dma_wait3A_202 = arith.constant 0 : i32
    %dma_wait3A_203 = arith.constant 0 : i32
    %dma_wait3A_204 = tpu.memref_slice %arg2[%dma_wait3A_202, %dma_wait3A_203] : memref<1280x128xf32, #tpu.memory_space<hbm>> -> memref<1280x128xf32, #tpu.memory_space<hbm>>
    tpu.wait_indirect_dma semaphore(%arg12 : memref<!tpu.dma_semaphore, #tpu.memory_space<semaphore_mem>>) src(%dma_wait3A_204 : memref<1280x128xf32, #tpu.memory_space<hbm>>) dst(%dma_wait3A_198 : memref<128x128xf32, #tpu.memory_space<vmem>>)
    %dma_wait3A_205 = arith.constant 2 : i32
    %dma_wait3A_206 = arith.constant 2 : i32
    %dma_wait3A_207 = arith.constant 0 : i32
    %dma_wait3A_208 = arith.constant 0 : i32
    %dma_wait3A_209 = tpu.memref_slice %arg9[%dma_wait3A_205, %dma_wait3A_207, %dma_wait3A_208] : memref<4x128x128xf32, #tpu.memory_space<vmem>> -> memref<1x128x128xf32, #tpu.memory_space<vmem>>
    %dma_wait3A_210 = tpu.memref_squeeze %dma_wait3A_209 : memref<1x128x128xf32, #tpu.memory_space<vmem>> -> memref<128x128xf32, #tpu.memory_space<vmem>>
    %dma_wait3A_211 = arith.constant 0 : i32
    %dma_wait3A_212 = tpu.memref_slice %arg8[%dma_wait3A_206, %dma_wait3A_211] : memref<10x128xi32, #tpu.memory_space<vmem>> -> memref<1x128xi32, #tpu.memory_space<vmem>>
    %dma_wait3A_213 = tpu.memref_squeeze %dma_wait3A_212 : memref<1x128xi32, #tpu.memory_space<vmem>> -> memref<128xi32, #tpu.memory_space<vmem>>
    %dma_wait3A_214 = arith.constant 0 : i32
    %dma_wait3A_215 = arith.constant 0 : i32
    %dma_wait3A_216 = tpu.memref_slice %arg11[%dma_wait3A_214, %dma_wait3A_215] : memref<1280x128xf32, #tpu.memory_space<vmem_shared>> -> memref<1280x128xf32, #tpu.memory_space<vmem_shared>>
    tpu.wait_indirect_dma semaphore(%arg14 : memref<!tpu.dma_semaphore, #tpu.memory_space<semaphore_mem>>) src(%dma_wait3A_210 : memref<128x128xf32, #tpu.memory_space<vmem>>) dst(%dma_wait3A_216 : memref<1280x128xf32, #tpu.memory_space<vmem_shared>>)
    %dma_start3A_217 = arith.constant 6 : i32
    %dma_start3A_218 = arith.constant 2 : i32
    %dma_start3A_219 = arith.constant 0 : i32
    %dma_start3A_220 = arith.constant 0 : i32
    %dma_start3A_221 = tpu.memref_slice %arg9[%dma_start3A_218, %dma_start3A_219, %dma_start3A_220] : memref<4x128x128xf32, #tpu.memory_space<vmem>> -> memref<1x128x128xf32, #tpu.memory_space<vmem>>
    %dma_start3A_222 = tpu.memref_squeeze %dma_start3A_221 : memref<1x128x128xf32, #tpu.memory_space<vmem>> -> memref<128x128xf32, #tpu.memory_space<vmem>>
    %dma_start3A_223 = arith.constant 0 : i32
    %dma_start3A_224 = tpu.memref_slice %arg7[%dma_start3A_217, %dma_start3A_223] : memref<10x128xi32, #tpu.memory_space<vmem>> -> memref<1x128xi32, #tpu.memory_space<vmem>>
    %dma_start3A_225 = tpu.memref_squeeze %dma_start3A_224 : memref<1x128xi32, #tpu.memory_space<vmem>> -> memref<128xi32, #tpu.memory_space<vmem>>
    %dma_start3A_226 = arith.constant 0 : i32
    %dma_start3A_227 = arith.constant 0 : i32
    %dma_start3A_228 = tpu.memref_slice %arg2[%dma_start3A_226, %dma_start3A_227] : memref<1280x128xf32, #tpu.memory_space<hbm>> -> memref<1280x128xf32, #tpu.memory_space<hbm>>
    tpu.enqueue_indirect_dma source(%dma_start3A_228 : memref<1280x128xf32, #tpu.memory_space<hbm>>) target(%dma_start3A_222 : memref<128x128xf32, #tpu.memory_space<vmem>>) offsets(%dma_start3A_225 : memref<128xi32, #tpu.memory_space<vmem>>) semaphore(%arg12 : memref<!tpu.dma_semaphore, #tpu.memory_space<semaphore_mem>>)
    %dma_start3A_229 = arith.constant 0 : i32
    %dma_start3A_230 = arith.constant 4 : i32
    %dma_start3A_231 = arith.constant 0 : i32
    %dma_start3A_232 = arith.constant 0 : i32
    %dma_start3A_233 = tpu.memref_slice %arg9[%dma_start3A_229, %dma_start3A_231, %dma_start3A_232] : memref<4x128x128xf32, #tpu.memory_space<vmem>> -> memref<1x128x128xf32, #tpu.memory_space<vmem>>
    %dma_start3A_234 = tpu.memref_squeeze %dma_start3A_233 : memref<1x128x128xf32, #tpu.memory_space<vmem>> -> memref<128x128xf32, #tpu.memory_space<vmem>>
    %dma_start3A_235 = arith.constant 0 : i32
    %dma_start3A_236 = tpu.memref_slice %arg8[%dma_start3A_230, %dma_start3A_235] : memref<10x128xi32, #tpu.memory_space<vmem>> -> memref<1x128xi32, #tpu.memory_space<vmem>>
    %dma_start3A_237 = tpu.memref_squeeze %dma_start3A_236 : memref<1x128xi32, #tpu.memory_space<vmem>> -> memref<128xi32, #tpu.memory_space<vmem>>
    %dma_start3A_238 = arith.constant 0 : i32
    %dma_start3A_239 = arith.constant 0 : i32
    %dma_start3A_240 = tpu.memref_slice %arg11[%dma_start3A_238, %dma_start3A_239] : memref<1280x128xf32, #tpu.memory_space<vmem_shared>> -> memref<1280x128xf32, #tpu.memory_space<vmem_shared>>
    tpu.enqueue_indirect_dma source(%dma_start3A_234 : memref<128x128xf32, #tpu.memory_space<vmem>>) target(%dma_start3A_240 : memref<1280x128xf32, #tpu.memory_space<vmem_shared>>) offsets(%dma_start3A_237 : memref<128xi32, #tpu.memory_space<vmem>>) semaphore(%arg14 : memref<!tpu.dma_semaphore, #tpu.memory_space<semaphore_mem>>) {add = true}
    %dma_wait3A_241 = arith.constant 5 : i32
    %dma_wait3A_242 = arith.constant 1 : i32
    %dma_wait3A_243 = arith.constant 0 : i32
    %dma_wait3A_244 = arith.constant 0 : i32
    %dma_wait3A_245 = tpu.memref_slice %arg9[%dma_wait3A_242, %dma_wait3A_243, %dma_wait3A_244] : memref<4x128x128xf32, #tpu.memory_space<vmem>> -> memref<1x128x128xf32, #tpu.memory_space<vmem>>
    %dma_wait3A_246 = tpu.memref_squeeze %dma_wait3A_245 : memref<1x128x128xf32, #tpu.memory_space<vmem>> -> memref<128x128xf32, #tpu.memory_space<vmem>>
    %dma_wait3A_247 = arith.constant 0 : i32
    %dma_wait3A_248 = tpu.memref_slice %arg7[%dma_wait3A_241, %dma_wait3A_247] : memref<10x128xi32, #tpu.memory_space<vmem>> -> memref<1x128xi32, #tpu.memory_space<vmem>>
    %dma_wait3A_249 = tpu.memref_squeeze %dma_wait3A_248 : memref<1x128xi32, #tpu.memory_space<vmem>> -> memref<128xi32, #tpu.memory_space<vmem>>
    %dma_wait3A_250 = arith.constant 0 : i32
    %dma_wait3A_251 = arith.constant 0 : i32
    %dma_wait3A_252 = tpu.memref_slice %arg2[%dma_wait3A_250, %dma_wait3A_251] : memref<1280x128xf32, #tpu.memory_space<hbm>> -> memref<1280x128xf32, #tpu.memory_space<hbm>>
    tpu.wait_indirect_dma semaphore(%arg13 : memref<!tpu.dma_semaphore, #tpu.memory_space<semaphore_mem>>) src(%dma_wait3A_252 : memref<1280x128xf32, #tpu.memory_space<hbm>>) dst(%dma_wait3A_246 : memref<128x128xf32, #tpu.memory_space<vmem>>)
    %dma_wait3A_253 = arith.constant 3 : i32
    %dma_wait3A_254 = arith.constant 3 : i32
    %dma_wait3A_255 = arith.constant 0 : i32
    %dma_wait3A_256 = arith.constant 0 : i32
    %dma_wait3A_257 = tpu.memref_slice %arg9[%dma_wait3A_253, %dma_wait3A_255, %dma_wait3A_256] : memref<4x128x128xf32, #tpu.memory_space<vmem>> -> memref<1x128x128xf32, #tpu.memory_space<vmem>>
    %dma_wait3A_258 = tpu.memref_squeeze %dma_wait3A_257 : memref<1x128x128xf32, #tpu.memory_space<vmem>> -> memref<128x128xf32, #tpu.memory_space<vmem>>
    %dma_wait3A_259 = arith.constant 0 : i32
    %dma_wait3A_260 = tpu.memref_slice %arg8[%dma_wait3A_254, %dma_wait3A_259] : memref<10x128xi32, #tpu.memory_space<vmem>> -> memref<1x128xi32, #tpu.memory_space<vmem>>
    %dma_wait3A_261 = tpu.memref_squeeze %dma_wait3A_260 : memref<1x128xi32, #tpu.memory_space<vmem>> -> memref<128xi32, #tpu.memory_space<vmem>>
    %dma_wait3A_262 = arith.constant 0 : i32
    %dma_wait3A_263 = arith.constant 0 : i32
    %dma_wait3A_264 = tpu.memref_slice %arg11[%dma_wait3A_262, %dma_wait3A_263] : memref<1280x128xf32, #tpu.memory_space<vmem_shared>> -> memref<1280x128xf32, #tpu.memory_space<vmem_shared>>
    tpu.wait_indirect_dma semaphore(%arg15 : memref<!tpu.dma_semaphore, #tpu.memory_space<semaphore_mem>>) src(%dma_wait3A_258 : memref<128x128xf32, #tpu.memory_space<vmem>>) dst(%dma_wait3A_264 : memref<1280x128xf32, #tpu.memory_space<vmem_shared>>)
    %dma_start3A_265 = arith.constant 7 : i32
    %dma_start3A_266 = arith.constant 3 : i32
    %dma_start3A_267 = arith.constant 0 : i32
    %dma_start3A_268 = arith.constant 0 : i32
    %dma_start3A_269 = tpu.memref_slice %arg9[%dma_start3A_266, %dma_start3A_267, %dma_start3A_268] : memref<4x128x128xf32, #tpu.memory_space<vmem>> -> memref<1x128x128xf32, #tpu.memory_space<vmem>>
    %dma_start3A_270 = tpu.memref_squeeze %dma_start3A_269 : memref<1x128x128xf32, #tpu.memory_space<vmem>> -> memref<128x128xf32, #tpu.memory_space<vmem>>
    %dma_start3A_271 = arith.constant 0 : i32
    %dma_start3A_272 = tpu.memref_slice %arg7[%dma_start3A_265, %dma_start3A_271] : memref<10x128xi32, #tpu.memory_space<vmem>> -> memref<1x128xi32, #tpu.memory_space<vmem>>
    %dma_start3A_273 = tpu.memref_squeeze %dma_start3A_272 : memref<1x128xi32, #tpu.memory_space<vmem>> -> memref<128xi32, #tpu.memory_space<vmem>>
    %dma_start3A_274 = arith.constant 0 : i32
    %dma_start3A_275 = arith.constant 0 : i32
    %dma_start3A_276 = tpu.memref_slice %arg2[%dma_start3A_274, %dma_start3A_275] : memref<1280x128xf32, #tpu.memory_space<hbm>> -> memref<1280x128xf32, #tpu.memory_space<hbm>>
    tpu.enqueue_indirect_dma source(%dma_start3A_276 : memref<1280x128xf32, #tpu.memory_space<hbm>>) target(%dma_start3A_270 : memref<128x128xf32, #tpu.memory_space<vmem>>) offsets(%dma_start3A_273 : memref<128xi32, #tpu.memory_space<vmem>>) semaphore(%arg13 : memref<!tpu.dma_semaphore, #tpu.memory_space<semaphore_mem>>)
    %dma_start3A_277 = arith.constant 1 : i32
    %dma_start3A_278 = arith.constant 5 : i32
    %dma_start3A_279 = arith.constant 0 : i32
    %dma_start3A_280 = arith.constant 0 : i32
    %dma_start3A_281 = tpu.memref_slice %arg9[%dma_start3A_277, %dma_start3A_279, %dma_start3A_280] : memref<4x128x128xf32, #tpu.memory_space<vmem>> -> memref<1x128x128xf32, #tpu.memory_space<vmem>>
    %dma_start3A_282 = tpu.memref_squeeze %dma_start3A_281 : memref<1x128x128xf32, #tpu.memory_space<vmem>> -> memref<128x128xf32, #tpu.memory_space<vmem>>
    %dma_start3A_283 = arith.constant 0 : i32
    %dma_start3A_284 = tpu.memref_slice %arg8[%dma_start3A_278, %dma_start3A_283] : memref<10x128xi32, #tpu.memory_space<vmem>> -> memref<1x128xi32, #tpu.memory_space<vmem>>
    %dma_start3A_285 = tpu.memref_squeeze %dma_start3A_284 : memref<1x128xi32, #tpu.memory_space<vmem>> -> memref<128xi32, #tpu.memory_space<vmem>>
    %dma_start3A_286 = arith.constant 0 : i32
    %dma_start3A_287 = arith.constant 0 : i32
    %dma_start3A_288 = tpu.memref_slice %arg11[%dma_start3A_286, %dma_start3A_287] : memref<1280x128xf32, #tpu.memory_space<vmem_shared>> -> memref<1280x128xf32, #tpu.memory_space<vmem_shared>>
    tpu.enqueue_indirect_dma source(%dma_start3A_282 : memref<128x128xf32, #tpu.memory_space<vmem>>) target(%dma_start3A_288 : memref<1280x128xf32, #tpu.memory_space<vmem_shared>>) offsets(%dma_start3A_285 : memref<128xi32, #tpu.memory_space<vmem>>) semaphore(%arg15 : memref<!tpu.dma_semaphore, #tpu.memory_space<semaphore_mem>>) {add = true}
    %dma_wait3A_289 = arith.constant 6 : i32
    %dma_wait3A_290 = arith.constant 2 : i32
    %dma_wait3A_291 = arith.constant 0 : i32
    %dma_wait3A_292 = arith.constant 0 : i32
    %dma_wait3A_293 = tpu.memref_slice %arg9[%dma_wait3A_290, %dma_wait3A_291, %dma_wait3A_292] : memref<4x128x128xf32, #tpu.memory_space<vmem>> -> memref<1x128x128xf32, #tpu.memory_space<vmem>>
    %dma_wait3A_294 = tpu.memref_squeeze %dma_wait3A_293 : memref<1x128x128xf32, #tpu.memory_space<vmem>> -> memref<128x128xf32, #tpu.memory_space<vmem>>
    %dma_wait3A_295 = arith.constant 0 : i32
    %dma_wait3A_296 = tpu.memref_slice %arg7[%dma_wait3A_289, %dma_wait3A_295] : memref<10x128xi32, #tpu.memory_space<vmem>> -> memref<1x128xi32, #tpu.memory_space<vmem>>
    %dma_wait3A_297 = tpu.memref_squeeze %dma_wait3A_296 : memref<1x128xi32, #tpu.memory_space<vmem>> -> memref<128xi32, #tpu.memory_space<vmem>>
    %dma_wait3A_298 = arith.constant 0 : i32
    %dma_wait3A_299 = arith.constant 0 : i32
    %dma_wait3A_300 = tpu.memref_slice %arg2[%dma_wait3A_298, %dma_wait3A_299] : memref<1280x128xf32, #tpu.memory_space<hbm>> -> memref<1280x128xf32, #tpu.memory_space<hbm>>
    tpu.wait_indirect_dma semaphore(%arg12 : memref<!tpu.dma_semaphore, #tpu.memory_space<semaphore_mem>>) src(%dma_wait3A_300 : memref<1280x128xf32, #tpu.memory_space<hbm>>) dst(%dma_wait3A_294 : memref<128x128xf32, #tpu.memory_space<vmem>>)
    %dma_wait3A_301 = arith.constant 0 : i32
    %dma_wait3A_302 = arith.constant 4 : i32
    %dma_wait3A_303 = arith.constant 0 : i32
    %dma_wait3A_304 = arith.constant 0 : i32
    %dma_wait3A_305 = tpu.memref_slice %arg9[%dma_wait3A_301, %dma_wait3A_303, %dma_wait3A_304] : memref<4x128x128xf32, #tpu.memory_space<vmem>> -> memref<1x128x128xf32, #tpu.memory_space<vmem>>
    %dma_wait3A_306 = tpu.memref_squeeze %dma_wait3A_305 : memref<1x128x128xf32, #tpu.memory_space<vmem>> -> memref<128x128xf32, #tpu.memory_space<vmem>>
    %dma_wait3A_307 = arith.constant 0 : i32
    %dma_wait3A_308 = tpu.memref_slice %arg8[%dma_wait3A_302, %dma_wait3A_307] : memref<10x128xi32, #tpu.memory_space<vmem>> -> memref<1x128xi32, #tpu.memory_space<vmem>>
    %dma_wait3A_309 = tpu.memref_squeeze %dma_wait3A_308 : memref<1x128xi32, #tpu.memory_space<vmem>> -> memref<128xi32, #tpu.memory_space<vmem>>
    %dma_wait3A_310 = arith.constant 0 : i32
    %dma_wait3A_311 = arith.constant 0 : i32
    %dma_wait3A_312 = tpu.memref_slice %arg11[%dma_wait3A_310, %dma_wait3A_311] : memref<1280x128xf32, #tpu.memory_space<vmem_shared>> -> memref<1280x128xf32, #tpu.memory_space<vmem_shared>>
    tpu.wait_indirect_dma semaphore(%arg14 : memref<!tpu.dma_semaphore, #tpu.memory_space<semaphore_mem>>) src(%dma_wait3A_306 : memref<128x128xf32, #tpu.memory_space<vmem>>) dst(%dma_wait3A_312 : memref<1280x128xf32, #tpu.memory_space<vmem_shared>>)
    %dma_start3A_313 = arith.constant 8 : i32
    %dma_start3A_314 = arith.constant 0 : i32
    %dma_start3A_315 = arith.constant 0 : i32
    %dma_start3A_316 = arith.constant 0 : i32
    %dma_start3A_317 = tpu.memref_slice %arg9[%dma_start3A_314, %dma_start3A_315, %dma_start3A_316] : memref<4x128x128xf32, #tpu.memory_space<vmem>> -> memref<1x128x128xf32, #tpu.memory_space<vmem>>
    %dma_start3A_318 = tpu.memref_squeeze %dma_start3A_317 : memref<1x128x128xf32, #tpu.memory_space<vmem>> -> memref<128x128xf32, #tpu.memory_space<vmem>>
    %dma_start3A_319 = arith.constant 0 : i32
    %dma_start3A_320 = tpu.memref_slice %arg7[%dma_start3A_313, %dma_start3A_319] : memref<10x128xi32, #tpu.memory_space<vmem>> -> memref<1x128xi32, #tpu.memory_space<vmem>>
    %dma_start3A_321 = tpu.memref_squeeze %dma_start3A_320 : memref<1x128xi32, #tpu.memory_space<vmem>> -> memref<128xi32, #tpu.memory_space<vmem>>
    %dma_start3A_322 = arith.constant 0 : i32
    %dma_start3A_323 = arith.constant 0 : i32
    %dma_start3A_324 = tpu.memref_slice %arg2[%dma_start3A_322, %dma_start3A_323] : memref<1280x128xf32, #tpu.memory_space<hbm>> -> memref<1280x128xf32, #tpu.memory_space<hbm>>
    tpu.enqueue_indirect_dma source(%dma_start3A_324 : memref<1280x128xf32, #tpu.memory_space<hbm>>) target(%dma_start3A_318 : memref<128x128xf32, #tpu.memory_space<vmem>>) offsets(%dma_start3A_321 : memref<128xi32, #tpu.memory_space<vmem>>) semaphore(%arg12 : memref<!tpu.dma_semaphore, #tpu.memory_space<semaphore_mem>>)
    %dma_start3A_325 = arith.constant 2 : i32
    %dma_start3A_326 = arith.constant 6 : i32
    %dma_start3A_327 = arith.constant 0 : i32
    %dma_start3A_328 = arith.constant 0 : i32
    %dma_start3A_329 = tpu.memref_slice %arg9[%dma_start3A_325, %dma_start3A_327, %dma_start3A_328] : memref<4x128x128xf32, #tpu.memory_space<vmem>> -> memref<1x128x128xf32, #tpu.memory_space<vmem>>
    %dma_start3A_330 = tpu.memref_squeeze %dma_start3A_329 : memref<1x128x128xf32, #tpu.memory_space<vmem>> -> memref<128x128xf32, #tpu.memory_space<vmem>>
    %dma_start3A_331 = arith.constant 0 : i32
    %dma_start3A_332 = tpu.memref_slice %arg8[%dma_start3A_326, %dma_start3A_331] : memref<10x128xi32, #tpu.memory_space<vmem>> -> memref<1x128xi32, #tpu.memory_space<vmem>>
    %dma_start3A_333 = tpu.memref_squeeze %dma_start3A_332 : memref<1x128xi32, #tpu.memory_space<vmem>> -> memref<128xi32, #tpu.memory_space<vmem>>
    %dma_start3A_334 = arith.constant 0 : i32
    %dma_start3A_335 = arith.constant 0 : i32
    %dma_start3A_336 = tpu.memref_slice %arg11[%dma_start3A_334, %dma_start3A_335] : memref<1280x128xf32, #tpu.memory_space<vmem_shared>> -> memref<1280x128xf32, #tpu.memory_space<vmem_shared>>
    tpu.enqueue_indirect_dma source(%dma_start3A_330 : memref<128x128xf32, #tpu.memory_space<vmem>>) target(%dma_start3A_336 : memref<1280x128xf32, #tpu.memory_space<vmem_shared>>) offsets(%dma_start3A_333 : memref<128xi32, #tpu.memory_space<vmem>>) semaphore(%arg14 : memref<!tpu.dma_semaphore, #tpu.memory_space<semaphore_mem>>) {add = true}
    %dma_wait3A_337 = arith.constant 7 : i32
    %dma_wait3A_338 = arith.constant 3 : i32
    %dma_wait3A_339 = arith.constant 0 : i32
    %dma_wait3A_340 = arith.constant 0 : i32
    %dma_wait3A_341 = tpu.memref_slice %arg9[%dma_wait3A_338, %dma_wait3A_339, %dma_wait3A_340] : memref<4x128x128xf32, #tpu.memory_space<vmem>> -> memref<1x128x128xf32, #tpu.memory_space<vmem>>
    %dma_wait3A_342 = tpu.memref_squeeze %dma_wait3A_341 : memref<1x128x128xf32, #tpu.memory_space<vmem>> -> memref<128x128xf32, #tpu.memory_space<vmem>>
    %dma_wait3A_343 = arith.constant 0 : i32
    %dma_wait3A_344 = tpu.memref_slice %arg7[%dma_wait3A_337, %dma_wait3A_343] : memref<10x128xi32, #tpu.memory_space<vmem>> -> memref<1x128xi32, #tpu.memory_space<vmem>>
    %dma_wait3A_345 = tpu.memref_squeeze %dma_wait3A_344 : memref<1x128xi32, #tpu.memory_space<vmem>> -> memref<128xi32, #tpu.memory_space<vmem>>
    %dma_wait3A_346 = arith.constant 0 : i32
    %dma_wait3A_347 = arith.constant 0 : i32
    %dma_wait3A_348 = tpu.memref_slice %arg2[%dma_wait3A_346, %dma_wait3A_347] : memref<1280x128xf32, #tpu.memory_space<hbm>> -> memref<1280x128xf32, #tpu.memory_space<hbm>>
    tpu.wait_indirect_dma semaphore(%arg13 : memref<!tpu.dma_semaphore, #tpu.memory_space<semaphore_mem>>) src(%dma_wait3A_348 : memref<1280x128xf32, #tpu.memory_space<hbm>>) dst(%dma_wait3A_342 : memref<128x128xf32, #tpu.memory_space<vmem>>)
    %dma_wait3A_349 = arith.constant 1 : i32
    %dma_wait3A_350 = arith.constant 5 : i32
    %dma_wait3A_351 = arith.constant 0 : i32
    %dma_wait3A_352 = arith.constant 0 : i32
    %dma_wait3A_353 = tpu.memref_slice %arg9[%dma_wait3A_349, %dma_wait3A_351, %dma_wait3A_352] : memref<4x128x128xf32, #tpu.memory_space<vmem>> -> memref<1x128x128xf32, #tpu.memory_space<vmem>>
    %dma_wait3A_354 = tpu.memref_squeeze %dma_wait3A_353 : memref<1x128x128xf32, #tpu.memory_space<vmem>> -> memref<128x128xf32, #tpu.memory_space<vmem>>
    %dma_wait3A_355 = arith.constant 0 : i32
    %dma_wait3A_356 = tpu.memref_slice %arg8[%dma_wait3A_350, %dma_wait3A_355] : memref<10x128xi32, #tpu.memory_space<vmem>> -> memref<1x128xi32, #tpu.memory_space<vmem>>
    %dma_wait3A_357 = tpu.memref_squeeze %dma_wait3A_356 : memref<1x128xi32, #tpu.memory_space<vmem>> -> memref<128xi32, #tpu.memory_space<vmem>>
    %dma_wait3A_358 = arith.constant 0 : i32
    %dma_wait3A_359 = arith.constant 0 : i32
    %dma_wait3A_360 = tpu.memref_slice %arg11[%dma_wait3A_358, %dma_wait3A_359] : memref<1280x128xf32, #tpu.memory_space<vmem_shared>> -> memref<1280x128xf32, #tpu.memory_space<vmem_shared>>
    tpu.wait_indirect_dma semaphore(%arg15 : memref<!tpu.dma_semaphore, #tpu.memory_space<semaphore_mem>>) src(%dma_wait3A_354 : memref<128x128xf32, #tpu.memory_space<vmem>>) dst(%dma_wait3A_360 : memref<1280x128xf32, #tpu.memory_space<vmem_shared>>)
    %dma_start3A_361 = arith.constant 9 : i32
    %dma_start3A_362 = arith.constant 1 : i32
    %dma_start3A_363 = arith.constant 0 : i32
    %dma_start3A_364 = arith.constant 0 : i32
    %dma_start3A_365 = tpu.memref_slice %arg9[%dma_start3A_362, %dma_start3A_363, %dma_start3A_364] : memref<4x128x128xf32, #tpu.memory_space<vmem>> -> memref<1x128x128xf32, #tpu.memory_space<vmem>>
    %dma_start3A_366 = tpu.memref_squeeze %dma_start3A_365 : memref<1x128x128xf32, #tpu.memory_space<vmem>> -> memref<128x128xf32, #tpu.memory_space<vmem>>
    %dma_start3A_367 = arith.constant 0 : i32
    %dma_start3A_368 = tpu.memref_slice %arg7[%dma_start3A_361, %dma_start3A_367] : memref<10x128xi32, #tpu.memory_space<vmem>> -> memref<1x128xi32, #tpu.memory_space<vmem>>
    %dma_start3A_369 = tpu.memref_squeeze %dma_start3A_368 : memref<1x128xi32, #tpu.memory_space<vmem>> -> memref<128xi32, #tpu.memory_space<vmem>>
    %dma_start3A_370 = arith.constant 0 : i32
    %dma_start3A_371 = arith.constant 0 : i32
    %dma_start3A_372 = tpu.memref_slice %arg2[%dma_start3A_370, %dma_start3A_371] : memref<1280x128xf32, #tpu.memory_space<hbm>> -> memref<1280x128xf32, #tpu.memory_space<hbm>>
    tpu.enqueue_indirect_dma source(%dma_start3A_372 : memref<1280x128xf32, #tpu.memory_space<hbm>>) target(%dma_start3A_366 : memref<128x128xf32, #tpu.memory_space<vmem>>) offsets(%dma_start3A_369 : memref<128xi32, #tpu.memory_space<vmem>>) semaphore(%arg13 : memref<!tpu.dma_semaphore, #tpu.memory_space<semaphore_mem>>)
    %dma_start3A_373 = arith.constant 3 : i32
    %dma_start3A_374 = arith.constant 7 : i32
    %dma_start3A_375 = arith.constant 0 : i32
    %dma_start3A_376 = arith.constant 0 : i32
    %dma_start3A_377 = tpu.memref_slice %arg9[%dma_start3A_373, %dma_start3A_375, %dma_start3A_376] : memref<4x128x128xf32, #tpu.memory_space<vmem>> -> memref<1x128x128xf32, #tpu.memory_space<vmem>>
    %dma_start3A_378 = tpu.memref_squeeze %dma_start3A_377 : memref<1x128x128xf32, #tpu.memory_space<vmem>> -> memref<128x128xf32, #tpu.memory_space<vmem>>
    %dma_start3A_379 = arith.constant 0 : i32
    %dma_start3A_380 = tpu.memref_slice %arg8[%dma_start3A_374, %dma_start3A_379] : memref<10x128xi32, #tpu.memory_space<vmem>> -> memref<1x128xi32, #tpu.memory_space<vmem>>
    %dma_start3A_381 = tpu.memref_squeeze %dma_start3A_380 : memref<1x128xi32, #tpu.memory_space<vmem>> -> memref<128xi32, #tpu.memory_space<vmem>>
    %dma_start3A_382 = arith.constant 0 : i32
    %dma_start3A_383 = arith.constant 0 : i32
    %dma_start3A_384 = tpu.memref_slice %arg11[%dma_start3A_382, %dma_start3A_383] : memref<1280x128xf32, #tpu.memory_space<vmem_shared>> -> memref<1280x128xf32, #tpu.memory_space<vmem_shared>>
    tpu.enqueue_indirect_dma source(%dma_start3A_378 : memref<128x128xf32, #tpu.memory_space<vmem>>) target(%dma_start3A_384 : memref<1280x128xf32, #tpu.memory_space<vmem_shared>>) offsets(%dma_start3A_381 : memref<128xi32, #tpu.memory_space<vmem>>) semaphore(%arg15 : memref<!tpu.dma_semaphore, #tpu.memory_space<semaphore_mem>>) {add = true}
    %dma_wait3A_385 = arith.constant 8 : i32
    %dma_wait3A_386 = arith.constant 0 : i32
    %dma_wait3A_387 = arith.constant 0 : i32
    %dma_wait3A_388 = arith.constant 0 : i32
    %dma_wait3A_389 = tpu.memref_slice %arg9[%dma_wait3A_386, %dma_wait3A_387, %dma_wait3A_388] : memref<4x128x128xf32, #tpu.memory_space<vmem>> -> memref<1x128x128xf32, #tpu.memory_space<vmem>>
    %dma_wait3A_390 = tpu.memref_squeeze %dma_wait3A_389 : memref<1x128x128xf32, #tpu.memory_space<vmem>> -> memref<128x128xf32, #tpu.memory_space<vmem>>
    %dma_wait3A_391 = arith.constant 0 : i32
    %dma_wait3A_392 = tpu.memref_slice %arg7[%dma_wait3A_385, %dma_wait3A_391] : memref<10x128xi32, #tpu.memory_space<vmem>> -> memref<1x128xi32, #tpu.memory_space<vmem>>
    %dma_wait3A_393 = tpu.memref_squeeze %dma_wait3A_392 : memref<1x128xi32, #tpu.memory_space<vmem>> -> memref<128xi32, #tpu.memory_space<vmem>>
    %dma_wait3A_394 = arith.constant 0 : i32
    %dma_wait3A_395 = arith.constant 0 : i32
    %dma_wait3A_396 = tpu.memref_slice %arg2[%dma_wait3A_394, %dma_wait3A_395] : memref<1280x128xf32, #tpu.memory_space<hbm>> -> memref<1280x128xf32, #tpu.memory_space<hbm>>
    tpu.wait_indirect_dma semaphore(%arg12 : memref<!tpu.dma_semaphore, #tpu.memory_space<semaphore_mem>>) src(%dma_wait3A_396 : memref<1280x128xf32, #tpu.memory_space<hbm>>) dst(%dma_wait3A_390 : memref<128x128xf32, #tpu.memory_space<vmem>>)
    %dma_start3A_397 = arith.constant 0 : i32
    %dma_start3A_398 = arith.constant 8 : i32
    %dma_start3A_399 = arith.constant 0 : i32
    %dma_start3A_400 = arith.constant 0 : i32
    %dma_start3A_401 = tpu.memref_slice %arg9[%dma_start3A_397, %dma_start3A_399, %dma_start3A_400] : memref<4x128x128xf32, #tpu.memory_space<vmem>> -> memref<1x128x128xf32, #tpu.memory_space<vmem>>
    %dma_start3A_402 = tpu.memref_squeeze %dma_start3A_401 : memref<1x128x128xf32, #tpu.memory_space<vmem>> -> memref<128x128xf32, #tpu.memory_space<vmem>>
    %dma_start3A_403 = arith.constant 0 : i32
    %dma_start3A_404 = tpu.memref_slice %arg8[%dma_start3A_398, %dma_start3A_403] : memref<10x128xi32, #tpu.memory_space<vmem>> -> memref<1x128xi32, #tpu.memory_space<vmem>>
    %dma_start3A_405 = tpu.memref_squeeze %dma_start3A_404 : memref<1x128xi32, #tpu.memory_space<vmem>> -> memref<128xi32, #tpu.memory_space<vmem>>
    %dma_start3A_406 = arith.constant 0 : i32
    %dma_start3A_407 = arith.constant 0 : i32
    %dma_start3A_408 = tpu.memref_slice %arg11[%dma_start3A_406, %dma_start3A_407] : memref<1280x128xf32, #tpu.memory_space<vmem_shared>> -> memref<1280x128xf32, #tpu.memory_space<vmem_shared>>
    tpu.enqueue_indirect_dma source(%dma_start3A_402 : memref<128x128xf32, #tpu.memory_space<vmem>>) target(%dma_start3A_408 : memref<1280x128xf32, #tpu.memory_space<vmem_shared>>) offsets(%dma_start3A_405 : memref<128xi32, #tpu.memory_space<vmem>>) semaphore(%arg14 : memref<!tpu.dma_semaphore, #tpu.memory_space<semaphore_mem>>) {add = true}
    %dma_wait3A_409 = arith.constant 9 : i32
    %dma_wait3A_410 = arith.constant 1 : i32
    %dma_wait3A_411 = arith.constant 0 : i32
    %dma_wait3A_412 = arith.constant 0 : i32
    %dma_wait3A_413 = tpu.memref_slice %arg9[%dma_wait3A_410, %dma_wait3A_411, %dma_wait3A_412] : memref<4x128x128xf32, #tpu.memory_space<vmem>> -> memref<1x128x128xf32, #tpu.memory_space<vmem>>
    %dma_wait3A_414 = tpu.memref_squeeze %dma_wait3A_413 : memref<1x128x128xf32, #tpu.memory_space<vmem>> -> memref<128x128xf32, #tpu.memory_space<vmem>>
    %dma_wait3A_415 = arith.constant 0 : i32
    %dma_wait3A_416 = tpu.memref_slice %arg7[%dma_wait3A_409, %dma_wait3A_415] : memref<10x128xi32, #tpu.memory_space<vmem>> -> memref<1x128xi32, #tpu.memory_space<vmem>>
    %dma_wait3A_417 = tpu.memref_squeeze %dma_wait3A_416 : memref<1x128xi32, #tpu.memory_space<vmem>> -> memref<128xi32, #tpu.memory_space<vmem>>
    %dma_wait3A_418 = arith.constant 0 : i32
    %dma_wait3A_419 = arith.constant 0 : i32
    %dma_wait3A_420 = tpu.memref_slice %arg2[%dma_wait3A_418, %dma_wait3A_419] : memref<1280x128xf32, #tpu.memory_space<hbm>> -> memref<1280x128xf32, #tpu.memory_space<hbm>>
    tpu.wait_indirect_dma semaphore(%arg13 : memref<!tpu.dma_semaphore, #tpu.memory_space<semaphore_mem>>) src(%dma_wait3A_420 : memref<1280x128xf32, #tpu.memory_space<hbm>>) dst(%dma_wait3A_414 : memref<128x128xf32, #tpu.memory_space<vmem>>)
    %dma_start3A_421 = arith.constant 1 : i32
    %dma_start3A_422 = arith.constant 9 : i32
    %dma_start3A_423 = arith.constant 0 : i32
    %dma_start3A_424 = arith.constant 0 : i32
    %dma_start3A_425 = tpu.memref_slice %arg9[%dma_start3A_421, %dma_start3A_423, %dma_start3A_424] : memref<4x128x128xf32, #tpu.memory_space<vmem>> -> memref<1x128x128xf32, #tpu.memory_space<vmem>>
    %dma_start3A_426 = tpu.memref_squeeze %dma_start3A_425 : memref<1x128x128xf32, #tpu.memory_space<vmem>> -> memref<128x128xf32, #tpu.memory_space<vmem>>
    %dma_start3A_427 = arith.constant 0 : i32
    %dma_start3A_428 = tpu.memref_slice %arg8[%dma_start3A_422, %dma_start3A_427] : memref<10x128xi32, #tpu.memory_space<vmem>> -> memref<1x128xi32, #tpu.memory_space<vmem>>
    %dma_start3A_429 = tpu.memref_squeeze %dma_start3A_428 : memref<1x128xi32, #tpu.memory_space<vmem>> -> memref<128xi32, #tpu.memory_space<vmem>>
    %dma_start3A_430 = arith.constant 0 : i32
    %dma_start3A_431 = arith.constant 0 : i32
    %dma_start3A_432 = tpu.memref_slice %arg11[%dma_start3A_430, %dma_start3A_431] : memref<1280x128xf32, #tpu.memory_space<vmem_shared>> -> memref<1280x128xf32, #tpu.memory_space<vmem_shared>>
    tpu.enqueue_indirect_dma source(%dma_start3A_426 : memref<128x128xf32, #tpu.memory_space<vmem>>) target(%dma_start3A_432 : memref<1280x128xf32, #tpu.memory_space<vmem_shared>>) offsets(%dma_start3A_429 : memref<128xi32, #tpu.memory_space<vmem>>) semaphore(%arg15 : memref<!tpu.dma_semaphore, #tpu.memory_space<semaphore_mem>>) {add = true}
    %dma_wait3A_433 = arith.constant 2 : i32
    %dma_wait3A_434 = arith.constant 6 : i32
    %dma_wait3A_435 = arith.constant 0 : i32
    %dma_wait3A_436 = arith.constant 0 : i32
    %dma_wait3A_437 = tpu.memref_slice %arg9[%dma_wait3A_433, %dma_wait3A_435, %dma_wait3A_436] : memref<4x128x128xf32, #tpu.memory_space<vmem>> -> memref<1x128x128xf32, #tpu.memory_space<vmem>>
    %dma_wait3A_438 = tpu.memref_squeeze %dma_wait3A_437 : memref<1x128x128xf32, #tpu.memory_space<vmem>> -> memref<128x128xf32, #tpu.memory_space<vmem>>
    %dma_wait3A_439 = arith.constant 0 : i32
    %dma_wait3A_440 = tpu.memref_slice %arg8[%dma_wait3A_434, %dma_wait3A_439] : memref<10x128xi32, #tpu.memory_space<vmem>> -> memref<1x128xi32, #tpu.memory_space<vmem>>
    %dma_wait3A_441 = tpu.memref_squeeze %dma_wait3A_440 : memref<1x128xi32, #tpu.memory_space<vmem>> -> memref<128xi32, #tpu.memory_space<vmem>>
    %dma_wait3A_442 = arith.constant 0 : i32
    %dma_wait3A_443 = arith.constant 0 : i32
    %dma_wait3A_444 = tpu.memref_slice %arg11[%dma_wait3A_442, %dma_wait3A_443] : memref<1280x128xf32, #tpu.memory_space<vmem_shared>> -> memref<1280x128xf32, #tpu.memory_space<vmem_shared>>
    tpu.wait_indirect_dma semaphore(%arg14 : memref<!tpu.dma_semaphore, #tpu.memory_space<semaphore_mem>>) src(%dma_wait3A_438 : memref<128x128xf32, #tpu.memory_space<vmem>>) dst(%dma_wait3A_444 : memref<1280x128xf32, #tpu.memory_space<vmem_shared>>)
    %dma_wait3A_445 = arith.constant 3 : i32
    %dma_wait3A_446 = arith.constant 7 : i32
    %dma_wait3A_447 = arith.constant 0 : i32
    %dma_wait3A_448 = arith.constant 0 : i32
    %dma_wait3A_449 = tpu.memref_slice %arg9[%dma_wait3A_445, %dma_wait3A_447, %dma_wait3A_448] : memref<4x128x128xf32, #tpu.memory_space<vmem>> -> memref<1x128x128xf32, #tpu.memory_space<vmem>>
    %dma_wait3A_450 = tpu.memref_squeeze %dma_wait3A_449 : memref<1x128x128xf32, #tpu.memory_space<vmem>> -> memref<128x128xf32, #tpu.memory_space<vmem>>
    %dma_wait3A_451 = arith.constant 0 : i32
    %dma_wait3A_452 = tpu.memref_slice %arg8[%dma_wait3A_446, %dma_wait3A_451] : memref<10x128xi32, #tpu.memory_space<vmem>> -> memref<1x128xi32, #tpu.memory_space<vmem>>
    %dma_wait3A_453 = tpu.memref_squeeze %dma_wait3A_452 : memref<1x128xi32, #tpu.memory_space<vmem>> -> memref<128xi32, #tpu.memory_space<vmem>>
    %dma_wait3A_454 = arith.constant 0 : i32
    %dma_wait3A_455 = arith.constant 0 : i32
    %dma_wait3A_456 = tpu.memref_slice %arg11[%dma_wait3A_454, %dma_wait3A_455] : memref<1280x128xf32, #tpu.memory_space<vmem_shared>> -> memref<1280x128xf32, #tpu.memory_space<vmem_shared>>
    tpu.wait_indirect_dma semaphore(%arg15 : memref<!tpu.dma_semaphore, #tpu.memory_space<semaphore_mem>>) src(%dma_wait3A_450 : memref<128x128xf32, #tpu.memory_space<vmem>>) dst(%dma_wait3A_456 : memref<1280x128xf32, #tpu.memory_space<vmem_shared>>)
    %dma_wait3A_457 = arith.constant 0 : i32
    %dma_wait3A_458 = arith.constant 8 : i32
    %dma_wait3A_459 = arith.constant 0 : i32
    %dma_wait3A_460 = arith.constant 0 : i32
    %dma_wait3A_461 = tpu.memref_slice %arg9[%dma_wait3A_457, %dma_wait3A_459, %dma_wait3A_460] : memref<4x128x128xf32, #tpu.memory_space<vmem>> -> memref<1x128x128xf32, #tpu.memory_space<vmem>>
    %dma_wait3A_462 = tpu.memref_squeeze %dma_wait3A_461 : memref<1x128x128xf32, #tpu.memory_space<vmem>> -> memref<128x128xf32, #tpu.memory_space<vmem>>
    %dma_wait3A_463 = arith.constant 0 : i32
    %dma_wait3A_464 = tpu.memref_slice %arg8[%dma_wait3A_458, %dma_wait3A_463] : memref<10x128xi32, #tpu.memory_space<vmem>> -> memref<1x128xi32, #tpu.memory_space<vmem>>
    %dma_wait3A_465 = tpu.memref_squeeze %dma_wait3A_464 : memref<1x128xi32, #tpu.memory_space<vmem>> -> memref<128xi32, #tpu.memory_space<vmem>>
    %dma_wait3A_466 = arith.constant 0 : i32
    %dma_wait3A_467 = arith.constant 0 : i32
    %dma_wait3A_468 = tpu.memref_slice %arg11[%dma_wait3A_466, %dma_wait3A_467] : memref<1280x128xf32, #tpu.memory_space<vmem_shared>> -> memref<1280x128xf32, #tpu.memory_space<vmem_shared>>
    tpu.wait_indirect_dma semaphore(%arg14 : memref<!tpu.dma_semaphore, #tpu.memory_space<semaphore_mem>>) src(%dma_wait3A_462 : memref<128x128xf32, #tpu.memory_space<vmem>>) dst(%dma_wait3A_468 : memref<1280x128xf32, #tpu.memory_space<vmem_shared>>)
    %dma_wait3A_469 = arith.constant 1 : i32
    %dma_wait3A_470 = arith.constant 9 : i32
    %dma_wait3A_471 = arith.constant 0 : i32
    %dma_wait3A_472 = arith.constant 0 : i32
    %dma_wait3A_473 = tpu.memref_slice %arg9[%dma_wait3A_469, %dma_wait3A_471, %dma_wait3A_472] : memref<4x128x128xf32, #tpu.memory_space<vmem>> -> memref<1x128x128xf32, #tpu.memory_space<vmem>>
    %dma_wait3A_474 = tpu.memref_squeeze %dma_wait3A_473 : memref<1x128x128xf32, #tpu.memory_space<vmem>> -> memref<128x128xf32, #tpu.memory_space<vmem>>
    %dma_wait3A_475 = arith.constant 0 : i32
    %dma_wait3A_476 = tpu.memref_slice %arg8[%dma_wait3A_470, %dma_wait3A_475] : memref<10x128xi32, #tpu.memory_space<vmem>> -> memref<1x128xi32, #tpu.memory_space<vmem>>
    %dma_wait3A_477 = tpu.memref_squeeze %dma_wait3A_476 : memref<1x128xi32, #tpu.memory_space<vmem>> -> memref<128xi32, #tpu.memory_space<vmem>>
    %dma_wait3A_478 = arith.constant 0 : i32
    %dma_wait3A_479 = arith.constant 0 : i32
    %dma_wait3A_480 = tpu.memref_slice %arg11[%dma_wait3A_478, %dma_wait3A_479] : memref<1280x128xf32, #tpu.memory_space<vmem_shared>> -> memref<1280x128xf32, #tpu.memory_space<vmem_shared>>
    tpu.wait_indirect_dma semaphore(%arg15 : memref<!tpu.dma_semaphore, #tpu.memory_space<semaphore_mem>>) src(%dma_wait3A_474 : memref<128x128xf32, #tpu.memory_space<vmem>>) dst(%dma_wait3A_480 : memref<1280x128xf32, #tpu.memory_space<vmem_shared>>)
    %barrier3A_481 = arith.constant 0 : index
    tpu.barrier barrier_id(%barrier3A_481)
    "tpu.region"() ({
      %run_scoped3A = tpu.sem_alloc : memref<!tpu.dma_semaphore, #tpu.memory_space<semaphore_mem>>
      %dma_start3A_482 = arith.constant 0 : i32
      %dma_start3A_483 = tpu.memref_slice %arg11[%mul3A_2, %dma_start3A_482] : memref<1280x128xf32, #tpu.memory_space<vmem_shared>> -> memref<80x128xf32, #tpu.memory_space<vmem_shared>>
      %dma_start3A_484 = arith.constant 0 : i32
      %dma_start3A_485 = tpu.memref_slice %arg11[%mul3A_2, %dma_start3A_484] : memref<1280x128xf32, #tpu.memory_space<vmem_shared>> -> memref<80x128xf32, #tpu.memory_space<vmem_shared>>
      tpu.enqueue_dma source(%dma_start3A_485 : memref<80x128xf32, #tpu.memory_space<vmem_shared>>) target(%arg10 : memref<80x128xf32, #tpu.memory_space<vmem>>) target_semaphore(%run_scoped3A : memref<!tpu.dma_semaphore, #tpu.memory_space<semaphore_mem>>)
      %dma_wait3A_486 = arith.constant 0 : i32
      %dma_wait3A_487 = tpu.memref_slice %arg11[%mul3A_2, %dma_wait3A_486] : memref<1280x128xf32, #tpu.memory_space<vmem_shared>> -> memref<80x128xf32, #tpu.memory_space<vmem_shared>>
      %dma_wait3A_488 = arith.constant 0 : i32
      %dma_wait3A_489 = tpu.memref_slice %arg11[%mul3A_2, %dma_wait3A_488] : memref<1280x128xf32, #tpu.memory_space<vmem_shared>> -> memref<80x128xf32, #tpu.memory_space<vmem_shared>>
      tpu.wait_dma2 semaphore(%run_scoped3A : memref<!tpu.dma_semaphore, #tpu.memory_space<semaphore_mem>>) src(%dma_wait3A_489 : memref<80x128xf32, #tpu.memory_space<vmem_shared>>) dst(%arg10 : memref<80x128xf32, #tpu.memory_space<vmem>>)
      tpu.yield
    }) : () -> ()
    "tpu.region"() ({
      %run_scoped3A = tpu.sem_alloc : memref<!tpu.dma_semaphore, #tpu.memory_space<semaphore_mem>>
      %dma_start3A_482 = arith.constant 0 : i32
      %dma_start3A_483 = tpu.memref_slice %arg6[%arg0, %mul3A_2, %dma_start3A_482] : memref<2x1280x128xf32, #tpu.memory_space<hbm>> -> memref<1x80x128xf32, #tpu.memory_space<hbm>>
      %dma_start3A_484 = tpu.memref_squeeze %dma_start3A_483 : memref<1x80x128xf32, #tpu.memory_space<hbm>> -> memref<80x128xf32, #tpu.memory_space<hbm>>
      %dma_start3A_485 = arith.constant 0 : i32
      %dma_start3A_486 = tpu.memref_slice %arg6[%arg0, %mul3A_2, %dma_start3A_485] : memref<2x1280x128xf32, #tpu.memory_space<hbm>> -> memref<1x80x128xf32, #tpu.memory_space<hbm>>
      %dma_start3A_487 = tpu.memref_squeeze %dma_start3A_486 : memref<1x80x128xf32, #tpu.memory_space<hbm>> -> memref<80x128xf32, #tpu.memory_space<hbm>>
      tpu.enqueue_dma source(%arg10 : memref<80x128xf32, #tpu.memory_space<vmem>>) target(%dma_start3A_487 : memref<80x128xf32, #tpu.memory_space<hbm>>) target_semaphore(%run_scoped3A : memref<!tpu.dma_semaphore, #tpu.memory_space<semaphore_mem>>)
      %dma_wait3A_488 = arith.constant 0 : i32
      %dma_wait3A_489 = tpu.memref_slice %arg6[%arg0, %mul3A_2, %dma_wait3A_488] : memref<2x1280x128xf32, #tpu.memory_space<hbm>> -> memref<1x80x128xf32, #tpu.memory_space<hbm>>
      %dma_wait3A_490 = tpu.memref_squeeze %dma_wait3A_489 : memref<1x80x128xf32, #tpu.memory_space<hbm>> -> memref<80x128xf32, #tpu.memory_space<hbm>>
      %dma_wait3A_491 = arith.constant 0 : i32
      %dma_wait3A_492 = tpu.memref_slice %arg6[%arg0, %mul3A_2, %dma_wait3A_491] : memref<2x1280x128xf32, #tpu.memory_space<hbm>> -> memref<1x80x128xf32, #tpu.memory_space<hbm>>
      %dma_wait3A_493 = tpu.memref_squeeze %dma_wait3A_492 : memref<1x80x128xf32, #tpu.memory_space<hbm>> -> memref<80x128xf32, #tpu.memory_space<hbm>>
      tpu.wait_dma2 semaphore(%run_scoped3A : memref<!tpu.dma_semaphore, #tpu.memory_space<semaphore_mem>>) src(%arg10 : memref<80x128xf32, #tpu.memory_space<vmem>>) dst(%dma_wait3A_493 : memref<80x128xf32, #tpu.memory_space<hbm>>)
      tpu.yield
    }) : () -> ()
    return
  }
}

module attributes {stable_mosaic.version = 14 : i64} {
  func.func @_tc_pre_body(%arg0: memref<1280x64xf32, #tpu.memory_space<vmem>>, %arg1: memref<64x64xf32, #tpu.memory_space<vmem>>, %arg2: memref<1x64xf32, #tpu.memory_space<vmem>>, %arg3: memref<1280x128xf32, #tpu.memory_space<vmem>>) attributes {dimension_semantics = [], scalar_prefetch = 0 : i64, scratch_operands = 0 : i64, tpu.core_type = #tpu.core_type<tc>} {
    %get3A = arith.constant 0 : index
    %get3A_0 = arith.constant 0 : index
    %get3A_1 = vector.load %arg0[%get3A, %get3A_0] : memref<1280x64xf32, #tpu.memory_space<vmem>>, vector<1280x64xf32>
    %get3A_2 = arith.constant 0 : index
    %get3A_3 = arith.constant 0 : index
    %get3A_4 = vector.load %arg1[%get3A_2, %get3A_3] : memref<64x64xf32, #tpu.memory_space<vmem>>, vector<64x64xf32>
    %dot_general3A = arith.constant dense<0.000000e+00> : vector<1280x64xf32>
    %dot_general3A_5 = tpu.matmul %get3A_1, %get3A_4, %dot_general3A {dimension_numbers = #tpu.dot_dimension_numbers<[1], [1], [0], [0], [0, 0, 1, 0], [], []>, transpose_lhs_hint = false} : vector<1280x64xf32>, vector<64x64xf32>, vector<1280x64xf32> -> vector<1280x64xf32>
    %get3A_6 = arith.constant 0 : index
    %get3A_7 = arith.constant 0 : index
    %get3A_8 = vector.load %arg2[%get3A_6, %get3A_7] : memref<1x64xf32, #tpu.memory_space<vmem>>, vector<1x64xf32>
    %add3A = vector.broadcast %get3A_8 : vector<1x64xf32> to vector<1280x64xf32>
    %add3A_9 = arith.addf %dot_general3A_5, %add3A : vector<1280x64xf32>
    %iota3A = tpu.iota {dimensions = array<i32: 0>} : vector<1280x1xi32>
    %lt3A = arith.constant 1195 : i32
    %lt3A_10 = vector.broadcast %lt3A : i32 to vector<1280x1xi32>
    %lt3A_11 = arith.cmpi slt, %iota3A, %lt3A_10 : vector<1280x1xi32>
    %convert_element_type3A = arith.extui %lt3A_11 : vector<1280x1xi1> to vector<1280x1xi32>
    %convert_element_type3A_12 = arith.sitofp %convert_element_type3A : vector<1280x1xi32> to vector<1280x1xf32>
    %mul3A = vector.broadcast %convert_element_type3A_12 : vector<1280x1xf32> to vector<1280x64xf32>
    %mul3A_13 = arith.mulf %add3A_9, %mul3A : vector<1280x64xf32>
    %iota3A_14 = tpu.iota {dimensions = array<i32: 1>} : vector<1280x64xi32>
    %eq3A = arith.constant 0 : i32
    %eq3A_15 = vector.broadcast %eq3A : i32 to vector<1280x64xi32>
    %eq3A_16 = arith.cmpi eq, %iota3A_14, %eq3A_15 : vector<1280x64xi32>
    %lt3A_17 = arith.constant 1195 : i32
    %lt3A_18 = vector.broadcast %lt3A_17 : i32 to vector<1280x1xi32>
    %lt3A_19 = arith.cmpi slt, %iota3A, %lt3A_18 : vector<1280x1xi32>
    %and3A = vector.broadcast %lt3A_19 : vector<1280x1xi1> to vector<1280x64xi1>
    %and3A_20 = arith.andi %eq3A_16, %and3A : vector<1280x64xi1>
    %jit3A = arith.constant 1.000000e+00 : f32
    %jit3A_21 = arith.constant 0.000000e+00 : f32
    %broadcast_in_dim3A = vector.broadcast %jit3A : f32 to vector<1280x64xf32>
    %broadcast_in_dim3A_22 = vector.broadcast %jit3A_21 : f32 to vector<1280x64xf32>
    %select_n3A = arith.select %and3A_20, %broadcast_in_dim3A, %broadcast_in_dim3A_22 : vector<1280x64xi1>, vector<1280x64xf32>
    %concatenate3A = tpu.concatenate %select_n3A, %mul3A_13 in 1 : vector<1280x64xf32>, vector<1280x64xf32> -> vector<1280x128xf32>
    %swap3A = arith.constant 0 : index
    %swap3A_23 = arith.constant 0 : index
    %swap3A_24 = vector.load %arg3[%swap3A, %swap3A_23] : memref<1280x128xf32, #tpu.memory_space<vmem>>, vector<1280x128xf32>
    tpu.vector_store %arg3[%swap3A, %swap3A_23], %concatenate3A {strides = array<i32>} : memref<1280x128xf32, #tpu.memory_space<vmem>>, vector<1280x128xf32>,
    return
  }
}

module attributes {stable_mosaic.version = 14 : i64} {
  func.func @_tc_mid_body(%arg0: memref<2x1280x128xf32, #tpu.memory_space<vmem>>, %arg1: memref<64x64xf32, #tpu.memory_space<vmem>>, %arg2: memref<1x64xf32, #tpu.memory_space<vmem>>, %arg3: memref<1280x128xf32, #tpu.memory_space<vmem>>) attributes {dimension_semantics = [], scalar_prefetch = 0 : i64, scratch_operands = 0 : i64, tpu.core_type = #tpu.core_type<tc>} {
    %get3A = arith.constant 0 : index
    %get3A_0 = arith.constant 0 : index
    %get3A_1 = arith.constant 0 : index
    %get3A_2 = vector.load %arg0[%get3A, %get3A_0, %get3A_1] : memref<2x1280x128xf32, #tpu.memory_space<vmem>>, vector<2x1280x128xf32>
    %slice3A = vector.extract_strided_slice %get3A_2 {offsets = [0, 0, 0], sizes = [1, 1280, 128], strides = [1, 1, 1]} : vector<2x1280x128xf32> to vector<1x1280x128xf32>
    %squeeze3A = vector.shape_cast %slice3A : vector<1x1280x128xf32> to vector<1280x128xf32>
    %slice3A_3 = vector.extract_strided_slice %get3A_2 {offsets = [1, 0, 0], sizes = [1, 1280, 128], strides = [1, 1, 1]} : vector<2x1280x128xf32> to vector<1x1280x128xf32>
    %squeeze3A_4 = vector.shape_cast %slice3A_3 : vector<1x1280x128xf32> to vector<1280x128xf32>
    %add3A = arith.addf %squeeze3A, %squeeze3A_4 : vector<1280x128xf32>
    %slice3A_5 = vector.extract_strided_slice %add3A {offsets = [0, 0], sizes = [1280, 1], strides = [1, 1]} : vector<1280x128xf32> to vector<1280x1xf32>
    %slice3A_6 = vector.extract_strided_slice %add3A {offsets = [0, 64], sizes = [1280, 64], strides = [1, 1]} : vector<1280x128xf32> to vector<1280x64xf32>
    %max3A = arith.constant 1.000000e+00 : f32
    %max3A_7 = vector.broadcast %max3A : f32 to vector<1280x1xf32>
    %max3A_8 = arith.maximumf %slice3A_5, %max3A_7 : vector<1280x1xf32>
    %div3A = vector.broadcast %max3A_8 : vector<1280x1xf32> to vector<1280x64xf32>
    %div3A_9 = arith.divf %slice3A_6, %div3A : vector<1280x64xf32>
    %tanh3A = math.tanh %div3A_9 : vector<1280x64xf32>
    %get3A_10 = arith.constant 0 : index
    %get3A_11 = arith.constant 0 : index
    %get3A_12 = vector.load %arg1[%get3A_10, %get3A_11] : memref<64x64xf32, #tpu.memory_space<vmem>>, vector<64x64xf32>
    %dot_general3A = arith.constant dense<0.000000e+00> : vector<1280x64xf32>
    %dot_general3A_13 = tpu.matmul %tanh3A, %get3A_12, %dot_general3A {dimension_numbers = #tpu.dot_dimension_numbers<[1], [1], [0], [0], [0, 0, 1, 0], [], []>, transpose_lhs_hint = false} : vector<1280x64xf32>, vector<64x64xf32>, vector<1280x64xf32> -> vector<1280x64xf32>
    %get3A_14 = arith.constant 0 : index
    %get3A_15 = arith.constant 0 : index
    %get3A_16 = vector.load %arg2[%get3A_14, %get3A_15] : memref<1x64xf32, #tpu.memory_space<vmem>>, vector<1x64xf32>
    %add3A_17 = vector.broadcast %get3A_16 : vector<1x64xf32> to vector<1280x64xf32>
    %add3A_18 = arith.addf %dot_general3A_13, %add3A_17 : vector<1280x64xf32>
    %iota3A = tpu.iota {dimensions = array<i32: 0>} : vector<1280x1xi32>
    %lt3A = arith.constant 1195 : i32
    %lt3A_19 = vector.broadcast %lt3A : i32 to vector<1280x1xi32>
    %lt3A_20 = arith.cmpi slt, %iota3A, %lt3A_19 : vector<1280x1xi32>
    %convert_element_type3A = arith.extui %lt3A_20 : vector<1280x1xi1> to vector<1280x1xi32>
    %convert_element_type3A_21 = arith.sitofp %convert_element_type3A : vector<1280x1xi32> to vector<1280x1xf32>
    %mul3A = vector.broadcast %convert_element_type3A_21 : vector<1280x1xf32> to vector<1280x64xf32>
    %mul3A_22 = arith.mulf %add3A_18, %mul3A : vector<1280x64xf32>
    %iota3A_23 = tpu.iota {dimensions = array<i32: 1>} : vector<1280x64xi32>
    %eq3A = arith.constant 0 : i32
    %eq3A_24 = vector.broadcast %eq3A : i32 to vector<1280x64xi32>
    %eq3A_25 = arith.cmpi eq, %iota3A_23, %eq3A_24 : vector<1280x64xi32>
    %lt3A_26 = arith.constant 1195 : i32
    %lt3A_27 = vector.broadcast %lt3A_26 : i32 to vector<1280x1xi32>
    %lt3A_28 = arith.cmpi slt, %iota3A, %lt3A_27 : vector<1280x1xi32>
    %and3A = vector.broadcast %lt3A_28 : vector<1280x1xi1> to vector<1280x64xi1>
    %and3A_29 = arith.andi %eq3A_25, %and3A : vector<1280x64xi1>
    %jit3A = arith.constant 1.000000e+00 : f32
    %jit3A_30 = arith.constant 0.000000e+00 : f32
    %broadcast_in_dim3A = vector.broadcast %jit3A : f32 to vector<1280x64xf32>
    %broadcast_in_dim3A_31 = vector.broadcast %jit3A_30 : f32 to vector<1280x64xf32>
    %select_n3A = arith.select %and3A_29, %broadcast_in_dim3A, %broadcast_in_dim3A_31 : vector<1280x64xi1>, vector<1280x64xf32>
    %concatenate3A = tpu.concatenate %select_n3A, %mul3A_22 in 1 : vector<1280x64xf32>, vector<1280x64xf32> -> vector<1280x128xf32>
    %swap3A = arith.constant 0 : index
    %swap3A_32 = arith.constant 0 : index
    %swap3A_33 = vector.load %arg3[%swap3A, %swap3A_32] : memref<1280x128xf32, #tpu.memory_space<vmem>>, vector<1280x128xf32>
    tpu.vector_store %arg3[%swap3A, %swap3A_32], %concatenate3A {strides = array<i32>} : memref<1280x128xf32, #tpu.memory_space<vmem>>, vector<1280x128xf32>,
    return
  }
}

module attributes {stable_mosaic.version = 14 : i64} {
  func.func @_tc_final_body(%arg0: memref<2x1280x128xf32, #tpu.memory_space<vmem>>, %arg1: memref<1280x64xf32, #tpu.memory_space<vmem>>, %arg2: memref<1024x390xf32, #tpu.memory_space<vmem>>, %arg3: memref<64x64xf32, #tpu.memory_space<vmem>>, %arg4: memref<1x64xf32, #tpu.memory_space<vmem>>, %arg5: memref<1x64xf32, #tpu.memory_space<vmem>>, %arg6: memref<1x64xf32, #tpu.memory_space<vmem>>, %arg7: memref<1024x805xf32, #tpu.memory_space<vmem>>) attributes {dimension_semantics = [], scalar_prefetch = 0 : i64, scratch_operands = 0 : i64, tpu.core_type = #tpu.core_type<tc>} {
    %get3A = arith.constant 0 : index
    %get3A_0 = arith.constant 0 : index
    %get3A_1 = arith.constant 0 : index
    %get3A_2 = vector.load %arg0[%get3A, %get3A_0, %get3A_1] : memref<2x1280x128xf32, #tpu.memory_space<vmem>>, vector<2x1280x128xf32>
    %slice3A = vector.extract_strided_slice %get3A_2 {offsets = [0, 0, 0], sizes = [1, 1280, 128], strides = [1, 1, 1]} : vector<2x1280x128xf32> to vector<1x1280x128xf32>
    %squeeze3A = vector.shape_cast %slice3A : vector<1x1280x128xf32> to vector<1280x128xf32>
    %slice3A_3 = vector.extract_strided_slice %get3A_2 {offsets = [1, 0, 0], sizes = [1, 1280, 128], strides = [1, 1, 1]} : vector<2x1280x128xf32> to vector<1x1280x128xf32>
    %squeeze3A_4 = vector.shape_cast %slice3A_3 : vector<1x1280x128xf32> to vector<1280x128xf32>
    %add3A = arith.addf %squeeze3A, %squeeze3A_4 : vector<1280x128xf32>
    %slice3A_5 = vector.extract_strided_slice %add3A {offsets = [0, 0], sizes = [1280, 1], strides = [1, 1]} : vector<1280x128xf32> to vector<1280x1xf32>
    %slice3A_6 = vector.extract_strided_slice %add3A {offsets = [0, 64], sizes = [1280, 64], strides = [1, 1]} : vector<1280x128xf32> to vector<1280x64xf32>
    %max3A = arith.constant 1.000000e+00 : f32
    %max3A_7 = vector.broadcast %max3A : f32 to vector<1280x1xf32>
    %max3A_8 = arith.maximumf %slice3A_5, %max3A_7 : vector<1280x1xf32>
    %div3A = vector.broadcast %max3A_8 : vector<1280x1xf32> to vector<1280x64xf32>
    %div3A_9 = arith.divf %slice3A_6, %div3A : vector<1280x64xf32>
    %tanh3A = math.tanh %div3A_9 : vector<1280x64xf32>
    %transpose3A = tpu.transpose %tanh3A, [1, 0] : vector<1280x64xf32> -> vector<64x1280xf32>
    %get3A_10 = arith.constant 0 : index
    %get3A_11 = arith.constant 0 : index
    %get3A_12 = vector.load %arg1[%get3A_10, %get3A_11] : memref<1280x64xf32, #tpu.memory_space<vmem>>, vector<1280x64xf32>
    %transpose3A_13 = tpu.transpose %get3A_12, [1, 0] : vector<1280x64xf32> -> vector<64x1280xf32>
    %slice3A_14 = vector.extract_strided_slice %transpose3A_13 {offsets = [0, 0], sizes = [64, 805], strides = [1, 1]} : vector<64x1280xf32> to vector<64x805xf32>
    %mul3A = arith.mulf %slice3A_14, %slice3A_14 : vector<64x805xf32>
    %reduce_sum3A = arith.constant dense<0.000000e+00> : vector<805xf32>
    %reduce_sum3A_15 = vector.multi_reduction <add>, %mul3A, %reduce_sum3A [0] : vector<64x805xf32> to vector<805xf32>
    %broadcast_in_dim3A = vector.shape_cast %reduce_sum3A_15 : vector<805xf32> to vector<1x805xf32>
    %sqrt3A = math.sqrt %broadcast_in_dim3A : vector<1x805xf32>
    %max3A_16 = arith.constant 9.99999996E-13 : f32
    %max3A_17 = vector.broadcast %max3A_16 : f32 to vector<1x805xf32>
    %max3A_18 = arith.maximumf %sqrt3A, %max3A_17 : vector<1x805xf32>
    %div3A_19 = vector.broadcast %max3A_18 : vector<1x805xf32> to vector<64x805xf32>
    %div3A_20 = arith.divf %slice3A_14, %div3A_19 : vector<64x805xf32>
    %slice3A_21 = vector.extract_strided_slice %transpose3A_13 {offsets = [0, 805], sizes = [64, 390], strides = [1, 1]} : vector<64x1280xf32> to vector<64x390xf32>
    %mul3A_22 = arith.mulf %slice3A_21, %slice3A_21 : vector<64x390xf32>
    %reduce_sum3A_23 = arith.constant dense<0.000000e+00> : vector<390xf32>
    %reduce_sum3A_24 = vector.multi_reduction <add>, %mul3A_22, %reduce_sum3A_23 [0] : vector<64x390xf32> to vector<390xf32>
    %broadcast_in_dim3A_25 = vector.shape_cast %reduce_sum3A_24 : vector<390xf32> to vector<1x390xf32>
    %sqrt3A_26 = math.sqrt %broadcast_in_dim3A_25 : vector<1x390xf32>
    %max3A_27 = arith.constant 9.99999996E-13 : f32
    %max3A_28 = vector.broadcast %max3A_27 : f32 to vector<1x390xf32>
    %max3A_29 = arith.maximumf %sqrt3A_26, %max3A_28 : vector<1x390xf32>
    %div3A_30 = vector.broadcast %max3A_29 : vector<1x390xf32> to vector<64x390xf32>
    %div3A_31 = arith.divf %slice3A_21, %div3A_30 : vector<64x390xf32>
    %slice3A_32 = vector.extract_strided_slice %transpose3A {offsets = [0, 0], sizes = [64, 805], strides = [1, 1]} : vector<64x1280xf32> to vector<64x805xf32>
    %slice3A_33 = vector.extract_strided_slice %slice3A_32 {offsets = [0, 0], sizes = [64, 20], strides = [1, 1]} : vector<64x805xf32> to vector<64x20xf32>
    %iota3A = tpu.iota {dimensions = array<i32: 0>} : vector<20x1xi32>
    %broadcast_in_dim3A_34 = arith.constant 1.000000e+00 : f32
    %broadcast_in_dim3A_35 = vector.broadcast %broadcast_in_dim3A_34 : f32 to vector<1x805xf32>
    %broadcast_in_dim3A_36 = arith.constant 0x7F800000 : f32
    %broadcast_in_dim3A_37 = vector.broadcast %broadcast_in_dim3A_36 : f32 to vector<1x805xf32>
    %broadcast_in_dim3A_38 = arith.constant 0 : i32
    %broadcast_in_dim3A_39 = vector.broadcast %broadcast_in_dim3A_38 : i32 to vector<1x805xi32>
    %slice3A_40 = vector.extract_strided_slice %slice3A_33 {offsets = [0, 0], sizes = [64, 1], strides = [1, 1]} : vector<64x20xf32> to vector<64x1xf32>
    %sub3A = vector.broadcast %slice3A_40 : vector<64x1xf32> to vector<64x805xf32>
    %sub3A_41 = arith.subf %slice3A_32, %sub3A : vector<64x805xf32>
    %mul3A_42 = arith.mulf %sub3A_41, %sub3A_41 : vector<64x805xf32>
    %reduce_sum3A_43 = arith.constant dense<0.000000e+00> : vector<805xf32>
    %reduce_sum3A_44 = vector.multi_reduction <add>, %mul3A_42, %reduce_sum3A_43 [0] : vector<64x805xf32> to vector<805xf32>
    %broadcast_in_dim3A_45 = vector.shape_cast %reduce_sum3A_44 : vector<805xf32> to vector<1x805xf32>
    %lt3A = arith.cmpf olt, %broadcast_in_dim3A_45, %broadcast_in_dim3A_37 : vector<1x805xf32>
    %select_n3A = arith.select %lt3A, %broadcast_in_dim3A_45, %broadcast_in_dim3A_37 : vector<1x805xi1>, vector<1x805xf32>
    %jit3A = arith.constant 0 : i32
    %broadcast_in_dim3A_46 = vector.broadcast %jit3A : i32 to vector<1x805xi32>
    %select_n3A_47 = arith.select %lt3A, %broadcast_in_dim3A_46, %broadcast_in_dim3A_39 : vector<1x805xi1>, vector<1x805xi32>
    %slice3A_48 = vector.extract_strided_slice %slice3A_33 {offsets = [0, 1], sizes = [64, 1], strides = [1, 1]} : vector<64x20xf32> to vector<64x1xf32>
    %sub3A_49 = vector.broadcast %slice3A_48 : vector<64x1xf32> to vector<64x805xf32>
    %sub3A_50 = arith.subf %slice3A_32, %sub3A_49 : vector<64x805xf32>
    %mul3A_51 = arith.mulf %sub3A_50, %sub3A_50 : vector<64x805xf32>
    %reduce_sum3A_52 = arith.constant dense<0.000000e+00> : vector<805xf32>
    %reduce_sum3A_53 = vector.multi_reduction <add>, %mul3A_51, %reduce_sum3A_52 [0] : vector<64x805xf32> to vector<805xf32>
    %broadcast_in_dim3A_54 = vector.shape_cast %reduce_sum3A_53 : vector<805xf32> to vector<1x805xf32>
    %lt3A_55 = arith.cmpf olt, %broadcast_in_dim3A_54, %select_n3A : vector<1x805xf32>
    %select_n3A_56 = arith.select %lt3A_55, %broadcast_in_dim3A_54, %select_n3A : vector<1x805xi1>, vector<1x805xf32>
    %jit3A_57 = arith.constant 1 : i32
    %broadcast_in_dim3A_58 = vector.broadcast %jit3A_57 : i32 to vector<1x805xi32>
    %select_n3A_59 = arith.select %lt3A_55, %broadcast_in_dim3A_58, %select_n3A_47 : vector<1x805xi1>, vector<1x805xi32>
    %slice3A_60 = vector.extract_strided_slice %slice3A_33 {offsets = [0, 2], sizes = [64, 1], strides = [1, 1]} : vector<64x20xf32> to vector<64x1xf32>
    %sub3A_61 = vector.broadcast %slice3A_60 : vector<64x1xf32> to vector<64x805xf32>
    %sub3A_62 = arith.subf %slice3A_32, %sub3A_61 : vector<64x805xf32>
    %mul3A_63 = arith.mulf %sub3A_62, %sub3A_62 : vector<64x805xf32>
    %reduce_sum3A_64 = arith.constant dense<0.000000e+00> : vector<805xf32>
    %reduce_sum3A_65 = vector.multi_reduction <add>, %mul3A_63, %reduce_sum3A_64 [0] : vector<64x805xf32> to vector<805xf32>
    %broadcast_in_dim3A_66 = vector.shape_cast %reduce_sum3A_65 : vector<805xf32> to vector<1x805xf32>
    %lt3A_67 = arith.cmpf olt, %broadcast_in_dim3A_66, %select_n3A_56 : vector<1x805xf32>
    %select_n3A_68 = arith.select %lt3A_67, %broadcast_in_dim3A_66, %select_n3A_56 : vector<1x805xi1>, vector<1x805xf32>
    %jit3A_69 = arith.constant 2 : i32
    %broadcast_in_dim3A_70 = vector.broadcast %jit3A_69 : i32 to vector<1x805xi32>
    %select_n3A_71 = arith.select %lt3A_67, %broadcast_in_dim3A_70, %select_n3A_59 : vector<1x805xi1>, vector<1x805xi32>
    %slice3A_72 = vector.extract_strided_slice %slice3A_33 {offsets = [0, 3], sizes = [64, 1], strides = [1, 1]} : vector<64x20xf32> to vector<64x1xf32>
    %sub3A_73 = vector.broadcast %slice3A_72 : vector<64x1xf32> to vector<64x805xf32>
    %sub3A_74 = arith.subf %slice3A_32, %sub3A_73 : vector<64x805xf32>
    %mul3A_75 = arith.mulf %sub3A_74, %sub3A_74 : vector<64x805xf32>
    %reduce_sum3A_76 = arith.constant dense<0.000000e+00> : vector<805xf32>
    %reduce_sum3A_77 = vector.multi_reduction <add>, %mul3A_75, %reduce_sum3A_76 [0] : vector<64x805xf32> to vector<805xf32>
    %broadcast_in_dim3A_78 = vector.shape_cast %reduce_sum3A_77 : vector<805xf32> to vector<1x805xf32>
    %lt3A_79 = arith.cmpf olt, %broadcast_in_dim3A_78, %select_n3A_68 : vector<1x805xf32>
    %select_n3A_80 = arith.select %lt3A_79, %broadcast_in_dim3A_78, %select_n3A_68 : vector<1x805xi1>, vector<1x805xf32>
    %jit3A_81 = arith.constant 3 : i32
    %broadcast_in_dim3A_82 = vector.broadcast %jit3A_81 : i32 to vector<1x805xi32>
    %select_n3A_83 = arith.select %lt3A_79, %broadcast_in_dim3A_82, %select_n3A_71 : vector<1x805xi1>, vector<1x805xi32>
    %slice3A_84 = vector.extract_strided_slice %slice3A_33 {offsets = [0, 4], sizes = [64, 1], strides = [1, 1]} : vector<64x20xf32> to vector<64x1xf32>
    %sub3A_85 = vector.broadcast %slice3A_84 : vector<64x1xf32> to vector<64x805xf32>
    %sub3A_86 = arith.subf %slice3A_32, %sub3A_85 : vector<64x805xf32>
    %mul3A_87 = arith.mulf %sub3A_86, %sub3A_86 : vector<64x805xf32>
    %reduce_sum3A_88 = arith.constant dense<0.000000e+00> : vector<805xf32>
    %reduce_sum3A_89 = vector.multi_reduction <add>, %mul3A_87, %reduce_sum3A_88 [0] : vector<64x805xf32> to vector<805xf32>
    %broadcast_in_dim3A_90 = vector.shape_cast %reduce_sum3A_89 : vector<805xf32> to vector<1x805xf32>
    %lt3A_91 = arith.cmpf olt, %broadcast_in_dim3A_90, %select_n3A_80 : vector<1x805xf32>
    %select_n3A_92 = arith.select %lt3A_91, %broadcast_in_dim3A_90, %select_n3A_80 : vector<1x805xi1>, vector<1x805xf32>
    %jit3A_93 = arith.constant 4 : i32
    %broadcast_in_dim3A_94 = vector.broadcast %jit3A_93 : i32 to vector<1x805xi32>
    %select_n3A_95 = arith.select %lt3A_91, %broadcast_in_dim3A_94, %select_n3A_83 : vector<1x805xi1>, vector<1x805xi32>
    %slice3A_96 = vector.extract_strided_slice %slice3A_33 {offsets = [0, 5], sizes = [64, 1], strides = [1, 1]} : vector<64x20xf32> to vector<64x1xf32>
    %sub3A_97 = vector.broadcast %slice3A_96 : vector<64x1xf32> to vector<64x805xf32>
    %sub3A_98 = arith.subf %slice3A_32, %sub3A_97 : vector<64x805xf32>
    %mul3A_99 = arith.mulf %sub3A_98, %sub3A_98 : vector<64x805xf32>
    %reduce_sum3A_100 = arith.constant dense<0.000000e+00> : vector<805xf32>
    %reduce_sum3A_101 = vector.multi_reduction <add>, %mul3A_99, %reduce_sum3A_100 [0] : vector<64x805xf32> to vector<805xf32>
    %broadcast_in_dim3A_102 = vector.shape_cast %reduce_sum3A_101 : vector<805xf32> to vector<1x805xf32>
    %lt3A_103 = arith.cmpf olt, %broadcast_in_dim3A_102, %select_n3A_92 : vector<1x805xf32>
    %select_n3A_104 = arith.select %lt3A_103, %broadcast_in_dim3A_102, %select_n3A_92 : vector<1x805xi1>, vector<1x805xf32>
    %jit3A_105 = arith.constant 5 : i32
    %broadcast_in_dim3A_106 = vector.broadcast %jit3A_105 : i32 to vector<1x805xi32>
    %select_n3A_107 = arith.select %lt3A_103, %broadcast_in_dim3A_106, %select_n3A_95 : vector<1x805xi1>, vector<1x805xi32>
    %slice3A_108 = vector.extract_strided_slice %slice3A_33 {offsets = [0, 6], sizes = [64, 1], strides = [1, 1]} : vector<64x20xf32> to vector<64x1xf32>
    %sub3A_109 = vector.broadcast %slice3A_108 : vector<64x1xf32> to vector<64x805xf32>
    %sub3A_110 = arith.subf %slice3A_32, %sub3A_109 : vector<64x805xf32>
    %mul3A_111 = arith.mulf %sub3A_110, %sub3A_110 : vector<64x805xf32>
    %reduce_sum3A_112 = arith.constant dense<0.000000e+00> : vector<805xf32>
    %reduce_sum3A_113 = vector.multi_reduction <add>, %mul3A_111, %reduce_sum3A_112 [0] : vector<64x805xf32> to vector<805xf32>
    %broadcast_in_dim3A_114 = vector.shape_cast %reduce_sum3A_113 : vector<805xf32> to vector<1x805xf32>
    %lt3A_115 = arith.cmpf olt, %broadcast_in_dim3A_114, %select_n3A_104 : vector<1x805xf32>
    %select_n3A_116 = arith.select %lt3A_115, %broadcast_in_dim3A_114, %select_n3A_104 : vector<1x805xi1>, vector<1x805xf32>
    %jit3A_117 = arith.constant 6 : i32
    %broadcast_in_dim3A_118 = vector.broadcast %jit3A_117 : i32 to vector<1x805xi32>
    %select_n3A_119 = arith.select %lt3A_115, %broadcast_in_dim3A_118, %select_n3A_107 : vector<1x805xi1>, vector<1x805xi32>
    %slice3A_120 = vector.extract_strided_slice %slice3A_33 {offsets = [0, 7], sizes = [64, 1], strides = [1, 1]} : vector<64x20xf32> to vector<64x1xf32>
    %sub3A_121 = vector.broadcast %slice3A_120 : vector<64x1xf32> to vector<64x805xf32>
    %sub3A_122 = arith.subf %slice3A_32, %sub3A_121 : vector<64x805xf32>
    %mul3A_123 = arith.mulf %sub3A_122, %sub3A_122 : vector<64x805xf32>
    %reduce_sum3A_124 = arith.constant dense<0.000000e+00> : vector<805xf32>
    %reduce_sum3A_125 = vector.multi_reduction <add>, %mul3A_123, %reduce_sum3A_124 [0] : vector<64x805xf32> to vector<805xf32>
    %broadcast_in_dim3A_126 = vector.shape_cast %reduce_sum3A_125 : vector<805xf32> to vector<1x805xf32>
    %lt3A_127 = arith.cmpf olt, %broadcast_in_dim3A_126, %select_n3A_116 : vector<1x805xf32>
    %select_n3A_128 = arith.select %lt3A_127, %broadcast_in_dim3A_126, %select_n3A_116 : vector<1x805xi1>, vector<1x805xf32>
    %jit3A_129 = arith.constant 7 : i32
    %broadcast_in_dim3A_130 = vector.broadcast %jit3A_129 : i32 to vector<1x805xi32>
    %select_n3A_131 = arith.select %lt3A_127, %broadcast_in_dim3A_130, %select_n3A_119 : vector<1x805xi1>, vector<1x805xi32>
    %slice3A_132 = vector.extract_strided_slice %slice3A_33 {offsets = [0, 8], sizes = [64, 1], strides = [1, 1]} : vector<64x20xf32> to vector<64x1xf32>
    %sub3A_133 = vector.broadcast %slice3A_132 : vector<64x1xf32> to vector<64x805xf32>
    %sub3A_134 = arith.subf %slice3A_32, %sub3A_133 : vector<64x805xf32>
    %mul3A_135 = arith.mulf %sub3A_134, %sub3A_134 : vector<64x805xf32>
    %reduce_sum3A_136 = arith.constant dense<0.000000e+00> : vector<805xf32>
    %reduce_sum3A_137 = vector.multi_reduction <add>, %mul3A_135, %reduce_sum3A_136 [0] : vector<64x805xf32> to vector<805xf32>
    %broadcast_in_dim3A_138 = vector.shape_cast %reduce_sum3A_137 : vector<805xf32> to vector<1x805xf32>
    %lt3A_139 = arith.cmpf olt, %broadcast_in_dim3A_138, %select_n3A_128 : vector<1x805xf32>
    %select_n3A_140 = arith.select %lt3A_139, %broadcast_in_dim3A_138, %select_n3A_128 : vector<1x805xi1>, vector<1x805xf32>
    %jit3A_141 = arith.constant 8 : i32
    %broadcast_in_dim3A_142 = vector.broadcast %jit3A_141 : i32 to vector<1x805xi32>
    %select_n3A_143 = arith.select %lt3A_139, %broadcast_in_dim3A_142, %select_n3A_131 : vector<1x805xi1>, vector<1x805xi32>
    %slice3A_144 = vector.extract_strided_slice %slice3A_33 {offsets = [0, 9], sizes = [64, 1], strides = [1, 1]} : vector<64x20xf32> to vector<64x1xf32>
    %sub3A_145 = vector.broadcast %slice3A_144 : vector<64x1xf32> to vector<64x805xf32>
    %sub3A_146 = arith.subf %slice3A_32, %sub3A_145 : vector<64x805xf32>
    %mul3A_147 = arith.mulf %sub3A_146, %sub3A_146 : vector<64x805xf32>
    %reduce_sum3A_148 = arith.constant dense<0.000000e+00> : vector<805xf32>
    %reduce_sum3A_149 = vector.multi_reduction <add>, %mul3A_147, %reduce_sum3A_148 [0] : vector<64x805xf32> to vector<805xf32>
    %broadcast_in_dim3A_150 = vector.shape_cast %reduce_sum3A_149 : vector<805xf32> to vector<1x805xf32>
    %lt3A_151 = arith.cmpf olt, %broadcast_in_dim3A_150, %select_n3A_140 : vector<1x805xf32>
    %select_n3A_152 = arith.select %lt3A_151, %broadcast_in_dim3A_150, %select_n3A_140 : vector<1x805xi1>, vector<1x805xf32>
    %jit3A_153 = arith.constant 9 : i32
    %broadcast_in_dim3A_154 = vector.broadcast %jit3A_153 : i32 to vector<1x805xi32>
    %select_n3A_155 = arith.select %lt3A_151, %broadcast_in_dim3A_154, %select_n3A_143 : vector<1x805xi1>, vector<1x805xi32>
    %slice3A_156 = vector.extract_strided_slice %slice3A_33 {offsets = [0, 10], sizes = [64, 1], strides = [1, 1]} : vector<64x20xf32> to vector<64x1xf32>
    %sub3A_157 = vector.broadcast %slice3A_156 : vector<64x1xf32> to vector<64x805xf32>
    %sub3A_158 = arith.subf %slice3A_32, %sub3A_157 : vector<64x805xf32>
    %mul3A_159 = arith.mulf %sub3A_158, %sub3A_158 : vector<64x805xf32>
    %reduce_sum3A_160 = arith.constant dense<0.000000e+00> : vector<805xf32>
    %reduce_sum3A_161 = vector.multi_reduction <add>, %mul3A_159, %reduce_sum3A_160 [0] : vector<64x805xf32> to vector<805xf32>
    %broadcast_in_dim3A_162 = vector.shape_cast %reduce_sum3A_161 : vector<805xf32> to vector<1x805xf32>
    %lt3A_163 = arith.cmpf olt, %broadcast_in_dim3A_162, %select_n3A_152 : vector<1x805xf32>
    %select_n3A_164 = arith.select %lt3A_163, %broadcast_in_dim3A_162, %select_n3A_152 : vector<1x805xi1>, vector<1x805xf32>
    %jit3A_165 = arith.constant 10 : i32
    %broadcast_in_dim3A_166 = vector.broadcast %jit3A_165 : i32 to vector<1x805xi32>
    %select_n3A_167 = arith.select %lt3A_163, %broadcast_in_dim3A_166, %select_n3A_155 : vector<1x805xi1>, vector<1x805xi32>
    %slice3A_168 = vector.extract_strided_slice %slice3A_33 {offsets = [0, 11], sizes = [64, 1], strides = [1, 1]} : vector<64x20xf32> to vector<64x1xf32>
    %sub3A_169 = vector.broadcast %slice3A_168 : vector<64x1xf32> to vector<64x805xf32>
    %sub3A_170 = arith.subf %slice3A_32, %sub3A_169 : vector<64x805xf32>
    %mul3A_171 = arith.mulf %sub3A_170, %sub3A_170 : vector<64x805xf32>
    %reduce_sum3A_172 = arith.constant dense<0.000000e+00> : vector<805xf32>
    %reduce_sum3A_173 = vector.multi_reduction <add>, %mul3A_171, %reduce_sum3A_172 [0] : vector<64x805xf32> to vector<805xf32>
    %broadcast_in_dim3A_174 = vector.shape_cast %reduce_sum3A_173 : vector<805xf32> to vector<1x805xf32>
    %lt3A_175 = arith.cmpf olt, %broadcast_in_dim3A_174, %select_n3A_164 : vector<1x805xf32>
    %select_n3A_176 = arith.select %lt3A_175, %broadcast_in_dim3A_174, %select_n3A_164 : vector<1x805xi1>, vector<1x805xf32>
    %jit3A_177 = arith.constant 11 : i32
    %broadcast_in_dim3A_178 = vector.broadcast %jit3A_177 : i32 to vector<1x805xi32>
    %select_n3A_179 = arith.select %lt3A_175, %broadcast_in_dim3A_178, %select_n3A_167 : vector<1x805xi1>, vector<1x805xi32>
    %slice3A_180 = vector.extract_strided_slice %slice3A_33 {offsets = [0, 12], sizes = [64, 1], strides = [1, 1]} : vector<64x20xf32> to vector<64x1xf32>
    %sub3A_181 = vector.broadcast %slice3A_180 : vector<64x1xf32> to vector<64x805xf32>
    %sub3A_182 = arith.subf %slice3A_32, %sub3A_181 : vector<64x805xf32>
    %mul3A_183 = arith.mulf %sub3A_182, %sub3A_182 : vector<64x805xf32>
    %reduce_sum3A_184 = arith.constant dense<0.000000e+00> : vector<805xf32>
    %reduce_sum3A_185 = vector.multi_reduction <add>, %mul3A_183, %reduce_sum3A_184 [0] : vector<64x805xf32> to vector<805xf32>
    %broadcast_in_dim3A_186 = vector.shape_cast %reduce_sum3A_185 : vector<805xf32> to vector<1x805xf32>
    %lt3A_187 = arith.cmpf olt, %broadcast_in_dim3A_186, %select_n3A_176 : vector<1x805xf32>
    %select_n3A_188 = arith.select %lt3A_187, %broadcast_in_dim3A_186, %select_n3A_176 : vector<1x805xi1>, vector<1x805xf32>
    %jit3A_189 = arith.constant 12 : i32
    %broadcast_in_dim3A_190 = vector.broadcast %jit3A_189 : i32 to vector<1x805xi32>
    %select_n3A_191 = arith.select %lt3A_187, %broadcast_in_dim3A_190, %select_n3A_179 : vector<1x805xi1>, vector<1x805xi32>
    %slice3A_192 = vector.extract_strided_slice %slice3A_33 {offsets = [0, 13], sizes = [64, 1], strides = [1, 1]} : vector<64x20xf32> to vector<64x1xf32>
    %sub3A_193 = vector.broadcast %slice3A_192 : vector<64x1xf32> to vector<64x805xf32>
    %sub3A_194 = arith.subf %slice3A_32, %sub3A_193 : vector<64x805xf32>
    %mul3A_195 = arith.mulf %sub3A_194, %sub3A_194 : vector<64x805xf32>
    %reduce_sum3A_196 = arith.constant dense<0.000000e+00> : vector<805xf32>
    %reduce_sum3A_197 = vector.multi_reduction <add>, %mul3A_195, %reduce_sum3A_196 [0] : vector<64x805xf32> to vector<805xf32>
    %broadcast_in_dim3A_198 = vector.shape_cast %reduce_sum3A_197 : vector<805xf32> to vector<1x805xf32>
    %lt3A_199 = arith.cmpf olt, %broadcast_in_dim3A_198, %select_n3A_188 : vector<1x805xf32>
    %select_n3A_200 = arith.select %lt3A_199, %broadcast_in_dim3A_198, %select_n3A_188 : vector<1x805xi1>, vector<1x805xf32>
    %jit3A_201 = arith.constant 13 : i32
    %broadcast_in_dim3A_202 = vector.broadcast %jit3A_201 : i32 to vector<1x805xi32>
    %select_n3A_203 = arith.select %lt3A_199, %broadcast_in_dim3A_202, %select_n3A_191 : vector<1x805xi1>, vector<1x805xi32>
    %slice3A_204 = vector.extract_strided_slice %slice3A_33 {offsets = [0, 14], sizes = [64, 1], strides = [1, 1]} : vector<64x20xf32> to vector<64x1xf32>
    %sub3A_205 = vector.broadcast %slice3A_204 : vector<64x1xf32> to vector<64x805xf32>
    %sub3A_206 = arith.subf %slice3A_32, %sub3A_205 : vector<64x805xf32>
    %mul3A_207 = arith.mulf %sub3A_206, %sub3A_206 : vector<64x805xf32>
    %reduce_sum3A_208 = arith.constant dense<0.000000e+00> : vector<805xf32>
    %reduce_sum3A_209 = vector.multi_reduction <add>, %mul3A_207, %reduce_sum3A_208 [0] : vector<64x805xf32> to vector<805xf32>
    %broadcast_in_dim3A_210 = vector.shape_cast %reduce_sum3A_209 : vector<805xf32> to vector<1x805xf32>
    %lt3A_211 = arith.cmpf olt, %broadcast_in_dim3A_210, %select_n3A_200 : vector<1x805xf32>
    %select_n3A_212 = arith.select %lt3A_211, %broadcast_in_dim3A_210, %select_n3A_200 : vector<1x805xi1>, vector<1x805xf32>
    %jit3A_213 = arith.constant 14 : i32
    %broadcast_in_dim3A_214 = vector.broadcast %jit3A_213 : i32 to vector<1x805xi32>
    %select_n3A_215 = arith.select %lt3A_211, %broadcast_in_dim3A_214, %select_n3A_203 : vector<1x805xi1>, vector<1x805xi32>
    %slice3A_216 = vector.extract_strided_slice %slice3A_33 {offsets = [0, 15], sizes = [64, 1], strides = [1, 1]} : vector<64x20xf32> to vector<64x1xf32>
    %sub3A_217 = vector.broadcast %slice3A_216 : vector<64x1xf32> to vector<64x805xf32>
    %sub3A_218 = arith.subf %slice3A_32, %sub3A_217 : vector<64x805xf32>
    %mul3A_219 = arith.mulf %sub3A_218, %sub3A_218 : vector<64x805xf32>
    %reduce_sum3A_220 = arith.constant dense<0.000000e+00> : vector<805xf32>
    %reduce_sum3A_221 = vector.multi_reduction <add>, %mul3A_219, %reduce_sum3A_220 [0] : vector<64x805xf32> to vector<805xf32>
    %broadcast_in_dim3A_222 = vector.shape_cast %reduce_sum3A_221 : vector<805xf32> to vector<1x805xf32>
    %lt3A_223 = arith.cmpf olt, %broadcast_in_dim3A_222, %select_n3A_212 : vector<1x805xf32>
    %select_n3A_224 = arith.select %lt3A_223, %broadcast_in_dim3A_222, %select_n3A_212 : vector<1x805xi1>, vector<1x805xf32>
    %jit3A_225 = arith.constant 15 : i32
    %broadcast_in_dim3A_226 = vector.broadcast %jit3A_225 : i32 to vector<1x805xi32>
    %select_n3A_227 = arith.select %lt3A_223, %broadcast_in_dim3A_226, %select_n3A_215 : vector<1x805xi1>, vector<1x805xi32>
    %slice3A_228 = vector.extract_strided_slice %slice3A_33 {offsets = [0, 16], sizes = [64, 1], strides = [1, 1]} : vector<64x20xf32> to vector<64x1xf32>
    %sub3A_229 = vector.broadcast %slice3A_228 : vector<64x1xf32> to vector<64x805xf32>
    %sub3A_230 = arith.subf %slice3A_32, %sub3A_229 : vector<64x805xf32>
    %mul3A_231 = arith.mulf %sub3A_230, %sub3A_230 : vector<64x805xf32>
    %reduce_sum3A_232 = arith.constant dense<0.000000e+00> : vector<805xf32>
    %reduce_sum3A_233 = vector.multi_reduction <add>, %mul3A_231, %reduce_sum3A_232 [0] : vector<64x805xf32> to vector<805xf32>
    %broadcast_in_dim3A_234 = vector.shape_cast %reduce_sum3A_233 : vector<805xf32> to vector<1x805xf32>
    %lt3A_235 = arith.cmpf olt, %broadcast_in_dim3A_234, %select_n3A_224 : vector<1x805xf32>
    %select_n3A_236 = arith.select %lt3A_235, %broadcast_in_dim3A_234, %select_n3A_224 : vector<1x805xi1>, vector<1x805xf32>
    %jit3A_237 = arith.constant 16 : i32
    %broadcast_in_dim3A_238 = vector.broadcast %jit3A_237 : i32 to vector<1x805xi32>
    %select_n3A_239 = arith.select %lt3A_235, %broadcast_in_dim3A_238, %select_n3A_227 : vector<1x805xi1>, vector<1x805xi32>
    %slice3A_240 = vector.extract_strided_slice %slice3A_33 {offsets = [0, 17], sizes = [64, 1], strides = [1, 1]} : vector<64x20xf32> to vector<64x1xf32>
    %sub3A_241 = vector.broadcast %slice3A_240 : vector<64x1xf32> to vector<64x805xf32>
    %sub3A_242 = arith.subf %slice3A_32, %sub3A_241 : vector<64x805xf32>
    %mul3A_243 = arith.mulf %sub3A_242, %sub3A_242 : vector<64x805xf32>
    %reduce_sum3A_244 = arith.constant dense<0.000000e+00> : vector<805xf32>
    %reduce_sum3A_245 = vector.multi_reduction <add>, %mul3A_243, %reduce_sum3A_244 [0] : vector<64x805xf32> to vector<805xf32>
    %broadcast_in_dim3A_246 = vector.shape_cast %reduce_sum3A_245 : vector<805xf32> to vector<1x805xf32>
    %lt3A_247 = arith.cmpf olt, %broadcast_in_dim3A_246, %select_n3A_236 : vector<1x805xf32>
    %select_n3A_248 = arith.select %lt3A_247, %broadcast_in_dim3A_246, %select_n3A_236 : vector<1x805xi1>, vector<1x805xf32>
    %jit3A_249 = arith.constant 17 : i32
    %broadcast_in_dim3A_250 = vector.broadcast %jit3A_249 : i32 to vector<1x805xi32>
    %select_n3A_251 = arith.select %lt3A_247, %broadcast_in_dim3A_250, %select_n3A_239 : vector<1x805xi1>, vector<1x805xi32>
    %slice3A_252 = vector.extract_strided_slice %slice3A_33 {offsets = [0, 18], sizes = [64, 1], strides = [1, 1]} : vector<64x20xf32> to vector<64x1xf32>
    %sub3A_253 = vector.broadcast %slice3A_252 : vector<64x1xf32> to vector<64x805xf32>
    %sub3A_254 = arith.subf %slice3A_32, %sub3A_253 : vector<64x805xf32>
    %mul3A_255 = arith.mulf %sub3A_254, %sub3A_254 : vector<64x805xf32>
    %reduce_sum3A_256 = arith.constant dense<0.000000e+00> : vector<805xf32>
    %reduce_sum3A_257 = vector.multi_reduction <add>, %mul3A_255, %reduce_sum3A_256 [0] : vector<64x805xf32> to vector<805xf32>
    %broadcast_in_dim3A_258 = vector.shape_cast %reduce_sum3A_257 : vector<805xf32> to vector<1x805xf32>
    %lt3A_259 = arith.cmpf olt, %broadcast_in_dim3A_258, %select_n3A_248 : vector<1x805xf32>
    %select_n3A_260 = arith.select %lt3A_259, %broadcast_in_dim3A_258, %select_n3A_248 : vector<1x805xi1>, vector<1x805xf32>
    %jit3A_261 = arith.constant 18 : i32
    %broadcast_in_dim3A_262 = vector.broadcast %jit3A_261 : i32 to vector<1x805xi32>
    %select_n3A_263 = arith.select %lt3A_259, %broadcast_in_dim3A_262, %select_n3A_251 : vector<1x805xi1>, vector<1x805xi32>
    %slice3A_264 = vector.extract_strided_slice %slice3A_33 {offsets = [0, 19], sizes = [64, 1], strides = [1, 1]} : vector<64x20xf32> to vector<64x1xf32>
    %sub3A_265 = vector.broadcast %slice3A_264 : vector<64x1xf32> to vector<64x805xf32>
    %sub3A_266 = arith.subf %slice3A_32, %sub3A_265 : vector<64x805xf32>
    %mul3A_267 = arith.mulf %sub3A_266, %sub3A_266 : vector<64x805xf32>
    %reduce_sum3A_268 = arith.constant dense<0.000000e+00> : vector<805xf32>
    %reduce_sum3A_269 = vector.multi_reduction <add>, %mul3A_267, %reduce_sum3A_268 [0] : vector<64x805xf32> to vector<805xf32>
    %broadcast_in_dim3A_270 = vector.shape_cast %reduce_sum3A_269 : vector<805xf32> to vector<1x805xf32>
    %lt3A_271 = arith.cmpf olt, %broadcast_in_dim3A_270, %select_n3A_260 : vector<1x805xf32>
    %jit3A_272 = arith.constant 19 : i32
    %broadcast_in_dim3A_273 = vector.broadcast %jit3A_272 : i32 to vector<1x805xi32>
    %select_n3A_274 = arith.select %lt3A_271, %broadcast_in_dim3A_273, %select_n3A_263 : vector<1x805xi1>, vector<1x805xi32>
    %eq3A = vector.broadcast %select_n3A_274 : vector<1x805xi32> to vector<20x805xi32>
    %eq3A_275 = vector.broadcast %iota3A : vector<20x1xi32> to vector<20x805xi32>
    %eq3A_276 = arith.cmpi eq, %eq3A, %eq3A_275 : vector<20x805xi32>
    %convert_element_type3A = arith.extui %eq3A_276 : vector<20x805xi1> to vector<20x805xi32>
    %convert_element_type3A_277 = arith.sitofp %convert_element_type3A : vector<20x805xi32> to vector<20x805xf32>
    %dot_general3A = arith.constant dense<0.000000e+00> : vector<64x20xf32>
    %dot_general3A_278 = tpu.matmul %slice3A_32, %convert_element_type3A_277, %dot_general3A {dimension_numbers = #tpu.dot_dimension_numbers<[1], [1], [0], [0], [0, 0, 1, 0], [], []>, precision = #tpu.contract_precision<fp32>, transpose_lhs_hint = false} : vector<64x805xf32>, vector<20x805xf32>, vector<64x20xf32> -> vector<64x20xf32>
    %dot_general3A_279 = arith.constant dense<0.000000e+00> : vector<1x20xf32>
    %dot_general3A_280 = tpu.matmul %broadcast_in_dim3A_35, %convert_element_type3A_277, %dot_general3A_279 {dimension_numbers = #tpu.dot_dimension_numbers<[1], [1], [0], [0], [0, 0, 1, 0], [], []>, precision = #tpu.contract_precision<fp32>, transpose_lhs_hint = false} : vector<1x805xf32>, vector<20x805xf32>, vector<1x20xf32> -> vector<1x20xf32>
    %max3A_281 = arith.constant 1.000000e+00 : f32
    %max3A_282 = vector.broadcast %max3A_281 : f32 to vector<1x20xf32>
    %max3A_283 = arith.maximumf %dot_general3A_280, %max3A_282 : vector<1x20xf32>
    %div3A_284 = vector.broadcast %max3A_283 : vector<1x20xf32> to vector<64x20xf32>
    %div3A_285 = arith.divf %dot_general3A_278, %div3A_284 : vector<64x20xf32>
    %broadcast_in_dim3A_286 = arith.constant 0x7F800000 : f32
    %broadcast_in_dim3A_287 = vector.broadcast %broadcast_in_dim3A_286 : f32 to vector<1x805xf32>
    %broadcast_in_dim3A_288 = arith.constant 0 : i32
    %broadcast_in_dim3A_289 = vector.broadcast %broadcast_in_dim3A_288 : i32 to vector<1x805xi32>
    %slice3A_290 = vector.extract_strided_slice %div3A_285 {offsets = [0, 0], sizes = [64, 1], strides = [1, 1]} : vector<64x20xf32> to vector<64x1xf32>
    %sub3A_291 = vector.broadcast %slice3A_290 : vector<64x1xf32> to vector<64x805xf32>
    %sub3A_292 = arith.subf %slice3A_32, %sub3A_291 : vector<64x805xf32>
    %mul3A_293 = arith.mulf %sub3A_292, %sub3A_292 : vector<64x805xf32>
    %reduce_sum3A_294 = arith.constant dense<0.000000e+00> : vector<805xf32>
    %reduce_sum3A_295 = vector.multi_reduction <add>, %mul3A_293, %reduce_sum3A_294 [0] : vector<64x805xf32> to vector<805xf32>
    %broadcast_in_dim3A_296 = vector.shape_cast %reduce_sum3A_295 : vector<805xf32> to vector<1x805xf32>
    %lt3A_297 = arith.cmpf olt, %broadcast_in_dim3A_296, %broadcast_in_dim3A_287 : vector<1x805xf32>
    %select_n3A_298 = arith.select %lt3A_297, %broadcast_in_dim3A_296, %broadcast_in_dim3A_287 : vector<1x805xi1>, vector<1x805xf32>
    %jit3A_299 = arith.constant 0 : i32
    %broadcast_in_dim3A_300 = vector.broadcast %jit3A_299 : i32 to vector<1x805xi32>
    %select_n3A_301 = arith.select %lt3A_297, %broadcast_in_dim3A_300, %broadcast_in_dim3A_289 : vector<1x805xi1>, vector<1x805xi32>
    %slice3A_302 = vector.extract_strided_slice %div3A_285 {offsets = [0, 1], sizes = [64, 1], strides = [1, 1]} : vector<64x20xf32> to vector<64x1xf32>
    %sub3A_303 = vector.broadcast %slice3A_302 : vector<64x1xf32> to vector<64x805xf32>
    %sub3A_304 = arith.subf %slice3A_32, %sub3A_303 : vector<64x805xf32>
    %mul3A_305 = arith.mulf %sub3A_304, %sub3A_304 : vector<64x805xf32>
    %reduce_sum3A_306 = arith.constant dense<0.000000e+00> : vector<805xf32>
    %reduce_sum3A_307 = vector.multi_reduction <add>, %mul3A_305, %reduce_sum3A_306 [0] : vector<64x805xf32> to vector<805xf32>
    %broadcast_in_dim3A_308 = vector.shape_cast %reduce_sum3A_307 : vector<805xf32> to vector<1x805xf32>
    %lt3A_309 = arith.cmpf olt, %broadcast_in_dim3A_308, %select_n3A_298 : vector<1x805xf32>
    %select_n3A_310 = arith.select %lt3A_309, %broadcast_in_dim3A_308, %select_n3A_298 : vector<1x805xi1>, vector<1x805xf32>
    %jit3A_311 = arith.constant 1 : i32
    %broadcast_in_dim3A_312 = vector.broadcast %jit3A_311 : i32 to vector<1x805xi32>
    %select_n3A_313 = arith.select %lt3A_309, %broadcast_in_dim3A_312, %select_n3A_301 : vector<1x805xi1>, vector<1x805xi32>
    %slice3A_314 = vector.extract_strided_slice %div3A_285 {offsets = [0, 2], sizes = [64, 1], strides = [1, 1]} : vector<64x20xf32> to vector<64x1xf32>
    %sub3A_315 = vector.broadcast %slice3A_314 : vector<64x1xf32> to vector<64x805xf32>
    %sub3A_316 = arith.subf %slice3A_32, %sub3A_315 : vector<64x805xf32>
    %mul3A_317 = arith.mulf %sub3A_316, %sub3A_316 : vector<64x805xf32>
    %reduce_sum3A_318 = arith.constant dense<0.000000e+00> : vector<805xf32>
    %reduce_sum3A_319 = vector.multi_reduction <add>, %mul3A_317, %reduce_sum3A_318 [0] : vector<64x805xf32> to vector<805xf32>
    %broadcast_in_dim3A_320 = vector.shape_cast %reduce_sum3A_319 : vector<805xf32> to vector<1x805xf32>
    %lt3A_321 = arith.cmpf olt, %broadcast_in_dim3A_320, %select_n3A_310 : vector<1x805xf32>
    %select_n3A_322 = arith.select %lt3A_321, %broadcast_in_dim3A_320, %select_n3A_310 : vector<1x805xi1>, vector<1x805xf32>
    %jit3A_323 = arith.constant 2 : i32
    %broadcast_in_dim3A_324 = vector.broadcast %jit3A_323 : i32 to vector<1x805xi32>
    %select_n3A_325 = arith.select %lt3A_321, %broadcast_in_dim3A_324, %select_n3A_313 : vector<1x805xi1>, vector<1x805xi32>
    %slice3A_326 = vector.extract_strided_slice %div3A_285 {offsets = [0, 3], sizes = [64, 1], strides = [1, 1]} : vector<64x20xf32> to vector<64x1xf32>
    %sub3A_327 = vector.broadcast %slice3A_326 : vector<64x1xf32> to vector<64x805xf32>
    %sub3A_328 = arith.subf %slice3A_32, %sub3A_327 : vector<64x805xf32>
    %mul3A_329 = arith.mulf %sub3A_328, %sub3A_328 : vector<64x805xf32>
    %reduce_sum3A_330 = arith.constant dense<0.000000e+00> : vector<805xf32>
    %reduce_sum3A_331 = vector.multi_reduction <add>, %mul3A_329, %reduce_sum3A_330 [0] : vector<64x805xf32> to vector<805xf32>
    %broadcast_in_dim3A_332 = vector.shape_cast %reduce_sum3A_331 : vector<805xf32> to vector<1x805xf32>
    %lt3A_333 = arith.cmpf olt, %broadcast_in_dim3A_332, %select_n3A_322 : vector<1x805xf32>
    %select_n3A_334 = arith.select %lt3A_333, %broadcast_in_dim3A_332, %select_n3A_322 : vector<1x805xi1>, vector<1x805xf32>
    %jit3A_335 = arith.constant 3 : i32
    %broadcast_in_dim3A_336 = vector.broadcast %jit3A_335 : i32 to vector<1x805xi32>
    %select_n3A_337 = arith.select %lt3A_333, %broadcast_in_dim3A_336, %select_n3A_325 : vector<1x805xi1>, vector<1x805xi32>
    %slice3A_338 = vector.extract_strided_slice %div3A_285 {offsets = [0, 4], sizes = [64, 1], strides = [1, 1]} : vector<64x20xf32> to vector<64x1xf32>
    %sub3A_339 = vector.broadcast %slice3A_338 : vector<64x1xf32> to vector<64x805xf32>
    %sub3A_340 = arith.subf %slice3A_32, %sub3A_339 : vector<64x805xf32>
    %mul3A_341 = arith.mulf %sub3A_340, %sub3A_340 : vector<64x805xf32>
    %reduce_sum3A_342 = arith.constant dense<0.000000e+00> : vector<805xf32>
    %reduce_sum3A_343 = vector.multi_reduction <add>, %mul3A_341, %reduce_sum3A_342 [0] : vector<64x805xf32> to vector<805xf32>
    %broadcast_in_dim3A_344 = vector.shape_cast %reduce_sum3A_343 : vector<805xf32> to vector<1x805xf32>
    %lt3A_345 = arith.cmpf olt, %broadcast_in_dim3A_344, %select_n3A_334 : vector<1x805xf32>
    %select_n3A_346 = arith.select %lt3A_345, %broadcast_in_dim3A_344, %select_n3A_334 : vector<1x805xi1>, vector<1x805xf32>
    %jit3A_347 = arith.constant 4 : i32
    %broadcast_in_dim3A_348 = vector.broadcast %jit3A_347 : i32 to vector<1x805xi32>
    %select_n3A_349 = arith.select %lt3A_345, %broadcast_in_dim3A_348, %select_n3A_337 : vector<1x805xi1>, vector<1x805xi32>
    %slice3A_350 = vector.extract_strided_slice %div3A_285 {offsets = [0, 5], sizes = [64, 1], strides = [1, 1]} : vector<64x20xf32> to vector<64x1xf32>
    %sub3A_351 = vector.broadcast %slice3A_350 : vector<64x1xf32> to vector<64x805xf32>
    %sub3A_352 = arith.subf %slice3A_32, %sub3A_351 : vector<64x805xf32>
    %mul3A_353 = arith.mulf %sub3A_352, %sub3A_352 : vector<64x805xf32>
    %reduce_sum3A_354 = arith.constant dense<0.000000e+00> : vector<805xf32>
    %reduce_sum3A_355 = vector.multi_reduction <add>, %mul3A_353, %reduce_sum3A_354 [0] : vector<64x805xf32> to vector<805xf32>
    %broadcast_in_dim3A_356 = vector.shape_cast %reduce_sum3A_355 : vector<805xf32> to vector<1x805xf32>
    %lt3A_357 = arith.cmpf olt, %broadcast_in_dim3A_356, %select_n3A_346 : vector<1x805xf32>
    %select_n3A_358 = arith.select %lt3A_357, %broadcast_in_dim3A_356, %select_n3A_346 : vector<1x805xi1>, vector<1x805xf32>
    %jit3A_359 = arith.constant 5 : i32
    %broadcast_in_dim3A_360 = vector.broadcast %jit3A_359 : i32 to vector<1x805xi32>
    %select_n3A_361 = arith.select %lt3A_357, %broadcast_in_dim3A_360, %select_n3A_349 : vector<1x805xi1>, vector<1x805xi32>
    %slice3A_362 = vector.extract_strided_slice %div3A_285 {offsets = [0, 6], sizes = [64, 1], strides = [1, 1]} : vector<64x20xf32> to vector<64x1xf32>
    %sub3A_363 = vector.broadcast %slice3A_362 : vector<64x1xf32> to vector<64x805xf32>
    %sub3A_364 = arith.subf %slice3A_32, %sub3A_363 : vector<64x805xf32>
    %mul3A_365 = arith.mulf %sub3A_364, %sub3A_364 : vector<64x805xf32>
    %reduce_sum3A_366 = arith.constant dense<0.000000e+00> : vector<805xf32>
    %reduce_sum3A_367 = vector.multi_reduction <add>, %mul3A_365, %reduce_sum3A_366 [0] : vector<64x805xf32> to vector<805xf32>
    %broadcast_in_dim3A_368 = vector.shape_cast %reduce_sum3A_367 : vector<805xf32> to vector<1x805xf32>
    %lt3A_369 = arith.cmpf olt, %broadcast_in_dim3A_368, %select_n3A_358 : vector<1x805xf32>
    %select_n3A_370 = arith.select %lt3A_369, %broadcast_in_dim3A_368, %select_n3A_358 : vector<1x805xi1>, vector<1x805xf32>
    %jit3A_371 = arith.constant 6 : i32
    %broadcast_in_dim3A_372 = vector.broadcast %jit3A_371 : i32 to vector<1x805xi32>
    %select_n3A_373 = arith.select %lt3A_369, %broadcast_in_dim3A_372, %select_n3A_361 : vector<1x805xi1>, vector<1x805xi32>
    %slice3A_374 = vector.extract_strided_slice %div3A_285 {offsets = [0, 7], sizes = [64, 1], strides = [1, 1]} : vector<64x20xf32> to vector<64x1xf32>
    %sub3A_375 = vector.broadcast %slice3A_374 : vector<64x1xf32> to vector<64x805xf32>
    %sub3A_376 = arith.subf %slice3A_32, %sub3A_375 : vector<64x805xf32>
    %mul3A_377 = arith.mulf %sub3A_376, %sub3A_376 : vector<64x805xf32>
    %reduce_sum3A_378 = arith.constant dense<0.000000e+00> : vector<805xf32>
    %reduce_sum3A_379 = vector.multi_reduction <add>, %mul3A_377, %reduce_sum3A_378 [0] : vector<64x805xf32> to vector<805xf32>
    %broadcast_in_dim3A_380 = vector.shape_cast %reduce_sum3A_379 : vector<805xf32> to vector<1x805xf32>
    %lt3A_381 = arith.cmpf olt, %broadcast_in_dim3A_380, %select_n3A_370 : vector<1x805xf32>
    %select_n3A_382 = arith.select %lt3A_381, %broadcast_in_dim3A_380, %select_n3A_370 : vector<1x805xi1>, vector<1x805xf32>
    %jit3A_383 = arith.constant 7 : i32
    %broadcast_in_dim3A_384 = vector.broadcast %jit3A_383 : i32 to vector<1x805xi32>
    %select_n3A_385 = arith.select %lt3A_381, %broadcast_in_dim3A_384, %select_n3A_373 : vector<1x805xi1>, vector<1x805xi32>
    %slice3A_386 = vector.extract_strided_slice %div3A_285 {offsets = [0, 8], sizes = [64, 1], strides = [1, 1]} : vector<64x20xf32> to vector<64x1xf32>
    %sub3A_387 = vector.broadcast %slice3A_386 : vector<64x1xf32> to vector<64x805xf32>
    %sub3A_388 = arith.subf %slice3A_32, %sub3A_387 : vector<64x805xf32>
    %mul3A_389 = arith.mulf %sub3A_388, %sub3A_388 : vector<64x805xf32>
    %reduce_sum3A_390 = arith.constant dense<0.000000e+00> : vector<805xf32>
    %reduce_sum3A_391 = vector.multi_reduction <add>, %mul3A_389, %reduce_sum3A_390 [0] : vector<64x805xf32> to vector<805xf32>
    %broadcast_in_dim3A_392 = vector.shape_cast %reduce_sum3A_391 : vector<805xf32> to vector<1x805xf32>
    %lt3A_393 = arith.cmpf olt, %broadcast_in_dim3A_392, %select_n3A_382 : vector<1x805xf32>
    %select_n3A_394 = arith.select %lt3A_393, %broadcast_in_dim3A_392, %select_n3A_382 : vector<1x805xi1>, vector<1x805xf32>
    %jit3A_395 = arith.constant 8 : i32
    %broadcast_in_dim3A_396 = vector.broadcast %jit3A_395 : i32 to vector<1x805xi32>
    %select_n3A_397 = arith.select %lt3A_393, %broadcast_in_dim3A_396, %select_n3A_385 : vector<1x805xi1>, vector<1x805xi32>
    %slice3A_398 = vector.extract_strided_slice %div3A_285 {offsets = [0, 9], sizes = [64, 1], strides = [1, 1]} : vector<64x20xf32> to vector<64x1xf32>
    %sub3A_399 = vector.broadcast %slice3A_398 : vector<64x1xf32> to vector<64x805xf32>
    %sub3A_400 = arith.subf %slice3A_32, %sub3A_399 : vector<64x805xf32>
    %mul3A_401 = arith.mulf %sub3A_400, %sub3A_400 : vector<64x805xf32>
    %reduce_sum3A_402 = arith.constant dense<0.000000e+00> : vector<805xf32>
    %reduce_sum3A_403 = vector.multi_reduction <add>, %mul3A_401, %reduce_sum3A_402 [0] : vector<64x805xf32> to vector<805xf32>
    %broadcast_in_dim3A_404 = vector.shape_cast %reduce_sum3A_403 : vector<805xf32> to vector<1x805xf32>
    %lt3A_405 = arith.cmpf olt, %broadcast_in_dim3A_404, %select_n3A_394 : vector<1x805xf32>
    %select_n3A_406 = arith.select %lt3A_405, %broadcast_in_dim3A_404, %select_n3A_394 : vector<1x805xi1>, vector<1x805xf32>
    %jit3A_407 = arith.constant 9 : i32
    %broadcast_in_dim3A_408 = vector.broadcast %jit3A_407 : i32 to vector<1x805xi32>
    %select_n3A_409 = arith.select %lt3A_405, %broadcast_in_dim3A_408, %select_n3A_397 : vector<1x805xi1>, vector<1x805xi32>
    %slice3A_410 = vector.extract_strided_slice %div3A_285 {offsets = [0, 10], sizes = [64, 1], strides = [1, 1]} : vector<64x20xf32> to vector<64x1xf32>
    %sub3A_411 = vector.broadcast %slice3A_410 : vector<64x1xf32> to vector<64x805xf32>
    %sub3A_412 = arith.subf %slice3A_32, %sub3A_411 : vector<64x805xf32>
    %mul3A_413 = arith.mulf %sub3A_412, %sub3A_412 : vector<64x805xf32>
    %reduce_sum3A_414 = arith.constant dense<0.000000e+00> : vector<805xf32>
    %reduce_sum3A_415 = vector.multi_reduction <add>, %mul3A_413, %reduce_sum3A_414 [0] : vector<64x805xf32> to vector<805xf32>
    %broadcast_in_dim3A_416 = vector.shape_cast %reduce_sum3A_415 : vector<805xf32> to vector<1x805xf32>
    %lt3A_417 = arith.cmpf olt, %broadcast_in_dim3A_416, %select_n3A_406 : vector<1x805xf32>
    %select_n3A_418 = arith.select %lt3A_417, %broadcast_in_dim3A_416, %select_n3A_406 : vector<1x805xi1>, vector<1x805xf32>
    %jit3A_419 = arith.constant 10 : i32
    %broadcast_in_dim3A_420 = vector.broadcast %jit3A_419 : i32 to vector<1x805xi32>
    %select_n3A_421 = arith.select %lt3A_417, %broadcast_in_dim3A_420, %select_n3A_409 : vector<1x805xi1>, vector<1x805xi32>
    %slice3A_422 = vector.extract_strided_slice %div3A_285 {offsets = [0, 11], sizes = [64, 1], strides = [1, 1]} : vector<64x20xf32> to vector<64x1xf32>
    %sub3A_423 = vector.broadcast %slice3A_422 : vector<64x1xf32> to vector<64x805xf32>
    %sub3A_424 = arith.subf %slice3A_32, %sub3A_423 : vector<64x805xf32>
    %mul3A_425 = arith.mulf %sub3A_424, %sub3A_424 : vector<64x805xf32>
    %reduce_sum3A_426 = arith.constant dense<0.000000e+00> : vector<805xf32>
    %reduce_sum3A_427 = vector.multi_reduction <add>, %mul3A_425, %reduce_sum3A_426 [0] : vector<64x805xf32> to vector<805xf32>
    %broadcast_in_dim3A_428 = vector.shape_cast %reduce_sum3A_427 : vector<805xf32> to vector<1x805xf32>
    %lt3A_429 = arith.cmpf olt, %broadcast_in_dim3A_428, %select_n3A_418 : vector<1x805xf32>
    %select_n3A_430 = arith.select %lt3A_429, %broadcast_in_dim3A_428, %select_n3A_418 : vector<1x805xi1>, vector<1x805xf32>
    %jit3A_431 = arith.constant 11 : i32
    %broadcast_in_dim3A_432 = vector.broadcast %jit3A_431 : i32 to vector<1x805xi32>
    %select_n3A_433 = arith.select %lt3A_429, %broadcast_in_dim3A_432, %select_n3A_421 : vector<1x805xi1>, vector<1x805xi32>
    %slice3A_434 = vector.extract_strided_slice %div3A_285 {offsets = [0, 12], sizes = [64, 1], strides = [1, 1]} : vector<64x20xf32> to vector<64x1xf32>
    %sub3A_435 = vector.broadcast %slice3A_434 : vector<64x1xf32> to vector<64x805xf32>
    %sub3A_436 = arith.subf %slice3A_32, %sub3A_435 : vector<64x805xf32>
    %mul3A_437 = arith.mulf %sub3A_436, %sub3A_436 : vector<64x805xf32>
    %reduce_sum3A_438 = arith.constant dense<0.000000e+00> : vector<805xf32>
    %reduce_sum3A_439 = vector.multi_reduction <add>, %mul3A_437, %reduce_sum3A_438 [0] : vector<64x805xf32> to vector<805xf32>
    %broadcast_in_dim3A_440 = vector.shape_cast %reduce_sum3A_439 : vector<805xf32> to vector<1x805xf32>
    %lt3A_441 = arith.cmpf olt, %broadcast_in_dim3A_440, %select_n3A_430 : vector<1x805xf32>
    %select_n3A_442 = arith.select %lt3A_441, %broadcast_in_dim3A_440, %select_n3A_430 : vector<1x805xi1>, vector<1x805xf32>
    %jit3A_443 = arith.constant 12 : i32
    %broadcast_in_dim3A_444 = vector.broadcast %jit3A_443 : i32 to vector<1x805xi32>
    %select_n3A_445 = arith.select %lt3A_441, %broadcast_in_dim3A_444, %select_n3A_433 : vector<1x805xi1>, vector<1x805xi32>
    %slice3A_446 = vector.extract_strided_slice %div3A_285 {offsets = [0, 13], sizes = [64, 1], strides = [1, 1]} : vector<64x20xf32> to vector<64x1xf32>
    %sub3A_447 = vector.broadcast %slice3A_446 : vector<64x1xf32> to vector<64x805xf32>
    %sub3A_448 = arith.subf %slice3A_32, %sub3A_447 : vector<64x805xf32>
    %mul3A_449 = arith.mulf %sub3A_448, %sub3A_448 : vector<64x805xf32>
    %reduce_sum3A_450 = arith.constant dense<0.000000e+00> : vector<805xf32>
    %reduce_sum3A_451 = vector.multi_reduction <add>, %mul3A_449, %reduce_sum3A_450 [0] : vector<64x805xf32> to vector<805xf32>
    %broadcast_in_dim3A_452 = vector.shape_cast %reduce_sum3A_451 : vector<805xf32> to vector<1x805xf32>
    %lt3A_453 = arith.cmpf olt, %broadcast_in_dim3A_452, %select_n3A_442 : vector<1x805xf32>
    %select_n3A_454 = arith.select %lt3A_453, %broadcast_in_dim3A_452, %select_n3A_442 : vector<1x805xi1>, vector<1x805xf32>
    %jit3A_455 = arith.constant 13 : i32
    %broadcast_in_dim3A_456 = vector.broadcast %jit3A_455 : i32 to vector<1x805xi32>
    %select_n3A_457 = arith.select %lt3A_453, %broadcast_in_dim3A_456, %select_n3A_445 : vector<1x805xi1>, vector<1x805xi32>
    %slice3A_458 = vector.extract_strided_slice %div3A_285 {offsets = [0, 14], sizes = [64, 1], strides = [1, 1]} : vector<64x20xf32> to vector<64x1xf32>
    %sub3A_459 = vector.broadcast %slice3A_458 : vector<64x1xf32> to vector<64x805xf32>
    %sub3A_460 = arith.subf %slice3A_32, %sub3A_459 : vector<64x805xf32>
    %mul3A_461 = arith.mulf %sub3A_460, %sub3A_460 : vector<64x805xf32>
    %reduce_sum3A_462 = arith.constant dense<0.000000e+00> : vector<805xf32>
    %reduce_sum3A_463 = vector.multi_reduction <add>, %mul3A_461, %reduce_sum3A_462 [0] : vector<64x805xf32> to vector<805xf32>
    %broadcast_in_dim3A_464 = vector.shape_cast %reduce_sum3A_463 : vector<805xf32> to vector<1x805xf32>
    %lt3A_465 = arith.cmpf olt, %broadcast_in_dim3A_464, %select_n3A_454 : vector<1x805xf32>
    %select_n3A_466 = arith.select %lt3A_465, %broadcast_in_dim3A_464, %select_n3A_454 : vector<1x805xi1>, vector<1x805xf32>
    %jit3A_467 = arith.constant 14 : i32
    %broadcast_in_dim3A_468 = vector.broadcast %jit3A_467 : i32 to vector<1x805xi32>
    %select_n3A_469 = arith.select %lt3A_465, %broadcast_in_dim3A_468, %select_n3A_457 : vector<1x805xi1>, vector<1x805xi32>
    %slice3A_470 = vector.extract_strided_slice %div3A_285 {offsets = [0, 15], sizes = [64, 1], strides = [1, 1]} : vector<64x20xf32> to vector<64x1xf32>
    %sub3A_471 = vector.broadcast %slice3A_470 : vector<64x1xf32> to vector<64x805xf32>
    %sub3A_472 = arith.subf %slice3A_32, %sub3A_471 : vector<64x805xf32>
    %mul3A_473 = arith.mulf %sub3A_472, %sub3A_472 : vector<64x805xf32>
    %reduce_sum3A_474 = arith.constant dense<0.000000e+00> : vector<805xf32>
    %reduce_sum3A_475 = vector.multi_reduction <add>, %mul3A_473, %reduce_sum3A_474 [0] : vector<64x805xf32> to vector<805xf32>
    %broadcast_in_dim3A_476 = vector.shape_cast %reduce_sum3A_475 : vector<805xf32> to vector<1x805xf32>
    %lt3A_477 = arith.cmpf olt, %broadcast_in_dim3A_476, %select_n3A_466 : vector<1x805xf32>
    %select_n3A_478 = arith.select %lt3A_477, %broadcast_in_dim3A_476, %select_n3A_466 : vector<1x805xi1>, vector<1x805xf32>
    %jit3A_479 = arith.constant 15 : i32
    %broadcast_in_dim3A_480 = vector.broadcast %jit3A_479 : i32 to vector<1x805xi32>
    %select_n3A_481 = arith.select %lt3A_477, %broadcast_in_dim3A_480, %select_n3A_469 : vector<1x805xi1>, vector<1x805xi32>
    %slice3A_482 = vector.extract_strided_slice %div3A_285 {offsets = [0, 16], sizes = [64, 1], strides = [1, 1]} : vector<64x20xf32> to vector<64x1xf32>
    %sub3A_483 = vector.broadcast %slice3A_482 : vector<64x1xf32> to vector<64x805xf32>
    %sub3A_484 = arith.subf %slice3A_32, %sub3A_483 : vector<64x805xf32>
    %mul3A_485 = arith.mulf %sub3A_484, %sub3A_484 : vector<64x805xf32>
    %reduce_sum3A_486 = arith.constant dense<0.000000e+00> : vector<805xf32>
    %reduce_sum3A_487 = vector.multi_reduction <add>, %mul3A_485, %reduce_sum3A_486 [0] : vector<64x805xf32> to vector<805xf32>
    %broadcast_in_dim3A_488 = vector.shape_cast %reduce_sum3A_487 : vector<805xf32> to vector<1x805xf32>
    %lt3A_489 = arith.cmpf olt, %broadcast_in_dim3A_488, %select_n3A_478 : vector<1x805xf32>
    %select_n3A_490 = arith.select %lt3A_489, %broadcast_in_dim3A_488, %select_n3A_478 : vector<1x805xi1>, vector<1x805xf32>
    %jit3A_491 = arith.constant 16 : i32
    %broadcast_in_dim3A_492 = vector.broadcast %jit3A_491 : i32 to vector<1x805xi32>
    %select_n3A_493 = arith.select %lt3A_489, %broadcast_in_dim3A_492, %select_n3A_481 : vector<1x805xi1>, vector<1x805xi32>
    %slice3A_494 = vector.extract_strided_slice %div3A_285 {offsets = [0, 17], sizes = [64, 1], strides = [1, 1]} : vector<64x20xf32> to vector<64x1xf32>
    %sub3A_495 = vector.broadcast %slice3A_494 : vector<64x1xf32> to vector<64x805xf32>
    %sub3A_496 = arith.subf %slice3A_32, %sub3A_495 : vector<64x805xf32>
    %mul3A_497 = arith.mulf %sub3A_496, %sub3A_496 : vector<64x805xf32>
    %reduce_sum3A_498 = arith.constant dense<0.000000e+00> : vector<805xf32>
    %reduce_sum3A_499 = vector.multi_reduction <add>, %mul3A_497, %reduce_sum3A_498 [0] : vector<64x805xf32> to vector<805xf32>
    %broadcast_in_dim3A_500 = vector.shape_cast %reduce_sum3A_499 : vector<805xf32> to vector<1x805xf32>
    %lt3A_501 = arith.cmpf olt, %broadcast_in_dim3A_500, %select_n3A_490 : vector<1x805xf32>
    %select_n3A_502 = arith.select %lt3A_501, %broadcast_in_dim3A_500, %select_n3A_490 : vector<1x805xi1>, vector<1x805xf32>
    %jit3A_503 = arith.constant 17 : i32
    %broadcast_in_dim3A_504 = vector.broadcast %jit3A_503 : i32 to vector<1x805xi32>
    %select_n3A_505 = arith.select %lt3A_501, %broadcast_in_dim3A_504, %select_n3A_493 : vector<1x805xi1>, vector<1x805xi32>
    %slice3A_506 = vector.extract_strided_slice %div3A_285 {offsets = [0, 18], sizes = [64, 1], strides = [1, 1]} : vector<64x20xf32> to vector<64x1xf32>
    %sub3A_507 = vector.broadcast %slice3A_506 : vector<64x1xf32> to vector<64x805xf32>
    %sub3A_508 = arith.subf %slice3A_32, %sub3A_507 : vector<64x805xf32>
    %mul3A_509 = arith.mulf %sub3A_508, %sub3A_508 : vector<64x805xf32>
    %reduce_sum3A_510 = arith.constant dense<0.000000e+00> : vector<805xf32>
    %reduce_sum3A_511 = vector.multi_reduction <add>, %mul3A_509, %reduce_sum3A_510 [0] : vector<64x805xf32> to vector<805xf32>
    %broadcast_in_dim3A_512 = vector.shape_cast %reduce_sum3A_511 : vector<805xf32> to vector<1x805xf32>
    %lt3A_513 = arith.cmpf olt, %broadcast_in_dim3A_512, %select_n3A_502 : vector<1x805xf32>
    %select_n3A_514 = arith.select %lt3A_513, %broadcast_in_dim3A_512, %select_n3A_502 : vector<1x805xi1>, vector<1x805xf32>
    %jit3A_515 = arith.constant 18 : i32
    %broadcast_in_dim3A_516 = vector.broadcast %jit3A_515 : i32 to vector<1x805xi32>
    %select_n3A_517 = arith.select %lt3A_513, %broadcast_in_dim3A_516, %select_n3A_505 : vector<1x805xi1>, vector<1x805xi32>
    %slice3A_518 = vector.extract_strided_slice %div3A_285 {offsets = [0, 19], sizes = [64, 1], strides = [1, 1]} : vector<64x20xf32> to vector<64x1xf32>
    %sub3A_519 = vector.broadcast %slice3A_518 : vector<64x1xf32> to vector<64x805xf32>
    %sub3A_520 = arith.subf %slice3A_32, %sub3A_519 : vector<64x805xf32>
    %mul3A_521 = arith.mulf %sub3A_520, %sub3A_520 : vector<64x805xf32>
    %reduce_sum3A_522 = arith.constant dense<0.000000e+00> : vector<805xf32>
    %reduce_sum3A_523 = vector.multi_reduction <add>, %mul3A_521, %reduce_sum3A_522 [0] : vector<64x805xf32> to vector<805xf32>
    %broadcast_in_dim3A_524 = vector.shape_cast %reduce_sum3A_523 : vector<805xf32> to vector<1x805xf32>
    %lt3A_525 = arith.cmpf olt, %broadcast_in_dim3A_524, %select_n3A_514 : vector<1x805xf32>
    %jit3A_526 = arith.constant 19 : i32
    %broadcast_in_dim3A_527 = vector.broadcast %jit3A_526 : i32 to vector<1x805xi32>
    %select_n3A_528 = arith.select %lt3A_525, %broadcast_in_dim3A_527, %select_n3A_517 : vector<1x805xi1>, vector<1x805xi32>
    %eq3A_529 = vector.broadcast %select_n3A_528 : vector<1x805xi32> to vector<20x805xi32>
    %eq3A_530 = vector.broadcast %iota3A : vector<20x1xi32> to vector<20x805xi32>
    %eq3A_531 = arith.cmpi eq, %eq3A_529, %eq3A_530 : vector<20x805xi32>
    %convert_element_type3A_532 = arith.extui %eq3A_531 : vector<20x805xi1> to vector<20x805xi32>
    %convert_element_type3A_533 = arith.sitofp %convert_element_type3A_532 : vector<20x805xi32> to vector<20x805xf32>
    %dot_general3A_534 = arith.constant dense<0.000000e+00> : vector<64x20xf32>
    %dot_general3A_535 = tpu.matmul %slice3A_32, %convert_element_type3A_533, %dot_general3A_534 {dimension_numbers = #tpu.dot_dimension_numbers<[1], [1], [0], [0], [0, 0, 1, 0], [], []>, precision = #tpu.contract_precision<fp32>, transpose_lhs_hint = false} : vector<64x805xf32>, vector<20x805xf32>, vector<64x20xf32> -> vector<64x20xf32>
    %dot_general3A_536 = arith.constant dense<0.000000e+00> : vector<1x20xf32>
    %dot_general3A_537 = tpu.matmul %broadcast_in_dim3A_35, %convert_element_type3A_533, %dot_general3A_536 {dimension_numbers = #tpu.dot_dimension_numbers<[1], [1], [0], [0], [0, 0, 1, 0], [], []>, precision = #tpu.contract_precision<fp32>, transpose_lhs_hint = false} : vector<1x805xf32>, vector<20x805xf32>, vector<1x20xf32> -> vector<1x20xf32>
    %max3A_538 = arith.constant 1.000000e+00 : f32
    %max3A_539 = vector.broadcast %max3A_538 : f32 to vector<1x20xf32>
    %max3A_540 = arith.maximumf %dot_general3A_537, %max3A_539 : vector<1x20xf32>
    %div3A_541 = vector.broadcast %max3A_540 : vector<1x20xf32> to vector<64x20xf32>
    %div3A_542 = arith.divf %dot_general3A_535, %div3A_541 : vector<64x20xf32>
    %broadcast_in_dim3A_543 = arith.constant 0x7F800000 : f32
    %broadcast_in_dim3A_544 = vector.broadcast %broadcast_in_dim3A_543 : f32 to vector<1x805xf32>
    %broadcast_in_dim3A_545 = arith.constant 0 : i32
    %broadcast_in_dim3A_546 = vector.broadcast %broadcast_in_dim3A_545 : i32 to vector<1x805xi32>
    %slice3A_547 = vector.extract_strided_slice %div3A_542 {offsets = [0, 0], sizes = [64, 1], strides = [1, 1]} : vector<64x20xf32> to vector<64x1xf32>
    %sub3A_548 = vector.broadcast %slice3A_547 : vector<64x1xf32> to vector<64x805xf32>
    %sub3A_549 = arith.subf %slice3A_32, %sub3A_548 : vector<64x805xf32>
    %mul3A_550 = arith.mulf %sub3A_549, %sub3A_549 : vector<64x805xf32>
    %reduce_sum3A_551 = arith.constant dense<0.000000e+00> : vector<805xf32>
    %reduce_sum3A_552 = vector.multi_reduction <add>, %mul3A_550, %reduce_sum3A_551 [0] : vector<64x805xf32> to vector<805xf32>
    %broadcast_in_dim3A_553 = vector.shape_cast %reduce_sum3A_552 : vector<805xf32> to vector<1x805xf32>
    %lt3A_554 = arith.cmpf olt, %broadcast_in_dim3A_553, %broadcast_in_dim3A_544 : vector<1x805xf32>
    %select_n3A_555 = arith.select %lt3A_554, %broadcast_in_dim3A_553, %broadcast_in_dim3A_544 : vector<1x805xi1>, vector<1x805xf32>
    %jit3A_556 = arith.constant 0 : i32
    %broadcast_in_dim3A_557 = vector.broadcast %jit3A_556 : i32 to vector<1x805xi32>
    %select_n3A_558 = arith.select %lt3A_554, %broadcast_in_dim3A_557, %broadcast_in_dim3A_546 : vector<1x805xi1>, vector<1x805xi32>
    %slice3A_559 = vector.extract_strided_slice %div3A_542 {offsets = [0, 1], sizes = [64, 1], strides = [1, 1]} : vector<64x20xf32> to vector<64x1xf32>
    %sub3A_560 = vector.broadcast %slice3A_559 : vector<64x1xf32> to vector<64x805xf32>
    %sub3A_561 = arith.subf %slice3A_32, %sub3A_560 : vector<64x805xf32>
    %mul3A_562 = arith.mulf %sub3A_561, %sub3A_561 : vector<64x805xf32>
    %reduce_sum3A_563 = arith.constant dense<0.000000e+00> : vector<805xf32>
    %reduce_sum3A_564 = vector.multi_reduction <add>, %mul3A_562, %reduce_sum3A_563 [0] : vector<64x805xf32> to vector<805xf32>
    %broadcast_in_dim3A_565 = vector.shape_cast %reduce_sum3A_564 : vector<805xf32> to vector<1x805xf32>
    %lt3A_566 = arith.cmpf olt, %broadcast_in_dim3A_565, %select_n3A_555 : vector<1x805xf32>
    %select_n3A_567 = arith.select %lt3A_566, %broadcast_in_dim3A_565, %select_n3A_555 : vector<1x805xi1>, vector<1x805xf32>
    %jit3A_568 = arith.constant 1 : i32
    %broadcast_in_dim3A_569 = vector.broadcast %jit3A_568 : i32 to vector<1x805xi32>
    %select_n3A_570 = arith.select %lt3A_566, %broadcast_in_dim3A_569, %select_n3A_558 : vector<1x805xi1>, vector<1x805xi32>
    %slice3A_571 = vector.extract_strided_slice %div3A_542 {offsets = [0, 2], sizes = [64, 1], strides = [1, 1]} : vector<64x20xf32> to vector<64x1xf32>
    %sub3A_572 = vector.broadcast %slice3A_571 : vector<64x1xf32> to vector<64x805xf32>
    %sub3A_573 = arith.subf %slice3A_32, %sub3A_572 : vector<64x805xf32>
    %mul3A_574 = arith.mulf %sub3A_573, %sub3A_573 : vector<64x805xf32>
    %reduce_sum3A_575 = arith.constant dense<0.000000e+00> : vector<805xf32>
    %reduce_sum3A_576 = vector.multi_reduction <add>, %mul3A_574, %reduce_sum3A_575 [0] : vector<64x805xf32> to vector<805xf32>
    %broadcast_in_dim3A_577 = vector.shape_cast %reduce_sum3A_576 : vector<805xf32> to vector<1x805xf32>
    %lt3A_578 = arith.cmpf olt, %broadcast_in_dim3A_577, %select_n3A_567 : vector<1x805xf32>
    %select_n3A_579 = arith.select %lt3A_578, %broadcast_in_dim3A_577, %select_n3A_567 : vector<1x805xi1>, vector<1x805xf32>
    %jit3A_580 = arith.constant 2 : i32
    %broadcast_in_dim3A_581 = vector.broadcast %jit3A_580 : i32 to vector<1x805xi32>
    %select_n3A_582 = arith.select %lt3A_578, %broadcast_in_dim3A_581, %select_n3A_570 : vector<1x805xi1>, vector<1x805xi32>
    %slice3A_583 = vector.extract_strided_slice %div3A_542 {offsets = [0, 3], sizes = [64, 1], strides = [1, 1]} : vector<64x20xf32> to vector<64x1xf32>
    %sub3A_584 = vector.broadcast %slice3A_583 : vector<64x1xf32> to vector<64x805xf32>
    %sub3A_585 = arith.subf %slice3A_32, %sub3A_584 : vector<64x805xf32>
    %mul3A_586 = arith.mulf %sub3A_585, %sub3A_585 : vector<64x805xf32>
    %reduce_sum3A_587 = arith.constant dense<0.000000e+00> : vector<805xf32>
    %reduce_sum3A_588 = vector.multi_reduction <add>, %mul3A_586, %reduce_sum3A_587 [0] : vector<64x805xf32> to vector<805xf32>
    %broadcast_in_dim3A_589 = vector.shape_cast %reduce_sum3A_588 : vector<805xf32> to vector<1x805xf32>
    %lt3A_590 = arith.cmpf olt, %broadcast_in_dim3A_589, %select_n3A_579 : vector<1x805xf32>
    %select_n3A_591 = arith.select %lt3A_590, %broadcast_in_dim3A_589, %select_n3A_579 : vector<1x805xi1>, vector<1x805xf32>
    %jit3A_592 = arith.constant 3 : i32
    %broadcast_in_dim3A_593 = vector.broadcast %jit3A_592 : i32 to vector<1x805xi32>
    %select_n3A_594 = arith.select %lt3A_590, %broadcast_in_dim3A_593, %select_n3A_582 : vector<1x805xi1>, vector<1x805xi32>
    %slice3A_595 = vector.extract_strided_slice %div3A_542 {offsets = [0, 4], sizes = [64, 1], strides = [1, 1]} : vector<64x20xf32> to vector<64x1xf32>
    %sub3A_596 = vector.broadcast %slice3A_595 : vector<64x1xf32> to vector<64x805xf32>
    %sub3A_597 = arith.subf %slice3A_32, %sub3A_596 : vector<64x805xf32>
    %mul3A_598 = arith.mulf %sub3A_597, %sub3A_597 : vector<64x805xf32>
    %reduce_sum3A_599 = arith.constant dense<0.000000e+00> : vector<805xf32>
    %reduce_sum3A_600 = vector.multi_reduction <add>, %mul3A_598, %reduce_sum3A_599 [0] : vector<64x805xf32> to vector<805xf32>
    %broadcast_in_dim3A_601 = vector.shape_cast %reduce_sum3A_600 : vector<805xf32> to vector<1x805xf32>
    %lt3A_602 = arith.cmpf olt, %broadcast_in_dim3A_601, %select_n3A_591 : vector<1x805xf32>
    %select_n3A_603 = arith.select %lt3A_602, %broadcast_in_dim3A_601, %select_n3A_591 : vector<1x805xi1>, vector<1x805xf32>
    %jit3A_604 = arith.constant 4 : i32
    %broadcast_in_dim3A_605 = vector.broadcast %jit3A_604 : i32 to vector<1x805xi32>
    %select_n3A_606 = arith.select %lt3A_602, %broadcast_in_dim3A_605, %select_n3A_594 : vector<1x805xi1>, vector<1x805xi32>
    %slice3A_607 = vector.extract_strided_slice %div3A_542 {offsets = [0, 5], sizes = [64, 1], strides = [1, 1]} : vector<64x20xf32> to vector<64x1xf32>
    %sub3A_608 = vector.broadcast %slice3A_607 : vector<64x1xf32> to vector<64x805xf32>
    %sub3A_609 = arith.subf %slice3A_32, %sub3A_608 : vector<64x805xf32>
    %mul3A_610 = arith.mulf %sub3A_609, %sub3A_609 : vector<64x805xf32>
    %reduce_sum3A_611 = arith.constant dense<0.000000e+00> : vector<805xf32>
    %reduce_sum3A_612 = vector.multi_reduction <add>, %mul3A_610, %reduce_sum3A_611 [0] : vector<64x805xf32> to vector<805xf32>
    %broadcast_in_dim3A_613 = vector.shape_cast %reduce_sum3A_612 : vector<805xf32> to vector<1x805xf32>
    %lt3A_614 = arith.cmpf olt, %broadcast_in_dim3A_613, %select_n3A_603 : vector<1x805xf32>
    %select_n3A_615 = arith.select %lt3A_614, %broadcast_in_dim3A_613, %select_n3A_603 : vector<1x805xi1>, vector<1x805xf32>
    %jit3A_616 = arith.constant 5 : i32
    %broadcast_in_dim3A_617 = vector.broadcast %jit3A_616 : i32 to vector<1x805xi32>
    %select_n3A_618 = arith.select %lt3A_614, %broadcast_in_dim3A_617, %select_n3A_606 : vector<1x805xi1>, vector<1x805xi32>
    %slice3A_619 = vector.extract_strided_slice %div3A_542 {offsets = [0, 6], sizes = [64, 1], strides = [1, 1]} : vector<64x20xf32> to vector<64x1xf32>
    %sub3A_620 = vector.broadcast %slice3A_619 : vector<64x1xf32> to vector<64x805xf32>
    %sub3A_621 = arith.subf %slice3A_32, %sub3A_620 : vector<64x805xf32>
    %mul3A_622 = arith.mulf %sub3A_621, %sub3A_621 : vector<64x805xf32>
    %reduce_sum3A_623 = arith.constant dense<0.000000e+00> : vector<805xf32>
    %reduce_sum3A_624 = vector.multi_reduction <add>, %mul3A_622, %reduce_sum3A_623 [0] : vector<64x805xf32> to vector<805xf32>
    %broadcast_in_dim3A_625 = vector.shape_cast %reduce_sum3A_624 : vector<805xf32> to vector<1x805xf32>
    %lt3A_626 = arith.cmpf olt, %broadcast_in_dim3A_625, %select_n3A_615 : vector<1x805xf32>
    %select_n3A_627 = arith.select %lt3A_626, %broadcast_in_dim3A_625, %select_n3A_615 : vector<1x805xi1>, vector<1x805xf32>
    %jit3A_628 = arith.constant 6 : i32
    %broadcast_in_dim3A_629 = vector.broadcast %jit3A_628 : i32 to vector<1x805xi32>
    %select_n3A_630 = arith.select %lt3A_626, %broadcast_in_dim3A_629, %select_n3A_618 : vector<1x805xi1>, vector<1x805xi32>
    %slice3A_631 = vector.extract_strided_slice %div3A_542 {offsets = [0, 7], sizes = [64, 1], strides = [1, 1]} : vector<64x20xf32> to vector<64x1xf32>
    %sub3A_632 = vector.broadcast %slice3A_631 : vector<64x1xf32> to vector<64x805xf32>
    %sub3A_633 = arith.subf %slice3A_32, %sub3A_632 : vector<64x805xf32>
    %mul3A_634 = arith.mulf %sub3A_633, %sub3A_633 : vector<64x805xf32>
    %reduce_sum3A_635 = arith.constant dense<0.000000e+00> : vector<805xf32>
    %reduce_sum3A_636 = vector.multi_reduction <add>, %mul3A_634, %reduce_sum3A_635 [0] : vector<64x805xf32> to vector<805xf32>
    %broadcast_in_dim3A_637 = vector.shape_cast %reduce_sum3A_636 : vector<805xf32> to vector<1x805xf32>
    %lt3A_638 = arith.cmpf olt, %broadcast_in_dim3A_637, %select_n3A_627 : vector<1x805xf32>
    %select_n3A_639 = arith.select %lt3A_638, %broadcast_in_dim3A_637, %select_n3A_627 : vector<1x805xi1>, vector<1x805xf32>
    %jit3A_640 = arith.constant 7 : i32
    %broadcast_in_dim3A_641 = vector.broadcast %jit3A_640 : i32 to vector<1x805xi32>
    %select_n3A_642 = arith.select %lt3A_638, %broadcast_in_dim3A_641, %select_n3A_630 : vector<1x805xi1>, vector<1x805xi32>
    %slice3A_643 = vector.extract_strided_slice %div3A_542 {offsets = [0, 8], sizes = [64, 1], strides = [1, 1]} : vector<64x20xf32> to vector<64x1xf32>
    %sub3A_644 = vector.broadcast %slice3A_643 : vector<64x1xf32> to vector<64x805xf32>
    %sub3A_645 = arith.subf %slice3A_32, %sub3A_644 : vector<64x805xf32>
    %mul3A_646 = arith.mulf %sub3A_645, %sub3A_645 : vector<64x805xf32>
    %reduce_sum3A_647 = arith.constant dense<0.000000e+00> : vector<805xf32>
    %reduce_sum3A_648 = vector.multi_reduction <add>, %mul3A_646, %reduce_sum3A_647 [0] : vector<64x805xf32> to vector<805xf32>
    %broadcast_in_dim3A_649 = vector.shape_cast %reduce_sum3A_648 : vector<805xf32> to vector<1x805xf32>
    %lt3A_650 = arith.cmpf olt, %broadcast_in_dim3A_649, %select_n3A_639 : vector<1x805xf32>
    %select_n3A_651 = arith.select %lt3A_650, %broadcast_in_dim3A_649, %select_n3A_639 : vector<1x805xi1>, vector<1x805xf32>
    %jit3A_652 = arith.constant 8 : i32
    %broadcast_in_dim3A_653 = vector.broadcast %jit3A_652 : i32 to vector<1x805xi32>
    %select_n3A_654 = arith.select %lt3A_650, %broadcast_in_dim3A_653, %select_n3A_642 : vector<1x805xi1>, vector<1x805xi32>
    %slice3A_655 = vector.extract_strided_slice %div3A_542 {offsets = [0, 9], sizes = [64, 1], strides = [1, 1]} : vector<64x20xf32> to vector<64x1xf32>
    %sub3A_656 = vector.broadcast %slice3A_655 : vector<64x1xf32> to vector<64x805xf32>
    %sub3A_657 = arith.subf %slice3A_32, %sub3A_656 : vector<64x805xf32>
    %mul3A_658 = arith.mulf %sub3A_657, %sub3A_657 : vector<64x805xf32>
    %reduce_sum3A_659 = arith.constant dense<0.000000e+00> : vector<805xf32>
    %reduce_sum3A_660 = vector.multi_reduction <add>, %mul3A_658, %reduce_sum3A_659 [0] : vector<64x805xf32> to vector<805xf32>
    %broadcast_in_dim3A_661 = vector.shape_cast %reduce_sum3A_660 : vector<805xf32> to vector<1x805xf32>
    %lt3A_662 = arith.cmpf olt, %broadcast_in_dim3A_661, %select_n3A_651 : vector<1x805xf32>
    %select_n3A_663 = arith.select %lt3A_662, %broadcast_in_dim3A_661, %select_n3A_651 : vector<1x805xi1>, vector<1x805xf32>
    %jit3A_664 = arith.constant 9 : i32
    %broadcast_in_dim3A_665 = vector.broadcast %jit3A_664 : i32 to vector<1x805xi32>
    %select_n3A_666 = arith.select %lt3A_662, %broadcast_in_dim3A_665, %select_n3A_654 : vector<1x805xi1>, vector<1x805xi32>
    %slice3A_667 = vector.extract_strided_slice %div3A_542 {offsets = [0, 10], sizes = [64, 1], strides = [1, 1]} : vector<64x20xf32> to vector<64x1xf32>
    %sub3A_668 = vector.broadcast %slice3A_667 : vector<64x1xf32> to vector<64x805xf32>
    %sub3A_669 = arith.subf %slice3A_32, %sub3A_668 : vector<64x805xf32>
    %mul3A_670 = arith.mulf %sub3A_669, %sub3A_669 : vector<64x805xf32>
    %reduce_sum3A_671 = arith.constant dense<0.000000e+00> : vector<805xf32>
    %reduce_sum3A_672 = vector.multi_reduction <add>, %mul3A_670, %reduce_sum3A_671 [0] : vector<64x805xf32> to vector<805xf32>
    %broadcast_in_dim3A_673 = vector.shape_cast %reduce_sum3A_672 : vector<805xf32> to vector<1x805xf32>
    %lt3A_674 = arith.cmpf olt, %broadcast_in_dim3A_673, %select_n3A_663 : vector<1x805xf32>
    %select_n3A_675 = arith.select %lt3A_674, %broadcast_in_dim3A_673, %select_n3A_663 : vector<1x805xi1>, vector<1x805xf32>
    %jit3A_676 = arith.constant 10 : i32
    %broadcast_in_dim3A_677 = vector.broadcast %jit3A_676 : i32 to vector<1x805xi32>
    %select_n3A_678 = arith.select %lt3A_674, %broadcast_in_dim3A_677, %select_n3A_666 : vector<1x805xi1>, vector<1x805xi32>
    %slice3A_679 = vector.extract_strided_slice %div3A_542 {offsets = [0, 11], sizes = [64, 1], strides = [1, 1]} : vector<64x20xf32> to vector<64x1xf32>
    %sub3A_680 = vector.broadcast %slice3A_679 : vector<64x1xf32> to vector<64x805xf32>
    %sub3A_681 = arith.subf %slice3A_32, %sub3A_680 : vector<64x805xf32>
    %mul3A_682 = arith.mulf %sub3A_681, %sub3A_681 : vector<64x805xf32>
    %reduce_sum3A_683 = arith.constant dense<0.000000e+00> : vector<805xf32>
    %reduce_sum3A_684 = vector.multi_reduction <add>, %mul3A_682, %reduce_sum3A_683 [0] : vector<64x805xf32> to vector<805xf32>
    %broadcast_in_dim3A_685 = vector.shape_cast %reduce_sum3A_684 : vector<805xf32> to vector<1x805xf32>
    %lt3A_686 = arith.cmpf olt, %broadcast_in_dim3A_685, %select_n3A_675 : vector<1x805xf32>
    %select_n3A_687 = arith.select %lt3A_686, %broadcast_in_dim3A_685, %select_n3A_675 : vector<1x805xi1>, vector<1x805xf32>
    %jit3A_688 = arith.constant 11 : i32
    %broadcast_in_dim3A_689 = vector.broadcast %jit3A_688 : i32 to vector<1x805xi32>
    %select_n3A_690 = arith.select %lt3A_686, %broadcast_in_dim3A_689, %select_n3A_678 : vector<1x805xi1>, vector<1x805xi32>
    %slice3A_691 = vector.extract_strided_slice %div3A_542 {offsets = [0, 12], sizes = [64, 1], strides = [1, 1]} : vector<64x20xf32> to vector<64x1xf32>
    %sub3A_692 = vector.broadcast %slice3A_691 : vector<64x1xf32> to vector<64x805xf32>
    %sub3A_693 = arith.subf %slice3A_32, %sub3A_692 : vector<64x805xf32>
    %mul3A_694 = arith.mulf %sub3A_693, %sub3A_693 : vector<64x805xf32>
    %reduce_sum3A_695 = arith.constant dense<0.000000e+00> : vector<805xf32>
    %reduce_sum3A_696 = vector.multi_reduction <add>, %mul3A_694, %reduce_sum3A_695 [0] : vector<64x805xf32> to vector<805xf32>
    %broadcast_in_dim3A_697 = vector.shape_cast %reduce_sum3A_696 : vector<805xf32> to vector<1x805xf32>
    %lt3A_698 = arith.cmpf olt, %broadcast_in_dim3A_697, %select_n3A_687 : vector<1x805xf32>
    %select_n3A_699 = arith.select %lt3A_698, %broadcast_in_dim3A_697, %select_n3A_687 : vector<1x805xi1>, vector<1x805xf32>
    %jit3A_700 = arith.constant 12 : i32
    %broadcast_in_dim3A_701 = vector.broadcast %jit3A_700 : i32 to vector<1x805xi32>
    %select_n3A_702 = arith.select %lt3A_698, %broadcast_in_dim3A_701, %select_n3A_690 : vector<1x805xi1>, vector<1x805xi32>
    %slice3A_703 = vector.extract_strided_slice %div3A_542 {offsets = [0, 13], sizes = [64, 1], strides = [1, 1]} : vector<64x20xf32> to vector<64x1xf32>
    %sub3A_704 = vector.broadcast %slice3A_703 : vector<64x1xf32> to vector<64x805xf32>
    %sub3A_705 = arith.subf %slice3A_32, %sub3A_704 : vector<64x805xf32>
    %mul3A_706 = arith.mulf %sub3A_705, %sub3A_705 : vector<64x805xf32>
    %reduce_sum3A_707 = arith.constant dense<0.000000e+00> : vector<805xf32>
    %reduce_sum3A_708 = vector.multi_reduction <add>, %mul3A_706, %reduce_sum3A_707 [0] : vector<64x805xf32> to vector<805xf32>
    %broadcast_in_dim3A_709 = vector.shape_cast %reduce_sum3A_708 : vector<805xf32> to vector<1x805xf32>
    %lt3A_710 = arith.cmpf olt, %broadcast_in_dim3A_709, %select_n3A_699 : vector<1x805xf32>
    %select_n3A_711 = arith.select %lt3A_710, %broadcast_in_dim3A_709, %select_n3A_699 : vector<1x805xi1>, vector<1x805xf32>
    %jit3A_712 = arith.constant 13 : i32
    %broadcast_in_dim3A_713 = vector.broadcast %jit3A_712 : i32 to vector<1x805xi32>
    %select_n3A_714 = arith.select %lt3A_710, %broadcast_in_dim3A_713, %select_n3A_702 : vector<1x805xi1>, vector<1x805xi32>
    %slice3A_715 = vector.extract_strided_slice %div3A_542 {offsets = [0, 14], sizes = [64, 1], strides = [1, 1]} : vector<64x20xf32> to vector<64x1xf32>
    %sub3A_716 = vector.broadcast %slice3A_715 : vector<64x1xf32> to vector<64x805xf32>
    %sub3A_717 = arith.subf %slice3A_32, %sub3A_716 : vector<64x805xf32>
    %mul3A_718 = arith.mulf %sub3A_717, %sub3A_717 : vector<64x805xf32>
    %reduce_sum3A_719 = arith.constant dense<0.000000e+00> : vector<805xf32>
    %reduce_sum3A_720 = vector.multi_reduction <add>, %mul3A_718, %reduce_sum3A_719 [0] : vector<64x805xf32> to vector<805xf32>
    %broadcast_in_dim3A_721 = vector.shape_cast %reduce_sum3A_720 : vector<805xf32> to vector<1x805xf32>
    %lt3A_722 = arith.cmpf olt, %broadcast_in_dim3A_721, %select_n3A_711 : vector<1x805xf32>
    %select_n3A_723 = arith.select %lt3A_722, %broadcast_in_dim3A_721, %select_n3A_711 : vector<1x805xi1>, vector<1x805xf32>
    %jit3A_724 = arith.constant 14 : i32
    %broadcast_in_dim3A_725 = vector.broadcast %jit3A_724 : i32 to vector<1x805xi32>
    %select_n3A_726 = arith.select %lt3A_722, %broadcast_in_dim3A_725, %select_n3A_714 : vector<1x805xi1>, vector<1x805xi32>
    %slice3A_727 = vector.extract_strided_slice %div3A_542 {offsets = [0, 15], sizes = [64, 1], strides = [1, 1]} : vector<64x20xf32> to vector<64x1xf32>
    %sub3A_728 = vector.broadcast %slice3A_727 : vector<64x1xf32> to vector<64x805xf32>
    %sub3A_729 = arith.subf %slice3A_32, %sub3A_728 : vector<64x805xf32>
    %mul3A_730 = arith.mulf %sub3A_729, %sub3A_729 : vector<64x805xf32>
    %reduce_sum3A_731 = arith.constant dense<0.000000e+00> : vector<805xf32>
    %reduce_sum3A_732 = vector.multi_reduction <add>, %mul3A_730, %reduce_sum3A_731 [0] : vector<64x805xf32> to vector<805xf32>
    %broadcast_in_dim3A_733 = vector.shape_cast %reduce_sum3A_732 : vector<805xf32> to vector<1x805xf32>
    %lt3A_734 = arith.cmpf olt, %broadcast_in_dim3A_733, %select_n3A_723 : vector<1x805xf32>
    %select_n3A_735 = arith.select %lt3A_734, %broadcast_in_dim3A_733, %select_n3A_723 : vector<1x805xi1>, vector<1x805xf32>
    %jit3A_736 = arith.constant 15 : i32
    %broadcast_in_dim3A_737 = vector.broadcast %jit3A_736 : i32 to vector<1x805xi32>
    %select_n3A_738 = arith.select %lt3A_734, %broadcast_in_dim3A_737, %select_n3A_726 : vector<1x805xi1>, vector<1x805xi32>
    %slice3A_739 = vector.extract_strided_slice %div3A_542 {offsets = [0, 16], sizes = [64, 1], strides = [1, 1]} : vector<64x20xf32> to vector<64x1xf32>
    %sub3A_740 = vector.broadcast %slice3A_739 : vector<64x1xf32> to vector<64x805xf32>
    %sub3A_741 = arith.subf %slice3A_32, %sub3A_740 : vector<64x805xf32>
    %mul3A_742 = arith.mulf %sub3A_741, %sub3A_741 : vector<64x805xf32>
    %reduce_sum3A_743 = arith.constant dense<0.000000e+00> : vector<805xf32>
    %reduce_sum3A_744 = vector.multi_reduction <add>, %mul3A_742, %reduce_sum3A_743 [0] : vector<64x805xf32> to vector<805xf32>
    %broadcast_in_dim3A_745 = vector.shape_cast %reduce_sum3A_744 : vector<805xf32> to vector<1x805xf32>
    %lt3A_746 = arith.cmpf olt, %broadcast_in_dim3A_745, %select_n3A_735 : vector<1x805xf32>
    %select_n3A_747 = arith.select %lt3A_746, %broadcast_in_dim3A_745, %select_n3A_735 : vector<1x805xi1>, vector<1x805xf32>
    %jit3A_748 = arith.constant 16 : i32
    %broadcast_in_dim3A_749 = vector.broadcast %jit3A_748 : i32 to vector<1x805xi32>
    %select_n3A_750 = arith.select %lt3A_746, %broadcast_in_dim3A_749, %select_n3A_738 : vector<1x805xi1>, vector<1x805xi32>
    %slice3A_751 = vector.extract_strided_slice %div3A_542 {offsets = [0, 17], sizes = [64, 1], strides = [1, 1]} : vector<64x20xf32> to vector<64x1xf32>
    %sub3A_752 = vector.broadcast %slice3A_751 : vector<64x1xf32> to vector<64x805xf32>
    %sub3A_753 = arith.subf %slice3A_32, %sub3A_752 : vector<64x805xf32>
    %mul3A_754 = arith.mulf %sub3A_753, %sub3A_753 : vector<64x805xf32>
    %reduce_sum3A_755 = arith.constant dense<0.000000e+00> : vector<805xf32>
    %reduce_sum3A_756 = vector.multi_reduction <add>, %mul3A_754, %reduce_sum3A_755 [0] : vector<64x805xf32> to vector<805xf32>
    %broadcast_in_dim3A_757 = vector.shape_cast %reduce_sum3A_756 : vector<805xf32> to vector<1x805xf32>
    %lt3A_758 = arith.cmpf olt, %broadcast_in_dim3A_757, %select_n3A_747 : vector<1x805xf32>
    %select_n3A_759 = arith.select %lt3A_758, %broadcast_in_dim3A_757, %select_n3A_747 : vector<1x805xi1>, vector<1x805xf32>
    %jit3A_760 = arith.constant 17 : i32
    %broadcast_in_dim3A_761 = vector.broadcast %jit3A_760 : i32 to vector<1x805xi32>
    %select_n3A_762 = arith.select %lt3A_758, %broadcast_in_dim3A_761, %select_n3A_750 : vector<1x805xi1>, vector<1x805xi32>
    %slice3A_763 = vector.extract_strided_slice %div3A_542 {offsets = [0, 18], sizes = [64, 1], strides = [1, 1]} : vector<64x20xf32> to vector<64x1xf32>
    %sub3A_764 = vector.broadcast %slice3A_763 : vector<64x1xf32> to vector<64x805xf32>
    %sub3A_765 = arith.subf %slice3A_32, %sub3A_764 : vector<64x805xf32>
    %mul3A_766 = arith.mulf %sub3A_765, %sub3A_765 : vector<64x805xf32>
    %reduce_sum3A_767 = arith.constant dense<0.000000e+00> : vector<805xf32>
    %reduce_sum3A_768 = vector.multi_reduction <add>, %mul3A_766, %reduce_sum3A_767 [0] : vector<64x805xf32> to vector<805xf32>
    %broadcast_in_dim3A_769 = vector.shape_cast %reduce_sum3A_768 : vector<805xf32> to vector<1x805xf32>
    %lt3A_770 = arith.cmpf olt, %broadcast_in_dim3A_769, %select_n3A_759 : vector<1x805xf32>
    %select_n3A_771 = arith.select %lt3A_770, %broadcast_in_dim3A_769, %select_n3A_759 : vector<1x805xi1>, vector<1x805xf32>
    %jit3A_772 = arith.constant 18 : i32
    %broadcast_in_dim3A_773 = vector.broadcast %jit3A_772 : i32 to vector<1x805xi32>
    %select_n3A_774 = arith.select %lt3A_770, %broadcast_in_dim3A_773, %select_n3A_762 : vector<1x805xi1>, vector<1x805xi32>
    %slice3A_775 = vector.extract_strided_slice %div3A_542 {offsets = [0, 19], sizes = [64, 1], strides = [1, 1]} : vector<64x20xf32> to vector<64x1xf32>
    %sub3A_776 = vector.broadcast %slice3A_775 : vector<64x1xf32> to vector<64x805xf32>
    %sub3A_777 = arith.subf %slice3A_32, %sub3A_776 : vector<64x805xf32>
    %mul3A_778 = arith.mulf %sub3A_777, %sub3A_777 : vector<64x805xf32>
    %reduce_sum3A_779 = arith.constant dense<0.000000e+00> : vector<805xf32>
    %reduce_sum3A_780 = vector.multi_reduction <add>, %mul3A_778, %reduce_sum3A_779 [0] : vector<64x805xf32> to vector<805xf32>
    %broadcast_in_dim3A_781 = vector.shape_cast %reduce_sum3A_780 : vector<805xf32> to vector<1x805xf32>
    %lt3A_782 = arith.cmpf olt, %broadcast_in_dim3A_781, %select_n3A_771 : vector<1x805xf32>
    %jit3A_783 = arith.constant 19 : i32
    %broadcast_in_dim3A_784 = vector.broadcast %jit3A_783 : i32 to vector<1x805xi32>
    %select_n3A_785 = arith.select %lt3A_782, %broadcast_in_dim3A_784, %select_n3A_774 : vector<1x805xi1>, vector<1x805xi32>
    %eq3A_786 = vector.broadcast %select_n3A_785 : vector<1x805xi32> to vector<20x805xi32>
    %eq3A_787 = vector.broadcast %iota3A : vector<20x1xi32> to vector<20x805xi32>
    %eq3A_788 = arith.cmpi eq, %eq3A_786, %eq3A_787 : vector<20x805xi32>
    %convert_element_type3A_789 = arith.extui %eq3A_788 : vector<20x805xi1> to vector<20x805xi32>
    %convert_element_type3A_790 = arith.sitofp %convert_element_type3A_789 : vector<20x805xi32> to vector<20x805xf32>
    %dot_general3A_791 = arith.constant dense<0.000000e+00> : vector<64x20xf32>
    %dot_general3A_792 = tpu.matmul %slice3A_32, %convert_element_type3A_790, %dot_general3A_791 {dimension_numbers = #tpu.dot_dimension_numbers<[1], [1], [0], [0], [0, 0, 1, 0], [], []>, precision = #tpu.contract_precision<fp32>, transpose_lhs_hint = false} : vector<64x805xf32>, vector<20x805xf32>, vector<64x20xf32> -> vector<64x20xf32>
    %dot_general3A_793 = arith.constant dense<0.000000e+00> : vector<1x20xf32>
    %dot_general3A_794 = tpu.matmul %broadcast_in_dim3A_35, %convert_element_type3A_790, %dot_general3A_793 {dimension_numbers = #tpu.dot_dimension_numbers<[1], [1], [0], [0], [0, 0, 1, 0], [], []>, precision = #tpu.contract_precision<fp32>, transpose_lhs_hint = false} : vector<1x805xf32>, vector<20x805xf32>, vector<1x20xf32> -> vector<1x20xf32>
    %max3A_795 = arith.constant 1.000000e+00 : f32
    %max3A_796 = vector.broadcast %max3A_795 : f32 to vector<1x20xf32>
    %max3A_797 = arith.maximumf %dot_general3A_794, %max3A_796 : vector<1x20xf32>
    %div3A_798 = vector.broadcast %max3A_797 : vector<1x20xf32> to vector<64x20xf32>
    %div3A_799 = arith.divf %dot_general3A_792, %div3A_798 : vector<64x20xf32>
    %broadcast_in_dim3A_800 = arith.constant 0x7F800000 : f32
    %broadcast_in_dim3A_801 = vector.broadcast %broadcast_in_dim3A_800 : f32 to vector<1x805xf32>
    %broadcast_in_dim3A_802 = arith.constant 0 : i32
    %broadcast_in_dim3A_803 = vector.broadcast %broadcast_in_dim3A_802 : i32 to vector<1x805xi32>
    %slice3A_804 = vector.extract_strided_slice %div3A_799 {offsets = [0, 0], sizes = [64, 1], strides = [1, 1]} : vector<64x20xf32> to vector<64x1xf32>
    %sub3A_805 = vector.broadcast %slice3A_804 : vector<64x1xf32> to vector<64x805xf32>
    %sub3A_806 = arith.subf %slice3A_32, %sub3A_805 : vector<64x805xf32>
    %mul3A_807 = arith.mulf %sub3A_806, %sub3A_806 : vector<64x805xf32>
    %reduce_sum3A_808 = arith.constant dense<0.000000e+00> : vector<805xf32>
    %reduce_sum3A_809 = vector.multi_reduction <add>, %mul3A_807, %reduce_sum3A_808 [0] : vector<64x805xf32> to vector<805xf32>
    %broadcast_in_dim3A_810 = vector.shape_cast %reduce_sum3A_809 : vector<805xf32> to vector<1x805xf32>
    %lt3A_811 = arith.cmpf olt, %broadcast_in_dim3A_810, %broadcast_in_dim3A_801 : vector<1x805xf32>
    %select_n3A_812 = arith.select %lt3A_811, %broadcast_in_dim3A_810, %broadcast_in_dim3A_801 : vector<1x805xi1>, vector<1x805xf32>
    %jit3A_813 = arith.constant 0 : i32
    %broadcast_in_dim3A_814 = vector.broadcast %jit3A_813 : i32 to vector<1x805xi32>
    %select_n3A_815 = arith.select %lt3A_811, %broadcast_in_dim3A_814, %broadcast_in_dim3A_803 : vector<1x805xi1>, vector<1x805xi32>
    %slice3A_816 = vector.extract_strided_slice %div3A_799 {offsets = [0, 1], sizes = [64, 1], strides = [1, 1]} : vector<64x20xf32> to vector<64x1xf32>
    %sub3A_817 = vector.broadcast %slice3A_816 : vector<64x1xf32> to vector<64x805xf32>
    %sub3A_818 = arith.subf %slice3A_32, %sub3A_817 : vector<64x805xf32>
    %mul3A_819 = arith.mulf %sub3A_818, %sub3A_818 : vector<64x805xf32>
    %reduce_sum3A_820 = arith.constant dense<0.000000e+00> : vector<805xf32>
    %reduce_sum3A_821 = vector.multi_reduction <add>, %mul3A_819, %reduce_sum3A_820 [0] : vector<64x805xf32> to vector<805xf32>
    %broadcast_in_dim3A_822 = vector.shape_cast %reduce_sum3A_821 : vector<805xf32> to vector<1x805xf32>
    %lt3A_823 = arith.cmpf olt, %broadcast_in_dim3A_822, %select_n3A_812 : vector<1x805xf32>
    %select_n3A_824 = arith.select %lt3A_823, %broadcast_in_dim3A_822, %select_n3A_812 : vector<1x805xi1>, vector<1x805xf32>
    %jit3A_825 = arith.constant 1 : i32
    %broadcast_in_dim3A_826 = vector.broadcast %jit3A_825 : i32 to vector<1x805xi32>
    %select_n3A_827 = arith.select %lt3A_823, %broadcast_in_dim3A_826, %select_n3A_815 : vector<1x805xi1>, vector<1x805xi32>
    %slice3A_828 = vector.extract_strided_slice %div3A_799 {offsets = [0, 2], sizes = [64, 1], strides = [1, 1]} : vector<64x20xf32> to vector<64x1xf32>
    %sub3A_829 = vector.broadcast %slice3A_828 : vector<64x1xf32> to vector<64x805xf32>
    %sub3A_830 = arith.subf %slice3A_32, %sub3A_829 : vector<64x805xf32>
    %mul3A_831 = arith.mulf %sub3A_830, %sub3A_830 : vector<64x805xf32>
    %reduce_sum3A_832 = arith.constant dense<0.000000e+00> : vector<805xf32>
    %reduce_sum3A_833 = vector.multi_reduction <add>, %mul3A_831, %reduce_sum3A_832 [0] : vector<64x805xf32> to vector<805xf32>
    %broadcast_in_dim3A_834 = vector.shape_cast %reduce_sum3A_833 : vector<805xf32> to vector<1x805xf32>
    %lt3A_835 = arith.cmpf olt, %broadcast_in_dim3A_834, %select_n3A_824 : vector<1x805xf32>
    %select_n3A_836 = arith.select %lt3A_835, %broadcast_in_dim3A_834, %select_n3A_824 : vector<1x805xi1>, vector<1x805xf32>
    %jit3A_837 = arith.constant 2 : i32
    %broadcast_in_dim3A_838 = vector.broadcast %jit3A_837 : i32 to vector<1x805xi32>
    %select_n3A_839 = arith.select %lt3A_835, %broadcast_in_dim3A_838, %select_n3A_827 : vector<1x805xi1>, vector<1x805xi32>
    %slice3A_840 = vector.extract_strided_slice %div3A_799 {offsets = [0, 3], sizes = [64, 1], strides = [1, 1]} : vector<64x20xf32> to vector<64x1xf32>
    %sub3A_841 = vector.broadcast %slice3A_840 : vector<64x1xf32> to vector<64x805xf32>
    %sub3A_842 = arith.subf %slice3A_32, %sub3A_841 : vector<64x805xf32>
    %mul3A_843 = arith.mulf %sub3A_842, %sub3A_842 : vector<64x805xf32>
    %reduce_sum3A_844 = arith.constant dense<0.000000e+00> : vector<805xf32>
    %reduce_sum3A_845 = vector.multi_reduction <add>, %mul3A_843, %reduce_sum3A_844 [0] : vector<64x805xf32> to vector<805xf32>
    %broadcast_in_dim3A_846 = vector.shape_cast %reduce_sum3A_845 : vector<805xf32> to vector<1x805xf32>
    %lt3A_847 = arith.cmpf olt, %broadcast_in_dim3A_846, %select_n3A_836 : vector<1x805xf32>
    %select_n3A_848 = arith.select %lt3A_847, %broadcast_in_dim3A_846, %select_n3A_836 : vector<1x805xi1>, vector<1x805xf32>
    %jit3A_849 = arith.constant 3 : i32
    %broadcast_in_dim3A_850 = vector.broadcast %jit3A_849 : i32 to vector<1x805xi32>
    %select_n3A_851 = arith.select %lt3A_847, %broadcast_in_dim3A_850, %select_n3A_839 : vector<1x805xi1>, vector<1x805xi32>
    %slice3A_852 = vector.extract_strided_slice %div3A_799 {offsets = [0, 4], sizes = [64, 1], strides = [1, 1]} : vector<64x20xf32> to vector<64x1xf32>
    %sub3A_853 = vector.broadcast %slice3A_852 : vector<64x1xf32> to vector<64x805xf32>
    %sub3A_854 = arith.subf %slice3A_32, %sub3A_853 : vector<64x805xf32>
    %mul3A_855 = arith.mulf %sub3A_854, %sub3A_854 : vector<64x805xf32>
    %reduce_sum3A_856 = arith.constant dense<0.000000e+00> : vector<805xf32>
    %reduce_sum3A_857 = vector.multi_reduction <add>, %mul3A_855, %reduce_sum3A_856 [0] : vector<64x805xf32> to vector<805xf32>
    %broadcast_in_dim3A_858 = vector.shape_cast %reduce_sum3A_857 : vector<805xf32> to vector<1x805xf32>
    %lt3A_859 = arith.cmpf olt, %broadcast_in_dim3A_858, %select_n3A_848 : vector<1x805xf32>
    %select_n3A_860 = arith.select %lt3A_859, %broadcast_in_dim3A_858, %select_n3A_848 : vector<1x805xi1>, vector<1x805xf32>
    %jit3A_861 = arith.constant 4 : i32
    %broadcast_in_dim3A_862 = vector.broadcast %jit3A_861 : i32 to vector<1x805xi32>
    %select_n3A_863 = arith.select %lt3A_859, %broadcast_in_dim3A_862, %select_n3A_851 : vector<1x805xi1>, vector<1x805xi32>
    %slice3A_864 = vector.extract_strided_slice %div3A_799 {offsets = [0, 5], sizes = [64, 1], strides = [1, 1]} : vector<64x20xf32> to vector<64x1xf32>
    %sub3A_865 = vector.broadcast %slice3A_864 : vector<64x1xf32> to vector<64x805xf32>
    %sub3A_866 = arith.subf %slice3A_32, %sub3A_865 : vector<64x805xf32>
    %mul3A_867 = arith.mulf %sub3A_866, %sub3A_866 : vector<64x805xf32>
    %reduce_sum3A_868 = arith.constant dense<0.000000e+00> : vector<805xf32>
    %reduce_sum3A_869 = vector.multi_reduction <add>, %mul3A_867, %reduce_sum3A_868 [0] : vector<64x805xf32> to vector<805xf32>
    %broadcast_in_dim3A_870 = vector.shape_cast %reduce_sum3A_869 : vector<805xf32> to vector<1x805xf32>
    %lt3A_871 = arith.cmpf olt, %broadcast_in_dim3A_870, %select_n3A_860 : vector<1x805xf32>
    %select_n3A_872 = arith.select %lt3A_871, %broadcast_in_dim3A_870, %select_n3A_860 : vector<1x805xi1>, vector<1x805xf32>
    %jit3A_873 = arith.constant 5 : i32
    %broadcast_in_dim3A_874 = vector.broadcast %jit3A_873 : i32 to vector<1x805xi32>
    %select_n3A_875 = arith.select %lt3A_871, %broadcast_in_dim3A_874, %select_n3A_863 : vector<1x805xi1>, vector<1x805xi32>
    %slice3A_876 = vector.extract_strided_slice %div3A_799 {offsets = [0, 6], sizes = [64, 1], strides = [1, 1]} : vector<64x20xf32> to vector<64x1xf32>
    %sub3A_877 = vector.broadcast %slice3A_876 : vector<64x1xf32> to vector<64x805xf32>
    %sub3A_878 = arith.subf %slice3A_32, %sub3A_877 : vector<64x805xf32>
    %mul3A_879 = arith.mulf %sub3A_878, %sub3A_878 : vector<64x805xf32>
    %reduce_sum3A_880 = arith.constant dense<0.000000e+00> : vector<805xf32>
    %reduce_sum3A_881 = vector.multi_reduction <add>, %mul3A_879, %reduce_sum3A_880 [0] : vector<64x805xf32> to vector<805xf32>
    %broadcast_in_dim3A_882 = vector.shape_cast %reduce_sum3A_881 : vector<805xf32> to vector<1x805xf32>
    %lt3A_883 = arith.cmpf olt, %broadcast_in_dim3A_882, %select_n3A_872 : vector<1x805xf32>
    %select_n3A_884 = arith.select %lt3A_883, %broadcast_in_dim3A_882, %select_n3A_872 : vector<1x805xi1>, vector<1x805xf32>
    %jit3A_885 = arith.constant 6 : i32
    %broadcast_in_dim3A_886 = vector.broadcast %jit3A_885 : i32 to vector<1x805xi32>
    %select_n3A_887 = arith.select %lt3A_883, %broadcast_in_dim3A_886, %select_n3A_875 : vector<1x805xi1>, vector<1x805xi32>
    %slice3A_888 = vector.extract_strided_slice %div3A_799 {offsets = [0, 7], sizes = [64, 1], strides = [1, 1]} : vector<64x20xf32> to vector<64x1xf32>
    %sub3A_889 = vector.broadcast %slice3A_888 : vector<64x1xf32> to vector<64x805xf32>
    %sub3A_890 = arith.subf %slice3A_32, %sub3A_889 : vector<64x805xf32>
    %mul3A_891 = arith.mulf %sub3A_890, %sub3A_890 : vector<64x805xf32>
    %reduce_sum3A_892 = arith.constant dense<0.000000e+00> : vector<805xf32>
    %reduce_sum3A_893 = vector.multi_reduction <add>, %mul3A_891, %reduce_sum3A_892 [0] : vector<64x805xf32> to vector<805xf32>
    %broadcast_in_dim3A_894 = vector.shape_cast %reduce_sum3A_893 : vector<805xf32> to vector<1x805xf32>
    %lt3A_895 = arith.cmpf olt, %broadcast_in_dim3A_894, %select_n3A_884 : vector<1x805xf32>
    %select_n3A_896 = arith.select %lt3A_895, %broadcast_in_dim3A_894, %select_n3A_884 : vector<1x805xi1>, vector<1x805xf32>
    %jit3A_897 = arith.constant 7 : i32
    %broadcast_in_dim3A_898 = vector.broadcast %jit3A_897 : i32 to vector<1x805xi32>
    %select_n3A_899 = arith.select %lt3A_895, %broadcast_in_dim3A_898, %select_n3A_887 : vector<1x805xi1>, vector<1x805xi32>
    %slice3A_900 = vector.extract_strided_slice %div3A_799 {offsets = [0, 8], sizes = [64, 1], strides = [1, 1]} : vector<64x20xf32> to vector<64x1xf32>
    %sub3A_901 = vector.broadcast %slice3A_900 : vector<64x1xf32> to vector<64x805xf32>
    %sub3A_902 = arith.subf %slice3A_32, %sub3A_901 : vector<64x805xf32>
    %mul3A_903 = arith.mulf %sub3A_902, %sub3A_902 : vector<64x805xf32>
    %reduce_sum3A_904 = arith.constant dense<0.000000e+00> : vector<805xf32>
    %reduce_sum3A_905 = vector.multi_reduction <add>, %mul3A_903, %reduce_sum3A_904 [0] : vector<64x805xf32> to vector<805xf32>
    %broadcast_in_dim3A_906 = vector.shape_cast %reduce_sum3A_905 : vector<805xf32> to vector<1x805xf32>
    %lt3A_907 = arith.cmpf olt, %broadcast_in_dim3A_906, %select_n3A_896 : vector<1x805xf32>
    %select_n3A_908 = arith.select %lt3A_907, %broadcast_in_dim3A_906, %select_n3A_896 : vector<1x805xi1>, vector<1x805xf32>
    %jit3A_909 = arith.constant 8 : i32
    %broadcast_in_dim3A_910 = vector.broadcast %jit3A_909 : i32 to vector<1x805xi32>
    %select_n3A_911 = arith.select %lt3A_907, %broadcast_in_dim3A_910, %select_n3A_899 : vector<1x805xi1>, vector<1x805xi32>
    %slice3A_912 = vector.extract_strided_slice %div3A_799 {offsets = [0, 9], sizes = [64, 1], strides = [1, 1]} : vector<64x20xf32> to vector<64x1xf32>
    %sub3A_913 = vector.broadcast %slice3A_912 : vector<64x1xf32> to vector<64x805xf32>
    %sub3A_914 = arith.subf %slice3A_32, %sub3A_913 : vector<64x805xf32>
    %mul3A_915 = arith.mulf %sub3A_914, %sub3A_914 : vector<64x805xf32>
    %reduce_sum3A_916 = arith.constant dense<0.000000e+00> : vector<805xf32>
    %reduce_sum3A_917 = vector.multi_reduction <add>, %mul3A_915, %reduce_sum3A_916 [0] : vector<64x805xf32> to vector<805xf32>
    %broadcast_in_dim3A_918 = vector.shape_cast %reduce_sum3A_917 : vector<805xf32> to vector<1x805xf32>
    %lt3A_919 = arith.cmpf olt, %broadcast_in_dim3A_918, %select_n3A_908 : vector<1x805xf32>
    %select_n3A_920 = arith.select %lt3A_919, %broadcast_in_dim3A_918, %select_n3A_908 : vector<1x805xi1>, vector<1x805xf32>
    %jit3A_921 = arith.constant 9 : i32
    %broadcast_in_dim3A_922 = vector.broadcast %jit3A_921 : i32 to vector<1x805xi32>
    %select_n3A_923 = arith.select %lt3A_919, %broadcast_in_dim3A_922, %select_n3A_911 : vector<1x805xi1>, vector<1x805xi32>
    %slice3A_924 = vector.extract_strided_slice %div3A_799 {offsets = [0, 10], sizes = [64, 1], strides = [1, 1]} : vector<64x20xf32> to vector<64x1xf32>
    %sub3A_925 = vector.broadcast %slice3A_924 : vector<64x1xf32> to vector<64x805xf32>
    %sub3A_926 = arith.subf %slice3A_32, %sub3A_925 : vector<64x805xf32>
    %mul3A_927 = arith.mulf %sub3A_926, %sub3A_926 : vector<64x805xf32>
    %reduce_sum3A_928 = arith.constant dense<0.000000e+00> : vector<805xf32>
    %reduce_sum3A_929 = vector.multi_reduction <add>, %mul3A_927, %reduce_sum3A_928 [0] : vector<64x805xf32> to vector<805xf32>
    %broadcast_in_dim3A_930 = vector.shape_cast %reduce_sum3A_929 : vector<805xf32> to vector<1x805xf32>
    %lt3A_931 = arith.cmpf olt, %broadcast_in_dim3A_930, %select_n3A_920 : vector<1x805xf32>
    %select_n3A_932 = arith.select %lt3A_931, %broadcast_in_dim3A_930, %select_n3A_920 : vector<1x805xi1>, vector<1x805xf32>
    %jit3A_933 = arith.constant 10 : i32
    %broadcast_in_dim3A_934 = vector.broadcast %jit3A_933 : i32 to vector<1x805xi32>
    %select_n3A_935 = arith.select %lt3A_931, %broadcast_in_dim3A_934, %select_n3A_923 : vector<1x805xi1>, vector<1x805xi32>
    %slice3A_936 = vector.extract_strided_slice %div3A_799 {offsets = [0, 11], sizes = [64, 1], strides = [1, 1]} : vector<64x20xf32> to vector<64x1xf32>
    %sub3A_937 = vector.broadcast %slice3A_936 : vector<64x1xf32> to vector<64x805xf32>
    %sub3A_938 = arith.subf %slice3A_32, %sub3A_937 : vector<64x805xf32>
    %mul3A_939 = arith.mulf %sub3A_938, %sub3A_938 : vector<64x805xf32>
    %reduce_sum3A_940 = arith.constant dense<0.000000e+00> : vector<805xf32>
    %reduce_sum3A_941 = vector.multi_reduction <add>, %mul3A_939, %reduce_sum3A_940 [0] : vector<64x805xf32> to vector<805xf32>
    %broadcast_in_dim3A_942 = vector.shape_cast %reduce_sum3A_941 : vector<805xf32> to vector<1x805xf32>
    %lt3A_943 = arith.cmpf olt, %broadcast_in_dim3A_942, %select_n3A_932 : vector<1x805xf32>
    %select_n3A_944 = arith.select %lt3A_943, %broadcast_in_dim3A_942, %select_n3A_932 : vector<1x805xi1>, vector<1x805xf32>
    %jit3A_945 = arith.constant 11 : i32
    %broadcast_in_dim3A_946 = vector.broadcast %jit3A_945 : i32 to vector<1x805xi32>
    %select_n3A_947 = arith.select %lt3A_943, %broadcast_in_dim3A_946, %select_n3A_935 : vector<1x805xi1>, vector<1x805xi32>
    %slice3A_948 = vector.extract_strided_slice %div3A_799 {offsets = [0, 12], sizes = [64, 1], strides = [1, 1]} : vector<64x20xf32> to vector<64x1xf32>
    %sub3A_949 = vector.broadcast %slice3A_948 : vector<64x1xf32> to vector<64x805xf32>
    %sub3A_950 = arith.subf %slice3A_32, %sub3A_949 : vector<64x805xf32>
    %mul3A_951 = arith.mulf %sub3A_950, %sub3A_950 : vector<64x805xf32>
    %reduce_sum3A_952 = arith.constant dense<0.000000e+00> : vector<805xf32>
    %reduce_sum3A_953 = vector.multi_reduction <add>, %mul3A_951, %reduce_sum3A_952 [0] : vector<64x805xf32> to vector<805xf32>
    %broadcast_in_dim3A_954 = vector.shape_cast %reduce_sum3A_953 : vector<805xf32> to vector<1x805xf32>
    %lt3A_955 = arith.cmpf olt, %broadcast_in_dim3A_954, %select_n3A_944 : vector<1x805xf32>
    %select_n3A_956 = arith.select %lt3A_955, %broadcast_in_dim3A_954, %select_n3A_944 : vector<1x805xi1>, vector<1x805xf32>
    %jit3A_957 = arith.constant 12 : i32
    %broadcast_in_dim3A_958 = vector.broadcast %jit3A_957 : i32 to vector<1x805xi32>
    %select_n3A_959 = arith.select %lt3A_955, %broadcast_in_dim3A_958, %select_n3A_947 : vector<1x805xi1>, vector<1x805xi32>
    %slice3A_960 = vector.extract_strided_slice %div3A_799 {offsets = [0, 13], sizes = [64, 1], strides = [1, 1]} : vector<64x20xf32> to vector<64x1xf32>
    %sub3A_961 = vector.broadcast %slice3A_960 : vector<64x1xf32> to vector<64x805xf32>
    %sub3A_962 = arith.subf %slice3A_32, %sub3A_961 : vector<64x805xf32>
    %mul3A_963 = arith.mulf %sub3A_962, %sub3A_962 : vector<64x805xf32>
    %reduce_sum3A_964 = arith.constant dense<0.000000e+00> : vector<805xf32>
    %reduce_sum3A_965 = vector.multi_reduction <add>, %mul3A_963, %reduce_sum3A_964 [0] : vector<64x805xf32> to vector<805xf32>
    %broadcast_in_dim3A_966 = vector.shape_cast %reduce_sum3A_965 : vector<805xf32> to vector<1x805xf32>
    %lt3A_967 = arith.cmpf olt, %broadcast_in_dim3A_966, %select_n3A_956 : vector<1x805xf32>
    %select_n3A_968 = arith.select %lt3A_967, %broadcast_in_dim3A_966, %select_n3A_956 : vector<1x805xi1>, vector<1x805xf32>
    %jit3A_969 = arith.constant 13 : i32
    %broadcast_in_dim3A_970 = vector.broadcast %jit3A_969 : i32 to vector<1x805xi32>
    %select_n3A_971 = arith.select %lt3A_967, %broadcast_in_dim3A_970, %select_n3A_959 : vector<1x805xi1>, vector<1x805xi32>
    %slice3A_972 = vector.extract_strided_slice %div3A_799 {offsets = [0, 14], sizes = [64, 1], strides = [1, 1]} : vector<64x20xf32> to vector<64x1xf32>
    %sub3A_973 = vector.broadcast %slice3A_972 : vector<64x1xf32> to vector<64x805xf32>
    %sub3A_974 = arith.subf %slice3A_32, %sub3A_973 : vector<64x805xf32>
    %mul3A_975 = arith.mulf %sub3A_974, %sub3A_974 : vector<64x805xf32>
    %reduce_sum3A_976 = arith.constant dense<0.000000e+00> : vector<805xf32>
    %reduce_sum3A_977 = vector.multi_reduction <add>, %mul3A_975, %reduce_sum3A_976 [0] : vector<64x805xf32> to vector<805xf32>
    %broadcast_in_dim3A_978 = vector.shape_cast %reduce_sum3A_977 : vector<805xf32> to vector<1x805xf32>
    %lt3A_979 = arith.cmpf olt, %broadcast_in_dim3A_978, %select_n3A_968 : vector<1x805xf32>
    %select_n3A_980 = arith.select %lt3A_979, %broadcast_in_dim3A_978, %select_n3A_968 : vector<1x805xi1>, vector<1x805xf32>
    %jit3A_981 = arith.constant 14 : i32
    %broadcast_in_dim3A_982 = vector.broadcast %jit3A_981 : i32 to vector<1x805xi32>
    %select_n3A_983 = arith.select %lt3A_979, %broadcast_in_dim3A_982, %select_n3A_971 : vector<1x805xi1>, vector<1x805xi32>
    %slice3A_984 = vector.extract_strided_slice %div3A_799 {offsets = [0, 15], sizes = [64, 1], strides = [1, 1]} : vector<64x20xf32> to vector<64x1xf32>
    %sub3A_985 = vector.broadcast %slice3A_984 : vector<64x1xf32> to vector<64x805xf32>
    %sub3A_986 = arith.subf %slice3A_32, %sub3A_985 : vector<64x805xf32>
    %mul3A_987 = arith.mulf %sub3A_986, %sub3A_986 : vector<64x805xf32>
    %reduce_sum3A_988 = arith.constant dense<0.000000e+00> : vector<805xf32>
    %reduce_sum3A_989 = vector.multi_reduction <add>, %mul3A_987, %reduce_sum3A_988 [0] : vector<64x805xf32> to vector<805xf32>
    %broadcast_in_dim3A_990 = vector.shape_cast %reduce_sum3A_989 : vector<805xf32> to vector<1x805xf32>
    %lt3A_991 = arith.cmpf olt, %broadcast_in_dim3A_990, %select_n3A_980 : vector<1x805xf32>
    %select_n3A_992 = arith.select %lt3A_991, %broadcast_in_dim3A_990, %select_n3A_980 : vector<1x805xi1>, vector<1x805xf32>
    %jit3A_993 = arith.constant 15 : i32
    %broadcast_in_dim3A_994 = vector.broadcast %jit3A_993 : i32 to vector<1x805xi32>
    %select_n3A_995 = arith.select %lt3A_991, %broadcast_in_dim3A_994, %select_n3A_983 : vector<1x805xi1>, vector<1x805xi32>
    %slice3A_996 = vector.extract_strided_slice %div3A_799 {offsets = [0, 16], sizes = [64, 1], strides = [1, 1]} : vector<64x20xf32> to vector<64x1xf32>
    %sub3A_997 = vector.broadcast %slice3A_996 : vector<64x1xf32> to vector<64x805xf32>
    %sub3A_998 = arith.subf %slice3A_32, %sub3A_997 : vector<64x805xf32>
    %mul3A_999 = arith.mulf %sub3A_998, %sub3A_998 : vector<64x805xf32>
    %reduce_sum3A_1000 = arith.constant dense<0.000000e+00> : vector<805xf32>
    %reduce_sum3A_1001 = vector.multi_reduction <add>, %mul3A_999, %reduce_sum3A_1000 [0] : vector<64x805xf32> to vector<805xf32>
    %broadcast_in_dim3A_1002 = vector.shape_cast %reduce_sum3A_1001 : vector<805xf32> to vector<1x805xf32>
    %lt3A_1003 = arith.cmpf olt, %broadcast_in_dim3A_1002, %select_n3A_992 : vector<1x805xf32>
    %select_n3A_1004 = arith.select %lt3A_1003, %broadcast_in_dim3A_1002, %select_n3A_992 : vector<1x805xi1>, vector<1x805xf32>
    %jit3A_1005 = arith.constant 16 : i32
    %broadcast_in_dim3A_1006 = vector.broadcast %jit3A_1005 : i32 to vector<1x805xi32>
    %select_n3A_1007 = arith.select %lt3A_1003, %broadcast_in_dim3A_1006, %select_n3A_995 : vector<1x805xi1>, vector<1x805xi32>
    %slice3A_1008 = vector.extract_strided_slice %div3A_799 {offsets = [0, 17], sizes = [64, 1], strides = [1, 1]} : vector<64x20xf32> to vector<64x1xf32>
    %sub3A_1009 = vector.broadcast %slice3A_1008 : vector<64x1xf32> to vector<64x805xf32>
    %sub3A_1010 = arith.subf %slice3A_32, %sub3A_1009 : vector<64x805xf32>
    %mul3A_1011 = arith.mulf %sub3A_1010, %sub3A_1010 : vector<64x805xf32>
    %reduce_sum3A_1012 = arith.constant dense<0.000000e+00> : vector<805xf32>
    %reduce_sum3A_1013 = vector.multi_reduction <add>, %mul3A_1011, %reduce_sum3A_1012 [0] : vector<64x805xf32> to vector<805xf32>
    %broadcast_in_dim3A_1014 = vector.shape_cast %reduce_sum3A_1013 : vector<805xf32> to vector<1x805xf32>
    %lt3A_1015 = arith.cmpf olt, %broadcast_in_dim3A_1014, %select_n3A_1004 : vector<1x805xf32>
    %select_n3A_1016 = arith.select %lt3A_1015, %broadcast_in_dim3A_1014, %select_n3A_1004 : vector<1x805xi1>, vector<1x805xf32>
    %jit3A_1017 = arith.constant 17 : i32
    %broadcast_in_dim3A_1018 = vector.broadcast %jit3A_1017 : i32 to vector<1x805xi32>
    %select_n3A_1019 = arith.select %lt3A_1015, %broadcast_in_dim3A_1018, %select_n3A_1007 : vector<1x805xi1>, vector<1x805xi32>
    %slice3A_1020 = vector.extract_strided_slice %div3A_799 {offsets = [0, 18], sizes = [64, 1], strides = [1, 1]} : vector<64x20xf32> to vector<64x1xf32>
    %sub3A_1021 = vector.broadcast %slice3A_1020 : vector<64x1xf32> to vector<64x805xf32>
    %sub3A_1022 = arith.subf %slice3A_32, %sub3A_1021 : vector<64x805xf32>
    %mul3A_1023 = arith.mulf %sub3A_1022, %sub3A_1022 : vector<64x805xf32>
    %reduce_sum3A_1024 = arith.constant dense<0.000000e+00> : vector<805xf32>
    %reduce_sum3A_1025 = vector.multi_reduction <add>, %mul3A_1023, %reduce_sum3A_1024 [0] : vector<64x805xf32> to vector<805xf32>
    %broadcast_in_dim3A_1026 = vector.shape_cast %reduce_sum3A_1025 : vector<805xf32> to vector<1x805xf32>
    %lt3A_1027 = arith.cmpf olt, %broadcast_in_dim3A_1026, %select_n3A_1016 : vector<1x805xf32>
    %select_n3A_1028 = arith.select %lt3A_1027, %broadcast_in_dim3A_1026, %select_n3A_1016 : vector<1x805xi1>, vector<1x805xf32>
    %jit3A_1029 = arith.constant 18 : i32
    %broadcast_in_dim3A_1030 = vector.broadcast %jit3A_1029 : i32 to vector<1x805xi32>
    %select_n3A_1031 = arith.select %lt3A_1027, %broadcast_in_dim3A_1030, %select_n3A_1019 : vector<1x805xi1>, vector<1x805xi32>
    %slice3A_1032 = vector.extract_strided_slice %div3A_799 {offsets = [0, 19], sizes = [64, 1], strides = [1, 1]} : vector<64x20xf32> to vector<64x1xf32>
    %sub3A_1033 = vector.broadcast %slice3A_1032 : vector<64x1xf32> to vector<64x805xf32>
    %sub3A_1034 = arith.subf %slice3A_32, %sub3A_1033 : vector<64x805xf32>
    %mul3A_1035 = arith.mulf %sub3A_1034, %sub3A_1034 : vector<64x805xf32>
    %reduce_sum3A_1036 = arith.constant dense<0.000000e+00> : vector<805xf32>
    %reduce_sum3A_1037 = vector.multi_reduction <add>, %mul3A_1035, %reduce_sum3A_1036 [0] : vector<64x805xf32> to vector<805xf32>
    %broadcast_in_dim3A_1038 = vector.shape_cast %reduce_sum3A_1037 : vector<805xf32> to vector<1x805xf32>
    %lt3A_1039 = arith.cmpf olt, %broadcast_in_dim3A_1038, %select_n3A_1028 : vector<1x805xf32>
    %jit3A_1040 = arith.constant 19 : i32
    %broadcast_in_dim3A_1041 = vector.broadcast %jit3A_1040 : i32 to vector<1x805xi32>
    %select_n3A_1042 = arith.select %lt3A_1039, %broadcast_in_dim3A_1041, %select_n3A_1031 : vector<1x805xi1>, vector<1x805xi32>
    %eq3A_1043 = vector.broadcast %select_n3A_1042 : vector<1x805xi32> to vector<20x805xi32>
    %eq3A_1044 = vector.broadcast %iota3A : vector<20x1xi32> to vector<20x805xi32>
    %eq3A_1045 = arith.cmpi eq, %eq3A_1043, %eq3A_1044 : vector<20x805xi32>
    %convert_element_type3A_1046 = arith.extui %eq3A_1045 : vector<20x805xi1> to vector<20x805xi32>
    %convert_element_type3A_1047 = arith.sitofp %convert_element_type3A_1046 : vector<20x805xi32> to vector<20x805xf32>
    %dot_general3A_1048 = arith.constant dense<0.000000e+00> : vector<64x20xf32>
    %dot_general3A_1049 = tpu.matmul %slice3A_32, %convert_element_type3A_1047, %dot_general3A_1048 {dimension_numbers = #tpu.dot_dimension_numbers<[1], [1], [0], [0], [0, 0, 1, 0], [], []>, precision = #tpu.contract_precision<fp32>, transpose_lhs_hint = false} : vector<64x805xf32>, vector<20x805xf32>, vector<64x20xf32> -> vector<64x20xf32>
    %dot_general3A_1050 = arith.constant dense<0.000000e+00> : vector<1x20xf32>
    %dot_general3A_1051 = tpu.matmul %broadcast_in_dim3A_35, %convert_element_type3A_1047, %dot_general3A_1050 {dimension_numbers = #tpu.dot_dimension_numbers<[1], [1], [0], [0], [0, 0, 1, 0], [], []>, precision = #tpu.contract_precision<fp32>, transpose_lhs_hint = false} : vector<1x805xf32>, vector<20x805xf32>, vector<1x20xf32> -> vector<1x20xf32>
    %max3A_1052 = arith.constant 1.000000e+00 : f32
    %max3A_1053 = vector.broadcast %max3A_1052 : f32 to vector<1x20xf32>
    %max3A_1054 = arith.maximumf %dot_general3A_1051, %max3A_1053 : vector<1x20xf32>
    %div3A_1055 = vector.broadcast %max3A_1054 : vector<1x20xf32> to vector<64x20xf32>
    %div3A_1056 = arith.divf %dot_general3A_1049, %div3A_1055 : vector<64x20xf32>
    %broadcast_in_dim3A_1057 = arith.constant 0x7F800000 : f32
    %broadcast_in_dim3A_1058 = vector.broadcast %broadcast_in_dim3A_1057 : f32 to vector<1x805xf32>
    %broadcast_in_dim3A_1059 = arith.constant 0 : i32
    %broadcast_in_dim3A_1060 = vector.broadcast %broadcast_in_dim3A_1059 : i32 to vector<1x805xi32>
    %slice3A_1061 = vector.extract_strided_slice %div3A_1056 {offsets = [0, 0], sizes = [64, 1], strides = [1, 1]} : vector<64x20xf32> to vector<64x1xf32>
    %sub3A_1062 = vector.broadcast %slice3A_1061 : vector<64x1xf32> to vector<64x805xf32>
    %sub3A_1063 = arith.subf %slice3A_32, %sub3A_1062 : vector<64x805xf32>
    %mul3A_1064 = arith.mulf %sub3A_1063, %sub3A_1063 : vector<64x805xf32>
    %reduce_sum3A_1065 = arith.constant dense<0.000000e+00> : vector<805xf32>
    %reduce_sum3A_1066 = vector.multi_reduction <add>, %mul3A_1064, %reduce_sum3A_1065 [0] : vector<64x805xf32> to vector<805xf32>
    %broadcast_in_dim3A_1067 = vector.shape_cast %reduce_sum3A_1066 : vector<805xf32> to vector<1x805xf32>
    %lt3A_1068 = arith.cmpf olt, %broadcast_in_dim3A_1067, %broadcast_in_dim3A_1058 : vector<1x805xf32>
    %select_n3A_1069 = arith.select %lt3A_1068, %broadcast_in_dim3A_1067, %broadcast_in_dim3A_1058 : vector<1x805xi1>, vector<1x805xf32>
    %jit3A_1070 = arith.constant 0 : i32
    %broadcast_in_dim3A_1071 = vector.broadcast %jit3A_1070 : i32 to vector<1x805xi32>
    %select_n3A_1072 = arith.select %lt3A_1068, %broadcast_in_dim3A_1071, %broadcast_in_dim3A_1060 : vector<1x805xi1>, vector<1x805xi32>
    %slice3A_1073 = vector.extract_strided_slice %div3A_1056 {offsets = [0, 1], sizes = [64, 1], strides = [1, 1]} : vector<64x20xf32> to vector<64x1xf32>
    %sub3A_1074 = vector.broadcast %slice3A_1073 : vector<64x1xf32> to vector<64x805xf32>
    %sub3A_1075 = arith.subf %slice3A_32, %sub3A_1074 : vector<64x805xf32>
    %mul3A_1076 = arith.mulf %sub3A_1075, %sub3A_1075 : vector<64x805xf32>
    %reduce_sum3A_1077 = arith.constant dense<0.000000e+00> : vector<805xf32>
    %reduce_sum3A_1078 = vector.multi_reduction <add>, %mul3A_1076, %reduce_sum3A_1077 [0] : vector<64x805xf32> to vector<805xf32>
    %broadcast_in_dim3A_1079 = vector.shape_cast %reduce_sum3A_1078 : vector<805xf32> to vector<1x805xf32>
    %lt3A_1080 = arith.cmpf olt, %broadcast_in_dim3A_1079, %select_n3A_1069 : vector<1x805xf32>
    %select_n3A_1081 = arith.select %lt3A_1080, %broadcast_in_dim3A_1079, %select_n3A_1069 : vector<1x805xi1>, vector<1x805xf32>
    %jit3A_1082 = arith.constant 1 : i32
    %broadcast_in_dim3A_1083 = vector.broadcast %jit3A_1082 : i32 to vector<1x805xi32>
    %select_n3A_1084 = arith.select %lt3A_1080, %broadcast_in_dim3A_1083, %select_n3A_1072 : vector<1x805xi1>, vector<1x805xi32>
    %slice3A_1085 = vector.extract_strided_slice %div3A_1056 {offsets = [0, 2], sizes = [64, 1], strides = [1, 1]} : vector<64x20xf32> to vector<64x1xf32>
    %sub3A_1086 = vector.broadcast %slice3A_1085 : vector<64x1xf32> to vector<64x805xf32>
    %sub3A_1087 = arith.subf %slice3A_32, %sub3A_1086 : vector<64x805xf32>
    %mul3A_1088 = arith.mulf %sub3A_1087, %sub3A_1087 : vector<64x805xf32>
    %reduce_sum3A_1089 = arith.constant dense<0.000000e+00> : vector<805xf32>
    %reduce_sum3A_1090 = vector.multi_reduction <add>, %mul3A_1088, %reduce_sum3A_1089 [0] : vector<64x805xf32> to vector<805xf32>
    %broadcast_in_dim3A_1091 = vector.shape_cast %reduce_sum3A_1090 : vector<805xf32> to vector<1x805xf32>
    %lt3A_1092 = arith.cmpf olt, %broadcast_in_dim3A_1091, %select_n3A_1081 : vector<1x805xf32>
    %select_n3A_1093 = arith.select %lt3A_1092, %broadcast_in_dim3A_1091, %select_n3A_1081 : vector<1x805xi1>, vector<1x805xf32>
    %jit3A_1094 = arith.constant 2 : i32
    %broadcast_in_dim3A_1095 = vector.broadcast %jit3A_1094 : i32 to vector<1x805xi32>
    %select_n3A_1096 = arith.select %lt3A_1092, %broadcast_in_dim3A_1095, %select_n3A_1084 : vector<1x805xi1>, vector<1x805xi32>
    %slice3A_1097 = vector.extract_strided_slice %div3A_1056 {offsets = [0, 3], sizes = [64, 1], strides = [1, 1]} : vector<64x20xf32> to vector<64x1xf32>
    %sub3A_1098 = vector.broadcast %slice3A_1097 : vector<64x1xf32> to vector<64x805xf32>
    %sub3A_1099 = arith.subf %slice3A_32, %sub3A_1098 : vector<64x805xf32>
    %mul3A_1100 = arith.mulf %sub3A_1099, %sub3A_1099 : vector<64x805xf32>
    %reduce_sum3A_1101 = arith.constant dense<0.000000e+00> : vector<805xf32>
    %reduce_sum3A_1102 = vector.multi_reduction <add>, %mul3A_1100, %reduce_sum3A_1101 [0] : vector<64x805xf32> to vector<805xf32>
    %broadcast_in_dim3A_1103 = vector.shape_cast %reduce_sum3A_1102 : vector<805xf32> to vector<1x805xf32>
    %lt3A_1104 = arith.cmpf olt, %broadcast_in_dim3A_1103, %select_n3A_1093 : vector<1x805xf32>
    %select_n3A_1105 = arith.select %lt3A_1104, %broadcast_in_dim3A_1103, %select_n3A_1093 : vector<1x805xi1>, vector<1x805xf32>
    %jit3A_1106 = arith.constant 3 : i32
    %broadcast_in_dim3A_1107 = vector.broadcast %jit3A_1106 : i32 to vector<1x805xi32>
    %select_n3A_1108 = arith.select %lt3A_1104, %broadcast_in_dim3A_1107, %select_n3A_1096 : vector<1x805xi1>, vector<1x805xi32>
    %slice3A_1109 = vector.extract_strided_slice %div3A_1056 {offsets = [0, 4], sizes = [64, 1], strides = [1, 1]} : vector<64x20xf32> to vector<64x1xf32>
    %sub3A_1110 = vector.broadcast %slice3A_1109 : vector<64x1xf32> to vector<64x805xf32>
    %sub3A_1111 = arith.subf %slice3A_32, %sub3A_1110 : vector<64x805xf32>
    %mul3A_1112 = arith.mulf %sub3A_1111, %sub3A_1111 : vector<64x805xf32>
    %reduce_sum3A_1113 = arith.constant dense<0.000000e+00> : vector<805xf32>
    %reduce_sum3A_1114 = vector.multi_reduction <add>, %mul3A_1112, %reduce_sum3A_1113 [0] : vector<64x805xf32> to vector<805xf32>
    %broadcast_in_dim3A_1115 = vector.shape_cast %reduce_sum3A_1114 : vector<805xf32> to vector<1x805xf32>
    %lt3A_1116 = arith.cmpf olt, %broadcast_in_dim3A_1115, %select_n3A_1105 : vector<1x805xf32>
    %select_n3A_1117 = arith.select %lt3A_1116, %broadcast_in_dim3A_1115, %select_n3A_1105 : vector<1x805xi1>, vector<1x805xf32>
    %jit3A_1118 = arith.constant 4 : i32
    %broadcast_in_dim3A_1119 = vector.broadcast %jit3A_1118 : i32 to vector<1x805xi32>
    %select_n3A_1120 = arith.select %lt3A_1116, %broadcast_in_dim3A_1119, %select_n3A_1108 : vector<1x805xi1>, vector<1x805xi32>
    %slice3A_1121 = vector.extract_strided_slice %div3A_1056 {offsets = [0, 5], sizes = [64, 1], strides = [1, 1]} : vector<64x20xf32> to vector<64x1xf32>
    %sub3A_1122 = vector.broadcast %slice3A_1121 : vector<64x1xf32> to vector<64x805xf32>
    %sub3A_1123 = arith.subf %slice3A_32, %sub3A_1122 : vector<64x805xf32>
    %mul3A_1124 = arith.mulf %sub3A_1123, %sub3A_1123 : vector<64x805xf32>
    %reduce_sum3A_1125 = arith.constant dense<0.000000e+00> : vector<805xf32>
    %reduce_sum3A_1126 = vector.multi_reduction <add>, %mul3A_1124, %reduce_sum3A_1125 [0] : vector<64x805xf32> to vector<805xf32>
    %broadcast_in_dim3A_1127 = vector.shape_cast %reduce_sum3A_1126 : vector<805xf32> to vector<1x805xf32>
    %lt3A_1128 = arith.cmpf olt, %broadcast_in_dim3A_1127, %select_n3A_1117 : vector<1x805xf32>
    %select_n3A_1129 = arith.select %lt3A_1128, %broadcast_in_dim3A_1127, %select_n3A_1117 : vector<1x805xi1>, vector<1x805xf32>
    %jit3A_1130 = arith.constant 5 : i32
    %broadcast_in_dim3A_1131 = vector.broadcast %jit3A_1130 : i32 to vector<1x805xi32>
    %select_n3A_1132 = arith.select %lt3A_1128, %broadcast_in_dim3A_1131, %select_n3A_1120 : vector<1x805xi1>, vector<1x805xi32>
    %slice3A_1133 = vector.extract_strided_slice %div3A_1056 {offsets = [0, 6], sizes = [64, 1], strides = [1, 1]} : vector<64x20xf32> to vector<64x1xf32>
    %sub3A_1134 = vector.broadcast %slice3A_1133 : vector<64x1xf32> to vector<64x805xf32>
    %sub3A_1135 = arith.subf %slice3A_32, %sub3A_1134 : vector<64x805xf32>
    %mul3A_1136 = arith.mulf %sub3A_1135, %sub3A_1135 : vector<64x805xf32>
    %reduce_sum3A_1137 = arith.constant dense<0.000000e+00> : vector<805xf32>
    %reduce_sum3A_1138 = vector.multi_reduction <add>, %mul3A_1136, %reduce_sum3A_1137 [0] : vector<64x805xf32> to vector<805xf32>
    %broadcast_in_dim3A_1139 = vector.shape_cast %reduce_sum3A_1138 : vector<805xf32> to vector<1x805xf32>
    %lt3A_1140 = arith.cmpf olt, %broadcast_in_dim3A_1139, %select_n3A_1129 : vector<1x805xf32>
    %select_n3A_1141 = arith.select %lt3A_1140, %broadcast_in_dim3A_1139, %select_n3A_1129 : vector<1x805xi1>, vector<1x805xf32>
    %jit3A_1142 = arith.constant 6 : i32
    %broadcast_in_dim3A_1143 = vector.broadcast %jit3A_1142 : i32 to vector<1x805xi32>
    %select_n3A_1144 = arith.select %lt3A_1140, %broadcast_in_dim3A_1143, %select_n3A_1132 : vector<1x805xi1>, vector<1x805xi32>
    %slice3A_1145 = vector.extract_strided_slice %div3A_1056 {offsets = [0, 7], sizes = [64, 1], strides = [1, 1]} : vector<64x20xf32> to vector<64x1xf32>
    %sub3A_1146 = vector.broadcast %slice3A_1145 : vector<64x1xf32> to vector<64x805xf32>
    %sub3A_1147 = arith.subf %slice3A_32, %sub3A_1146 : vector<64x805xf32>
    %mul3A_1148 = arith.mulf %sub3A_1147, %sub3A_1147 : vector<64x805xf32>
    %reduce_sum3A_1149 = arith.constant dense<0.000000e+00> : vector<805xf32>
    %reduce_sum3A_1150 = vector.multi_reduction <add>, %mul3A_1148, %reduce_sum3A_1149 [0] : vector<64x805xf32> to vector<805xf32>
    %broadcast_in_dim3A_1151 = vector.shape_cast %reduce_sum3A_1150 : vector<805xf32> to vector<1x805xf32>
    %lt3A_1152 = arith.cmpf olt, %broadcast_in_dim3A_1151, %select_n3A_1141 : vector<1x805xf32>
    %select_n3A_1153 = arith.select %lt3A_1152, %broadcast_in_dim3A_1151, %select_n3A_1141 : vector<1x805xi1>, vector<1x805xf32>
    %jit3A_1154 = arith.constant 7 : i32
    %broadcast_in_dim3A_1155 = vector.broadcast %jit3A_1154 : i32 to vector<1x805xi32>
    %select_n3A_1156 = arith.select %lt3A_1152, %broadcast_in_dim3A_1155, %select_n3A_1144 : vector<1x805xi1>, vector<1x805xi32>
    %slice3A_1157 = vector.extract_strided_slice %div3A_1056 {offsets = [0, 8], sizes = [64, 1], strides = [1, 1]} : vector<64x20xf32> to vector<64x1xf32>
    %sub3A_1158 = vector.broadcast %slice3A_1157 : vector<64x1xf32> to vector<64x805xf32>
    %sub3A_1159 = arith.subf %slice3A_32, %sub3A_1158 : vector<64x805xf32>
    %mul3A_1160 = arith.mulf %sub3A_1159, %sub3A_1159 : vector<64x805xf32>
    %reduce_sum3A_1161 = arith.constant dense<0.000000e+00> : vector<805xf32>
    %reduce_sum3A_1162 = vector.multi_reduction <add>, %mul3A_1160, %reduce_sum3A_1161 [0] : vector<64x805xf32> to vector<805xf32>
    %broadcast_in_dim3A_1163 = vector.shape_cast %reduce_sum3A_1162 : vector<805xf32> to vector<1x805xf32>
    %lt3A_1164 = arith.cmpf olt, %broadcast_in_dim3A_1163, %select_n3A_1153 : vector<1x805xf32>
    %select_n3A_1165 = arith.select %lt3A_1164, %broadcast_in_dim3A_1163, %select_n3A_1153 : vector<1x805xi1>, vector<1x805xf32>
    %jit3A_1166 = arith.constant 8 : i32
    %broadcast_in_dim3A_1167 = vector.broadcast %jit3A_1166 : i32 to vector<1x805xi32>
    %select_n3A_1168 = arith.select %lt3A_1164, %broadcast_in_dim3A_1167, %select_n3A_1156 : vector<1x805xi1>, vector<1x805xi32>
    %slice3A_1169 = vector.extract_strided_slice %div3A_1056 {offsets = [0, 9], sizes = [64, 1], strides = [1, 1]} : vector<64x20xf32> to vector<64x1xf32>
    %sub3A_1170 = vector.broadcast %slice3A_1169 : vector<64x1xf32> to vector<64x805xf32>
    %sub3A_1171 = arith.subf %slice3A_32, %sub3A_1170 : vector<64x805xf32>
    %mul3A_1172 = arith.mulf %sub3A_1171, %sub3A_1171 : vector<64x805xf32>
    %reduce_sum3A_1173 = arith.constant dense<0.000000e+00> : vector<805xf32>
    %reduce_sum3A_1174 = vector.multi_reduction <add>, %mul3A_1172, %reduce_sum3A_1173 [0] : vector<64x805xf32> to vector<805xf32>
    %broadcast_in_dim3A_1175 = vector.shape_cast %reduce_sum3A_1174 : vector<805xf32> to vector<1x805xf32>
    %lt3A_1176 = arith.cmpf olt, %broadcast_in_dim3A_1175, %select_n3A_1165 : vector<1x805xf32>
    %select_n3A_1177 = arith.select %lt3A_1176, %broadcast_in_dim3A_1175, %select_n3A_1165 : vector<1x805xi1>, vector<1x805xf32>
    %jit3A_1178 = arith.constant 9 : i32
    %broadcast_in_dim3A_1179 = vector.broadcast %jit3A_1178 : i32 to vector<1x805xi32>
    %select_n3A_1180 = arith.select %lt3A_1176, %broadcast_in_dim3A_1179, %select_n3A_1168 : vector<1x805xi1>, vector<1x805xi32>
    %slice3A_1181 = vector.extract_strided_slice %div3A_1056 {offsets = [0, 10], sizes = [64, 1], strides = [1, 1]} : vector<64x20xf32> to vector<64x1xf32>
    %sub3A_1182 = vector.broadcast %slice3A_1181 : vector<64x1xf32> to vector<64x805xf32>
    %sub3A_1183 = arith.subf %slice3A_32, %sub3A_1182 : vector<64x805xf32>
    %mul3A_1184 = arith.mulf %sub3A_1183, %sub3A_1183 : vector<64x805xf32>
    %reduce_sum3A_1185 = arith.constant dense<0.000000e+00> : vector<805xf32>
    %reduce_sum3A_1186 = vector.multi_reduction <add>, %mul3A_1184, %reduce_sum3A_1185 [0] : vector<64x805xf32> to vector<805xf32>
    %broadcast_in_dim3A_1187 = vector.shape_cast %reduce_sum3A_1186 : vector<805xf32> to vector<1x805xf32>
    %lt3A_1188 = arith.cmpf olt, %broadcast_in_dim3A_1187, %select_n3A_1177 : vector<1x805xf32>
    %select_n3A_1189 = arith.select %lt3A_1188, %broadcast_in_dim3A_1187, %select_n3A_1177 : vector<1x805xi1>, vector<1x805xf32>
    %jit3A_1190 = arith.constant 10 : i32
    %broadcast_in_dim3A_1191 = vector.broadcast %jit3A_1190 : i32 to vector<1x805xi32>
    %select_n3A_1192 = arith.select %lt3A_1188, %broadcast_in_dim3A_1191, %select_n3A_1180 : vector<1x805xi1>, vector<1x805xi32>
    %slice3A_1193 = vector.extract_strided_slice %div3A_1056 {offsets = [0, 11], sizes = [64, 1], strides = [1, 1]} : vector<64x20xf32> to vector<64x1xf32>
    %sub3A_1194 = vector.broadcast %slice3A_1193 : vector<64x1xf32> to vector<64x805xf32>
    %sub3A_1195 = arith.subf %slice3A_32, %sub3A_1194 : vector<64x805xf32>
    %mul3A_1196 = arith.mulf %sub3A_1195, %sub3A_1195 : vector<64x805xf32>
    %reduce_sum3A_1197 = arith.constant dense<0.000000e+00> : vector<805xf32>
    %reduce_sum3A_1198 = vector.multi_reduction <add>, %mul3A_1196, %reduce_sum3A_1197 [0] : vector<64x805xf32> to vector<805xf32>
    %broadcast_in_dim3A_1199 = vector.shape_cast %reduce_sum3A_1198 : vector<805xf32> to vector<1x805xf32>
    %lt3A_1200 = arith.cmpf olt, %broadcast_in_dim3A_1199, %select_n3A_1189 : vector<1x805xf32>
    %select_n3A_1201 = arith.select %lt3A_1200, %broadcast_in_dim3A_1199, %select_n3A_1189 : vector<1x805xi1>, vector<1x805xf32>
    %jit3A_1202 = arith.constant 11 : i32
    %broadcast_in_dim3A_1203 = vector.broadcast %jit3A_1202 : i32 to vector<1x805xi32>
    %select_n3A_1204 = arith.select %lt3A_1200, %broadcast_in_dim3A_1203, %select_n3A_1192 : vector<1x805xi1>, vector<1x805xi32>
    %slice3A_1205 = vector.extract_strided_slice %div3A_1056 {offsets = [0, 12], sizes = [64, 1], strides = [1, 1]} : vector<64x20xf32> to vector<64x1xf32>
    %sub3A_1206 = vector.broadcast %slice3A_1205 : vector<64x1xf32> to vector<64x805xf32>
    %sub3A_1207 = arith.subf %slice3A_32, %sub3A_1206 : vector<64x805xf32>
    %mul3A_1208 = arith.mulf %sub3A_1207, %sub3A_1207 : vector<64x805xf32>
    %reduce_sum3A_1209 = arith.constant dense<0.000000e+00> : vector<805xf32>
    %reduce_sum3A_1210 = vector.multi_reduction <add>, %mul3A_1208, %reduce_sum3A_1209 [0] : vector<64x805xf32> to vector<805xf32>
    %broadcast_in_dim3A_1211 = vector.shape_cast %reduce_sum3A_1210 : vector<805xf32> to vector<1x805xf32>
    %lt3A_1212 = arith.cmpf olt, %broadcast_in_dim3A_1211, %select_n3A_1201 : vector<1x805xf32>
    %select_n3A_1213 = arith.select %lt3A_1212, %broadcast_in_dim3A_1211, %select_n3A_1201 : vector<1x805xi1>, vector<1x805xf32>
    %jit3A_1214 = arith.constant 12 : i32
    %broadcast_in_dim3A_1215 = vector.broadcast %jit3A_1214 : i32 to vector<1x805xi32>
    %select_n3A_1216 = arith.select %lt3A_1212, %broadcast_in_dim3A_1215, %select_n3A_1204 : vector<1x805xi1>, vector<1x805xi32>
    %slice3A_1217 = vector.extract_strided_slice %div3A_1056 {offsets = [0, 13], sizes = [64, 1], strides = [1, 1]} : vector<64x20xf32> to vector<64x1xf32>
    %sub3A_1218 = vector.broadcast %slice3A_1217 : vector<64x1xf32> to vector<64x805xf32>
    %sub3A_1219 = arith.subf %slice3A_32, %sub3A_1218 : vector<64x805xf32>
    %mul3A_1220 = arith.mulf %sub3A_1219, %sub3A_1219 : vector<64x805xf32>
    %reduce_sum3A_1221 = arith.constant dense<0.000000e+00> : vector<805xf32>
    %reduce_sum3A_1222 = vector.multi_reduction <add>, %mul3A_1220, %reduce_sum3A_1221 [0] : vector<64x805xf32> to vector<805xf32>
    %broadcast_in_dim3A_1223 = vector.shape_cast %reduce_sum3A_1222 : vector<805xf32> to vector<1x805xf32>
    %lt3A_1224 = arith.cmpf olt, %broadcast_in_dim3A_1223, %select_n3A_1213 : vector<1x805xf32>
    %select_n3A_1225 = arith.select %lt3A_1224, %broadcast_in_dim3A_1223, %select_n3A_1213 : vector<1x805xi1>, vector<1x805xf32>
    %jit3A_1226 = arith.constant 13 : i32
    %broadcast_in_dim3A_1227 = vector.broadcast %jit3A_1226 : i32 to vector<1x805xi32>
    %select_n3A_1228 = arith.select %lt3A_1224, %broadcast_in_dim3A_1227, %select_n3A_1216 : vector<1x805xi1>, vector<1x805xi32>
    %slice3A_1229 = vector.extract_strided_slice %div3A_1056 {offsets = [0, 14], sizes = [64, 1], strides = [1, 1]} : vector<64x20xf32> to vector<64x1xf32>
    %sub3A_1230 = vector.broadcast %slice3A_1229 : vector<64x1xf32> to vector<64x805xf32>
    %sub3A_1231 = arith.subf %slice3A_32, %sub3A_1230 : vector<64x805xf32>
    %mul3A_1232 = arith.mulf %sub3A_1231, %sub3A_1231 : vector<64x805xf32>
    %reduce_sum3A_1233 = arith.constant dense<0.000000e+00> : vector<805xf32>
    %reduce_sum3A_1234 = vector.multi_reduction <add>, %mul3A_1232, %reduce_sum3A_1233 [0] : vector<64x805xf32> to vector<805xf32>
    %broadcast_in_dim3A_1235 = vector.shape_cast %reduce_sum3A_1234 : vector<805xf32> to vector<1x805xf32>
    %lt3A_1236 = arith.cmpf olt, %broadcast_in_dim3A_1235, %select_n3A_1225 : vector<1x805xf32>
    %select_n3A_1237 = arith.select %lt3A_1236, %broadcast_in_dim3A_1235, %select_n3A_1225 : vector<1x805xi1>, vector<1x805xf32>
    %jit3A_1238 = arith.constant 14 : i32
    %broadcast_in_dim3A_1239 = vector.broadcast %jit3A_1238 : i32 to vector<1x805xi32>
    %select_n3A_1240 = arith.select %lt3A_1236, %broadcast_in_dim3A_1239, %select_n3A_1228 : vector<1x805xi1>, vector<1x805xi32>
    %slice3A_1241 = vector.extract_strided_slice %div3A_1056 {offsets = [0, 15], sizes = [64, 1], strides = [1, 1]} : vector<64x20xf32> to vector<64x1xf32>
    %sub3A_1242 = vector.broadcast %slice3A_1241 : vector<64x1xf32> to vector<64x805xf32>
    %sub3A_1243 = arith.subf %slice3A_32, %sub3A_1242 : vector<64x805xf32>
    %mul3A_1244 = arith.mulf %sub3A_1243, %sub3A_1243 : vector<64x805xf32>
    %reduce_sum3A_1245 = arith.constant dense<0.000000e+00> : vector<805xf32>
    %reduce_sum3A_1246 = vector.multi_reduction <add>, %mul3A_1244, %reduce_sum3A_1245 [0] : vector<64x805xf32> to vector<805xf32>
    %broadcast_in_dim3A_1247 = vector.shape_cast %reduce_sum3A_1246 : vector<805xf32> to vector<1x805xf32>
    %lt3A_1248 = arith.cmpf olt, %broadcast_in_dim3A_1247, %select_n3A_1237 : vector<1x805xf32>
    %select_n3A_1249 = arith.select %lt3A_1248, %broadcast_in_dim3A_1247, %select_n3A_1237 : vector<1x805xi1>, vector<1x805xf32>
    %jit3A_1250 = arith.constant 15 : i32
    %broadcast_in_dim3A_1251 = vector.broadcast %jit3A_1250 : i32 to vector<1x805xi32>
    %select_n3A_1252 = arith.select %lt3A_1248, %broadcast_in_dim3A_1251, %select_n3A_1240 : vector<1x805xi1>, vector<1x805xi32>
    %slice3A_1253 = vector.extract_strided_slice %div3A_1056 {offsets = [0, 16], sizes = [64, 1], strides = [1, 1]} : vector<64x20xf32> to vector<64x1xf32>
    %sub3A_1254 = vector.broadcast %slice3A_1253 : vector<64x1xf32> to vector<64x805xf32>
    %sub3A_1255 = arith.subf %slice3A_32, %sub3A_1254 : vector<64x805xf32>
    %mul3A_1256 = arith.mulf %sub3A_1255, %sub3A_1255 : vector<64x805xf32>
    %reduce_sum3A_1257 = arith.constant dense<0.000000e+00> : vector<805xf32>
    %reduce_sum3A_1258 = vector.multi_reduction <add>, %mul3A_1256, %reduce_sum3A_1257 [0] : vector<64x805xf32> to vector<805xf32>
    %broadcast_in_dim3A_1259 = vector.shape_cast %reduce_sum3A_1258 : vector<805xf32> to vector<1x805xf32>
    %lt3A_1260 = arith.cmpf olt, %broadcast_in_dim3A_1259, %select_n3A_1249 : vector<1x805xf32>
    %select_n3A_1261 = arith.select %lt3A_1260, %broadcast_in_dim3A_1259, %select_n3A_1249 : vector<1x805xi1>, vector<1x805xf32>
    %jit3A_1262 = arith.constant 16 : i32
    %broadcast_in_dim3A_1263 = vector.broadcast %jit3A_1262 : i32 to vector<1x805xi32>
    %select_n3A_1264 = arith.select %lt3A_1260, %broadcast_in_dim3A_1263, %select_n3A_1252 : vector<1x805xi1>, vector<1x805xi32>
    %slice3A_1265 = vector.extract_strided_slice %div3A_1056 {offsets = [0, 17], sizes = [64, 1], strides = [1, 1]} : vector<64x20xf32> to vector<64x1xf32>
    %sub3A_1266 = vector.broadcast %slice3A_1265 : vector<64x1xf32> to vector<64x805xf32>
    %sub3A_1267 = arith.subf %slice3A_32, %sub3A_1266 : vector<64x805xf32>
    %mul3A_1268 = arith.mulf %sub3A_1267, %sub3A_1267 : vector<64x805xf32>
    %reduce_sum3A_1269 = arith.constant dense<0.000000e+00> : vector<805xf32>
    %reduce_sum3A_1270 = vector.multi_reduction <add>, %mul3A_1268, %reduce_sum3A_1269 [0] : vector<64x805xf32> to vector<805xf32>
    %broadcast_in_dim3A_1271 = vector.shape_cast %reduce_sum3A_1270 : vector<805xf32> to vector<1x805xf32>
    %lt3A_1272 = arith.cmpf olt, %broadcast_in_dim3A_1271, %select_n3A_1261 : vector<1x805xf32>
    %select_n3A_1273 = arith.select %lt3A_1272, %broadcast_in_dim3A_1271, %select_n3A_1261 : vector<1x805xi1>, vector<1x805xf32>
    %jit3A_1274 = arith.constant 17 : i32
    %broadcast_in_dim3A_1275 = vector.broadcast %jit3A_1274 : i32 to vector<1x805xi32>
    %select_n3A_1276 = arith.select %lt3A_1272, %broadcast_in_dim3A_1275, %select_n3A_1264 : vector<1x805xi1>, vector<1x805xi32>
    %slice3A_1277 = vector.extract_strided_slice %div3A_1056 {offsets = [0, 18], sizes = [64, 1], strides = [1, 1]} : vector<64x20xf32> to vector<64x1xf32>
    %sub3A_1278 = vector.broadcast %slice3A_1277 : vector<64x1xf32> to vector<64x805xf32>
    %sub3A_1279 = arith.subf %slice3A_32, %sub3A_1278 : vector<64x805xf32>
    %mul3A_1280 = arith.mulf %sub3A_1279, %sub3A_1279 : vector<64x805xf32>
    %reduce_sum3A_1281 = arith.constant dense<0.000000e+00> : vector<805xf32>
    %reduce_sum3A_1282 = vector.multi_reduction <add>, %mul3A_1280, %reduce_sum3A_1281 [0] : vector<64x805xf32> to vector<805xf32>
    %broadcast_in_dim3A_1283 = vector.shape_cast %reduce_sum3A_1282 : vector<805xf32> to vector<1x805xf32>
    %lt3A_1284 = arith.cmpf olt, %broadcast_in_dim3A_1283, %select_n3A_1273 : vector<1x805xf32>
    %select_n3A_1285 = arith.select %lt3A_1284, %broadcast_in_dim3A_1283, %select_n3A_1273 : vector<1x805xi1>, vector<1x805xf32>
    %jit3A_1286 = arith.constant 18 : i32
    %broadcast_in_dim3A_1287 = vector.broadcast %jit3A_1286 : i32 to vector<1x805xi32>
    %select_n3A_1288 = arith.select %lt3A_1284, %broadcast_in_dim3A_1287, %select_n3A_1276 : vector<1x805xi1>, vector<1x805xi32>
    %slice3A_1289 = vector.extract_strided_slice %div3A_1056 {offsets = [0, 19], sizes = [64, 1], strides = [1, 1]} : vector<64x20xf32> to vector<64x1xf32>
    %sub3A_1290 = vector.broadcast %slice3A_1289 : vector<64x1xf32> to vector<64x805xf32>
    %sub3A_1291 = arith.subf %slice3A_32, %sub3A_1290 : vector<64x805xf32>
    %mul3A_1292 = arith.mulf %sub3A_1291, %sub3A_1291 : vector<64x805xf32>
    %reduce_sum3A_1293 = arith.constant dense<0.000000e+00> : vector<805xf32>
    %reduce_sum3A_1294 = vector.multi_reduction <add>, %mul3A_1292, %reduce_sum3A_1293 [0] : vector<64x805xf32> to vector<805xf32>
    %broadcast_in_dim3A_1295 = vector.shape_cast %reduce_sum3A_1294 : vector<805xf32> to vector<1x805xf32>
    %lt3A_1296 = arith.cmpf olt, %broadcast_in_dim3A_1295, %select_n3A_1285 : vector<1x805xf32>
    %jit3A_1297 = arith.constant 19 : i32
    %broadcast_in_dim3A_1298 = vector.broadcast %jit3A_1297 : i32 to vector<1x805xi32>
    %select_n3A_1299 = arith.select %lt3A_1296, %broadcast_in_dim3A_1298, %select_n3A_1288 : vector<1x805xi1>, vector<1x805xi32>
    %eq3A_1300 = vector.broadcast %select_n3A_1299 : vector<1x805xi32> to vector<20x805xi32>
    %eq3A_1301 = vector.broadcast %iota3A : vector<20x1xi32> to vector<20x805xi32>
    %eq3A_1302 = arith.cmpi eq, %eq3A_1300, %eq3A_1301 : vector<20x805xi32>
    %convert_element_type3A_1303 = arith.extui %eq3A_1302 : vector<20x805xi1> to vector<20x805xi32>
    %convert_element_type3A_1304 = arith.sitofp %convert_element_type3A_1303 : vector<20x805xi32> to vector<20x805xf32>
    %mul3A_1305 = arith.mulf %div3A_1056, %div3A_1056 : vector<64x20xf32>
    %reduce_sum3A_1306 = arith.constant dense<0.000000e+00> : vector<20xf32>
    %reduce_sum3A_1307 = vector.multi_reduction <add>, %mul3A_1305, %reduce_sum3A_1306 [0] : vector<64x20xf32> to vector<20xf32>
    %broadcast_in_dim3A_1308 = vector.shape_cast %reduce_sum3A_1307 : vector<20xf32> to vector<1x20xf32>
    %sqrt3A_1309 = math.sqrt %broadcast_in_dim3A_1308 : vector<1x20xf32>
    %max3A_1310 = arith.constant 9.99999996E-13 : f32
    %max3A_1311 = vector.broadcast %max3A_1310 : f32 to vector<1x20xf32>
    %max3A_1312 = arith.maximumf %sqrt3A_1309, %max3A_1311 : vector<1x20xf32>
    %div3A_1313 = vector.broadcast %max3A_1312 : vector<1x20xf32> to vector<64x20xf32>
    %div3A_1314 = arith.divf %div3A_1056, %div3A_1313 : vector<64x20xf32>
    %dot_general3A_1315 = arith.constant dense<0.000000e+00> : vector<64x805xf32>
    %dot_general3A_1316 = tpu.matmul %div3A_1314, %convert_element_type3A_1304, %dot_general3A_1315 {dimension_numbers = #tpu.dot_dimension_numbers<[1], [0], [0], [1], [0, 0, 1, 1], [], []>, precision = #tpu.contract_precision<fp32>, transpose_lhs_hint = false} : vector<64x20xf32>, vector<20x805xf32>, vector<64x805xf32> -> vector<64x805xf32>
    %slice3A_1317 = vector.extract_strided_slice %transpose3A {offsets = [0, 805], sizes = [64, 390], strides = [1, 1]} : vector<64x1280xf32> to vector<64x390xf32>
    %slice3A_1318 = vector.extract_strided_slice %slice3A_1317 {offsets = [0, 0], sizes = [64, 9], strides = [1, 1]} : vector<64x390xf32> to vector<64x9xf32>
    %iota3A_1319 = tpu.iota {dimensions = array<i32: 0>} : vector<9x1xi32>
    %broadcast_in_dim3A_1320 = arith.constant 1.000000e+00 : f32
    %broadcast_in_dim3A_1321 = vector.broadcast %broadcast_in_dim3A_1320 : f32 to vector<1x390xf32>
    %broadcast_in_dim3A_1322 = arith.constant 0x7F800000 : f32
    %broadcast_in_dim3A_1323 = vector.broadcast %broadcast_in_dim3A_1322 : f32 to vector<1x390xf32>
    %broadcast_in_dim3A_1324 = arith.constant 0 : i32
    %broadcast_in_dim3A_1325 = vector.broadcast %broadcast_in_dim3A_1324 : i32 to vector<1x390xi32>
    %slice3A_1326 = vector.extract_strided_slice %slice3A_1318 {offsets = [0, 0], sizes = [64, 1], strides = [1, 1]} : vector<64x9xf32> to vector<64x1xf32>
    %sub3A_1327 = vector.broadcast %slice3A_1326 : vector<64x1xf32> to vector<64x390xf32>
    %sub3A_1328 = arith.subf %slice3A_1317, %sub3A_1327 : vector<64x390xf32>
    %mul3A_1329 = arith.mulf %sub3A_1328, %sub3A_1328 : vector<64x390xf32>
    %reduce_sum3A_1330 = arith.constant dense<0.000000e+00> : vector<390xf32>
    %reduce_sum3A_1331 = vector.multi_reduction <add>, %mul3A_1329, %reduce_sum3A_1330 [0] : vector<64x390xf32> to vector<390xf32>
    %broadcast_in_dim3A_1332 = vector.shape_cast %reduce_sum3A_1331 : vector<390xf32> to vector<1x390xf32>
    %lt3A_1333 = arith.cmpf olt, %broadcast_in_dim3A_1332, %broadcast_in_dim3A_1323 : vector<1x390xf32>
    %select_n3A_1334 = arith.select %lt3A_1333, %broadcast_in_dim3A_1332, %broadcast_in_dim3A_1323 : vector<1x390xi1>, vector<1x390xf32>
    %jit3A_1335 = arith.constant 0 : i32
    %broadcast_in_dim3A_1336 = vector.broadcast %jit3A_1335 : i32 to vector<1x390xi32>
    %select_n3A_1337 = arith.select %lt3A_1333, %broadcast_in_dim3A_1336, %broadcast_in_dim3A_1325 : vector<1x390xi1>, vector<1x390xi32>
    %slice3A_1338 = vector.extract_strided_slice %slice3A_1318 {offsets = [0, 1], sizes = [64, 1], strides = [1, 1]} : vector<64x9xf32> to vector<64x1xf32>
    %sub3A_1339 = vector.broadcast %slice3A_1338 : vector<64x1xf32> to vector<64x390xf32>
    %sub3A_1340 = arith.subf %slice3A_1317, %sub3A_1339 : vector<64x390xf32>
    %mul3A_1341 = arith.mulf %sub3A_1340, %sub3A_1340 : vector<64x390xf32>
    %reduce_sum3A_1342 = arith.constant dense<0.000000e+00> : vector<390xf32>
    %reduce_sum3A_1343 = vector.multi_reduction <add>, %mul3A_1341, %reduce_sum3A_1342 [0] : vector<64x390xf32> to vector<390xf32>
    %broadcast_in_dim3A_1344 = vector.shape_cast %reduce_sum3A_1343 : vector<390xf32> to vector<1x390xf32>
    %lt3A_1345 = arith.cmpf olt, %broadcast_in_dim3A_1344, %select_n3A_1334 : vector<1x390xf32>
    %select_n3A_1346 = arith.select %lt3A_1345, %broadcast_in_dim3A_1344, %select_n3A_1334 : vector<1x390xi1>, vector<1x390xf32>
    %jit3A_1347 = arith.constant 1 : i32
    %broadcast_in_dim3A_1348 = vector.broadcast %jit3A_1347 : i32 to vector<1x390xi32>
    %select_n3A_1349 = arith.select %lt3A_1345, %broadcast_in_dim3A_1348, %select_n3A_1337 : vector<1x390xi1>, vector<1x390xi32>
    %slice3A_1350 = vector.extract_strided_slice %slice3A_1318 {offsets = [0, 2], sizes = [64, 1], strides = [1, 1]} : vector<64x9xf32> to vector<64x1xf32>
    %sub3A_1351 = vector.broadcast %slice3A_1350 : vector<64x1xf32> to vector<64x390xf32>
    %sub3A_1352 = arith.subf %slice3A_1317, %sub3A_1351 : vector<64x390xf32>
    %mul3A_1353 = arith.mulf %sub3A_1352, %sub3A_1352 : vector<64x390xf32>
    %reduce_sum3A_1354 = arith.constant dense<0.000000e+00> : vector<390xf32>
    %reduce_sum3A_1355 = vector.multi_reduction <add>, %mul3A_1353, %reduce_sum3A_1354 [0] : vector<64x390xf32> to vector<390xf32>
    %broadcast_in_dim3A_1356 = vector.shape_cast %reduce_sum3A_1355 : vector<390xf32> to vector<1x390xf32>
    %lt3A_1357 = arith.cmpf olt, %broadcast_in_dim3A_1356, %select_n3A_1346 : vector<1x390xf32>
    %select_n3A_1358 = arith.select %lt3A_1357, %broadcast_in_dim3A_1356, %select_n3A_1346 : vector<1x390xi1>, vector<1x390xf32>
    %jit3A_1359 = arith.constant 2 : i32
    %broadcast_in_dim3A_1360 = vector.broadcast %jit3A_1359 : i32 to vector<1x390xi32>
    %select_n3A_1361 = arith.select %lt3A_1357, %broadcast_in_dim3A_1360, %select_n3A_1349 : vector<1x390xi1>, vector<1x390xi32>
    %slice3A_1362 = vector.extract_strided_slice %slice3A_1318 {offsets = [0, 3], sizes = [64, 1], strides = [1, 1]} : vector<64x9xf32> to vector<64x1xf32>
    %sub3A_1363 = vector.broadcast %slice3A_1362 : vector<64x1xf32> to vector<64x390xf32>
    %sub3A_1364 = arith.subf %slice3A_1317, %sub3A_1363 : vector<64x390xf32>
    %mul3A_1365 = arith.mulf %sub3A_1364, %sub3A_1364 : vector<64x390xf32>
    %reduce_sum3A_1366 = arith.constant dense<0.000000e+00> : vector<390xf32>
    %reduce_sum3A_1367 = vector.multi_reduction <add>, %mul3A_1365, %reduce_sum3A_1366 [0] : vector<64x390xf32> to vector<390xf32>
    %broadcast_in_dim3A_1368 = vector.shape_cast %reduce_sum3A_1367 : vector<390xf32> to vector<1x390xf32>
    %lt3A_1369 = arith.cmpf olt, %broadcast_in_dim3A_1368, %select_n3A_1358 : vector<1x390xf32>
    %select_n3A_1370 = arith.select %lt3A_1369, %broadcast_in_dim3A_1368, %select_n3A_1358 : vector<1x390xi1>, vector<1x390xf32>
    %jit3A_1371 = arith.constant 3 : i32
    %broadcast_in_dim3A_1372 = vector.broadcast %jit3A_1371 : i32 to vector<1x390xi32>
    %select_n3A_1373 = arith.select %lt3A_1369, %broadcast_in_dim3A_1372, %select_n3A_1361 : vector<1x390xi1>, vector<1x390xi32>
    %slice3A_1374 = vector.extract_strided_slice %slice3A_1318 {offsets = [0, 4], sizes = [64, 1], strides = [1, 1]} : vector<64x9xf32> to vector<64x1xf32>
    %sub3A_1375 = vector.broadcast %slice3A_1374 : vector<64x1xf32> to vector<64x390xf32>
    %sub3A_1376 = arith.subf %slice3A_1317, %sub3A_1375 : vector<64x390xf32>
    %mul3A_1377 = arith.mulf %sub3A_1376, %sub3A_1376 : vector<64x390xf32>
    %reduce_sum3A_1378 = arith.constant dense<0.000000e+00> : vector<390xf32>
    %reduce_sum3A_1379 = vector.multi_reduction <add>, %mul3A_1377, %reduce_sum3A_1378 [0] : vector<64x390xf32> to vector<390xf32>
    %broadcast_in_dim3A_1380 = vector.shape_cast %reduce_sum3A_1379 : vector<390xf32> to vector<1x390xf32>
    %lt3A_1381 = arith.cmpf olt, %broadcast_in_dim3A_1380, %select_n3A_1370 : vector<1x390xf32>
    %select_n3A_1382 = arith.select %lt3A_1381, %broadcast_in_dim3A_1380, %select_n3A_1370 : vector<1x390xi1>, vector<1x390xf32>
    %jit3A_1383 = arith.constant 4 : i32
    %broadcast_in_dim3A_1384 = vector.broadcast %jit3A_1383 : i32 to vector<1x390xi32>
    %select_n3A_1385 = arith.select %lt3A_1381, %broadcast_in_dim3A_1384, %select_n3A_1373 : vector<1x390xi1>, vector<1x390xi32>
    %slice3A_1386 = vector.extract_strided_slice %slice3A_1318 {offsets = [0, 5], sizes = [64, 1], strides = [1, 1]} : vector<64x9xf32> to vector<64x1xf32>
    %sub3A_1387 = vector.broadcast %slice3A_1386 : vector<64x1xf32> to vector<64x390xf32>
    %sub3A_1388 = arith.subf %slice3A_1317, %sub3A_1387 : vector<64x390xf32>
    %mul3A_1389 = arith.mulf %sub3A_1388, %sub3A_1388 : vector<64x390xf32>
    %reduce_sum3A_1390 = arith.constant dense<0.000000e+00> : vector<390xf32>
    %reduce_sum3A_1391 = vector.multi_reduction <add>, %mul3A_1389, %reduce_sum3A_1390 [0] : vector<64x390xf32> to vector<390xf32>
    %broadcast_in_dim3A_1392 = vector.shape_cast %reduce_sum3A_1391 : vector<390xf32> to vector<1x390xf32>
    %lt3A_1393 = arith.cmpf olt, %broadcast_in_dim3A_1392, %select_n3A_1382 : vector<1x390xf32>
    %select_n3A_1394 = arith.select %lt3A_1393, %broadcast_in_dim3A_1392, %select_n3A_1382 : vector<1x390xi1>, vector<1x390xf32>
    %jit3A_1395 = arith.constant 5 : i32
    %broadcast_in_dim3A_1396 = vector.broadcast %jit3A_1395 : i32 to vector<1x390xi32>
    %select_n3A_1397 = arith.select %lt3A_1393, %broadcast_in_dim3A_1396, %select_n3A_1385 : vector<1x390xi1>, vector<1x390xi32>
    %slice3A_1398 = vector.extract_strided_slice %slice3A_1318 {offsets = [0, 6], sizes = [64, 1], strides = [1, 1]} : vector<64x9xf32> to vector<64x1xf32>
    %sub3A_1399 = vector.broadcast %slice3A_1398 : vector<64x1xf32> to vector<64x390xf32>
    %sub3A_1400 = arith.subf %slice3A_1317, %sub3A_1399 : vector<64x390xf32>
    %mul3A_1401 = arith.mulf %sub3A_1400, %sub3A_1400 : vector<64x390xf32>
    %reduce_sum3A_1402 = arith.constant dense<0.000000e+00> : vector<390xf32>
    %reduce_sum3A_1403 = vector.multi_reduction <add>, %mul3A_1401, %reduce_sum3A_1402 [0] : vector<64x390xf32> to vector<390xf32>
    %broadcast_in_dim3A_1404 = vector.shape_cast %reduce_sum3A_1403 : vector<390xf32> to vector<1x390xf32>
    %lt3A_1405 = arith.cmpf olt, %broadcast_in_dim3A_1404, %select_n3A_1394 : vector<1x390xf32>
    %select_n3A_1406 = arith.select %lt3A_1405, %broadcast_in_dim3A_1404, %select_n3A_1394 : vector<1x390xi1>, vector<1x390xf32>
    %jit3A_1407 = arith.constant 6 : i32
    %broadcast_in_dim3A_1408 = vector.broadcast %jit3A_1407 : i32 to vector<1x390xi32>
    %select_n3A_1409 = arith.select %lt3A_1405, %broadcast_in_dim3A_1408, %select_n3A_1397 : vector<1x390xi1>, vector<1x390xi32>
    %slice3A_1410 = vector.extract_strided_slice %slice3A_1318 {offsets = [0, 7], sizes = [64, 1], strides = [1, 1]} : vector<64x9xf32> to vector<64x1xf32>
    %sub3A_1411 = vector.broadcast %slice3A_1410 : vector<64x1xf32> to vector<64x390xf32>
    %sub3A_1412 = arith.subf %slice3A_1317, %sub3A_1411 : vector<64x390xf32>
    %mul3A_1413 = arith.mulf %sub3A_1412, %sub3A_1412 : vector<64x390xf32>
    %reduce_sum3A_1414 = arith.constant dense<0.000000e+00> : vector<390xf32>
    %reduce_sum3A_1415 = vector.multi_reduction <add>, %mul3A_1413, %reduce_sum3A_1414 [0] : vector<64x390xf32> to vector<390xf32>
    %broadcast_in_dim3A_1416 = vector.shape_cast %reduce_sum3A_1415 : vector<390xf32> to vector<1x390xf32>
    %lt3A_1417 = arith.cmpf olt, %broadcast_in_dim3A_1416, %select_n3A_1406 : vector<1x390xf32>
    %select_n3A_1418 = arith.select %lt3A_1417, %broadcast_in_dim3A_1416, %select_n3A_1406 : vector<1x390xi1>, vector<1x390xf32>
    %jit3A_1419 = arith.constant 7 : i32
    %broadcast_in_dim3A_1420 = vector.broadcast %jit3A_1419 : i32 to vector<1x390xi32>
    %select_n3A_1421 = arith.select %lt3A_1417, %broadcast_in_dim3A_1420, %select_n3A_1409 : vector<1x390xi1>, vector<1x390xi32>
    %slice3A_1422 = vector.extract_strided_slice %slice3A_1318 {offsets = [0, 8], sizes = [64, 1], strides = [1, 1]} : vector<64x9xf32> to vector<64x1xf32>
    %sub3A_1423 = vector.broadcast %slice3A_1422 : vector<64x1xf32> to vector<64x390xf32>
    %sub3A_1424 = arith.subf %slice3A_1317, %sub3A_1423 : vector<64x390xf32>
    %mul3A_1425 = arith.mulf %sub3A_1424, %sub3A_1424 : vector<64x390xf32>
    %reduce_sum3A_1426 = arith.constant dense<0.000000e+00> : vector<390xf32>
    %reduce_sum3A_1427 = vector.multi_reduction <add>, %mul3A_1425, %reduce_sum3A_1426 [0] : vector<64x390xf32> to vector<390xf32>
    %broadcast_in_dim3A_1428 = vector.shape_cast %reduce_sum3A_1427 : vector<390xf32> to vector<1x390xf32>
    %lt3A_1429 = arith.cmpf olt, %broadcast_in_dim3A_1428, %select_n3A_1418 : vector<1x390xf32>
    %jit3A_1430 = arith.constant 8 : i32
    %broadcast_in_dim3A_1431 = vector.broadcast %jit3A_1430 : i32 to vector<1x390xi32>
    %select_n3A_1432 = arith.select %lt3A_1429, %broadcast_in_dim3A_1431, %select_n3A_1421 : vector<1x390xi1>, vector<1x390xi32>
    %eq3A_1433 = vector.broadcast %select_n3A_1432 : vector<1x390xi32> to vector<9x390xi32>
    %eq3A_1434 = vector.broadcast %iota3A_1319 : vector<9x1xi32> to vector<9x390xi32>
    %eq3A_1435 = arith.cmpi eq, %eq3A_1433, %eq3A_1434 : vector<9x390xi32>
    %convert_element_type3A_1436 = arith.extui %eq3A_1435 : vector<9x390xi1> to vector<9x390xi32>
    %convert_element_type3A_1437 = arith.sitofp %convert_element_type3A_1436 : vector<9x390xi32> to vector<9x390xf32>
    %dot_general3A_1438 = arith.constant dense<0.000000e+00> : vector<64x9xf32>
    %dot_general3A_1439 = tpu.matmul %slice3A_1317, %convert_element_type3A_1437, %dot_general3A_1438 {dimension_numbers = #tpu.dot_dimension_numbers<[1], [1], [0], [0], [0, 0, 1, 0], [], []>, precision = #tpu.contract_precision<fp32>, transpose_lhs_hint = false} : vector<64x390xf32>, vector<9x390xf32>, vector<64x9xf32> -> vector<64x9xf32>
    %dot_general3A_1440 = arith.constant dense<0.000000e+00> : vector<1x9xf32>
    %dot_general3A_1441 = tpu.matmul %broadcast_in_dim3A_1321, %convert_element_type3A_1437, %dot_general3A_1440 {dimension_numbers = #tpu.dot_dimension_numbers<[1], [1], [0], [0], [0, 0, 1, 0], [], []>, precision = #tpu.contract_precision<fp32>, transpose_lhs_hint = false} : vector<1x390xf32>, vector<9x390xf32>, vector<1x9xf32> -> vector<1x9xf32>
    %max3A_1442 = arith.constant 1.000000e+00 : f32
    %max3A_1443 = vector.broadcast %max3A_1442 : f32 to vector<1x9xf32>
    %max3A_1444 = arith.maximumf %dot_general3A_1441, %max3A_1443 : vector<1x9xf32>
    %div3A_1445 = vector.broadcast %max3A_1444 : vector<1x9xf32> to vector<64x9xf32>
    %div3A_1446 = arith.divf %dot_general3A_1439, %div3A_1445 : vector<64x9xf32>
    %broadcast_in_dim3A_1447 = arith.constant 0x7F800000 : f32
    %broadcast_in_dim3A_1448 = vector.broadcast %broadcast_in_dim3A_1447 : f32 to vector<1x390xf32>
    %broadcast_in_dim3A_1449 = arith.constant 0 : i32
    %broadcast_in_dim3A_1450 = vector.broadcast %broadcast_in_dim3A_1449 : i32 to vector<1x390xi32>
    %slice3A_1451 = vector.extract_strided_slice %div3A_1446 {offsets = [0, 0], sizes = [64, 1], strides = [1, 1]} : vector<64x9xf32> to vector<64x1xf32>
    %sub3A_1452 = vector.broadcast %slice3A_1451 : vector<64x1xf32> to vector<64x390xf32>
    %sub3A_1453 = arith.subf %slice3A_1317, %sub3A_1452 : vector<64x390xf32>
    %mul3A_1454 = arith.mulf %sub3A_1453, %sub3A_1453 : vector<64x390xf32>
    %reduce_sum3A_1455 = arith.constant dense<0.000000e+00> : vector<390xf32>
    %reduce_sum3A_1456 = vector.multi_reduction <add>, %mul3A_1454, %reduce_sum3A_1455 [0] : vector<64x390xf32> to vector<390xf32>
    %broadcast_in_dim3A_1457 = vector.shape_cast %reduce_sum3A_1456 : vector<390xf32> to vector<1x390xf32>
    %lt3A_1458 = arith.cmpf olt, %broadcast_in_dim3A_1457, %broadcast_in_dim3A_1448 : vector<1x390xf32>
    %select_n3A_1459 = arith.select %lt3A_1458, %broadcast_in_dim3A_1457, %broadcast_in_dim3A_1448 : vector<1x390xi1>, vector<1x390xf32>
    %jit3A_1460 = arith.constant 0 : i32
    %broadcast_in_dim3A_1461 = vector.broadcast %jit3A_1460 : i32 to vector<1x390xi32>
    %select_n3A_1462 = arith.select %lt3A_1458, %broadcast_in_dim3A_1461, %broadcast_in_dim3A_1450 : vector<1x390xi1>, vector<1x390xi32>
    %slice3A_1463 = vector.extract_strided_slice %div3A_1446 {offsets = [0, 1], sizes = [64, 1], strides = [1, 1]} : vector<64x9xf32> to vector<64x1xf32>
    %sub3A_1464 = vector.broadcast %slice3A_1463 : vector<64x1xf32> to vector<64x390xf32>
    %sub3A_1465 = arith.subf %slice3A_1317, %sub3A_1464 : vector<64x390xf32>
    %mul3A_1466 = arith.mulf %sub3A_1465, %sub3A_1465 : vector<64x390xf32>
    %reduce_sum3A_1467 = arith.constant dense<0.000000e+00> : vector<390xf32>
    %reduce_sum3A_1468 = vector.multi_reduction <add>, %mul3A_1466, %reduce_sum3A_1467 [0] : vector<64x390xf32> to vector<390xf32>
    %broadcast_in_dim3A_1469 = vector.shape_cast %reduce_sum3A_1468 : vector<390xf32> to vector<1x390xf32>
    %lt3A_1470 = arith.cmpf olt, %broadcast_in_dim3A_1469, %select_n3A_1459 : vector<1x390xf32>
    %select_n3A_1471 = arith.select %lt3A_1470, %broadcast_in_dim3A_1469, %select_n3A_1459 : vector<1x390xi1>, vector<1x390xf32>
    %jit3A_1472 = arith.constant 1 : i32
    %broadcast_in_dim3A_1473 = vector.broadcast %jit3A_1472 : i32 to vector<1x390xi32>
    %select_n3A_1474 = arith.select %lt3A_1470, %broadcast_in_dim3A_1473, %select_n3A_1462 : vector<1x390xi1>, vector<1x390xi32>
    %slice3A_1475 = vector.extract_strided_slice %div3A_1446 {offsets = [0, 2], sizes = [64, 1], strides = [1, 1]} : vector<64x9xf32> to vector<64x1xf32>
    %sub3A_1476 = vector.broadcast %slice3A_1475 : vector<64x1xf32> to vector<64x390xf32>
    %sub3A_1477 = arith.subf %slice3A_1317, %sub3A_1476 : vector<64x390xf32>
    %mul3A_1478 = arith.mulf %sub3A_1477, %sub3A_1477 : vector<64x390xf32>
    %reduce_sum3A_1479 = arith.constant dense<0.000000e+00> : vector<390xf32>
    %reduce_sum3A_1480 = vector.multi_reduction <add>, %mul3A_1478, %reduce_sum3A_1479 [0] : vector<64x390xf32> to vector<390xf32>
    %broadcast_in_dim3A_1481 = vector.shape_cast %reduce_sum3A_1480 : vector<390xf32> to vector<1x390xf32>
    %lt3A_1482 = arith.cmpf olt, %broadcast_in_dim3A_1481, %select_n3A_1471 : vector<1x390xf32>
    %select_n3A_1483 = arith.select %lt3A_1482, %broadcast_in_dim3A_1481, %select_n3A_1471 : vector<1x390xi1>, vector<1x390xf32>
    %jit3A_1484 = arith.constant 2 : i32
    %broadcast_in_dim3A_1485 = vector.broadcast %jit3A_1484 : i32 to vector<1x390xi32>
    %select_n3A_1486 = arith.select %lt3A_1482, %broadcast_in_dim3A_1485, %select_n3A_1474 : vector<1x390xi1>, vector<1x390xi32>
    %slice3A_1487 = vector.extract_strided_slice %div3A_1446 {offsets = [0, 3], sizes = [64, 1], strides = [1, 1]} : vector<64x9xf32> to vector<64x1xf32>
    %sub3A_1488 = vector.broadcast %slice3A_1487 : vector<64x1xf32> to vector<64x390xf32>
    %sub3A_1489 = arith.subf %slice3A_1317, %sub3A_1488 : vector<64x390xf32>
    %mul3A_1490 = arith.mulf %sub3A_1489, %sub3A_1489 : vector<64x390xf32>
    %reduce_sum3A_1491 = arith.constant dense<0.000000e+00> : vector<390xf32>
    %reduce_sum3A_1492 = vector.multi_reduction <add>, %mul3A_1490, %reduce_sum3A_1491 [0] : vector<64x390xf32> to vector<390xf32>
    %broadcast_in_dim3A_1493 = vector.shape_cast %reduce_sum3A_1492 : vector<390xf32> to vector<1x390xf32>
    %lt3A_1494 = arith.cmpf olt, %broadcast_in_dim3A_1493, %select_n3A_1483 : vector<1x390xf32>
    %select_n3A_1495 = arith.select %lt3A_1494, %broadcast_in_dim3A_1493, %select_n3A_1483 : vector<1x390xi1>, vector<1x390xf32>
    %jit3A_1496 = arith.constant 3 : i32
    %broadcast_in_dim3A_1497 = vector.broadcast %jit3A_1496 : i32 to vector<1x390xi32>
    %select_n3A_1498 = arith.select %lt3A_1494, %broadcast_in_dim3A_1497, %select_n3A_1486 : vector<1x390xi1>, vector<1x390xi32>
    %slice3A_1499 = vector.extract_strided_slice %div3A_1446 {offsets = [0, 4], sizes = [64, 1], strides = [1, 1]} : vector<64x9xf32> to vector<64x1xf32>
    %sub3A_1500 = vector.broadcast %slice3A_1499 : vector<64x1xf32> to vector<64x390xf32>
    %sub3A_1501 = arith.subf %slice3A_1317, %sub3A_1500 : vector<64x390xf32>
    %mul3A_1502 = arith.mulf %sub3A_1501, %sub3A_1501 : vector<64x390xf32>
    %reduce_sum3A_1503 = arith.constant dense<0.000000e+00> : vector<390xf32>
    %reduce_sum3A_1504 = vector.multi_reduction <add>, %mul3A_1502, %reduce_sum3A_1503 [0] : vector<64x390xf32> to vector<390xf32>
    %broadcast_in_dim3A_1505 = vector.shape_cast %reduce_sum3A_1504 : vector<390xf32> to vector<1x390xf32>
    %lt3A_1506 = arith.cmpf olt, %broadcast_in_dim3A_1505, %select_n3A_1495 : vector<1x390xf32>
    %select_n3A_1507 = arith.select %lt3A_1506, %broadcast_in_dim3A_1505, %select_n3A_1495 : vector<1x390xi1>, vector<1x390xf32>
    %jit3A_1508 = arith.constant 4 : i32
    %broadcast_in_dim3A_1509 = vector.broadcast %jit3A_1508 : i32 to vector<1x390xi32>
    %select_n3A_1510 = arith.select %lt3A_1506, %broadcast_in_dim3A_1509, %select_n3A_1498 : vector<1x390xi1>, vector<1x390xi32>
    %slice3A_1511 = vector.extract_strided_slice %div3A_1446 {offsets = [0, 5], sizes = [64, 1], strides = [1, 1]} : vector<64x9xf32> to vector<64x1xf32>
    %sub3A_1512 = vector.broadcast %slice3A_1511 : vector<64x1xf32> to vector<64x390xf32>
    %sub3A_1513 = arith.subf %slice3A_1317, %sub3A_1512 : vector<64x390xf32>
    %mul3A_1514 = arith.mulf %sub3A_1513, %sub3A_1513 : vector<64x390xf32>
    %reduce_sum3A_1515 = arith.constant dense<0.000000e+00> : vector<390xf32>
    %reduce_sum3A_1516 = vector.multi_reduction <add>, %mul3A_1514, %reduce_sum3A_1515 [0] : vector<64x390xf32> to vector<390xf32>
    %broadcast_in_dim3A_1517 = vector.shape_cast %reduce_sum3A_1516 : vector<390xf32> to vector<1x390xf32>
    %lt3A_1518 = arith.cmpf olt, %broadcast_in_dim3A_1517, %select_n3A_1507 : vector<1x390xf32>
    %select_n3A_1519 = arith.select %lt3A_1518, %broadcast_in_dim3A_1517, %select_n3A_1507 : vector<1x390xi1>, vector<1x390xf32>
    %jit3A_1520 = arith.constant 5 : i32
    %broadcast_in_dim3A_1521 = vector.broadcast %jit3A_1520 : i32 to vector<1x390xi32>
    %select_n3A_1522 = arith.select %lt3A_1518, %broadcast_in_dim3A_1521, %select_n3A_1510 : vector<1x390xi1>, vector<1x390xi32>
    %slice3A_1523 = vector.extract_strided_slice %div3A_1446 {offsets = [0, 6], sizes = [64, 1], strides = [1, 1]} : vector<64x9xf32> to vector<64x1xf32>
    %sub3A_1524 = vector.broadcast %slice3A_1523 : vector<64x1xf32> to vector<64x390xf32>
    %sub3A_1525 = arith.subf %slice3A_1317, %sub3A_1524 : vector<64x390xf32>
    %mul3A_1526 = arith.mulf %sub3A_1525, %sub3A_1525 : vector<64x390xf32>
    %reduce_sum3A_1527 = arith.constant dense<0.000000e+00> : vector<390xf32>
    %reduce_sum3A_1528 = vector.multi_reduction <add>, %mul3A_1526, %reduce_sum3A_1527 [0] : vector<64x390xf32> to vector<390xf32>
    %broadcast_in_dim3A_1529 = vector.shape_cast %reduce_sum3A_1528 : vector<390xf32> to vector<1x390xf32>
    %lt3A_1530 = arith.cmpf olt, %broadcast_in_dim3A_1529, %select_n3A_1519 : vector<1x390xf32>
    %select_n3A_1531 = arith.select %lt3A_1530, %broadcast_in_dim3A_1529, %select_n3A_1519 : vector<1x390xi1>, vector<1x390xf32>
    %jit3A_1532 = arith.constant 6 : i32
    %broadcast_in_dim3A_1533 = vector.broadcast %jit3A_1532 : i32 to vector<1x390xi32>
    %select_n3A_1534 = arith.select %lt3A_1530, %broadcast_in_dim3A_1533, %select_n3A_1522 : vector<1x390xi1>, vector<1x390xi32>
    %slice3A_1535 = vector.extract_strided_slice %div3A_1446 {offsets = [0, 7], sizes = [64, 1], strides = [1, 1]} : vector<64x9xf32> to vector<64x1xf32>
    %sub3A_1536 = vector.broadcast %slice3A_1535 : vector<64x1xf32> to vector<64x390xf32>
    %sub3A_1537 = arith.subf %slice3A_1317, %sub3A_1536 : vector<64x390xf32>
    %mul3A_1538 = arith.mulf %sub3A_1537, %sub3A_1537 : vector<64x390xf32>
    %reduce_sum3A_1539 = arith.constant dense<0.000000e+00> : vector<390xf32>
    %reduce_sum3A_1540 = vector.multi_reduction <add>, %mul3A_1538, %reduce_sum3A_1539 [0] : vector<64x390xf32> to vector<390xf32>
    %broadcast_in_dim3A_1541 = vector.shape_cast %reduce_sum3A_1540 : vector<390xf32> to vector<1x390xf32>
    %lt3A_1542 = arith.cmpf olt, %broadcast_in_dim3A_1541, %select_n3A_1531 : vector<1x390xf32>
    %select_n3A_1543 = arith.select %lt3A_1542, %broadcast_in_dim3A_1541, %select_n3A_1531 : vector<1x390xi1>, vector<1x390xf32>
    %jit3A_1544 = arith.constant 7 : i32
    %broadcast_in_dim3A_1545 = vector.broadcast %jit3A_1544 : i32 to vector<1x390xi32>
    %select_n3A_1546 = arith.select %lt3A_1542, %broadcast_in_dim3A_1545, %select_n3A_1534 : vector<1x390xi1>, vector<1x390xi32>
    %slice3A_1547 = vector.extract_strided_slice %div3A_1446 {offsets = [0, 8], sizes = [64, 1], strides = [1, 1]} : vector<64x9xf32> to vector<64x1xf32>
    %sub3A_1548 = vector.broadcast %slice3A_1547 : vector<64x1xf32> to vector<64x390xf32>
    %sub3A_1549 = arith.subf %slice3A_1317, %sub3A_1548 : vector<64x390xf32>
    %mul3A_1550 = arith.mulf %sub3A_1549, %sub3A_1549 : vector<64x390xf32>
    %reduce_sum3A_1551 = arith.constant dense<0.000000e+00> : vector<390xf32>
    %reduce_sum3A_1552 = vector.multi_reduction <add>, %mul3A_1550, %reduce_sum3A_1551 [0] : vector<64x390xf32> to vector<390xf32>
    %broadcast_in_dim3A_1553 = vector.shape_cast %reduce_sum3A_1552 : vector<390xf32> to vector<1x390xf32>
    %lt3A_1554 = arith.cmpf olt, %broadcast_in_dim3A_1553, %select_n3A_1543 : vector<1x390xf32>
    %jit3A_1555 = arith.constant 8 : i32
    %broadcast_in_dim3A_1556 = vector.broadcast %jit3A_1555 : i32 to vector<1x390xi32>
    %select_n3A_1557 = arith.select %lt3A_1554, %broadcast_in_dim3A_1556, %select_n3A_1546 : vector<1x390xi1>, vector<1x390xi32>
    %eq3A_1558 = vector.broadcast %select_n3A_1557 : vector<1x390xi32> to vector<9x390xi32>
    %eq3A_1559 = vector.broadcast %iota3A_1319 : vector<9x1xi32> to vector<9x390xi32>
    %eq3A_1560 = arith.cmpi eq, %eq3A_1558, %eq3A_1559 : vector<9x390xi32>
    %convert_element_type3A_1561 = arith.extui %eq3A_1560 : vector<9x390xi1> to vector<9x390xi32>
    %convert_element_type3A_1562 = arith.sitofp %convert_element_type3A_1561 : vector<9x390xi32> to vector<9x390xf32>
    %dot_general3A_1563 = arith.constant dense<0.000000e+00> : vector<64x9xf32>
    %dot_general3A_1564 = tpu.matmul %slice3A_1317, %convert_element_type3A_1562, %dot_general3A_1563 {dimension_numbers = #tpu.dot_dimension_numbers<[1], [1], [0], [0], [0, 0, 1, 0], [], []>, precision = #tpu.contract_precision<fp32>, transpose_lhs_hint = false} : vector<64x390xf32>, vector<9x390xf32>, vector<64x9xf32> -> vector<64x9xf32>
    %dot_general3A_1565 = arith.constant dense<0.000000e+00> : vector<1x9xf32>
    %dot_general3A_1566 = tpu.matmul %broadcast_in_dim3A_1321, %convert_element_type3A_1562, %dot_general3A_1565 {dimension_numbers = #tpu.dot_dimension_numbers<[1], [1], [0], [0], [0, 0, 1, 0], [], []>, precision = #tpu.contract_precision<fp32>, transpose_lhs_hint = false} : vector<1x390xf32>, vector<9x390xf32>, vector<1x9xf32> -> vector<1x9xf32>
    %max3A_1567 = arith.constant 1.000000e+00 : f32
    %max3A_1568 = vector.broadcast %max3A_1567 : f32 to vector<1x9xf32>
    %max3A_1569 = arith.maximumf %dot_general3A_1566, %max3A_1568 : vector<1x9xf32>
    %div3A_1570 = vector.broadcast %max3A_1569 : vector<1x9xf32> to vector<64x9xf32>
    %div3A_1571 = arith.divf %dot_general3A_1564, %div3A_1570 : vector<64x9xf32>
    %broadcast_in_dim3A_1572 = arith.constant 0x7F800000 : f32
    %broadcast_in_dim3A_1573 = vector.broadcast %broadcast_in_dim3A_1572 : f32 to vector<1x390xf32>
    %broadcast_in_dim3A_1574 = arith.constant 0 : i32
    %broadcast_in_dim3A_1575 = vector.broadcast %broadcast_in_dim3A_1574 : i32 to vector<1x390xi32>
    %slice3A_1576 = vector.extract_strided_slice %div3A_1571 {offsets = [0, 0], sizes = [64, 1], strides = [1, 1]} : vector<64x9xf32> to vector<64x1xf32>
    %sub3A_1577 = vector.broadcast %slice3A_1576 : vector<64x1xf32> to vector<64x390xf32>
    %sub3A_1578 = arith.subf %slice3A_1317, %sub3A_1577 : vector<64x390xf32>
    %mul3A_1579 = arith.mulf %sub3A_1578, %sub3A_1578 : vector<64x390xf32>
    %reduce_sum3A_1580 = arith.constant dense<0.000000e+00> : vector<390xf32>
    %reduce_sum3A_1581 = vector.multi_reduction <add>, %mul3A_1579, %reduce_sum3A_1580 [0] : vector<64x390xf32> to vector<390xf32>
    %broadcast_in_dim3A_1582 = vector.shape_cast %reduce_sum3A_1581 : vector<390xf32> to vector<1x390xf32>
    %lt3A_1583 = arith.cmpf olt, %broadcast_in_dim3A_1582, %broadcast_in_dim3A_1573 : vector<1x390xf32>
    %select_n3A_1584 = arith.select %lt3A_1583, %broadcast_in_dim3A_1582, %broadcast_in_dim3A_1573 : vector<1x390xi1>, vector<1x390xf32>
    %jit3A_1585 = arith.constant 0 : i32
    %broadcast_in_dim3A_1586 = vector.broadcast %jit3A_1585 : i32 to vector<1x390xi32>
    %select_n3A_1587 = arith.select %lt3A_1583, %broadcast_in_dim3A_1586, %broadcast_in_dim3A_1575 : vector<1x390xi1>, vector<1x390xi32>
    %slice3A_1588 = vector.extract_strided_slice %div3A_1571 {offsets = [0, 1], sizes = [64, 1], strides = [1, 1]} : vector<64x9xf32> to vector<64x1xf32>
    %sub3A_1589 = vector.broadcast %slice3A_1588 : vector<64x1xf32> to vector<64x390xf32>
    %sub3A_1590 = arith.subf %slice3A_1317, %sub3A_1589 : vector<64x390xf32>
    %mul3A_1591 = arith.mulf %sub3A_1590, %sub3A_1590 : vector<64x390xf32>
    %reduce_sum3A_1592 = arith.constant dense<0.000000e+00> : vector<390xf32>
    %reduce_sum3A_1593 = vector.multi_reduction <add>, %mul3A_1591, %reduce_sum3A_1592 [0] : vector<64x390xf32> to vector<390xf32>
    %broadcast_in_dim3A_1594 = vector.shape_cast %reduce_sum3A_1593 : vector<390xf32> to vector<1x390xf32>
    %lt3A_1595 = arith.cmpf olt, %broadcast_in_dim3A_1594, %select_n3A_1584 : vector<1x390xf32>
    %select_n3A_1596 = arith.select %lt3A_1595, %broadcast_in_dim3A_1594, %select_n3A_1584 : vector<1x390xi1>, vector<1x390xf32>
    %jit3A_1597 = arith.constant 1 : i32
    %broadcast_in_dim3A_1598 = vector.broadcast %jit3A_1597 : i32 to vector<1x390xi32>
    %select_n3A_1599 = arith.select %lt3A_1595, %broadcast_in_dim3A_1598, %select_n3A_1587 : vector<1x390xi1>, vector<1x390xi32>
    %slice3A_1600 = vector.extract_strided_slice %div3A_1571 {offsets = [0, 2], sizes = [64, 1], strides = [1, 1]} : vector<64x9xf32> to vector<64x1xf32>
    %sub3A_1601 = vector.broadcast %slice3A_1600 : vector<64x1xf32> to vector<64x390xf32>
    %sub3A_1602 = arith.subf %slice3A_1317, %sub3A_1601 : vector<64x390xf32>
    %mul3A_1603 = arith.mulf %sub3A_1602, %sub3A_1602 : vector<64x390xf32>
    %reduce_sum3A_1604 = arith.constant dense<0.000000e+00> : vector<390xf32>
    %reduce_sum3A_1605 = vector.multi_reduction <add>, %mul3A_1603, %reduce_sum3A_1604 [0] : vector<64x390xf32> to vector<390xf32>
    %broadcast_in_dim3A_1606 = vector.shape_cast %reduce_sum3A_1605 : vector<390xf32> to vector<1x390xf32>
    %lt3A_1607 = arith.cmpf olt, %broadcast_in_dim3A_1606, %select_n3A_1596 : vector<1x390xf32>
    %select_n3A_1608 = arith.select %lt3A_1607, %broadcast_in_dim3A_1606, %select_n3A_1596 : vector<1x390xi1>, vector<1x390xf32>
    %jit3A_1609 = arith.constant 2 : i32
    %broadcast_in_dim3A_1610 = vector.broadcast %jit3A_1609 : i32 to vector<1x390xi32>
    %select_n3A_1611 = arith.select %lt3A_1607, %broadcast_in_dim3A_1610, %select_n3A_1599 : vector<1x390xi1>, vector<1x390xi32>
    %slice3A_1612 = vector.extract_strided_slice %div3A_1571 {offsets = [0, 3], sizes = [64, 1], strides = [1, 1]} : vector<64x9xf32> to vector<64x1xf32>
    %sub3A_1613 = vector.broadcast %slice3A_1612 : vector<64x1xf32> to vector<64x390xf32>
    %sub3A_1614 = arith.subf %slice3A_1317, %sub3A_1613 : vector<64x390xf32>
    %mul3A_1615 = arith.mulf %sub3A_1614, %sub3A_1614 : vector<64x390xf32>
    %reduce_sum3A_1616 = arith.constant dense<0.000000e+00> : vector<390xf32>
    %reduce_sum3A_1617 = vector.multi_reduction <add>, %mul3A_1615, %reduce_sum3A_1616 [0] : vector<64x390xf32> to vector<390xf32>
    %broadcast_in_dim3A_1618 = vector.shape_cast %reduce_sum3A_1617 : vector<390xf32> to vector<1x390xf32>
    %lt3A_1619 = arith.cmpf olt, %broadcast_in_dim3A_1618, %select_n3A_1608 : vector<1x390xf32>
    %select_n3A_1620 = arith.select %lt3A_1619, %broadcast_in_dim3A_1618, %select_n3A_1608 : vector<1x390xi1>, vector<1x390xf32>
    %jit3A_1621 = arith.constant 3 : i32
    %broadcast_in_dim3A_1622 = vector.broadcast %jit3A_1621 : i32 to vector<1x390xi32>
    %select_n3A_1623 = arith.select %lt3A_1619, %broadcast_in_dim3A_1622, %select_n3A_1611 : vector<1x390xi1>, vector<1x390xi32>
    %slice3A_1624 = vector.extract_strided_slice %div3A_1571 {offsets = [0, 4], sizes = [64, 1], strides = [1, 1]} : vector<64x9xf32> to vector<64x1xf32>
    %sub3A_1625 = vector.broadcast %slice3A_1624 : vector<64x1xf32> to vector<64x390xf32>
    %sub3A_1626 = arith.subf %slice3A_1317, %sub3A_1625 : vector<64x390xf32>
    %mul3A_1627 = arith.mulf %sub3A_1626, %sub3A_1626 : vector<64x390xf32>
    %reduce_sum3A_1628 = arith.constant dense<0.000000e+00> : vector<390xf32>
    %reduce_sum3A_1629 = vector.multi_reduction <add>, %mul3A_1627, %reduce_sum3A_1628 [0] : vector<64x390xf32> to vector<390xf32>
    %broadcast_in_dim3A_1630 = vector.shape_cast %reduce_sum3A_1629 : vector<390xf32> to vector<1x390xf32>
    %lt3A_1631 = arith.cmpf olt, %broadcast_in_dim3A_1630, %select_n3A_1620 : vector<1x390xf32>
    %select_n3A_1632 = arith.select %lt3A_1631, %broadcast_in_dim3A_1630, %select_n3A_1620 : vector<1x390xi1>, vector<1x390xf32>
    %jit3A_1633 = arith.constant 4 : i32
    %broadcast_in_dim3A_1634 = vector.broadcast %jit3A_1633 : i32 to vector<1x390xi32>
    %select_n3A_1635 = arith.select %lt3A_1631, %broadcast_in_dim3A_1634, %select_n3A_1623 : vector<1x390xi1>, vector<1x390xi32>
    %slice3A_1636 = vector.extract_strided_slice %div3A_1571 {offsets = [0, 5], sizes = [64, 1], strides = [1, 1]} : vector<64x9xf32> to vector<64x1xf32>
    %sub3A_1637 = vector.broadcast %slice3A_1636 : vector<64x1xf32> to vector<64x390xf32>
    %sub3A_1638 = arith.subf %slice3A_1317, %sub3A_1637 : vector<64x390xf32>
    %mul3A_1639 = arith.mulf %sub3A_1638, %sub3A_1638 : vector<64x390xf32>
    %reduce_sum3A_1640 = arith.constant dense<0.000000e+00> : vector<390xf32>
    %reduce_sum3A_1641 = vector.multi_reduction <add>, %mul3A_1639, %reduce_sum3A_1640 [0] : vector<64x390xf32> to vector<390xf32>
    %broadcast_in_dim3A_1642 = vector.shape_cast %reduce_sum3A_1641 : vector<390xf32> to vector<1x390xf32>
    %lt3A_1643 = arith.cmpf olt, %broadcast_in_dim3A_1642, %select_n3A_1632 : vector<1x390xf32>
    %select_n3A_1644 = arith.select %lt3A_1643, %broadcast_in_dim3A_1642, %select_n3A_1632 : vector<1x390xi1>, vector<1x390xf32>
    %jit3A_1645 = arith.constant 5 : i32
    %broadcast_in_dim3A_1646 = vector.broadcast %jit3A_1645 : i32 to vector<1x390xi32>
    %select_n3A_1647 = arith.select %lt3A_1643, %broadcast_in_dim3A_1646, %select_n3A_1635 : vector<1x390xi1>, vector<1x390xi32>
    %slice3A_1648 = vector.extract_strided_slice %div3A_1571 {offsets = [0, 6], sizes = [64, 1], strides = [1, 1]} : vector<64x9xf32> to vector<64x1xf32>
    %sub3A_1649 = vector.broadcast %slice3A_1648 : vector<64x1xf32> to vector<64x390xf32>
    %sub3A_1650 = arith.subf %slice3A_1317, %sub3A_1649 : vector<64x390xf32>
    %mul3A_1651 = arith.mulf %sub3A_1650, %sub3A_1650 : vector<64x390xf32>
    %reduce_sum3A_1652 = arith.constant dense<0.000000e+00> : vector<390xf32>
    %reduce_sum3A_1653 = vector.multi_reduction <add>, %mul3A_1651, %reduce_sum3A_1652 [0] : vector<64x390xf32> to vector<390xf32>
    %broadcast_in_dim3A_1654 = vector.shape_cast %reduce_sum3A_1653 : vector<390xf32> to vector<1x390xf32>
    %lt3A_1655 = arith.cmpf olt, %broadcast_in_dim3A_1654, %select_n3A_1644 : vector<1x390xf32>
    %select_n3A_1656 = arith.select %lt3A_1655, %broadcast_in_dim3A_1654, %select_n3A_1644 : vector<1x390xi1>, vector<1x390xf32>
    %jit3A_1657 = arith.constant 6 : i32
    %broadcast_in_dim3A_1658 = vector.broadcast %jit3A_1657 : i32 to vector<1x390xi32>
    %select_n3A_1659 = arith.select %lt3A_1655, %broadcast_in_dim3A_1658, %select_n3A_1647 : vector<1x390xi1>, vector<1x390xi32>
    %slice3A_1660 = vector.extract_strided_slice %div3A_1571 {offsets = [0, 7], sizes = [64, 1], strides = [1, 1]} : vector<64x9xf32> to vector<64x1xf32>
    %sub3A_1661 = vector.broadcast %slice3A_1660 : vector<64x1xf32> to vector<64x390xf32>
    %sub3A_1662 = arith.subf %slice3A_1317, %sub3A_1661 : vector<64x390xf32>
    %mul3A_1663 = arith.mulf %sub3A_1662, %sub3A_1662 : vector<64x390xf32>
    %reduce_sum3A_1664 = arith.constant dense<0.000000e+00> : vector<390xf32>
    %reduce_sum3A_1665 = vector.multi_reduction <add>, %mul3A_1663, %reduce_sum3A_1664 [0] : vector<64x390xf32> to vector<390xf32>
    %broadcast_in_dim3A_1666 = vector.shape_cast %reduce_sum3A_1665 : vector<390xf32> to vector<1x390xf32>
    %lt3A_1667 = arith.cmpf olt, %broadcast_in_dim3A_1666, %select_n3A_1656 : vector<1x390xf32>
    %select_n3A_1668 = arith.select %lt3A_1667, %broadcast_in_dim3A_1666, %select_n3A_1656 : vector<1x390xi1>, vector<1x390xf32>
    %jit3A_1669 = arith.constant 7 : i32
    %broadcast_in_dim3A_1670 = vector.broadcast %jit3A_1669 : i32 to vector<1x390xi32>
    %select_n3A_1671 = arith.select %lt3A_1667, %broadcast_in_dim3A_1670, %select_n3A_1659 : vector<1x390xi1>, vector<1x390xi32>
    %slice3A_1672 = vector.extract_strided_slice %div3A_1571 {offsets = [0, 8], sizes = [64, 1], strides = [1, 1]} : vector<64x9xf32> to vector<64x1xf32>
    %sub3A_1673 = vector.broadcast %slice3A_1672 : vector<64x1xf32> to vector<64x390xf32>
    %sub3A_1674 = arith.subf %slice3A_1317, %sub3A_1673 : vector<64x390xf32>
    %mul3A_1675 = arith.mulf %sub3A_1674, %sub3A_1674 : vector<64x390xf32>
    %reduce_sum3A_1676 = arith.constant dense<0.000000e+00> : vector<390xf32>
    %reduce_sum3A_1677 = vector.multi_reduction <add>, %mul3A_1675, %reduce_sum3A_1676 [0] : vector<64x390xf32> to vector<390xf32>
    %broadcast_in_dim3A_1678 = vector.shape_cast %reduce_sum3A_1677 : vector<390xf32> to vector<1x390xf32>
    %lt3A_1679 = arith.cmpf olt, %broadcast_in_dim3A_1678, %select_n3A_1668 : vector<1x390xf32>
    %jit3A_1680 = arith.constant 8 : i32
    %broadcast_in_dim3A_1681 = vector.broadcast %jit3A_1680 : i32 to vector<1x390xi32>
    %select_n3A_1682 = arith.select %lt3A_1679, %broadcast_in_dim3A_1681, %select_n3A_1671 : vector<1x390xi1>, vector<1x390xi32>
    %eq3A_1683 = vector.broadcast %select_n3A_1682 : vector<1x390xi32> to vector<9x390xi32>
    %eq3A_1684 = vector.broadcast %iota3A_1319 : vector<9x1xi32> to vector<9x390xi32>
    %eq3A_1685 = arith.cmpi eq, %eq3A_1683, %eq3A_1684 : vector<9x390xi32>
    %convert_element_type3A_1686 = arith.extui %eq3A_1685 : vector<9x390xi1> to vector<9x390xi32>
    %convert_element_type3A_1687 = arith.sitofp %convert_element_type3A_1686 : vector<9x390xi32> to vector<9x390xf32>
    %dot_general3A_1688 = arith.constant dense<0.000000e+00> : vector<64x9xf32>
    %dot_general3A_1689 = tpu.matmul %slice3A_1317, %convert_element_type3A_1687, %dot_general3A_1688 {dimension_numbers = #tpu.dot_dimension_numbers<[1], [1], [0], [0], [0, 0, 1, 0], [], []>, precision = #tpu.contract_precision<fp32>, transpose_lhs_hint = false} : vector<64x390xf32>, vector<9x390xf32>, vector<64x9xf32> -> vector<64x9xf32>
    %dot_general3A_1690 = arith.constant dense<0.000000e+00> : vector<1x9xf32>
    %dot_general3A_1691 = tpu.matmul %broadcast_in_dim3A_1321, %convert_element_type3A_1687, %dot_general3A_1690 {dimension_numbers = #tpu.dot_dimension_numbers<[1], [1], [0], [0], [0, 0, 1, 0], [], []>, precision = #tpu.contract_precision<fp32>, transpose_lhs_hint = false} : vector<1x390xf32>, vector<9x390xf32>, vector<1x9xf32> -> vector<1x9xf32>
    %max3A_1692 = arith.constant 1.000000e+00 : f32
    %max3A_1693 = vector.broadcast %max3A_1692 : f32 to vector<1x9xf32>
    %max3A_1694 = arith.maximumf %dot_general3A_1691, %max3A_1693 : vector<1x9xf32>
    %div3A_1695 = vector.broadcast %max3A_1694 : vector<1x9xf32> to vector<64x9xf32>
    %div3A_1696 = arith.divf %dot_general3A_1689, %div3A_1695 : vector<64x9xf32>
    %broadcast_in_dim3A_1697 = arith.constant 0x7F800000 : f32
    %broadcast_in_dim3A_1698 = vector.broadcast %broadcast_in_dim3A_1697 : f32 to vector<1x390xf32>
    %broadcast_in_dim3A_1699 = arith.constant 0 : i32
    %broadcast_in_dim3A_1700 = vector.broadcast %broadcast_in_dim3A_1699 : i32 to vector<1x390xi32>
    %slice3A_1701 = vector.extract_strided_slice %div3A_1696 {offsets = [0, 0], sizes = [64, 1], strides = [1, 1]} : vector<64x9xf32> to vector<64x1xf32>
    %sub3A_1702 = vector.broadcast %slice3A_1701 : vector<64x1xf32> to vector<64x390xf32>
    %sub3A_1703 = arith.subf %slice3A_1317, %sub3A_1702 : vector<64x390xf32>
    %mul3A_1704 = arith.mulf %sub3A_1703, %sub3A_1703 : vector<64x390xf32>
    %reduce_sum3A_1705 = arith.constant dense<0.000000e+00> : vector<390xf32>
    %reduce_sum3A_1706 = vector.multi_reduction <add>, %mul3A_1704, %reduce_sum3A_1705 [0] : vector<64x390xf32> to vector<390xf32>
    %broadcast_in_dim3A_1707 = vector.shape_cast %reduce_sum3A_1706 : vector<390xf32> to vector<1x390xf32>
    %lt3A_1708 = arith.cmpf olt, %broadcast_in_dim3A_1707, %broadcast_in_dim3A_1698 : vector<1x390xf32>
    %select_n3A_1709 = arith.select %lt3A_1708, %broadcast_in_dim3A_1707, %broadcast_in_dim3A_1698 : vector<1x390xi1>, vector<1x390xf32>
    %jit3A_1710 = arith.constant 0 : i32
    %broadcast_in_dim3A_1711 = vector.broadcast %jit3A_1710 : i32 to vector<1x390xi32>
    %select_n3A_1712 = arith.select %lt3A_1708, %broadcast_in_dim3A_1711, %broadcast_in_dim3A_1700 : vector<1x390xi1>, vector<1x390xi32>
    %slice3A_1713 = vector.extract_strided_slice %div3A_1696 {offsets = [0, 1], sizes = [64, 1], strides = [1, 1]} : vector<64x9xf32> to vector<64x1xf32>
    %sub3A_1714 = vector.broadcast %slice3A_1713 : vector<64x1xf32> to vector<64x390xf32>
    %sub3A_1715 = arith.subf %slice3A_1317, %sub3A_1714 : vector<64x390xf32>
    %mul3A_1716 = arith.mulf %sub3A_1715, %sub3A_1715 : vector<64x390xf32>
    %reduce_sum3A_1717 = arith.constant dense<0.000000e+00> : vector<390xf32>
    %reduce_sum3A_1718 = vector.multi_reduction <add>, %mul3A_1716, %reduce_sum3A_1717 [0] : vector<64x390xf32> to vector<390xf32>
    %broadcast_in_dim3A_1719 = vector.shape_cast %reduce_sum3A_1718 : vector<390xf32> to vector<1x390xf32>
    %lt3A_1720 = arith.cmpf olt, %broadcast_in_dim3A_1719, %select_n3A_1709 : vector<1x390xf32>
    %select_n3A_1721 = arith.select %lt3A_1720, %broadcast_in_dim3A_1719, %select_n3A_1709 : vector<1x390xi1>, vector<1x390xf32>
    %jit3A_1722 = arith.constant 1 : i32
    %broadcast_in_dim3A_1723 = vector.broadcast %jit3A_1722 : i32 to vector<1x390xi32>
    %select_n3A_1724 = arith.select %lt3A_1720, %broadcast_in_dim3A_1723, %select_n3A_1712 : vector<1x390xi1>, vector<1x390xi32>
    %slice3A_1725 = vector.extract_strided_slice %div3A_1696 {offsets = [0, 2], sizes = [64, 1], strides = [1, 1]} : vector<64x9xf32> to vector<64x1xf32>
    %sub3A_1726 = vector.broadcast %slice3A_1725 : vector<64x1xf32> to vector<64x390xf32>
    %sub3A_1727 = arith.subf %slice3A_1317, %sub3A_1726 : vector<64x390xf32>
    %mul3A_1728 = arith.mulf %sub3A_1727, %sub3A_1727 : vector<64x390xf32>
    %reduce_sum3A_1729 = arith.constant dense<0.000000e+00> : vector<390xf32>
    %reduce_sum3A_1730 = vector.multi_reduction <add>, %mul3A_1728, %reduce_sum3A_1729 [0] : vector<64x390xf32> to vector<390xf32>
    %broadcast_in_dim3A_1731 = vector.shape_cast %reduce_sum3A_1730 : vector<390xf32> to vector<1x390xf32>
    %lt3A_1732 = arith.cmpf olt, %broadcast_in_dim3A_1731, %select_n3A_1721 : vector<1x390xf32>
    %select_n3A_1733 = arith.select %lt3A_1732, %broadcast_in_dim3A_1731, %select_n3A_1721 : vector<1x390xi1>, vector<1x390xf32>
    %jit3A_1734 = arith.constant 2 : i32
    %broadcast_in_dim3A_1735 = vector.broadcast %jit3A_1734 : i32 to vector<1x390xi32>
    %select_n3A_1736 = arith.select %lt3A_1732, %broadcast_in_dim3A_1735, %select_n3A_1724 : vector<1x390xi1>, vector<1x390xi32>
    %slice3A_1737 = vector.extract_strided_slice %div3A_1696 {offsets = [0, 3], sizes = [64, 1], strides = [1, 1]} : vector<64x9xf32> to vector<64x1xf32>
    %sub3A_1738 = vector.broadcast %slice3A_1737 : vector<64x1xf32> to vector<64x390xf32>
    %sub3A_1739 = arith.subf %slice3A_1317, %sub3A_1738 : vector<64x390xf32>
    %mul3A_1740 = arith.mulf %sub3A_1739, %sub3A_1739 : vector<64x390xf32>
    %reduce_sum3A_1741 = arith.constant dense<0.000000e+00> : vector<390xf32>
    %reduce_sum3A_1742 = vector.multi_reduction <add>, %mul3A_1740, %reduce_sum3A_1741 [0] : vector<64x390xf32> to vector<390xf32>
    %broadcast_in_dim3A_1743 = vector.shape_cast %reduce_sum3A_1742 : vector<390xf32> to vector<1x390xf32>
    %lt3A_1744 = arith.cmpf olt, %broadcast_in_dim3A_1743, %select_n3A_1733 : vector<1x390xf32>
    %select_n3A_1745 = arith.select %lt3A_1744, %broadcast_in_dim3A_1743, %select_n3A_1733 : vector<1x390xi1>, vector<1x390xf32>
    %jit3A_1746 = arith.constant 3 : i32
    %broadcast_in_dim3A_1747 = vector.broadcast %jit3A_1746 : i32 to vector<1x390xi32>
    %select_n3A_1748 = arith.select %lt3A_1744, %broadcast_in_dim3A_1747, %select_n3A_1736 : vector<1x390xi1>, vector<1x390xi32>
    %slice3A_1749 = vector.extract_strided_slice %div3A_1696 {offsets = [0, 4], sizes = [64, 1], strides = [1, 1]} : vector<64x9xf32> to vector<64x1xf32>
    %sub3A_1750 = vector.broadcast %slice3A_1749 : vector<64x1xf32> to vector<64x390xf32>
    %sub3A_1751 = arith.subf %slice3A_1317, %sub3A_1750 : vector<64x390xf32>
    %mul3A_1752 = arith.mulf %sub3A_1751, %sub3A_1751 : vector<64x390xf32>
    %reduce_sum3A_1753 = arith.constant dense<0.000000e+00> : vector<390xf32>
    %reduce_sum3A_1754 = vector.multi_reduction <add>, %mul3A_1752, %reduce_sum3A_1753 [0] : vector<64x390xf32> to vector<390xf32>
    %broadcast_in_dim3A_1755 = vector.shape_cast %reduce_sum3A_1754 : vector<390xf32> to vector<1x390xf32>
    %lt3A_1756 = arith.cmpf olt, %broadcast_in_dim3A_1755, %select_n3A_1745 : vector<1x390xf32>
    %select_n3A_1757 = arith.select %lt3A_1756, %broadcast_in_dim3A_1755, %select_n3A_1745 : vector<1x390xi1>, vector<1x390xf32>
    %jit3A_1758 = arith.constant 4 : i32
    %broadcast_in_dim3A_1759 = vector.broadcast %jit3A_1758 : i32 to vector<1x390xi32>
    %select_n3A_1760 = arith.select %lt3A_1756, %broadcast_in_dim3A_1759, %select_n3A_1748 : vector<1x390xi1>, vector<1x390xi32>
    %slice3A_1761 = vector.extract_strided_slice %div3A_1696 {offsets = [0, 5], sizes = [64, 1], strides = [1, 1]} : vector<64x9xf32> to vector<64x1xf32>
    %sub3A_1762 = vector.broadcast %slice3A_1761 : vector<64x1xf32> to vector<64x390xf32>
    %sub3A_1763 = arith.subf %slice3A_1317, %sub3A_1762 : vector<64x390xf32>
    %mul3A_1764 = arith.mulf %sub3A_1763, %sub3A_1763 : vector<64x390xf32>
    %reduce_sum3A_1765 = arith.constant dense<0.000000e+00> : vector<390xf32>
    %reduce_sum3A_1766 = vector.multi_reduction <add>, %mul3A_1764, %reduce_sum3A_1765 [0] : vector<64x390xf32> to vector<390xf32>
    %broadcast_in_dim3A_1767 = vector.shape_cast %reduce_sum3A_1766 : vector<390xf32> to vector<1x390xf32>
    %lt3A_1768 = arith.cmpf olt, %broadcast_in_dim3A_1767, %select_n3A_1757 : vector<1x390xf32>
    %select_n3A_1769 = arith.select %lt3A_1768, %broadcast_in_dim3A_1767, %select_n3A_1757 : vector<1x390xi1>, vector<1x390xf32>
    %jit3A_1770 = arith.constant 5 : i32
    %broadcast_in_dim3A_1771 = vector.broadcast %jit3A_1770 : i32 to vector<1x390xi32>
    %select_n3A_1772 = arith.select %lt3A_1768, %broadcast_in_dim3A_1771, %select_n3A_1760 : vector<1x390xi1>, vector<1x390xi32>
    %slice3A_1773 = vector.extract_strided_slice %div3A_1696 {offsets = [0, 6], sizes = [64, 1], strides = [1, 1]} : vector<64x9xf32> to vector<64x1xf32>
    %sub3A_1774 = vector.broadcast %slice3A_1773 : vector<64x1xf32> to vector<64x390xf32>
    %sub3A_1775 = arith.subf %slice3A_1317, %sub3A_1774 : vector<64x390xf32>
    %mul3A_1776 = arith.mulf %sub3A_1775, %sub3A_1775 : vector<64x390xf32>
    %reduce_sum3A_1777 = arith.constant dense<0.000000e+00> : vector<390xf32>
    %reduce_sum3A_1778 = vector.multi_reduction <add>, %mul3A_1776, %reduce_sum3A_1777 [0] : vector<64x390xf32> to vector<390xf32>
    %broadcast_in_dim3A_1779 = vector.shape_cast %reduce_sum3A_1778 : vector<390xf32> to vector<1x390xf32>
    %lt3A_1780 = arith.cmpf olt, %broadcast_in_dim3A_1779, %select_n3A_1769 : vector<1x390xf32>
    %select_n3A_1781 = arith.select %lt3A_1780, %broadcast_in_dim3A_1779, %select_n3A_1769 : vector<1x390xi1>, vector<1x390xf32>
    %jit3A_1782 = arith.constant 6 : i32
    %broadcast_in_dim3A_1783 = vector.broadcast %jit3A_1782 : i32 to vector<1x390xi32>
    %select_n3A_1784 = arith.select %lt3A_1780, %broadcast_in_dim3A_1783, %select_n3A_1772 : vector<1x390xi1>, vector<1x390xi32>
    %slice3A_1785 = vector.extract_strided_slice %div3A_1696 {offsets = [0, 7], sizes = [64, 1], strides = [1, 1]} : vector<64x9xf32> to vector<64x1xf32>
    %sub3A_1786 = vector.broadcast %slice3A_1785 : vector<64x1xf32> to vector<64x390xf32>
    %sub3A_1787 = arith.subf %slice3A_1317, %sub3A_1786 : vector<64x390xf32>
    %mul3A_1788 = arith.mulf %sub3A_1787, %sub3A_1787 : vector<64x390xf32>
    %reduce_sum3A_1789 = arith.constant dense<0.000000e+00> : vector<390xf32>
    %reduce_sum3A_1790 = vector.multi_reduction <add>, %mul3A_1788, %reduce_sum3A_1789 [0] : vector<64x390xf32> to vector<390xf32>
    %broadcast_in_dim3A_1791 = vector.shape_cast %reduce_sum3A_1790 : vector<390xf32> to vector<1x390xf32>
    %lt3A_1792 = arith.cmpf olt, %broadcast_in_dim3A_1791, %select_n3A_1781 : vector<1x390xf32>
    %select_n3A_1793 = arith.select %lt3A_1792, %broadcast_in_dim3A_1791, %select_n3A_1781 : vector<1x390xi1>, vector<1x390xf32>
    %jit3A_1794 = arith.constant 7 : i32
    %broadcast_in_dim3A_1795 = vector.broadcast %jit3A_1794 : i32 to vector<1x390xi32>
    %select_n3A_1796 = arith.select %lt3A_1792, %broadcast_in_dim3A_1795, %select_n3A_1784 : vector<1x390xi1>, vector<1x390xi32>
    %slice3A_1797 = vector.extract_strided_slice %div3A_1696 {offsets = [0, 8], sizes = [64, 1], strides = [1, 1]} : vector<64x9xf32> to vector<64x1xf32>
    %sub3A_1798 = vector.broadcast %slice3A_1797 : vector<64x1xf32> to vector<64x390xf32>
    %sub3A_1799 = arith.subf %slice3A_1317, %sub3A_1798 : vector<64x390xf32>
    %mul3A_1800 = arith.mulf %sub3A_1799, %sub3A_1799 : vector<64x390xf32>
    %reduce_sum3A_1801 = arith.constant dense<0.000000e+00> : vector<390xf32>
    %reduce_sum3A_1802 = vector.multi_reduction <add>, %mul3A_1800, %reduce_sum3A_1801 [0] : vector<64x390xf32> to vector<390xf32>
    %broadcast_in_dim3A_1803 = vector.shape_cast %reduce_sum3A_1802 : vector<390xf32> to vector<1x390xf32>
    %lt3A_1804 = arith.cmpf olt, %broadcast_in_dim3A_1803, %select_n3A_1793 : vector<1x390xf32>
    %jit3A_1805 = arith.constant 8 : i32
    %broadcast_in_dim3A_1806 = vector.broadcast %jit3A_1805 : i32 to vector<1x390xi32>
    %select_n3A_1807 = arith.select %lt3A_1804, %broadcast_in_dim3A_1806, %select_n3A_1796 : vector<1x390xi1>, vector<1x390xi32>
    %eq3A_1808 = vector.broadcast %select_n3A_1807 : vector<1x390xi32> to vector<9x390xi32>
    %eq3A_1809 = vector.broadcast %iota3A_1319 : vector<9x1xi32> to vector<9x390xi32>
    %eq3A_1810 = arith.cmpi eq, %eq3A_1808, %eq3A_1809 : vector<9x390xi32>
    %convert_element_type3A_1811 = arith.extui %eq3A_1810 : vector<9x390xi1> to vector<9x390xi32>
    %convert_element_type3A_1812 = arith.sitofp %convert_element_type3A_1811 : vector<9x390xi32> to vector<9x390xf32>
    %dot_general3A_1813 = arith.constant dense<0.000000e+00> : vector<64x9xf32>
    %dot_general3A_1814 = tpu.matmul %slice3A_1317, %convert_element_type3A_1812, %dot_general3A_1813 {dimension_numbers = #tpu.dot_dimension_numbers<[1], [1], [0], [0], [0, 0, 1, 0], [], []>, precision = #tpu.contract_precision<fp32>, transpose_lhs_hint = false} : vector<64x390xf32>, vector<9x390xf32>, vector<64x9xf32> -> vector<64x9xf32>
    %dot_general3A_1815 = arith.constant dense<0.000000e+00> : vector<1x9xf32>
    %dot_general3A_1816 = tpu.matmul %broadcast_in_dim3A_1321, %convert_element_type3A_1812, %dot_general3A_1815 {dimension_numbers = #tpu.dot_dimension_numbers<[1], [1], [0], [0], [0, 0, 1, 0], [], []>, precision = #tpu.contract_precision<fp32>, transpose_lhs_hint = false} : vector<1x390xf32>, vector<9x390xf32>, vector<1x9xf32> -> vector<1x9xf32>
    %max3A_1817 = arith.constant 1.000000e+00 : f32
    %max3A_1818 = vector.broadcast %max3A_1817 : f32 to vector<1x9xf32>
    %max3A_1819 = arith.maximumf %dot_general3A_1816, %max3A_1818 : vector<1x9xf32>
    %div3A_1820 = vector.broadcast %max3A_1819 : vector<1x9xf32> to vector<64x9xf32>
    %div3A_1821 = arith.divf %dot_general3A_1814, %div3A_1820 : vector<64x9xf32>
    %broadcast_in_dim3A_1822 = arith.constant 0x7F800000 : f32
    %broadcast_in_dim3A_1823 = vector.broadcast %broadcast_in_dim3A_1822 : f32 to vector<1x390xf32>
    %broadcast_in_dim3A_1824 = arith.constant 0 : i32
    %broadcast_in_dim3A_1825 = vector.broadcast %broadcast_in_dim3A_1824 : i32 to vector<1x390xi32>
    %slice3A_1826 = vector.extract_strided_slice %div3A_1821 {offsets = [0, 0], sizes = [64, 1], strides = [1, 1]} : vector<64x9xf32> to vector<64x1xf32>
    %sub3A_1827 = vector.broadcast %slice3A_1826 : vector<64x1xf32> to vector<64x390xf32>
    %sub3A_1828 = arith.subf %slice3A_1317, %sub3A_1827 : vector<64x390xf32>
    %mul3A_1829 = arith.mulf %sub3A_1828, %sub3A_1828 : vector<64x390xf32>
    %reduce_sum3A_1830 = arith.constant dense<0.000000e+00> : vector<390xf32>
    %reduce_sum3A_1831 = vector.multi_reduction <add>, %mul3A_1829, %reduce_sum3A_1830 [0] : vector<64x390xf32> to vector<390xf32>
    %broadcast_in_dim3A_1832 = vector.shape_cast %reduce_sum3A_1831 : vector<390xf32> to vector<1x390xf32>
    %lt3A_1833 = arith.cmpf olt, %broadcast_in_dim3A_1832, %broadcast_in_dim3A_1823 : vector<1x390xf32>
    %select_n3A_1834 = arith.select %lt3A_1833, %broadcast_in_dim3A_1832, %broadcast_in_dim3A_1823 : vector<1x390xi1>, vector<1x390xf32>
    %jit3A_1835 = arith.constant 0 : i32
    %broadcast_in_dim3A_1836 = vector.broadcast %jit3A_1835 : i32 to vector<1x390xi32>
    %select_n3A_1837 = arith.select %lt3A_1833, %broadcast_in_dim3A_1836, %broadcast_in_dim3A_1825 : vector<1x390xi1>, vector<1x390xi32>
    %slice3A_1838 = vector.extract_strided_slice %div3A_1821 {offsets = [0, 1], sizes = [64, 1], strides = [1, 1]} : vector<64x9xf32> to vector<64x1xf32>
    %sub3A_1839 = vector.broadcast %slice3A_1838 : vector<64x1xf32> to vector<64x390xf32>
    %sub3A_1840 = arith.subf %slice3A_1317, %sub3A_1839 : vector<64x390xf32>
    %mul3A_1841 = arith.mulf %sub3A_1840, %sub3A_1840 : vector<64x390xf32>
    %reduce_sum3A_1842 = arith.constant dense<0.000000e+00> : vector<390xf32>
    %reduce_sum3A_1843 = vector.multi_reduction <add>, %mul3A_1841, %reduce_sum3A_1842 [0] : vector<64x390xf32> to vector<390xf32>
    %broadcast_in_dim3A_1844 = vector.shape_cast %reduce_sum3A_1843 : vector<390xf32> to vector<1x390xf32>
    %lt3A_1845 = arith.cmpf olt, %broadcast_in_dim3A_1844, %select_n3A_1834 : vector<1x390xf32>
    %select_n3A_1846 = arith.select %lt3A_1845, %broadcast_in_dim3A_1844, %select_n3A_1834 : vector<1x390xi1>, vector<1x390xf32>
    %jit3A_1847 = arith.constant 1 : i32
    %broadcast_in_dim3A_1848 = vector.broadcast %jit3A_1847 : i32 to vector<1x390xi32>
    %select_n3A_1849 = arith.select %lt3A_1845, %broadcast_in_dim3A_1848, %select_n3A_1837 : vector<1x390xi1>, vector<1x390xi32>
    %slice3A_1850 = vector.extract_strided_slice %div3A_1821 {offsets = [0, 2], sizes = [64, 1], strides = [1, 1]} : vector<64x9xf32> to vector<64x1xf32>
    %sub3A_1851 = vector.broadcast %slice3A_1850 : vector<64x1xf32> to vector<64x390xf32>
    %sub3A_1852 = arith.subf %slice3A_1317, %sub3A_1851 : vector<64x390xf32>
    %mul3A_1853 = arith.mulf %sub3A_1852, %sub3A_1852 : vector<64x390xf32>
    %reduce_sum3A_1854 = arith.constant dense<0.000000e+00> : vector<390xf32>
    %reduce_sum3A_1855 = vector.multi_reduction <add>, %mul3A_1853, %reduce_sum3A_1854 [0] : vector<64x390xf32> to vector<390xf32>
    %broadcast_in_dim3A_1856 = vector.shape_cast %reduce_sum3A_1855 : vector<390xf32> to vector<1x390xf32>
    %lt3A_1857 = arith.cmpf olt, %broadcast_in_dim3A_1856, %select_n3A_1846 : vector<1x390xf32>
    %select_n3A_1858 = arith.select %lt3A_1857, %broadcast_in_dim3A_1856, %select_n3A_1846 : vector<1x390xi1>, vector<1x390xf32>
    %jit3A_1859 = arith.constant 2 : i32
    %broadcast_in_dim3A_1860 = vector.broadcast %jit3A_1859 : i32 to vector<1x390xi32>
    %select_n3A_1861 = arith.select %lt3A_1857, %broadcast_in_dim3A_1860, %select_n3A_1849 : vector<1x390xi1>, vector<1x390xi32>
    %slice3A_1862 = vector.extract_strided_slice %div3A_1821 {offsets = [0, 3], sizes = [64, 1], strides = [1, 1]} : vector<64x9xf32> to vector<64x1xf32>
    %sub3A_1863 = vector.broadcast %slice3A_1862 : vector<64x1xf32> to vector<64x390xf32>
    %sub3A_1864 = arith.subf %slice3A_1317, %sub3A_1863 : vector<64x390xf32>
    %mul3A_1865 = arith.mulf %sub3A_1864, %sub3A_1864 : vector<64x390xf32>
    %reduce_sum3A_1866 = arith.constant dense<0.000000e+00> : vector<390xf32>
    %reduce_sum3A_1867 = vector.multi_reduction <add>, %mul3A_1865, %reduce_sum3A_1866 [0] : vector<64x390xf32> to vector<390xf32>
    %broadcast_in_dim3A_1868 = vector.shape_cast %reduce_sum3A_1867 : vector<390xf32> to vector<1x390xf32>
    %lt3A_1869 = arith.cmpf olt, %broadcast_in_dim3A_1868, %select_n3A_1858 : vector<1x390xf32>
    %select_n3A_1870 = arith.select %lt3A_1869, %broadcast_in_dim3A_1868, %select_n3A_1858 : vector<1x390xi1>, vector<1x390xf32>
    %jit3A_1871 = arith.constant 3 : i32
    %broadcast_in_dim3A_1872 = vector.broadcast %jit3A_1871 : i32 to vector<1x390xi32>
    %select_n3A_1873 = arith.select %lt3A_1869, %broadcast_in_dim3A_1872, %select_n3A_1861 : vector<1x390xi1>, vector<1x390xi32>
    %slice3A_1874 = vector.extract_strided_slice %div3A_1821 {offsets = [0, 4], sizes = [64, 1], strides = [1, 1]} : vector<64x9xf32> to vector<64x1xf32>
    %sub3A_1875 = vector.broadcast %slice3A_1874 : vector<64x1xf32> to vector<64x390xf32>
    %sub3A_1876 = arith.subf %slice3A_1317, %sub3A_1875 : vector<64x390xf32>
    %mul3A_1877 = arith.mulf %sub3A_1876, %sub3A_1876 : vector<64x390xf32>
    %reduce_sum3A_1878 = arith.constant dense<0.000000e+00> : vector<390xf32>
    %reduce_sum3A_1879 = vector.multi_reduction <add>, %mul3A_1877, %reduce_sum3A_1878 [0] : vector<64x390xf32> to vector<390xf32>
    %broadcast_in_dim3A_1880 = vector.shape_cast %reduce_sum3A_1879 : vector<390xf32> to vector<1x390xf32>
    %lt3A_1881 = arith.cmpf olt, %broadcast_in_dim3A_1880, %select_n3A_1870 : vector<1x390xf32>
    %select_n3A_1882 = arith.select %lt3A_1881, %broadcast_in_dim3A_1880, %select_n3A_1870 : vector<1x390xi1>, vector<1x390xf32>
    %jit3A_1883 = arith.constant 4 : i32
    %broadcast_in_dim3A_1884 = vector.broadcast %jit3A_1883 : i32 to vector<1x390xi32>
    %select_n3A_1885 = arith.select %lt3A_1881, %broadcast_in_dim3A_1884, %select_n3A_1873 : vector<1x390xi1>, vector<1x390xi32>
    %slice3A_1886 = vector.extract_strided_slice %div3A_1821 {offsets = [0, 5], sizes = [64, 1], strides = [1, 1]} : vector<64x9xf32> to vector<64x1xf32>
    %sub3A_1887 = vector.broadcast %slice3A_1886 : vector<64x1xf32> to vector<64x390xf32>
    %sub3A_1888 = arith.subf %slice3A_1317, %sub3A_1887 : vector<64x390xf32>
    %mul3A_1889 = arith.mulf %sub3A_1888, %sub3A_1888 : vector<64x390xf32>
    %reduce_sum3A_1890 = arith.constant dense<0.000000e+00> : vector<390xf32>
    %reduce_sum3A_1891 = vector.multi_reduction <add>, %mul3A_1889, %reduce_sum3A_1890 [0] : vector<64x390xf32> to vector<390xf32>
    %broadcast_in_dim3A_1892 = vector.shape_cast %reduce_sum3A_1891 : vector<390xf32> to vector<1x390xf32>
    %lt3A_1893 = arith.cmpf olt, %broadcast_in_dim3A_1892, %select_n3A_1882 : vector<1x390xf32>
    %select_n3A_1894 = arith.select %lt3A_1893, %broadcast_in_dim3A_1892, %select_n3A_1882 : vector<1x390xi1>, vector<1x390xf32>
    %jit3A_1895 = arith.constant 5 : i32
    %broadcast_in_dim3A_1896 = vector.broadcast %jit3A_1895 : i32 to vector<1x390xi32>
    %select_n3A_1897 = arith.select %lt3A_1893, %broadcast_in_dim3A_1896, %select_n3A_1885 : vector<1x390xi1>, vector<1x390xi32>
    %slice3A_1898 = vector.extract_strided_slice %div3A_1821 {offsets = [0, 6], sizes = [64, 1], strides = [1, 1]} : vector<64x9xf32> to vector<64x1xf32>
    %sub3A_1899 = vector.broadcast %slice3A_1898 : vector<64x1xf32> to vector<64x390xf32>
    %sub3A_1900 = arith.subf %slice3A_1317, %sub3A_1899 : vector<64x390xf32>
    %mul3A_1901 = arith.mulf %sub3A_1900, %sub3A_1900 : vector<64x390xf32>
    %reduce_sum3A_1902 = arith.constant dense<0.000000e+00> : vector<390xf32>
    %reduce_sum3A_1903 = vector.multi_reduction <add>, %mul3A_1901, %reduce_sum3A_1902 [0] : vector<64x390xf32> to vector<390xf32>
    %broadcast_in_dim3A_1904 = vector.shape_cast %reduce_sum3A_1903 : vector<390xf32> to vector<1x390xf32>
    %lt3A_1905 = arith.cmpf olt, %broadcast_in_dim3A_1904, %select_n3A_1894 : vector<1x390xf32>
    %select_n3A_1906 = arith.select %lt3A_1905, %broadcast_in_dim3A_1904, %select_n3A_1894 : vector<1x390xi1>, vector<1x390xf32>
    %jit3A_1907 = arith.constant 6 : i32
    %broadcast_in_dim3A_1908 = vector.broadcast %jit3A_1907 : i32 to vector<1x390xi32>
    %select_n3A_1909 = arith.select %lt3A_1905, %broadcast_in_dim3A_1908, %select_n3A_1897 : vector<1x390xi1>, vector<1x390xi32>
    %slice3A_1910 = vector.extract_strided_slice %div3A_1821 {offsets = [0, 7], sizes = [64, 1], strides = [1, 1]} : vector<64x9xf32> to vector<64x1xf32>
    %sub3A_1911 = vector.broadcast %slice3A_1910 : vector<64x1xf32> to vector<64x390xf32>
    %sub3A_1912 = arith.subf %slice3A_1317, %sub3A_1911 : vector<64x390xf32>
    %mul3A_1913 = arith.mulf %sub3A_1912, %sub3A_1912 : vector<64x390xf32>
    %reduce_sum3A_1914 = arith.constant dense<0.000000e+00> : vector<390xf32>
    %reduce_sum3A_1915 = vector.multi_reduction <add>, %mul3A_1913, %reduce_sum3A_1914 [0] : vector<64x390xf32> to vector<390xf32>
    %broadcast_in_dim3A_1916 = vector.shape_cast %reduce_sum3A_1915 : vector<390xf32> to vector<1x390xf32>
    %lt3A_1917 = arith.cmpf olt, %broadcast_in_dim3A_1916, %select_n3A_1906 : vector<1x390xf32>
    %select_n3A_1918 = arith.select %lt3A_1917, %broadcast_in_dim3A_1916, %select_n3A_1906 : vector<1x390xi1>, vector<1x390xf32>
    %jit3A_1919 = arith.constant 7 : i32
    %broadcast_in_dim3A_1920 = vector.broadcast %jit3A_1919 : i32 to vector<1x390xi32>
    %select_n3A_1921 = arith.select %lt3A_1917, %broadcast_in_dim3A_1920, %select_n3A_1909 : vector<1x390xi1>, vector<1x390xi32>
    %slice3A_1922 = vector.extract_strided_slice %div3A_1821 {offsets = [0, 8], sizes = [64, 1], strides = [1, 1]} : vector<64x9xf32> to vector<64x1xf32>
    %sub3A_1923 = vector.broadcast %slice3A_1922 : vector<64x1xf32> to vector<64x390xf32>
    %sub3A_1924 = arith.subf %slice3A_1317, %sub3A_1923 : vector<64x390xf32>
    %mul3A_1925 = arith.mulf %sub3A_1924, %sub3A_1924 : vector<64x390xf32>
    %reduce_sum3A_1926 = arith.constant dense<0.000000e+00> : vector<390xf32>
    %reduce_sum3A_1927 = vector.multi_reduction <add>, %mul3A_1925, %reduce_sum3A_1926 [0] : vector<64x390xf32> to vector<390xf32>
    %broadcast_in_dim3A_1928 = vector.shape_cast %reduce_sum3A_1927 : vector<390xf32> to vector<1x390xf32>
    %lt3A_1929 = arith.cmpf olt, %broadcast_in_dim3A_1928, %select_n3A_1918 : vector<1x390xf32>
    %jit3A_1930 = arith.constant 8 : i32
    %broadcast_in_dim3A_1931 = vector.broadcast %jit3A_1930 : i32 to vector<1x390xi32>
    %select_n3A_1932 = arith.select %lt3A_1929, %broadcast_in_dim3A_1931, %select_n3A_1921 : vector<1x390xi1>, vector<1x390xi32>
    %eq3A_1933 = vector.broadcast %select_n3A_1932 : vector<1x390xi32> to vector<9x390xi32>
    %eq3A_1934 = vector.broadcast %iota3A_1319 : vector<9x1xi32> to vector<9x390xi32>
    %eq3A_1935 = arith.cmpi eq, %eq3A_1933, %eq3A_1934 : vector<9x390xi32>
    %convert_element_type3A_1936 = arith.extui %eq3A_1935 : vector<9x390xi1> to vector<9x390xi32>
    %convert_element_type3A_1937 = arith.sitofp %convert_element_type3A_1936 : vector<9x390xi32> to vector<9x390xf32>
    %mul3A_1938 = arith.mulf %div3A_1821, %div3A_1821 : vector<64x9xf32>
    %reduce_sum3A_1939 = arith.constant dense<0.000000e+00> : vector<9xf32>
    %reduce_sum3A_1940 = vector.multi_reduction <add>, %mul3A_1938, %reduce_sum3A_1939 [0] : vector<64x9xf32> to vector<9xf32>
    %broadcast_in_dim3A_1941 = vector.shape_cast %reduce_sum3A_1940 : vector<9xf32> to vector<1x9xf32>
    %sqrt3A_1942 = math.sqrt %broadcast_in_dim3A_1941 : vector<1x9xf32>
    %max3A_1943 = arith.constant 9.99999996E-13 : f32
    %max3A_1944 = vector.broadcast %max3A_1943 : f32 to vector<1x9xf32>
    %max3A_1945 = arith.maximumf %sqrt3A_1942, %max3A_1944 : vector<1x9xf32>
    %div3A_1946 = vector.broadcast %max3A_1945 : vector<1x9xf32> to vector<64x9xf32>
    %div3A_1947 = arith.divf %div3A_1821, %div3A_1946 : vector<64x9xf32>
    %dot_general3A_1948 = arith.constant dense<0.000000e+00> : vector<64x390xf32>
    %dot_general3A_1949 = tpu.matmul %div3A_1947, %convert_element_type3A_1937, %dot_general3A_1948 {dimension_numbers = #tpu.dot_dimension_numbers<[1], [0], [0], [1], [0, 0, 1, 1], [], []>, precision = #tpu.contract_precision<fp32>, transpose_lhs_hint = false} : vector<64x9xf32>, vector<9x390xf32>, vector<64x390xf32> -> vector<64x390xf32>
    %add3A_1950 = arith.addf %div3A_31, %dot_general3A_1949 : vector<64x390xf32>
    %add3A_1951 = arith.addf %div3A_20, %dot_general3A_1316 : vector<64x805xf32>
    %get3A_1952 = arith.constant 0 : index
    %get3A_1953 = arith.constant 0 : index
    %get3A_1954 = vector.load %arg2[%get3A_1952, %get3A_1953] : memref<1024x390xf32, #tpu.memory_space<vmem>>, vector<1024x390xf32>
    %dot_general3A_1955 = arith.constant dense<0.000000e+00> : vector<1024x64xf32>
    %dot_general3A_1956 = tpu.matmul %get3A_1954, %add3A_1950, %dot_general3A_1955 {dimension_numbers = #tpu.dot_dimension_numbers<[1], [1], [0], [0], [0, 0, 1, 0], [], []>, transpose_lhs_hint = false} : vector<1024x390xf32>, vector<64x390xf32>, vector<1024x64xf32> -> vector<1024x64xf32>
    %reduce_sum3A_1957 = arith.constant dense<0.000000e+00> : vector<1024xf32>
    %reduce_sum3A_1958 = vector.multi_reduction <add>, %get3A_1954, %reduce_sum3A_1957 [1] : vector<1024x390xf32> to vector<1024xf32>
    %broadcast_in_dim3A_1959 = vector.shape_cast %reduce_sum3A_1958 : vector<1024xf32> to vector<1024x1xf32>
    %div3A_1960 = vector.broadcast %broadcast_in_dim3A_1959 : vector<1024x1xf32> to vector<1024x64xf32>
    %div3A_1961 = arith.divf %dot_general3A_1956, %div3A_1960 : vector<1024x64xf32>
    %get3A_1962 = arith.constant 0 : index
    %get3A_1963 = arith.constant 0 : index
    %get3A_1964 = vector.load %arg3[%get3A_1962, %get3A_1963] : memref<64x64xf32, #tpu.memory_space<vmem>>, vector<64x64xf32>
    %dot_general3A_1965 = arith.constant dense<0.000000e+00> : vector<1024x64xf32>
    %dot_general3A_1966 = tpu.matmul %div3A_1961, %get3A_1964, %dot_general3A_1965 {dimension_numbers = #tpu.dot_dimension_numbers<[1], [1], [0], [0], [0, 0, 1, 0], [], []>, transpose_lhs_hint = false} : vector<1024x64xf32>, vector<64x64xf32>, vector<1024x64xf32> -> vector<1024x64xf32>
    %get3A_1967 = arith.constant 0 : index
    %get3A_1968 = arith.constant 0 : index
    %get3A_1969 = vector.load %arg4[%get3A_1967, %get3A_1968] : memref<1x64xf32, #tpu.memory_space<vmem>>, vector<1x64xf32>
    %add3A_1970 = vector.broadcast %get3A_1969 : vector<1x64xf32> to vector<1024x64xf32>
    %add3A_1971 = arith.addf %dot_general3A_1966, %add3A_1970 : vector<1024x64xf32>
    %reduce_sum3A_1972 = arith.constant dense<0.000000e+00> : vector<64xf32>
    %reduce_sum3A_1973 = vector.multi_reduction <add>, %add3A_1971, %reduce_sum3A_1972 [0] : vector<1024x64xf32> to vector<64xf32>
    %broadcast_in_dim3A_1974 = vector.shape_cast %reduce_sum3A_1973 : vector<64xf32> to vector<1x64xf32>
    %div3A_1975 = arith.constant 1.024000e+03 : f32
    %div3A_1976 = vector.broadcast %div3A_1975 : f32 to vector<1x64xf32>
    %div3A_1977 = arith.divf %broadcast_in_dim3A_1974, %div3A_1976 : vector<1x64xf32>
    %sub3A_1978 = vector.broadcast %div3A_1977 : vector<1x64xf32> to vector<1024x64xf32>
    %sub3A_1979 = arith.subf %add3A_1971, %sub3A_1978 : vector<1024x64xf32>
    %sub3A_1980 = vector.broadcast %div3A_1977 : vector<1x64xf32> to vector<1024x64xf32>
    %sub3A_1981 = arith.subf %add3A_1971, %sub3A_1980 : vector<1024x64xf32>
    %mul3A_1982 = arith.mulf %sub3A_1979, %sub3A_1981 : vector<1024x64xf32>
    %reduce_sum3A_1983 = arith.constant dense<0.000000e+00> : vector<64xf32>
    %reduce_sum3A_1984 = vector.multi_reduction <add>, %mul3A_1982, %reduce_sum3A_1983 [0] : vector<1024x64xf32> to vector<64xf32>
    %broadcast_in_dim3A_1985 = vector.shape_cast %reduce_sum3A_1984 : vector<64xf32> to vector<1x64xf32>
    %div3A_1986 = arith.constant 1.024000e+03 : f32
    %div3A_1987 = vector.broadcast %div3A_1986 : f32 to vector<1x64xf32>
    %div3A_1988 = arith.divf %broadcast_in_dim3A_1985, %div3A_1987 : vector<1x64xf32>
    %sub3A_1989 = vector.broadcast %div3A_1977 : vector<1x64xf32> to vector<1024x64xf32>
    %sub3A_1990 = arith.subf %add3A_1971, %sub3A_1989 : vector<1024x64xf32>
    %add3A_1991 = arith.constant 9.99999974E-6 : f32
    %add3A_1992 = vector.broadcast %add3A_1991 : f32 to vector<1x64xf32>
    %add3A_1993 = arith.addf %div3A_1988, %add3A_1992 : vector<1x64xf32>
    %sqrt3A_1994 = math.sqrt %add3A_1993 : vector<1x64xf32>
    %div3A_1995 = vector.broadcast %sqrt3A_1994 : vector<1x64xf32> to vector<1024x64xf32>
    %div3A_1996 = arith.divf %sub3A_1990, %div3A_1995 : vector<1024x64xf32>
    %get3A_1997 = arith.constant 0 : index
    %get3A_1998 = arith.constant 0 : index
    %get3A_1999 = vector.load %arg5[%get3A_1997, %get3A_1998] : memref<1x64xf32, #tpu.memory_space<vmem>>, vector<1x64xf32>
    %mul3A_2000 = vector.broadcast %get3A_1999 : vector<1x64xf32> to vector<1024x64xf32>
    %mul3A_2001 = arith.mulf %div3A_1996, %mul3A_2000 : vector<1024x64xf32>
    %get3A_2002 = arith.constant 0 : index
    %get3A_2003 = arith.constant 0 : index
    %get3A_2004 = vector.load %arg6[%get3A_2002, %get3A_2003] : memref<1x64xf32, #tpu.memory_space<vmem>>, vector<1x64xf32>
    %add3A_2005 = vector.broadcast %get3A_2004 : vector<1x64xf32> to vector<1024x64xf32>
    %add3A_2006 = arith.addf %mul3A_2001, %add3A_2005 : vector<1024x64xf32>
    %max3A_2007 = arith.constant 0.000000e+00 : f32
    %max3A_2008 = vector.broadcast %max3A_2007 : f32 to vector<1024x64xf32>
    %max3A_2009 = arith.maximumf %add3A_2006, %max3A_2008 : vector<1024x64xf32>
    %dot_general3A_2010 = arith.constant dense<0.000000e+00> : vector<1024x805xf32>
    %dot_general3A_2011 = tpu.matmul %max3A_2009, %add3A_1951, %dot_general3A_2010 {dimension_numbers = #tpu.dot_dimension_numbers<[1], [0], [0], [1], [0, 0, 1, 1], [], []>, transpose_lhs_hint = false} : vector<1024x64xf32>, vector<64x805xf32>, vector<1024x805xf32> -> vector<1024x805xf32>
    %swap3A = arith.constant 0 : index
    %swap3A_2012 = arith.constant 0 : index
    %swap3A_2013 = vector.load %arg7[%swap3A, %swap3A_2012] : memref<1024x805xf32, #tpu.memory_space<vmem>>, vector<1024x805xf32>
    tpu.vector_store %arg7[%swap3A, %swap3A_2012], %dot_general3A_2011 {strides = array<i32>} : memref<1024x805xf32, #tpu.memory_space<vmem>>, vector<1024x805xf32>,
    return
  }
}

</mosaic_0001>

<sc_bundles>
// kernel: kernel.10.cloned.1.call-start
scs
__scs_entry_jumppad:
0x0: {  	(pc) =	sbr.rel $0x88, $3  }
0x1: {  	(tag) =	ssettag $0x0;
	lr =	simm.s32 $0x1  }
0x2: {  	[smem:$0x3F96] =	sst lr;
	_ =	strace $0xD0000000  }
0x3: {  	_ = 	snop  }
0x4: {  	_ = 	snop  }
0x5: {  	_ = 	snop  }
0x6: {  	_ = 	snop  }
0x7: {  	_ = 	snop  }
__scs_overlays_trampoline_lowered:
0x8: {  	[smem:$0x3FA5] =	sst s0  }
0x9: {  	[smem:$0x3FA6] =	sst s1  }
0xa: {  	[smem:$0x3FA7] =	sst s2  }
0xb: {  	[smem:$0x3FA8] =	sst s3  }
0xc: {  	[smem:$0x3FA9] =	sst s4  }
0xd: {  	[smem:$0x3FAA] =	sst s5  }
0xe: {  	[smem:$0x3FAB] =	sst s6  }
0xf: {  	[smem:$0x3FAC] =	sst s7  }
0x10: {  	[smem:$0x3FAD] =	sst s8  }
0x11: {  	[smem:$0x3FAE] =	sst s9;
	s0 =	simm.s32 @!p0 $0x0  }
0x12: {  	s1 =	sld [smem:$0x3F94];
	s0 =	simm.s32 @p0 $0x1  }
0x13: {  	[smem:$0x3FAF] =	sst s0;
	s0 =	simm.s32 @!p1 $0x0  }
0x14: {  	s2 =	sld [smem:$0x3F93];
	s0 =	simm.s32 @p1 $0x1  }
0x15: {  	[smem:$0x3FB0] =	sst s0;
	s0 =	simm.s32 @!p2 $0x0  }
0x16: {  	s3 =	sld [smem:$0x3FDB];
	s0 =	simm.s32 @p2 $0x1  }
0x17: {  	s4 =	simm.s32 $0x1BF5;
	[smem:$0x3FB2] =	sst s0  }
0x18: {  	s0 =	sld [smem:$0x3F95];
	_ =	swait.ge [sflag:s4], $0x0  }
0x19: {  	s7 =	sld [smem:$0x3F96]  }
0x1a: {  	s8 =	sadd.s32 $0xFFFFE003, lr  }
0x1b: {  	s9 =	sadd.s32 $0xFFFFFEF7, lr;
	s5 =	simm.s32 $0xFFFFFFFF;
	p2 =	slt.u32 s8, $0xFFFFF086  }
0x1c: {  	p1 =	slt.u32 s9, $0xF7A;
	s5 =	simm.s32 @!p2 $0x0  }
0x1d: {  	s5 =	simm.s32 @p1 $0x1;
	p0 =	seq.s32 s7, s2  }
0x1e: {  	s7 =	smul.u32 @!p0 $0xF7A, s2;
	p2 =	seq.s32 @!p0 s5, $0x0  }
0x1f: {  	s9 =	smul.u32 $0xF7A, s1;
	s8 =	simm.s32 @!p0 $0x1BF5;
	p2 =	por !p2, p0  }
0x20: {  	[sflag:s8] =	ssyncset.s32 @!p0 $0xFFFFF086;
	s6 =	sadd.s32 @!p0 s3, s7;
	s7 =	simm.s32 @!p0 $0x108  }
0x21: {  	s3 =	sadd.s32 s3, s9;
	s6 =	sadd.s32 @!p0 $0x88, s6;
	s7 =	simm.s32 @p2 $0x1082  }
0x22: {  	[simem:s7], [sflag:s8] =	dma.local @!p0 [hbm:s6], $0xF7A  }
0x23: {  	s9 =	sor.u32 $0xD0000000, s2;
	s6 =	simm.s32 $0x108;
	_ =	swait.ge @!p0 [sflag:s8], $0x0  }
0x24: {  	s3 =	sadd.s32 $0x88, s3;
	s6 =	simm.s32 @!p1 $0x1082;
	[sflag:s4] =	ssyncset.s32 $0xFFFFF086  }
0x25: {  	[simem:s6], [sflag:s4] =	dma.local [hbm:s3], $0xF7A  }
0x26: {  	[smem:$0x3F96] =	sst s1;
	(tag) =	ssettag s2;
	_ =	strace s9  }
0x27: {  	s1 =	sld [smem:$0x3FA6]  }
0x28: {  	s2 =	sld [smem:$0x3FA7]  }
0x29: {  	s4 =	sld [smem:$0x3FA9]  }
0x2a: {  	p0 =	seq.s32 s5, $0x0;
	s5 =	sld [smem:$0x3FAA]  }
0x2b: {  	s6 =	sld [smem:$0x3FAB]  }
0x2c: {  	s7 =	sld [smem:$0x3FAC]  }
0x2d: {  	s3 =	simm.s32 $0x108;
	s8 =	sld [smem:$0x3FAD]  }
0x2e: {  	s3 =	simm.s32 @!p0 $0x1082;
	s9 =	sld [smem:$0x3FAE]  }
0x2f: {  	lr =	sadd.s32 s0, s3;
	s0 =	sld [smem:$0x3FA5]  }
0x30: {  	s3 =	sld [smem:$0x3FA8]  }
0x31: {  	[smem:$0x3FB1] =	sst s10  }
0x32: {  	s10 =	sld [smem:$0x3FAF];
	_ =	sdelay $0x3  }
0x33: {  	p0 =	seq.s32 s10, $0x1;
	s10 =	sld [smem:$0x3FB1];
	_ =	sdelay $0x3  }
0x34: {  	[smem:$0x3FB1] =	sst s10  }
0x35: {  	s10 =	sld [smem:$0x3FB0];
	_ =	sdelay $0x3  }
0x36: {  	p1 =	seq.s32 s10, $0x1;
	s10 =	sld [smem:$0x3FB1];
	_ =	sdelay $0x3  }
0x37: {  	[smem:$0x3FB1] =	sst s10  }
0x38: {  	s10 =	sld [smem:$0x3FB2]  }
0x39: {  	_ = 	snop;
	(pc) =	sbr.ind lr, $3  }
0x3a: {  	_ = 	snop  }
0x3b: {  	_ = 	snop  }
0x3c: {  	p2 =	seq.s32 s10, $0x1;
	s10 =	sld [smem:$0x3FB1]  }
0x3d: {  	_ =	shalt  }
0x3e: {  	_ =	shalt  }
0x3f: {  	_ =	shalt  }
0x40: {  	_ =	shalt  }
0x41: {  	_ =	shalt  }
0x42: {  	_ =	shalt  }
0x43: {  	_ =	shalt  }
0x44: {  	_ =	shalt  }
0x45: {  	_ =	shalt  }
0x46: {  	_ =	shalt  }
0x47: {  	_ =	shalt  }
0x48: {  	_ =	shalt  }
0x49: {  	_ =	shalt  }
0x4a: {  	_ =	shalt  }
0x4b: {  	_ =	shalt  }
0x4c: {  	_ =	shalt  }
0x4d: {  	_ =	shalt  }
0x4e: {  	_ =	shalt  }
0x4f: {  	_ =	shalt  }
0x50: {  	_ =	shalt  }
0x51: {  	_ =	shalt  }
0x52: {  	_ =	shalt  }
0x53: {  	_ =	shalt  }
0x54: {  	_ =	shalt  }
0x55: {  	_ =	shalt  }
0x56: {  	_ =	shalt  }
0x57: {  	_ =	shalt  }
0x58: {  	_ =	shalt  }
0x59: {  	_ =	shalt  }
0x5a: {  	_ =	shalt  }
0x5b: {  	_ =	shalt  }
0x5c: {  	_ =	shalt  }
0x5d: {  	_ =	shalt  }
0x5e: {  	_ =	shalt  }
0x5f: {  	_ =	shalt  }
0x60: {  	_ =	shalt  }
0x61: {  	_ =	shalt  }
0x62: {  	_ =	shalt  }
0x63: {  	_ =	shalt  }
0x64: {  	_ =	shalt  }
0x65: {  	_ =	shalt  }
0x66: {  	_ =	shalt  }
0x67: {  	_ =	shalt  }
0x68: {  	_ =	shalt  }
0x69: {  	_ =	shalt  }
0x6a: {  	_ =	shalt  }
0x6b: {  	_ =	shalt  }
0x6c: {  	_ =	shalt  }
0x6d: {  	_ =	shalt  }
0x6e: {  	_ =	shalt  }
0x6f: {  	_ =	shalt  }
0x70: {  	_ =	shalt  }
0x71: {  	_ =	shalt  }
0x72: {  	_ =	shalt  }
0x73: {  	_ =	shalt  }
0x74: {  	_ =	shalt  }
0x75: {  	_ =	shalt  }
0x76: {  	_ =	shalt  }
0x77: {  	_ =	shalt  }
0x78: {  	_ =	shalt  }
0x79: {  	_ =	shalt  }
0x7a: {  	_ =	shalt  }
0x7b: {  	_ =	shalt  }
0x7c: {  	_ =	shalt  }
0x7d: {  	_ =	shalt  }
0x7e: {  	_ =	shalt  }
0x7f: {  	_ =	shalt  }
0x80: {  	_ =	shalt  }
0x81: {  	_ =	shalt  }
0x82: {  	_ =	shalt  }
0x83: {  	_ =	shalt  }
0x84: {  	_ =	shalt  }
0x85: {  	_ =	shalt  }
0x86: {  	_ =	shalt  }
0x87: {  	_ =	shalt  }
.Lfunc_end0:
.L_simem_size_0:
called_computation.1_lowered:
.L_overlay_start_0:
0x88: {  	s2 =	sld [smem:$0x3FD9]  }
0x89: {  	s3 =	sld [smem:$0x3FFE];
	_ =	sdelay $0x1  }
0x8a: {  	s1 =	srdreg.scid  }
0x8b: {  	s0 =	sand.u32 $0x1, s1  }
0x8c: {  	s17 =	sshll.u32 s0, $0xA;
	s2 =	sadd.s32 s3, s2  }
0x8d: {  	s2 =	sadd.s32 s2, s17  }
0x8e: {  	[smem:$0x3FBD] =	sst s2  }
0x8f: {  	_ = 	snop  }
0x90: {  	s2 =	sld [smem:$0x3FD0];
	(tm) =	ssettm $0x1  }
0x91: {  	s18 =	sld [smem:$0x3FFB];
	_ =	sdelay $0x3  }
0x92: {  	_ =	strace s18  }
0x93: {  	s3 =	sld [smem:$0x3FFC];
	_ =	sdelay $0x3  }
0x94: {  	_ =	strace s3  }
0x95: {  	s3 =	sld [smem:$0x3FFD];
	_ =	sdelay $0x3  }
0x96: {  	_ =	strace s3  }
0x97: {  	_ =	strace $0x8FFFFFFF  }
0x98: {  	s19 =	sld [smem:$0x3FDB];
	_ =	sdelay $0x1  }
0x99: {  	s4 =	simm.s32 $_scs_section_size  }
0x9a: {  	s5 =	simm.s32 $_size__tile_overlayer_lowered;
	s6 =	simm.s32 $_tile_overlayer_lowered  }
0x9b: {  	s22 =	simm.s32 $0x1BFF;
	s21 =	sshll.u32 s6, $0x1;
	s3 =	sadd.s32 s4, s19  }
0x9c: {  	s7 =	simm.s32 $0x0;
	s20 =	sshll.u32 s5, $0x1;
	s5 =	sadd.s32 s21, s3  }
0x9d: {  	[timem:s7], [sflag:s22] =	dma.local [hbm:s5], s20  }
0x9e: {  	_ =	swait.ge [sflag:s22], s20  }
0x9f: {  	s4 =	ssub.s32 $0x0, s20;
	[sflag:s22] =	ssyncset.done $0x0  }
0xa0: {  	[sflag:s22] =	ssyncadd.s32 s4;
	_ =	sdelay $0x1  }
0xa1: {  	s23 =	simm.s32 $0x1B8B  }
0xa2: {  	_ =	swait.ge [sflag:s23], $0x1  }
0xa3: {  	[sflag:s23] =	ssyncset.done $0x0  }
0xa4: {  	s25 =	simm.s32 $0x1B8E;
	s24 =	sld [smem:$0x3FFE];
	[sflag:s23] =	ssyncadd.s32 $0xFFFFFFFF  }
0xa5: {  	s26 =	simm.s32 $execute0_lowered;
	[smem:$0x3FD2] =	sst s25  }
0xa6: {  	s5 =	sshll.u32 s26, $0x1;
	_ =	strace $0x80000049;
	[dreg:$0x1] =	wrdreg $0xFFFFFFFF  }
0xa7: {  	s28 =	simm.s32 $_size_execute0_lowered;
	s3 =	sadd.s32 s3, s5;
	[dreg:$0x0] =	wrdreg $0x0  }
0xa8: {  	s5 =	sshll.u32 s28, $0x1;
	[dreg:$0x2] =	wrdreg s3  }
0xa9: {  	[dreg:$0x3] =	wrdreg s5  }
0xaa: {  	[dreg:$0x4] =	wrdreg $0xC0  }
0xab: {  	_ =	task [dreg:s7], $0x5FFFF  }
0xac: {  	[dreg:$0x1] =	wrdreg $0xFFFFFFFF  }
0xad: {  	[dreg:$0x0] =	wrdreg $0x60  }
0xae: {  	[dreg:$0x2] =	wrdreg s24  }
0xaf: {  	[dreg:$0x3] =	wrdreg s2  }
0xb0: {  	[dreg:$0x4] =	wrdreg $0x138000  }
0xb1: {  	[dreg:$0x5] =	wrdreg $0x9  }
0xb2: {  	_ =	task.clear_ibuf [dreg:s7], $0x6FFFF;
	_ =	strace $0x90000049  }
0xb3: {  	s29 =	simm.s32 $0x9;
	_ =	strace $0x8000004B  }
0xb4: {  	_ =	swait.ge [sflag:s29], $0x1  }
0xb5: {  	[sflag:s29] =	ssyncadd.s32 $0xFFFFFFFF  }
0xb6: {  	_ =	strace $0x9000004B  }
0xb7: {  	_ =	sfence  }
0xb8: {  	s30 =	sld [smem:$0x0];
	_ =	sdelay $0x2  }
0xb9: {  	s31 =	sshll.u32 s1, $0xD;
	s1 =	sshrl.u32 s1, $0x2  }
0xba: {  	s3 =	sand.u32 $0x4000, s31;
	s1 =	sadd.s32 s1, s30  }
0xbb: {  	s0 =	sor.u32 s3, s0;
	s1 =	sshll.u32 s1, $0x11  }
0xbc: {  	s0 =	sor.u32 s1, s0  }
0xbd: {  	s0 =	sadd.s32 $0x8F2B, s0  }
0xbe: {  	[sflag:s0] =	ssyncadd.remote.s32 $0x1  }
0xbf: {  	_ =	sfence.sel $0xFFFF  }
0xc0: {  	[dreg:$0x0] =	wrdreg $0xFFFFFFFF;
	(pc) =	sbr.abs _section_cstart, $3  }
0xc1: {  	[dreg:$0x1] =	wrdreg $0xFFFFFFFF  }
0xc2: {  	_ =	task.clear_ibuf [dreg:s7], $0x2FFFF;
	_ =	strace $0x9FFFFFFF  }
0xc3: {  	(tm) =	ssettm $0x7FFFFFFF  }
tec
execute0_lowered:
.L_overlay_start_1:
0x0: {  	(tag) =	ssettag $0x1  }
0x1: {  	s0 =	rddreg [dreg:$0x0]  }
0x2: {  	s1 =	rddreg [dreg:$0x1]  }
0x3: {  	s3 =	rddreg [dreg:$0x2]  }
0x4: {  	s17 =	rddreg [dreg:$0x3]  }
0x5: {  	s2 =	simm.s32 $0x0;
	s4 =	srdreg.scid;
	s10 =	stileid.u32  }
0x6: {  	s30 =	simm.s32 $0x800;
	s23 =	simm.s32 $0x100;
	s13 =	simm.s32 $0x1  }
0x7: {  	s24 =	simm.s32 $0x180;
	s25 =	simm.s32 $0x880;
	s14 =	simm.s32 $0x2  }
0x8: {  	s26 =	simm.s32 $0x200;
	s15 =	simm.s32 $0xD000;
	s12 =	simm.s32 $0x4  }
0x9: {  	s29 =	simm.s32 $0x280;
	s31 =	simm.s32 $0x980;
	s28 =	simm.s32 $0xA00  }
0xa: {  	p0 =	por $0x0, $0x0;
	[smem:$0x7FF] =	sst s2;
	s4 =	sand.u32 $0x1, s4  }
0xb: {  	s5 =	smul.u32 $0x2800, s10;
	_ =	strace $0x8000004A;
	[dreg:$0x8] =	wrdreg s23  }
0xc: {  	s8 =	sshll.u32 s10, $0x8;
	s7 =	sadd.s32 $0x5600, s0;
	[dreg:$0x9] =	wrdreg s24  }
0xd: {  	s10 =	smul.u32 $0xA000, s10;
	s6 =	sshll.u32 s4, $0xC;
	[dreg:$0xa] =	wrdreg s25  }
0xe: {  	s9 =	ssub.s32 $0x2, s4;
	s4 =	smul.u32 $0x28000, s4;
	[dreg:$0xb] =	wrdreg s26  }
0xf: {  	s26 =	simm.s32 $0x300;
	s24 =	simm.s32 $0x380;
	s25 =	simm.s32 $0xA80  }
0x10: {  	s23 =	simm.s32 $0xB00;
	s6 =	sor.u32 s8, s6;
	s16 =	sshrl.u32 s5, $0x3  }
0x11: {  	s11 =	sshrl.u32 s9, $0x1;
	s19 =	sshrl.u32 s10, $0x2;
	s10 =	simm.s32 $0x1000  }
0x12: {  	s8 =	sadd.s32 s16, s0;
	s0 =	sadd.s32 s6, s0;
	s18 =	ssub.s32 s9, s11  }
0x13: {  	s4 =	sadd.s32 s5, s4;
	s5 =	sadd.s32 s19, s3;
	s6 =	simm.s32 $0x11000  }
0x14: {  	s9 =	simm.s32 $0x5000;
	s16 =	simm.s32 $0x9000;
	s11 =	simm.s32 $0x3  }
0x15: {  	s19 =	simm.s32 $0xC00;
	s8 =	sadd.s32 $0xA600, s8;
	s22 =	smax.u32 s18, $0x1  }
0x16: {  	s20 =	sadd.s32 $0x3600, s0;
	[dreg:$0x4] =	wrdreg s8;
	p1 =	sne.s32 s22, $0x1  }
.Ltmp0:
0x17: {  	s0 =	sadd.s32 $0x1600, s0;
	[dreg:$0x5] =	wrdreg s20;
	(pc) =	sbr.rel @!p1 .LBB2_1-.Ltmp0, $4  }
0x18: {  	s4 =	sshrl.u32 s4, $0x3;
	s18 =	simm.s32 $0xC80;
	[dreg:$0x6] =	wrdreg s0  }
0x19: {  	s21 =	sadd.s32 s1, s4;
	s4 =	simm.s32 $0x5;
	s8 =	simm.s32 $0x80  }
0x1a: {  	s0 =	sadd.s32 $0xFFFFFFFF, s22;
	s22 =	simm.s32 $0x400;
	[dreg:$0x7] =	wrdreg s21  }
0x1b: {  	s20 =	simm.s32 $0x480;
	s21 =	simm.s32 $0xB80;
	s1 =	rddreg [dreg:$0x4]  }
0x1c: {  	[tilespmem:s6], [sflag:$0x5] =	stream.linear.gather [hbm4b:s1+s2], $0x2800, $0x38;
	[tilespmem:$0x16000] =	vst v63  }
0x1d: {  	_ =	swait.ge [sflag:s4], $0x2800  }
0x1e: {  	[sflag:s4] =	ssyncset.done $0x0  }
0x1f: {  	[sflag:s4] =	ssyncadd.s32 $0xFFFFD800  }
0x20: {  	[spmem:s5] =	stream.linear.scatter [tilespmem:s6], [sflag:$0x5], $0x2800, $0x38;
	[tilespmem:$0x16000] =	vst v63  }
0x21: {  	_ =	swait.ge [sflag:s4], $0x2800  }
0x22: {  	[sflag:s4] =	ssyncset.done $0x0  }
0x23: {  	s17 =	rddreg [dreg:$0x5];
	[sflag:s4] =	ssyncadd.s32 $0xFFFFD800  }
0x24: {  	[tilespmem:s2], [sflag:$0x5] =	stream.linear.gather [hbm4b:s17+s2], $0x500, $0x38;
	[tilespmem:$0x16000] =	vst v63  }
0x25: {  	_ =	swait.ge [sflag:s4], $0x500  }
0x26: {  	[sflag:s4] =	ssyncset.done $0x0  }
0x27: {  	s17 =	rddreg [dreg:$0x6];
	[sflag:s4] =	ssyncadd.s32 $0xFFFFFB00  }
0x28: {  	[tilespmem:s30], [sflag:$0x5] =	stream.linear.gather [hbm4b:s17+s2], $0x500, $0x38;
	[tilespmem:$0x16000] =	vst v63  }
0x29: {  	_ =	swait.ge [sflag:s4], $0x500  }
0x2a: {  	[sflag:s4] =	ssyncset.done $0x0  }
0x2b: {  	[sflag:s4] =	ssyncadd.s32 $0xFFFFFB00  }
0x2c: {  	[bflag:$0x0] =	sbarrier.arrive $0xFFFF  }
0x2d: {  	[tilespmem:s10], [sflag:$0x1] =	stream.indirect.gather [hbm4b:s7+s8], $0x80, s2, s8, $0xb8;
	[tilespmem:$0x16000] =	vst v63  }
0x2e: {  	_ = 	snop  }
0x2f: {  	[tilespmem:s9], [sflag:$0x2] =	stream.indirect.gather [hbm4b:s7+s8], $0x80, s8, s8, $0xb8;
	[tilespmem:$0x16000] =	vst v63  }
0x30: {  	_ =	swait.ge [sflag:s13], $0x4000  }
0x31: {  	[sflag:s13] =	ssyncset.done $0x0  }
0x32: {  	s17 =	rddreg [dreg:$0x8];
	[sflag:s13] =	ssyncadd.s32 $0xFFFFC000  }
0x33: {  	[tilespmem:s16], [sflag:$0x1] =	stream.indirect.gather [hbm4b:s7+s8], $0x80, s17, s8, $0xb8;
	[tilespmem:$0x16000] =	vst v63  }
0x34: {  	_ = 	snop  }
0x35: {  	[spmem:s3] =	stream.indirect.scatter.add.f32 [tilespmem:s10], [sflag:$0x3], $0x80, s30, s8, $0xb8;
	[tilespmem:$0x16000] =	vst v63  }
0x36: {  	_ =	swait.ge [sflag:s14], $0x4000  }
0x37: {  	[sflag:s14] =	ssyncset.done $0x0  }
0x38: {  	s1 =	rddreg [dreg:$0x9];
	[sflag:s14] =	ssyncadd.s32 $0xFFFFC000  }
0x39: {  	[tilespmem:s15], [sflag:$0x2] =	stream.indirect.gather [hbm4b:s7+s8], $0x80, s1, s8, $0xb8;
	[tilespmem:$0x16000] =	vst v63  }
0x3a: {  	s17 =	smov.u32 s0;
	s0 =	rddreg [dreg:$0xa]  }
0x3b: {  	[spmem:s3] =	stream.indirect.scatter.add.f32 [tilespmem:s9], [sflag:$0x4], $0x80, s0, s8, $0xb8;
	[tilespmem:$0x16000] =	vst v63  }
0x3c: {  	_ =	swait.ge [sflag:s13], $0x4000  }
0x3d: {  	[sflag:s13] =	ssyncset.done $0x0  }
0x3e: {  	[sflag:s13] =	ssyncadd.s32 $0xFFFFC000  }
0x3f: {  	_ =	swait.ge [sflag:s11], $0x4000  }
0x40: {  	[sflag:s11] =	ssyncset.done $0x0  }
0x41: {  	s1 =	rddreg [dreg:$0xb];
	[sflag:s11] =	ssyncadd.s32 $0xFFFFC000  }
0x42: {  	[tilespmem:s10], [sflag:$0x1] =	stream.indirect.gather [hbm4b:s7+s8], $0x80, s1, s8, $0xb8;
	[tilespmem:$0x16000] =	vst v63  }
0x43: {  	s1 =	simm.s32 $0x900  }
0x44: {  	[spmem:s3] =	stream.indirect.scatter.add.f32 [tilespmem:s16], [sflag:$0x3], $0x80, s1, s8, $0xb8;
	[tilespmem:$0x16000] =	vst v63  }
0x45: {  	_ =	swait.ge [sflag:s14], $0x4000  }
0x46: {  	[sflag:s14] =	ssyncset.done $0x0  }
0x47: {  	[sflag:s14] =	ssyncadd.s32 $0xFFFFC000  }
0x48: {  	_ =	swait.ge [sflag:s12], $0x4000  }
0x49: {  	[sflag:s12] =	ssyncset.done $0x0  }
0x4a: {  	[sflag:s12] =	ssyncadd.s32 $0xFFFFC000  }
0x4b: {  	[tilespmem:s9], [sflag:$0x2] =	stream.indirect.gather [hbm4b:s7+s8], $0x80, s29, s8, $0xb8;
	[tilespmem:$0x16000] =	vst v63  }
0x4c: {  	_ = 	snop  }
0x4d: {  	[spmem:s3] =	stream.indirect.scatter.add.f32 [tilespmem:s15], [sflag:$0x4], $0x80, s31, s8, $0xb8;
	[tilespmem:$0x16000] =	vst v63  }
0x4e: {  	_ =	swait.ge [sflag:s13], $0x4000  }
0x4f: {  	[sflag:s13] =	ssyncset.done $0x0  }
0x50: {  	[sflag:s13] =	ssyncadd.s32 $0xFFFFC000  }
0x51: {  	_ =	swait.ge [sflag:s11], $0x4000  }
0x52: {  	[sflag:s11] =	ssyncset.done $0x0  }
0x53: {  	[sflag:s11] =	ssyncadd.s32 $0xFFFFC000  }
0x54: {  	[tilespmem:s16], [sflag:$0x1] =	stream.indirect.gather [hbm4b:s7+s8], $0x80, s26, s8, $0xb8;
	[tilespmem:$0x16000] =	vst v63  }
0x55: {  	_ = 	snop  }
0x56: {  	[spmem:s3] =	stream.indirect.scatter.add.f32 [tilespmem:s10], [sflag:$0x3], $0x80, s28, s8, $0xb8;
	[tilespmem:$0x16000] =	vst v63  }
0x57: {  	_ =	swait.ge [sflag:s14], $0x4000  }
0x58: {  	[sflag:s14] =	ssyncset.done $0x0  }
0x59: {  	[sflag:s14] =	ssyncadd.s32 $0xFFFFC000  }
0x5a: {  	_ =	swait.ge [sflag:s12], $0x4000  }
0x5b: {  	[sflag:s12] =	ssyncset.done $0x0  }
0x5c: {  	[sflag:s12] =	ssyncadd.s32 $0xFFFFC000  }
0x5d: {  	[tilespmem:s15], [sflag:$0x2] =	stream.indirect.gather [hbm4b:s7+s8], $0x80, s24, s8, $0xb8;
	[tilespmem:$0x16000] =	vst v63  }
0x5e: {  	_ = 	snop  }
0x5f: {  	[spmem:s3] =	stream.indirect.scatter.add.f32 [tilespmem:s9], [sflag:$0x4], $0x80, s25, s8, $0xb8;
	[tilespmem:$0x16000] =	vst v63  }
0x60: {  	_ =	swait.ge [sflag:s13], $0x4000  }
0x61: {  	[sflag:s13] =	ssyncset.done $0x0  }
0x62: {  	[sflag:s13] =	ssyncadd.s32 $0xFFFFC000  }
0x63: {  	_ =	swait.ge [sflag:s11], $0x4000  }
0x64: {  	[sflag:s11] =	ssyncset.done $0x0  }
0x65: {  	[sflag:s11] =	ssyncadd.s32 $0xFFFFC000  }
0x66: {  	[tilespmem:s10], [sflag:$0x1] =	stream.indirect.gather [hbm4b:s7+s8], $0x80, s22, s8, $0xb8;
	[tilespmem:$0x16000] =	vst v63  }
0x67: {  	_ = 	snop  }
0x68: {  	[spmem:s3] =	stream.indirect.scatter.add.f32 [tilespmem:s16], [sflag:$0x3], $0x80, s23, s8, $0xb8;
	[tilespmem:$0x16000] =	vst v63  }
0x69: {  	_ =	swait.ge [sflag:s14], $0x4000  }
0x6a: {  	[sflag:s14] =	ssyncset.done $0x0  }
0x6b: {  	[sflag:s14] =	ssyncadd.s32 $0xFFFFC000  }
0x6c: {  	_ =	swait.ge [sflag:s12], $0x4000  }
0x6d: {  	[sflag:s12] =	ssyncset.done $0x0  }
0x6e: {  	[sflag:s12] =	ssyncadd.s32 $0xFFFFC000  }
0x6f: {  	[tilespmem:s9], [sflag:$0x2] =	stream.indirect.gather [hbm4b:s7+s8], $0x80, s20, s8, $0xb8;
	[tilespmem:$0x16000] =	vst v63  }
0x70: {  	_ = 	snop  }
0x71: {  	[spmem:s3] =	stream.indirect.scatter.add.f32 [tilespmem:s15], [sflag:$0x4], $0x80, s21, s8, $0xb8;
	[tilespmem:$0x16000] =	vst v63  }
0x72: {  	_ =	swait.ge [sflag:s13], $0x4000  }
0x73: {  	[sflag:s13] =	ssyncset.done $0x0  }
0x74: {  	[sflag:s13] =	ssyncadd.s32 $0xFFFFC000  }
0x75: {  	[spmem:s3] =	stream.indirect.scatter.add.f32 [tilespmem:s10], [sflag:$0x3], $0x80, s19, s8, $0xb8;
	[tilespmem:$0x16000] =	vst v63  }
0x76: {  	_ =	swait.ge [sflag:s14], $0x4000  }
0x77: {  	[sflag:s14] =	ssyncset.done $0x0  }
0x78: {  	[sflag:s14] =	ssyncadd.s32 $0xFFFFC000  }
0x79: {  	[spmem:s3] =	stream.indirect.scatter.add.f32 [tilespmem:s9], [sflag:$0x4], $0x80, s18, s8, $0xb8;
	[tilespmem:$0x16000] =	vst v63  }
0x7a: {  	_ =	swait.ge [sflag:s11], $0x4000  }
0x7b: {  	[sflag:s11] =	ssyncset.done $0x0  }
0x7c: {  	[sflag:s11] =	ssyncadd.s32 $0xFFFFC000  }
0x7d: {  	_ =	swait.ge [sflag:s12], $0x4000  }
0x7e: {  	[sflag:s12] =	ssyncset.done $0x0  }
0x7f: {  	[sflag:s12] =	ssyncadd.s32 $0xFFFFC000  }
0x80: {  	_ =	swait.ge [sflag:s11], $0x4000  }
0x81: {  	[sflag:s11] =	ssyncset.done $0x0  }
0x82: {  	[sflag:s11] =	ssyncadd.s32 $0xFFFFC000  }
0x83: {  	_ =	swait.ge [sflag:s12], $0x4000  }
0x84: {  	[sflag:s12] =	ssyncset.done $0x0  }
0x85: {  	[sflag:s12] =	ssyncadd.s32 $0xFFFFC000  }
0x86: {  	[bflag:$0x0] =	sbarrier.arrive $0xFFFF  }
0x87: {  	[tilespmem:s6], [sflag:$0x5] =	stream.linear.gather [spmem:s5], $0x2800, $0x38;
	[tilespmem:$0x16000] =	vst v63  }
0x88: {  	p1 =	sne.s32 s17, $0x1;
	_ =	swait.ge [sflag:s4], $0x2800  }
.Ltmp1:
0x89: {  	[sflag:s4] =	ssyncset.done $0x0;
	(pc) =	sbr.rel @!p1 .LBB2_3-.Ltmp1, $4  }
0x8a: {  	s1 =	rddreg [dreg:$0x7];
	[sflag:s4] =	ssyncadd.s32 $0xFFFFD800  }
0x8b: {  	[hbm4b:s1+s2] =	stream.linear.scatter [tilespmem:s6], [sflag:$0x5], $0x2800, $0x38;
	[tilespmem:$0x16000] =	vst v63  }
0x8c: {  	p0 =	por $0x1, $0x1;
	_ =	swait.ge [sflag:s4], $0x2800  }
0x8d: {  	s0 =	sadd.s32 $0xFFFFFFFF, s17;
	s1 =	rddreg [dreg:$0x4];
	[sflag:s4] =	ssyncset.done $0x0  }
.LBB2_4:
0x8e: {  	[sflag:s4] =	ssyncadd.s32 $0xFFFFD800  }
0x8f: {  	[tilespmem:s6], [sflag:$0x5] =	stream.linear.gather [hbm4b:s1+s2], $0x2800, $0x38;
	[tilespmem:$0x16000] =	vst v63  }
0x90: {  	_ =	swait.ge [sflag:s4], $0x2800  }
0x91: {  	[sflag:s4] =	ssyncset.done $0x0  }
0x92: {  	[sflag:s4] =	ssyncadd.s32 $0xFFFFD800  }
0x93: {  	[spmem:s5] =	stream.linear.scatter [tilespmem:s6], [sflag:$0x5], $0x2800, $0x38;
	[tilespmem:$0x16000] =	vst v63  }
0x94: {  	_ =	swait.ge [sflag:s4], $0x2800  }
0x95: {  	[sflag:s4] =	ssyncset.done $0x0  }
0x96: {  	s17 =	rddreg [dreg:$0x5];
	[sflag:s4] =	ssyncadd.s32 $0xFFFFD800  }
0x97: {  	[tilespmem:s2], [sflag:$0x5] =	stream.linear.gather [hbm4b:s17+s2], $0x500, $0x38;
	[tilespmem:$0x16000] =	vst v63  }
0x98: {  	_ =	swait.ge [sflag:s4], $0x500  }
0x99: {  	[sflag:s4] =	ssyncset.done $0x0  }
0x9a: {  	s17 =	rddreg [dreg:$0x6];
	[sflag:s4] =	ssyncadd.s32 $0xFFFFFB00  }
0x9b: {  	[tilespmem:s30], [sflag:$0x5] =	stream.linear.gather [hbm4b:s17+s2], $0x500, $0x38;
	[tilespmem:$0x16000] =	vst v63  }
0x9c: {  	_ =	swait.ge [sflag:s4], $0x500  }
0x9d: {  	[sflag:s4] =	ssyncset.done $0x0  }
0x9e: {  	[sflag:s4] =	ssyncadd.s32 $0xFFFFFB00  }
0x9f: {  	[bflag:$0x0] =	sbarrier.arrive $0xFFFF  }
0xa0: {  	[tilespmem:s10], [sflag:$0x1] =	stream.indirect.gather [hbm4b:s7+s8], $0x80, s2, s8, $0xb8;
	[tilespmem:$0x16000] =	vst v63  }
0xa1: {  	_ = 	snop  }
0xa2: {  	[tilespmem:s9], [sflag:$0x2] =	stream.indirect.gather [hbm4b:s7+s8], $0x80, s8, s8, $0xb8;
	[tilespmem:$0x16000] =	vst v63  }
0xa3: {  	_ =	swait.ge [sflag:s13], $0x4000  }
0xa4: {  	[sflag:s13] =	ssyncset.done $0x0  }
0xa5: {  	s17 =	rddreg [dreg:$0x8];
	[sflag:s13] =	ssyncadd.s32 $0xFFFFC000  }
0xa6: {  	[tilespmem:s16], [sflag:$0x1] =	stream.indirect.gather [hbm4b:s7+s8], $0x80, s17, s8, $0xb8;
	[tilespmem:$0x16000] =	vst v63  }
0xa7: {  	_ = 	snop  }
0xa8: {  	[spmem:s3] =	stream.indirect.scatter.add.f32 [tilespmem:s10], [sflag:$0x3], $0x80, s30, s8, $0xb8;
	[tilespmem:$0x16000] =	vst v63  }
0xa9: {  	_ =	swait.ge [sflag:s14], $0x4000  }
0xaa: {  	[sflag:s14] =	ssyncset.done $0x0  }
0xab: {  	s1 =	rddreg [dreg:$0x9];
	[sflag:s14] =	ssyncadd.s32 $0xFFFFC000  }
0xac: {  	[tilespmem:s15], [sflag:$0x2] =	stream.indirect.gather [hbm4b:s7+s8], $0x80, s1, s8, $0xb8;
	[tilespmem:$0x16000] =	vst v63  }
0xad: {  	s17 =	rddreg [dreg:$0xa]  }
0xae: {  	[spmem:s3] =	stream.indirect.scatter.add.f32 [tilespmem:s9], [sflag:$0x4], $0x80, s17, s8, $0xb8;
	[tilespmem:$0x16000] =	vst v63  }
0xaf: {  	_ =	swait.ge [sflag:s13], $0x4000  }
0xb0: {  	[sflag:s13] =	ssyncset.done $0x0  }
0xb1: {  	[sflag:s13] =	ssyncadd.s32 $0xFFFFC000  }
0xb2: {  	_ =	swait.ge [sflag:s11], $0x4000  }
0xb3: {  	[sflag:s11] =	ssyncset.done $0x0  }
0xb4: {  	s17 =	rddreg [dreg:$0xb];
	[sflag:s11] =	ssyncadd.s32 $0xFFFFC000  }
0xb5: {  	[tilespmem:s10], [sflag:$0x1] =	stream.indirect.gather [hbm4b:s7+s8], $0x80, s17, s8, $0xb8;
	[tilespmem:$0x16000] =	vst v63  }
0xb6: {  	s17 =	simm.s32 $0x900  }
0xb7: {  	[spmem:s3] =	stream.indirect.scatter.add.f32 [tilespmem:s16], [sflag:$0x3], $0x80, s17, s8, $0xb8;
	[tilespmem:$0x16000] =	vst v63  }
0xb8: {  	_ =	swait.ge [sflag:s14], $0x4000  }
0xb9: {  	[sflag:s14] =	ssyncset.done $0x0  }
0xba: {  	[sflag:s14] =	ssyncadd.s32 $0xFFFFC000  }
0xbb: {  	_ =	swait.ge [sflag:s12], $0x4000  }
0xbc: {  	[sflag:s12] =	ssyncset.done $0x0  }
0xbd: {  	[sflag:s12] =	ssyncadd.s32 $0xFFFFC000  }
0xbe: {  	[tilespmem:s9], [sflag:$0x2] =	stream.indirect.gather [hbm4b:s7+s8], $0x80, s29, s8, $0xb8;
	[tilespmem:$0x16000] =	vst v63  }
0xbf: {  	_ = 	snop  }
0xc0: {  	[spmem:s3] =	stream.indirect.scatter.add.f32 [tilespmem:s15], [sflag:$0x4], $0x80, s31, s8, $0xb8;
	[tilespmem:$0x16000] =	vst v63  }
0xc1: {  	_ =	swait.ge [sflag:s13], $0x4000  }
0xc2: {  	[sflag:s13] =	ssyncset.done $0x0  }
0xc3: {  	[sflag:s13] =	ssyncadd.s32 $0xFFFFC000  }
0xc4: {  	_ =	swait.ge [sflag:s11], $0x4000  }
0xc5: {  	[sflag:s11] =	ssyncset.done $0x0  }
0xc6: {  	[sflag:s11] =	ssyncadd.s32 $0xFFFFC000  }
0xc7: {  	[tilespmem:s16], [sflag:$0x1] =	stream.indirect.gather [hbm4b:s7+s8], $0x80, s26, s8, $0xb8;
	[tilespmem:$0x16000] =	vst v63  }
0xc8: {  	_ = 	snop  }
0xc9: {  	[spmem:s3] =	stream.indirect.scatter.add.f32 [tilespmem:s10], [sflag:$0x3], $0x80, s28, s8, $0xb8;
	[tilespmem:$0x16000] =	vst v63  }
0xca: {  	_ =	swait.ge [sflag:s14], $0x4000  }
0xcb: {  	[sflag:s14] =	ssyncset.done $0x0  }
0xcc: {  	[sflag:s14] =	ssyncadd.s32 $0xFFFFC000  }
0xcd: {  	_ =	swait.ge [sflag:s12], $0x4000  }
0xce: {  	[sflag:s12] =	ssyncset.done $0x0  }
0xcf: {  	[sflag:s12] =	ssyncadd.s32 $0xFFFFC000  }
0xd0: {  	[tilespmem:s15], [sflag:$0x2] =	stream.indirect.gather [hbm4b:s7+s8], $0x80, s24, s8, $0xb8;
	[tilespmem:$0x16000] =	vst v63  }
0xd1: {  	_ = 	snop  }
0xd2: {  	[spmem:s3] =	stream.indirect.scatter.add.f32 [tilespmem:s9], [sflag:$0x4], $0x80, s25, s8, $0xb8;
	[tilespmem:$0x16000] =	vst v63  }
0xd3: {  	_ =	swait.ge [sflag:s13], $0x4000  }
0xd4: {  	[sflag:s13] =	ssyncset.done $0x0  }
0xd5: {  	[sflag:s13] =	ssyncadd.s32 $0xFFFFC000  }
0xd6: {  	_ =	swait.ge [sflag:s11], $0x4000  }
0xd7: {  	[sflag:s11] =	ssyncset.done $0x0  }
0xd8: {  	[sflag:s11] =	ssyncadd.s32 $0xFFFFC000  }
0xd9: {  	[tilespmem:s10], [sflag:$0x1] =	stream.indirect.gather [hbm4b:s7+s8], $0x80, s22, s8, $0xb8;
	[tilespmem:$0x16000] =	vst v63  }
0xda: {  	_ = 	snop  }
0xdb: {  	[spmem:s3] =	stream.indirect.scatter.add.f32 [tilespmem:s16], [sflag:$0x3], $0x80, s23, s8, $0xb8;
	[tilespmem:$0x16000] =	vst v63  }
0xdc: {  	_ =	swait.ge [sflag:s14], $0x4000  }
0xdd: {  	[sflag:s14] =	ssyncset.done $0x0  }
0xde: {  	[sflag:s14] =	ssyncadd.s32 $0xFFFFC000  }
0xdf: {  	_ =	swait.ge [sflag:s12], $0x4000  }
0xe0: {  	[sflag:s12] =	ssyncset.done $0x0  }
0xe1: {  	[sflag:s12] =	ssyncadd.s32 $0xFFFFC000  }
0xe2: {  	[tilespmem:s9], [sflag:$0x2] =	stream.indirect.gather [hbm4b:s7+s8], $0x80, s20, s8, $0xb8;
	[tilespmem:$0x16000] =	vst v63  }
0xe3: {  	_ = 	snop  }
0xe4: {  	[spmem:s3] =	stream.indirect.scatter.add.f32 [tilespmem:s15], [sflag:$0x4], $0x80, s21, s8, $0xb8;
	[tilespmem:$0x16000] =	vst v63  }
0xe5: {  	_ =	swait.ge [sflag:s13], $0x4000  }
0xe6: {  	[sflag:s13] =	ssyncset.done $0x0  }
0xe7: {  	[sflag:s13] =	ssyncadd.s32 $0xFFFFC000  }
0xe8: {  	[spmem:s3] =	stream.indirect.scatter.add.f32 [tilespmem:s10], [sflag:$0x3], $0x80, s19, s8, $0xb8;
	[tilespmem:$0x16000] =	vst v63  }
0xe9: {  	_ =	swait.ge [sflag:s14], $0x4000  }
0xea: {  	[sflag:s14] =	ssyncset.done $0x0  }
0xeb: {  	[sflag:s14] =	ssyncadd.s32 $0xFFFFC000  }
0xec: {  	[spmem:s3] =	stream.indirect.scatter.add.f32 [tilespmem:s9], [sflag:$0x4], $0x80, s18, s8, $0xb8;
	[tilespmem:$0x16000] =	vst v63  }
0xed: {  	_ =	swait.ge [sflag:s11], $0x4000  }
0xee: {  	[sflag:s11] =	ssyncset.done $0x0  }
0xef: {  	[sflag:s11] =	ssyncadd.s32 $0xFFFFC000  }
0xf0: {  	_ =	swait.ge [sflag:s12], $0x4000  }
0xf1: {  	[sflag:s12] =	ssyncset.done $0x0  }
0xf2: {  	[sflag:s12] =	ssyncadd.s32 $0xFFFFC000  }
0xf3: {  	_ =	swait.ge [sflag:s11], $0x4000  }
0xf4: {  	[sflag:s11] =	ssyncset.done $0x0  }
0xf5: {  	[sflag:s11] =	ssyncadd.s32 $0xFFFFC000  }
0xf6: {  	_ =	swait.ge [sflag:s12], $0x4000  }
0xf7: {  	[sflag:s12] =	ssyncset.done $0x0  }
0xf8: {  	[sflag:s12] =	ssyncadd.s32 $0xFFFFC000  }
0xf9: {  	[bflag:$0x0] =	sbarrier.arrive $0xFFFF  }
0xfa: {  	[tilespmem:s6], [sflag:$0x5] =	stream.linear.gather [spmem:s5], $0x2800, $0x38;
	[tilespmem:$0x16000] =	vst v63  }
0xfb: {  	p1 =	sne.s32 s0, $0x1;
	_ =	swait.ge [sflag:s4], $0x2800  }
.Ltmp2:
0xfc: {  	[sflag:s4] =	ssyncset.done $0x0;
	(pc) =	sbr.rel @p1 .LBB2_4-.Ltmp2, $4  }
0xfd: {  	s17 =	rddreg [dreg:$0x7];
	[sflag:s4] =	ssyncadd.s32 $0xFFFFD800  }
0xfe: {  	[hbm4b:s17+s2] =	stream.linear.scatter [tilespmem:s6], [sflag:$0x5], $0x2800, $0x38;
	[tilespmem:$0x16000] =	vst v63  }
0xff: {  	_ =	swait.ge [sflag:s4], $0x2800  }
0x100: {  	s0 =	sadd.s32 $0xFFFFFFFF, s0;
	s1 =	rddreg [dreg:$0x4];
	[sflag:s4] =	ssyncset.done $0x0  }
0x101: {  	s18 =	simm.s32 $0x900  }
0x102: {  	s31 =	simm.s32 $0x980;
	s29 =	simm.s32 $0x280;
	s28 =	simm.s32 $0xA00  }
0x103: {  	s26 =	simm.s32 $0x300;
	s25 =	simm.s32 $0xA80;
	s24 =	simm.s32 $0x380  }
0x104: {  	s23 =	simm.s32 $0xB00;
	s22 =	simm.s32 $0x400;
	s21 =	simm.s32 $0xB80  }
0x105: {  	s20 =	simm.s32 $0x480;
	s19 =	simm.s32 $0xC00;
	s17 =	rddreg [dreg:$0x3]  }
.LBB2_6:
0x106: {  	[sflag:s4] =	ssyncadd.s32 @p0 $0xFFFFD800  }
0x107: {  	[tilespmem:s6], [sflag:$0x5] =	stream.linear.gather [hbm4b:s1+s2], $0x2800, $0x38;
	[tilespmem:$0x16000] =	vst v63  }
0x108: {  	_ =	swait.ge [sflag:s4], $0x2800  }
0x109: {  	[sflag:s4] =	ssyncset.done $0x0  }
0x10a: {  	[sflag:s4] =	ssyncadd.s32 $0xFFFFD800  }
0x10b: {  	[spmem:s5] =	stream.linear.scatter [tilespmem:s6], [sflag:$0x5], $0x2800, $0x38;
	[tilespmem:$0x16000] =	vst v63  }
0x10c: {  	_ =	swait.ge [sflag:s4], $0x2800  }
0x10d: {  	[sflag:s4] =	ssyncset.done $0x0  }
0x10e: {  	s0 =	rddreg [dreg:$0x5];
	[sflag:s4] =	ssyncadd.s32 $0xFFFFD800  }
0x10f: {  	[tilespmem:s2], [sflag:$0x5] =	stream.linear.gather [hbm4b:s0+s2], $0x500, $0x38;
	[tilespmem:$0x16000] =	vst v63  }
0x110: {  	_ =	swait.ge [sflag:s4], $0x500  }
0x111: {  	[sflag:s4] =	ssyncset.done $0x0  }
0x112: {  	s1 =	rddreg [dreg:$0x6];
	[sflag:s4] =	ssyncadd.s32 $0xFFFFFB00  }
0x113: {  	[tilespmem:s30], [sflag:$0x5] =	stream.linear.gather [hbm4b:s1+s2], $0x500, $0x38;
	[tilespmem:$0x16000] =	vst v63  }
0x114: {  	_ =	swait.ge [sflag:s4], $0x500  }
0x115: {  	[sflag:s4] =	ssyncset.done $0x0  }
0x116: {  	[sflag:s4] =	ssyncadd.s32 $0xFFFFFB00  }
0x117: {  	[bflag:$0x0] =	sbarrier.arrive $0xFFFF  }
0x118: {  	[tilespmem:s10], [sflag:$0x1] =	stream.indirect.gather [hbm4b:s7+s8], $0x80, s2, s8, $0xb8;
	[tilespmem:$0x16000] =	vst v63  }
0x119: {  	_ = 	snop  }
0x11a: {  	[tilespmem:s9], [sflag:$0x2] =	stream.indirect.gather [hbm4b:s7+s8], $0x80, s8, s8, $0xb8;
	[tilespmem:$0x16000] =	vst v63  }
0x11b: {  	_ =	swait.ge [sflag:s13], $0x4000  }
0x11c: {  	[sflag:s13] =	ssyncset.done $0x0  }
0x11d: {  	s1 =	rddreg [dreg:$0x8];
	[sflag:s13] =	ssyncadd.s32 $0xFFFFC000  }
0x11e: {  	[tilespmem:s16], [sflag:$0x1] =	stream.indirect.gather [hbm4b:s7+s8], $0x80, s1, s8, $0xb8;
	[tilespmem:$0x16000] =	vst v63  }
0x11f: {  	_ = 	snop  }
0x120: {  	[spmem:s3] =	stream.indirect.scatter.add.f32 [tilespmem:s10], [sflag:$0x3], $0x80, s30, s8, $0xb8;
	[tilespmem:$0x16000] =	vst v63  }
0x121: {  	_ =	swait.ge [sflag:s14], $0x4000  }
0x122: {  	[sflag:s14] =	ssyncset.done $0x0  }
0x123: {  	s1 =	rddreg [dreg:$0x9];
	[sflag:s14] =	ssyncadd.s32 $0xFFFFC000  }
0x124: {  	[tilespmem:s15], [sflag:$0x2] =	stream.indirect.gather [hbm4b:s7+s8], $0x80, s1, s8, $0xb8;
	[tilespmem:$0x16000] =	vst v63  }
0x125: {  	s30 =	rddreg [dreg:$0xa]  }
0x126: {  	[spmem:s3] =	stream.indirect.scatter.add.f32 [tilespmem:s9], [sflag:$0x4], $0x80, s30, s8, $0xb8;
	[tilespmem:$0x16000] =	vst v63  }
0x127: {  	_ =	swait.ge [sflag:s13], $0x4000  }
0x128: {  	[sflag:s13] =	ssyncset.done $0x0  }
0x129: {  	[sflag:s13] =	ssyncadd.s32 $0xFFFFC000  }
0x12a: {  	_ =	swait.ge [sflag:s11], $0x4000  }
0x12b: {  	[sflag:s11] =	ssyncset.done $0x0  }
0x12c: {  	s1 =	rddreg [dreg:$0xb];
	[sflag:s11] =	ssyncadd.s32 $0xFFFFC000  }
0x12d: {  	[tilespmem:s10], [sflag:$0x1] =	stream.indirect.gather [hbm4b:s7+s8], $0x80, s1, s8, $0xb8;
	[tilespmem:$0x16000] =	vst v63  }
0x12e: {  	_ = 	snop  }
0x12f: {  	[spmem:s3] =	stream.indirect.scatter.add.f32 [tilespmem:s16], [sflag:$0x3], $0x80, s18, s8, $0xb8;
	[tilespmem:$0x16000] =	vst v63  }
0x130: {  	_ =	swait.ge [sflag:s14], $0x4000  }
0x131: {  	[sflag:s14] =	ssyncset.done $0x0  }
0x132: {  	[sflag:s14] =	ssyncadd.s32 $0xFFFFC000  }
0x133: {  	_ =	swait.ge [sflag:s12], $0x4000  }
0x134: {  	[sflag:s12] =	ssyncset.done $0x0  }
0x135: {  	[sflag:s12] =	ssyncadd.s32 $0xFFFFC000  }
0x136: {  	[tilespmem:s9], [sflag:$0x2] =	stream.indirect.gather [hbm4b:s7+s8], $0x80, s29, s8, $0xb8;
	[tilespmem:$0x16000] =	vst v63  }
0x137: {  	_ = 	snop  }
0x138: {  	[spmem:s3] =	stream.indirect.scatter.add.f32 [tilespmem:s15], [sflag:$0x4], $0x80, s31, s8, $0xb8;
	[tilespmem:$0x16000] =	vst v63  }
0x139: {  	_ =	swait.ge [sflag:s13], $0x4000  }
0x13a: {  	[sflag:s13] =	ssyncset.done $0x0  }
0x13b: {  	[sflag:s13] =	ssyncadd.s32 $0xFFFFC000  }
0x13c: {  	_ =	swait.ge [sflag:s11], $0x4000  }
0x13d: {  	[sflag:s11] =	ssyncset.done $0x0  }
0x13e: {  	[sflag:s11] =	ssyncadd.s32 $0xFFFFC000  }
0x13f: {  	[tilespmem:s16], [sflag:$0x1] =	stream.indirect.gather [hbm4b:s7+s8], $0x80, s26, s8, $0xb8;
	[tilespmem:$0x16000] =	vst v63  }
0x140: {  	_ = 	snop  }
0x141: {  	[spmem:s3] =	stream.indirect.scatter.add.f32 [tilespmem:s10], [sflag:$0x3], $0x80, s28, s8, $0xb8;
	[tilespmem:$0x16000] =	vst v63  }
0x142: {  	_ =	swait.ge [sflag:s14], $0x4000  }
0x143: {  	[sflag:s14] =	ssyncset.done $0x0  }
0x144: {  	[sflag:s14] =	ssyncadd.s32 $0xFFFFC000  }
0x145: {  	_ =	swait.ge [sflag:s12], $0x4000  }
0x146: {  	[sflag:s12] =	ssyncset.done $0x0  }
0x147: {  	[sflag:s12] =	ssyncadd.s32 $0xFFFFC000  }
0x148: {  	[tilespmem:s15], [sflag:$0x2] =	stream.indirect.gather [hbm4b:s7+s8], $0x80, s24, s8, $0xb8;
	[tilespmem:$0x16000] =	vst v63  }
0x149: {  	_ = 	snop  }
0x14a: {  	[spmem:s3] =	stream.indirect.scatter.add.f32 [tilespmem:s9], [sflag:$0x4], $0x80, s25, s8, $0xb8;
	[tilespmem:$0x16000] =	vst v63  }
0x14b: {  	_ =	swait.ge [sflag:s13], $0x4000  }
0x14c: {  	[sflag:s13] =	ssyncset.done $0x0  }
0x14d: {  	[sflag:s13] =	ssyncadd.s32 $0xFFFFC000  }
0x14e: {  	_ =	swait.ge [sflag:s11], $0x4000  }
0x14f: {  	[sflag:s11] =	ssyncset.done $0x0  }
0x150: {  	[sflag:s11] =	ssyncadd.s32 $0xFFFFC000  }
0x151: {  	[tilespmem:s10], [sflag:$0x1] =	stream.indirect.gather [hbm4b:s7+s8], $0x80, s22, s8, $0xb8;
	[tilespmem:$0x16000] =	vst v63  }
0x152: {  	_ = 	snop  }
0x153: {  	[spmem:s3] =	stream.indirect.scatter.add.f32 [tilespmem:s16], [sflag:$0x3], $0x80, s23, s8, $0xb8;
	[tilespmem:$0x16000] =	vst v63  }
0x154: {  	_ =	swait.ge [sflag:s14], $0x4000  }
0x155: {  	[sflag:s14] =	ssyncset.done $0x0  }
0x156: {  	[sflag:s14] =	ssyncadd.s32 $0xFFFFC000  }
0x157: {  	_ =	swait.ge [sflag:s12], $0x4000  }
0x158: {  	[sflag:s12] =	ssyncset.done $0x0  }
0x159: {  	[sflag:s12] =	ssyncadd.s32 $0xFFFFC000  }
0x15a: {  	[tilespmem:s9], [sflag:$0x2] =	stream.indirect.gather [hbm4b:s7+s8], $0x80, s20, s8, $0xb8;
	[tilespmem:$0x16000] =	vst v63  }
0x15b: {  	_ = 	snop  }
0x15c: {  	[spmem:s3] =	stream.indirect.scatter.add.f32 [tilespmem:s15], [sflag:$0x4], $0x80, s21, s8, $0xb8;
	[tilespmem:$0x16000] =	vst v63  }
0x15d: {  	_ =	swait.ge [sflag:s13], $0x4000  }
0x15e: {  	[sflag:s13] =	ssyncset.done $0x0  }
0x15f: {  	[sflag:s13] =	ssyncadd.s32 $0xFFFFC000  }
0x160: {  	[spmem:s3] =	stream.indirect.scatter.add.f32 [tilespmem:s10], [sflag:$0x3], $0x80, s19, s8, $0xb8;
	[tilespmem:$0x16000] =	vst v63  }
0x161: {  	_ =	swait.ge [sflag:s14], $0x4000  }
0x162: {  	[sflag:s14] =	ssyncset.done $0x0  }
0x163: {  	s29 =	simm.s32 $0xC80;
	[sflag:s14] =	ssyncadd.s32 $0xFFFFC000  }
0x164: {  	[spmem:s3] =	stream.indirect.scatter.add.f32 [tilespmem:s9], [sflag:$0x4], $0x80, s29, s8, $0xb8;
	[tilespmem:$0x16000] =	vst v63  }
0x165: {  	_ =	swait.ge [sflag:s11], $0x4000  }
0x166: {  	[sflag:s11] =	ssyncset.done $0x0  }
0x167: {  	[sflag:s11] =	ssyncadd.s32 $0xFFFFC000  }
0x168: {  	_ =	swait.ge [sflag:s12], $0x4000  }
0x169: {  	[sflag:s12] =	ssyncset.done $0x0  }
0x16a: {  	[sflag:s12] =	ssyncadd.s32 $0xFFFFC000  }
0x16b: {  	_ =	swait.ge [sflag:s11], $0x4000  }
0x16c: {  	[sflag:s11] =	ssyncset.done $0x0  }
0x16d: {  	[sflag:s11] =	ssyncadd.s32 $0xFFFFC000  }
0x16e: {  	_ =	swait.ge [sflag:s12], $0x4000  }
0x16f: {  	[sflag:s12] =	ssyncset.done $0x0  }
0x170: {  	[sflag:s12] =	ssyncadd.s32 $0xFFFFC000  }
0x171: {  	[bflag:$0x0] =	sbarrier.arrive $0xFFFF  }
0x172: {  	[tilespmem:s6], [sflag:$0x5] =	stream.linear.gather [spmem:s5], $0x2800, $0x38;
	[tilespmem:$0x16000] =	vst v63  }
0x173: {  	_ =	swait.ge [sflag:s4], $0x2800  }
0x174: {  	[sflag:s4] =	ssyncset.done $0x0  }
0x175: {  	s30 =	rddreg [dreg:$0x7];
	[sflag:s4] =	ssyncadd.s32 $0xFFFFD800  }
0x176: {  	[hbm4b:s30+s2] =	stream.linear.scatter [tilespmem:s6], [sflag:$0x5], $0x2800, $0x38;
	[tilespmem:$0x16000] =	vst v63  }
0x177: {  	_ =	swait.ge [sflag:s4], $0x2800  }
0x178: {  	[sflag:s4] =	ssyncset.done $0x0  }
0x179: {  	[sflag:s4] =	ssyncadd.s32 $0xFFFFD800  }
0x17a: {  	_ =	sfence.sel $0x180000  }
0x17b: {  	s31 =	stileid.u32;
	[bflag:$0x0] =	sbarrier.arrive $0xFFFF  }
0x17c: {  	p0 =	sne.s32 s31, $0x0;
	_ =	strace $0x9000004A  }
0x17d: {  	s0 =	sadd.s32 @!p0 $0x100000, s17;
	[bflag:$0x2] =	sbarrier.arrive $0xFFFF  }
0x17e: {  	[sflag:s0] =	ssyncadd.tile.s32 @!p0 $0x1;
	_ =	shalt  }
.LBB2_1:
.Ltmp3:
0x17f: {  	(pc) =	sbr.rel .LBB2_6-.Ltmp3, $4  }
0x180: {  	s18 =	simm.s32 $0x900;
	s31 =	simm.s32 $0x980;
	s29 =	simm.s32 $0x280  }
0x181: {  	s28 =	simm.s32 $0xA00;
	s26 =	simm.s32 $0x300;
	s25 =	simm.s32 $0xA80  }
0x182: {  	s24 =	simm.s32 $0x380;
	s23 =	simm.s32 $0xB00;
	s22 =	simm.s32 $0x400  }
0x183: {  	s21 =	simm.s32 $0xB80;
	s20 =	simm.s32 $0x480;
	s19 =	simm.s32 $0xC00  }
.LBB2_3:
.Ltmp4:
0x184: {  	s18 =	simm.s32 $0x900;
	(pc) =	sbr.rel .LBB2_6-.Ltmp4, $4  }
0x185: {  	s31 =	simm.s32 $0x980;
	s29 =	simm.s32 $0x280;
	s28 =	simm.s32 $0xA00  }
0x186: {  	s26 =	simm.s32 $0x300;
	s25 =	simm.s32 $0xA80;
	s24 =	simm.s32 $0x380  }
0x187: {  	s23 =	simm.s32 $0xB00;
	s22 =	simm.s32 $0x400;
	s21 =	simm.s32 $0xB80  }
0x188: {  	s20 =	simm.s32 $0x480;
	s19 =	simm.s32 $0xC00;
	s17 =	rddreg [dreg:$0x3]  }
.Lfunc_end2:
_tile_overlayer_lowered:
.L_overlay_start_2:
0x189: {  	(tag) =	ssettag $0x2  }
0x18a: {  	s0 =	rddreg [dreg:$0x0];
	s2 =	stileid.u32  }
0x18b: {  	s1 =	rddreg [dreg:$0x1];
	p0 =	sne.s32 s2, $0x0  }
0x18c: {  	s3 =	rddreg [dreg:$0x2];
	[bflag:$0x3] =	sbarrier.arrive $0xFFFF;
	s2 =	simm.s32 @!p0 $0x1C05  }
0x18d: {  	[timem:s3], [sflag:s2] =	dma.local @!p0 [hbm:s0], s1  }
0x18e: {  	s0 =	simm.s32 @!p0 $0x5  }
0x18f: {  	_ =	swait.ge @!p0 [sflag:s0], s1  }
0x190: {  	s1 =	ssub.s32 @!p0 $0x0, s1;
	[sflag:s0] =	ssyncset.done @!p0 $0x0  }
0x191: {  	[sflag:s0] =	ssyncadd.s32 @!p0 s1  }
0x192: {  	[bflag:$0x3] =	sbarrier.arrive $0xFFFF  }
0x193: {  	_ =	shalt  }

// kernel: kernel.7.cloned.1.call-start
scs
__scs_entry_jumppad:
0x0: {  	(pc) =	sbr.rel $0x88, $3  }
0x1: {  	(tag) =	ssettag $0x0;
	lr =	simm.s32 $0x1  }
0x2: {  	[smem:$0x3F96] =	sst lr;
	_ =	strace $0xD0000000  }
0x3: {  	_ = 	snop  }
0x4: {  	_ = 	snop  }
0x5: {  	_ = 	snop  }
0x6: {  	_ = 	snop  }
0x7: {  	_ = 	snop  }
__scs_overlays_trampoline_lowered:
0x8: {  	[smem:$0x3FA5] =	sst s0  }
0x9: {  	[smem:$0x3FA6] =	sst s1  }
0xa: {  	[smem:$0x3FA7] =	sst s2  }
0xb: {  	[smem:$0x3FA8] =	sst s3  }
0xc: {  	[smem:$0x3FA9] =	sst s4  }
0xd: {  	[smem:$0x3FAA] =	sst s5  }
0xe: {  	[smem:$0x3FAB] =	sst s6  }
0xf: {  	[smem:$0x3FAC] =	sst s7  }
0x10: {  	[smem:$0x3FAD] =	sst s8  }
0x11: {  	[smem:$0x3FAE] =	sst s9;
	s0 =	simm.s32 @!p0 $0x0  }
0x12: {  	s1 =	sld [smem:$0x3F94];
	s0 =	simm.s32 @p0 $0x1  }
0x13: {  	[smem:$0x3FAF] =	sst s0;
	s0 =	simm.s32 @!p1 $0x0  }
0x14: {  	s2 =	sld [smem:$0x3F93];
	s0 =	simm.s32 @p1 $0x1  }
0x15: {  	[smem:$0x3FB0] =	sst s0;
	s0 =	simm.s32 @!p2 $0x0  }
0x16: {  	s3 =	sld [smem:$0x3FDB];
	s0 =	simm.s32 @p2 $0x1  }
0x17: {  	s4 =	simm.s32 $0x1BF5;
	[smem:$0x3FB2] =	sst s0  }
0x18: {  	s0 =	sld [smem:$0x3F95];
	_ =	swait.ge [sflag:s4], $0x0  }
0x19: {  	s7 =	sld [smem:$0x3F96]  }
0x1a: {  	s8 =	sadd.s32 $0xFFFFE003, lr  }
0x1b: {  	s9 =	sadd.s32 $0xFFFFFEF7, lr;
	s5 =	simm.s32 $0xFFFFFFFF;
	p2 =	slt.u32 s8, $0xFFFFF086  }
0x1c: {  	p1 =	slt.u32 s9, $0xF7A;
	s5 =	simm.s32 @!p2 $0x0  }
0x1d: {  	s5 =	simm.s32 @p1 $0x1;
	p0 =	seq.s32 s7, s2  }
0x1e: {  	s7 =	smul.u32 @!p0 $0xF7A, s2;
	p2 =	seq.s32 @!p0 s5, $0x0  }
0x1f: {  	s9 =	smul.u32 $0xF7A, s1;
	s8 =	simm.s32 @!p0 $0x1BF5;
	p2 =	por !p2, p0  }
0x20: {  	[sflag:s8] =	ssyncset.s32 @!p0 $0xFFFFF086;
	s6 =	sadd.s32 @!p0 s3, s7;
	s7 =	simm.s32 @!p0 $0x108  }
0x21: {  	s3 =	sadd.s32 s3, s9;
	s6 =	sadd.s32 @!p0 $0x88, s6;
	s7 =	simm.s32 @p2 $0x1082  }
0x22: {  	[simem:s7], [sflag:s8] =	dma.local @!p0 [hbm:s6], $0xF7A  }
0x23: {  	s9 =	sor.u32 $0xD0000000, s2;
	s6 =	simm.s32 $0x108;
	_ =	swait.ge @!p0 [sflag:s8], $0x0  }
0x24: {  	s3 =	sadd.s32 $0x88, s3;
	s6 =	simm.s32 @!p1 $0x1082;
	[sflag:s4] =	ssyncset.s32 $0xFFFFF086  }
0x25: {  	[simem:s6], [sflag:s4] =	dma.local [hbm:s3], $0xF7A  }
0x26: {  	[smem:$0x3F96] =	sst s1;
	(tag) =	ssettag s2;
	_ =	strace s9  }
0x27: {  	s1 =	sld [smem:$0x3FA6]  }
0x28: {  	s2 =	sld [smem:$0x3FA7]  }
0x29: {  	s4 =	sld [smem:$0x3FA9]  }
0x2a: {  	p0 =	seq.s32 s5, $0x0;
	s5 =	sld [smem:$0x3FAA]  }
0x2b: {  	s6 =	sld [smem:$0x3FAB]  }
0x2c: {  	s7 =	sld [smem:$0x3FAC]  }
0x2d: {  	s3 =	simm.s32 $0x108;
	s8 =	sld [smem:$0x3FAD]  }
0x2e: {  	s3 =	simm.s32 @!p0 $0x1082;
	s9 =	sld [smem:$0x3FAE]  }
0x2f: {  	lr =	sadd.s32 s0, s3;
	s0 =	sld [smem:$0x3FA5]  }
0x30: {  	s3 =	sld [smem:$0x3FA8]  }
0x31: {  	[smem:$0x3FB1] =	sst s10  }
0x32: {  	s10 =	sld [smem:$0x3FAF];
	_ =	sdelay $0x3  }
0x33: {  	p0 =	seq.s32 s10, $0x1;
	s10 =	sld [smem:$0x3FB1];
	_ =	sdelay $0x3  }
0x34: {  	[smem:$0x3FB1] =	sst s10  }
0x35: {  	s10 =	sld [smem:$0x3FB0];
	_ =	sdelay $0x3  }
0x36: {  	p1 =	seq.s32 s10, $0x1;
	s10 =	sld [smem:$0x3FB1];
	_ =	sdelay $0x3  }
0x37: {  	[smem:$0x3FB1] =	sst s10  }
0x38: {  	s10 =	sld [smem:$0x3FB2]  }
0x39: {  	_ = 	snop;
	(pc) =	sbr.ind lr, $3  }
0x3a: {  	_ = 	snop  }
0x3b: {  	_ = 	snop  }
0x3c: {  	p2 =	seq.s32 s10, $0x1;
	s10 =	sld [smem:$0x3FB1]  }
0x3d: {  	_ =	shalt  }
0x3e: {  	_ =	shalt  }
0x3f: {  	_ =	shalt  }
0x40: {  	_ =	shalt  }
0x41: {  	_ =	shalt  }
0x42: {  	_ =	shalt  }
0x43: {  	_ =	shalt  }
0x44: {  	_ =	shalt  }
0x45: {  	_ =	shalt  }
0x46: {  	_ =	shalt  }
0x47: {  	_ =	shalt  }
0x48: {  	_ =	shalt  }
0x49: {  	_ =	shalt  }
0x4a: {  	_ =	shalt  }
0x4b: {  	_ =	shalt  }
0x4c: {  	_ =	shalt  }
0x4d: {  	_ =	shalt  }
0x4e: {  	_ =	shalt  }
0x4f: {  	_ =	shalt  }
0x50: {  	_ =	shalt  }
0x51: {  	_ =	shalt  }
0x52: {  	_ =	shalt  }
0x53: {  	_ =	shalt  }
0x54: {  	_ =	shalt  }
0x55: {  	_ =	shalt  }
0x56: {  	_ =	shalt  }
0x57: {  	_ =	shalt  }
0x58: {  	_ =	shalt  }
0x59: {  	_ =	shalt  }
0x5a: {  	_ =	shalt  }
0x5b: {  	_ =	shalt  }
0x5c: {  	_ =	shalt  }
0x5d: {  	_ =	shalt  }
0x5e: {  	_ =	shalt  }
0x5f: {  	_ =	shalt  }
0x60: {  	_ =	shalt  }
0x61: {  	_ =	shalt  }
0x62: {  	_ =	shalt  }
0x63: {  	_ =	shalt  }
0x64: {  	_ =	shalt  }
0x65: {  	_ =	shalt  }
0x66: {  	_ =	shalt  }
0x67: {  	_ =	shalt  }
0x68: {  	_ =	shalt  }
0x69: {  	_ =	shalt  }
0x6a: {  	_ =	shalt  }
0x6b: {  	_ =	shalt  }
0x6c: {  	_ =	shalt  }
0x6d: {  	_ =	shalt  }
0x6e: {  	_ =	shalt  }
0x6f: {  	_ =	shalt  }
0x70: {  	_ =	shalt  }
0x71: {  	_ =	shalt  }
0x72: {  	_ =	shalt  }
0x73: {  	_ =	shalt  }
0x74: {  	_ =	shalt  }
0x75: {  	_ =	shalt  }
0x76: {  	_ =	shalt  }
0x77: {  	_ =	shalt  }
0x78: {  	_ =	shalt  }
0x79: {  	_ =	shalt  }
0x7a: {  	_ =	shalt  }
0x7b: {  	_ =	shalt  }
0x7c: {  	_ =	shalt  }
0x7d: {  	_ =	shalt  }
0x7e: {  	_ =	shalt  }
0x7f: {  	_ =	shalt  }
0x80: {  	_ =	shalt  }
0x81: {  	_ =	shalt  }
0x82: {  	_ =	shalt  }
0x83: {  	_ =	shalt  }
0x84: {  	_ =	shalt  }
0x85: {  	_ =	shalt  }
0x86: {  	_ =	shalt  }
0x87: {  	_ =	shalt  }
.Lfunc_end0:
.L_simem_size_0:
called_computation_lowered:
.L_overlay_start_0:
0x88: {  	s2 =	sld [smem:$0x3FD9]  }
0x89: {  	s3 =	sld [smem:$0x3FFE];
	_ =	sdelay $0x1  }
0x8a: {  	s1 =	srdreg.scid  }
0x8b: {  	s0 =	sand.u32 $0x1, s1  }
0x8c: {  	s17 =	sshll.u32 s0, $0xA;
	s2 =	sadd.s32 s3, s2  }
0x8d: {  	s2 =	sadd.s32 s2, s17  }
0x8e: {  	[smem:$0x3FBD] =	sst s2  }
0x8f: {  	_ = 	snop  }
0x90: {  	s2 =	sld [smem:$0x3FD0];
	(tm) =	ssettm $0x1  }
0x91: {  	s18 =	sld [smem:$0x3FFB];
	_ =	sdelay $0x3  }
0x92: {  	_ =	strace s18  }
0x93: {  	s3 =	sld [smem:$0x3FFC];
	_ =	sdelay $0x3  }
0x94: {  	_ =	strace s3  }
0x95: {  	s3 =	sld [smem:$0x3FFD];
	_ =	sdelay $0x3  }
0x96: {  	_ =	strace s3  }
0x97: {  	_ =	strace $0x8FFFFFFF  }
0x98: {  	s19 =	sld [smem:$0x3FDB];
	_ =	sdelay $0x1  }
0x99: {  	s4 =	simm.s32 $_scs_section_size  }
0x9a: {  	s5 =	simm.s32 $_size__tile_overlayer_lowered;
	s6 =	simm.s32 $_tile_overlayer_lowered  }
0x9b: {  	s22 =	simm.s32 $0x1BFF;
	s21 =	sshll.u32 s6, $0x1;
	s3 =	sadd.s32 s4, s19  }
0x9c: {  	s7 =	simm.s32 $0x0;
	s20 =	sshll.u32 s5, $0x1;
	s5 =	sadd.s32 s21, s3  }
0x9d: {  	[timem:s7], [sflag:s22] =	dma.local [hbm:s5], s20  }
0x9e: {  	_ =	swait.ge [sflag:s22], s20  }
0x9f: {  	s4 =	ssub.s32 $0x0, s20;
	[sflag:s22] =	ssyncset.done $0x0  }
0xa0: {  	[sflag:s22] =	ssyncadd.s32 s4;
	_ =	sdelay $0x1  }
0xa1: {  	s23 =	simm.s32 $0x1B8B  }
0xa2: {  	_ =	swait.ge [sflag:s23], $0x1  }
0xa3: {  	[sflag:s23] =	ssyncset.done $0x0  }
0xa4: {  	s25 =	simm.s32 $0x1B8E;
	s24 =	sld [smem:$0x3FFE];
	[sflag:s23] =	ssyncadd.s32 $0xFFFFFFFF  }
0xa5: {  	s26 =	simm.s32 $execute0_lowered;
	[smem:$0x3FD2] =	sst s25  }
0xa6: {  	s5 =	sshll.u32 s26, $0x1;
	_ =	strace $0x80000046;
	[dreg:$0x1] =	wrdreg $0xFFFFFFFF  }
0xa7: {  	s28 =	simm.s32 $_size_execute0_lowered;
	s3 =	sadd.s32 s3, s5;
	[dreg:$0x0] =	wrdreg $0x0  }
0xa8: {  	s5 =	sshll.u32 s28, $0x1;
	[dreg:$0x2] =	wrdreg s3  }
0xa9: {  	[dreg:$0x3] =	wrdreg s5  }
0xaa: {  	[dreg:$0x4] =	wrdreg $0xC0  }
0xab: {  	_ =	task [dreg:s7], $0x5FFFF  }
0xac: {  	[dreg:$0x1] =	wrdreg $0xFFFFFFFF  }
0xad: {  	[dreg:$0x0] =	wrdreg $0x60  }
0xae: {  	[dreg:$0x2] =	wrdreg s24  }
0xaf: {  	[dreg:$0x3] =	wrdreg s2  }
0xb0: {  	[dreg:$0x4] =	wrdreg $0x138000  }
0xb1: {  	[dreg:$0x5] =	wrdreg $0x9  }
0xb2: {  	_ =	task.clear_ibuf [dreg:s7], $0x6FFFF;
	_ =	strace $0x90000046  }
0xb3: {  	s29 =	simm.s32 $0x9;
	_ =	strace $0x80000048  }
0xb4: {  	_ =	swait.ge [sflag:s29], $0x1  }
0xb5: {  	[sflag:s29] =	ssyncadd.s32 $0xFFFFFFFF  }
0xb6: {  	_ =	strace $0x90000048  }
0xb7: {  	_ =	sfence  }
0xb8: {  	s30 =	sld [smem:$0x0];
	_ =	sdelay $0x2  }
0xb9: {  	s31 =	sshll.u32 s1, $0xD;
	s1 =	sshrl.u32 s1, $0x2  }
0xba: {  	s3 =	sand.u32 $0x4000, s31;
	s1 =	sadd.s32 s1, s30  }
0xbb: {  	s0 =	sor.u32 s3, s0;
	s1 =	sshll.u32 s1, $0x11  }
0xbc: {  	s0 =	sor.u32 s1, s0  }
0xbd: {  	s0 =	sadd.s32 $0x8F2B, s0  }
0xbe: {  	[sflag:s0] =	ssyncadd.remote.s32 $0x1  }
0xbf: {  	_ =	sfence.sel $0xFFFF  }
0xc0: {  	[dreg:$0x0] =	wrdreg $0xFFFFFFFF;
	(pc) =	sbr.abs _section_cstart, $3  }
0xc1: {  	[dreg:$0x1] =	wrdreg $0xFFFFFFFF  }
0xc2: {  	_ =	task.clear_ibuf [dreg:s7], $0x2FFFF;
	_ =	strace $0x9FFFFFFF  }
0xc3: {  	(tm) =	ssettm $0x7FFFFFFF  }
tec
execute0_lowered:
.L_overlay_start_1:
0x0: {  	(tag) =	ssettag $0x1  }
0x1: {  	s0 =	rddreg [dreg:$0x0]  }
0x2: {  	s1 =	rddreg [dreg:$0x1]  }
0x3: {  	s3 =	rddreg [dreg:$0x2]  }
0x4: {  	s17 =	rddreg [dreg:$0x3]  }
0x5: {  	s2 =	simm.s32 $0x0;
	s4 =	srdreg.scid;
	s10 =	stileid.u32  }
0x6: {  	s30 =	simm.s32 $0x800;
	s23 =	simm.s32 $0x100;
	s13 =	simm.s32 $0x1  }
0x7: {  	s24 =	simm.s32 $0x180;
	s25 =	simm.s32 $0x880;
	s14 =	simm.s32 $0x2  }
0x8: {  	s26 =	simm.s32 $0x200;
	s15 =	simm.s32 $0xD000;
	s12 =	simm.s32 $0x4  }
0x9: {  	s29 =	simm.s32 $0x280;
	s31 =	simm.s32 $0x980;
	s28 =	simm.s32 $0xA00  }
0xa: {  	p0 =	por $0x0, $0x0;
	[smem:$0x7FF] =	sst s2;
	s4 =	sand.u32 $0x1, s4  }
0xb: {  	s5 =	smul.u32 $0x2800, s10;
	_ =	strace $0x80000047;
	[dreg:$0x8] =	wrdreg s23  }
0xc: {  	s8 =	sshll.u32 s10, $0x8;
	s7 =	sadd.s32 $0x5600, s0;
	[dreg:$0x9] =	wrdreg s24  }
0xd: {  	s10 =	smul.u32 $0xA000, s10;
	s6 =	sshll.u32 s4, $0xC;
	[dreg:$0xa] =	wrdreg s25  }
0xe: {  	s9 =	ssub.s32 $0x2, s4;
	s4 =	smul.u32 $0x28000, s4;
	[dreg:$0xb] =	wrdreg s26  }
0xf: {  	s26 =	simm.s32 $0x300;
	s24 =	simm.s32 $0x380;
	s25 =	simm.s32 $0xA80  }
0x10: {  	s23 =	simm.s32 $0xB00;
	s6 =	sor.u32 s8, s6;
	s16 =	sshrl.u32 s5, $0x3  }
0x11: {  	s11 =	sshrl.u32 s9, $0x1;
	s19 =	sshrl.u32 s10, $0x2;
	s10 =	simm.s32 $0x1000  }
0x12: {  	s8 =	sadd.s32 s16, s0;
	s0 =	sadd.s32 s6, s0;
	s18 =	ssub.s32 s9, s11  }
0x13: {  	s4 =	sadd.s32 s5, s4;
	s5 =	sadd.s32 s19, s3;
	s6 =	simm.s32 $0x11000  }
0x14: {  	s9 =	simm.s32 $0x5000;
	s16 =	simm.s32 $0x9000;
	s11 =	simm.s32 $0x3  }
0x15: {  	s19 =	simm.s32 $0xC00;
	s8 =	sadd.s32 $0xA600, s8;
	s22 =	smax.u32 s18, $0x1  }
0x16: {  	s20 =	sadd.s32 $0x3600, s0;
	[dreg:$0x4] =	wrdreg s8;
	p1 =	sne.s32 s22, $0x1  }
.Ltmp0:
0x17: {  	s0 =	sadd.s32 $0x1600, s0;
	[dreg:$0x5] =	wrdreg s20;
	(pc) =	sbr.rel @!p1 .LBB2_1-.Ltmp0, $4  }
0x18: {  	s4 =	sshrl.u32 s4, $0x3;
	s18 =	simm.s32 $0xC80;
	[dreg:$0x6] =	wrdreg s0  }
0x19: {  	s21 =	sadd.s32 s1, s4;
	s4 =	simm.s32 $0x5;
	s8 =	simm.s32 $0x80  }
0x1a: {  	s0 =	sadd.s32 $0xFFFFFFFF, s22;
	s22 =	simm.s32 $0x400;
	[dreg:$0x7] =	wrdreg s21  }
0x1b: {  	s20 =	simm.s32 $0x480;
	s21 =	simm.s32 $0xB80;
	s1 =	rddreg [dreg:$0x4]  }
0x1c: {  	[tilespmem:s6], [sflag:$0x5] =	stream.linear.gather [hbm4b:s1+s2], $0x2800, $0x38;
	[tilespmem:$0x16000] =	vst v63  }
0x1d: {  	_ =	swait.ge [sflag:s4], $0x2800  }
0x1e: {  	[sflag:s4] =	ssyncset.done $0x0  }
0x1f: {  	[sflag:s4] =	ssyncadd.s32 $0xFFFFD800  }
0x20: {  	[spmem:s5] =	stream.linear.scatter [tilespmem:s6], [sflag:$0x5], $0x2800, $0x38;
	[tilespmem:$0x16000] =	vst v63  }
0x21: {  	_ =	swait.ge [sflag:s4], $0x2800  }
0x22: {  	[sflag:s4] =	ssyncset.done $0x0  }
0x23: {  	s17 =	rddreg [dreg:$0x5];
	[sflag:s4] =	ssyncadd.s32 $0xFFFFD800  }
0x24: {  	[tilespmem:s2], [sflag:$0x5] =	stream.linear.gather [hbm4b:s17+s2], $0x500, $0x38;
	[tilespmem:$0x16000] =	vst v63  }
0x25: {  	_ =	swait.ge [sflag:s4], $0x500  }
0x26: {  	[sflag:s4] =	ssyncset.done $0x0  }
0x27: {  	s17 =	rddreg [dreg:$0x6];
	[sflag:s4] =	ssyncadd.s32 $0xFFFFFB00  }
0x28: {  	[tilespmem:s30], [sflag:$0x5] =	stream.linear.gather [hbm4b:s17+s2], $0x500, $0x38;
	[tilespmem:$0x16000] =	vst v63  }
0x29: {  	_ =	swait.ge [sflag:s4], $0x500  }
0x2a: {  	[sflag:s4] =	ssyncset.done $0x0  }
0x2b: {  	[sflag:s4] =	ssyncadd.s32 $0xFFFFFB00  }
0x2c: {  	[bflag:$0x0] =	sbarrier.arrive $0xFFFF  }
0x2d: {  	[tilespmem:s10], [sflag:$0x1] =	stream.indirect.gather [hbm4b:s7+s8], $0x80, s2, s8, $0xb8;
	[tilespmem:$0x16000] =	vst v63  }
0x2e: {  	_ = 	snop  }
0x2f: {  	[tilespmem:s9], [sflag:$0x2] =	stream.indirect.gather [hbm4b:s7+s8], $0x80, s8, s8, $0xb8;
	[tilespmem:$0x16000] =	vst v63  }
0x30: {  	_ =	swait.ge [sflag:s13], $0x4000  }
0x31: {  	[sflag:s13] =	ssyncset.done $0x0  }
0x32: {  	s17 =	rddreg [dreg:$0x8];
	[sflag:s13] =	ssyncadd.s32 $0xFFFFC000  }
0x33: {  	[tilespmem:s16], [sflag:$0x1] =	stream.indirect.gather [hbm4b:s7+s8], $0x80, s17, s8, $0xb8;
	[tilespmem:$0x16000] =	vst v63  }
0x34: {  	_ = 	snop  }
0x35: {  	[spmem:s3] =	stream.indirect.scatter.add.f32 [tilespmem:s10], [sflag:$0x3], $0x80, s30, s8, $0xb8;
	[tilespmem:$0x16000] =	vst v63  }
0x36: {  	_ =	swait.ge [sflag:s14], $0x4000  }
0x37: {  	[sflag:s14] =	ssyncset.done $0x0  }
0x38: {  	s1 =	rddreg [dreg:$0x9];
	[sflag:s14] =	ssyncadd.s32 $0xFFFFC000  }
0x39: {  	[tilespmem:s15], [sflag:$0x2] =	stream.indirect.gather [hbm4b:s7+s8], $0x80, s1, s8, $0xb8;
	[tilespmem:$0x16000] =	vst v63  }
0x3a: {  	s17 =	smov.u32 s0;
	s0 =	rddreg [dreg:$0xa]  }
0x3b: {  	[spmem:s3] =	stream.indirect.scatter.add.f32 [tilespmem:s9], [sflag:$0x4], $0x80, s0, s8, $0xb8;
	[tilespmem:$0x16000] =	vst v63  }
0x3c: {  	_ =	swait.ge [sflag:s13], $0x4000  }
0x3d: {  	[sflag:s13] =	ssyncset.done $0x0  }
0x3e: {  	[sflag:s13] =	ssyncadd.s32 $0xFFFFC000  }
0x3f: {  	_ =	swait.ge [sflag:s11], $0x4000  }
0x40: {  	[sflag:s11] =	ssyncset.done $0x0  }
0x41: {  	s1 =	rddreg [dreg:$0xb];
	[sflag:s11] =	ssyncadd.s32 $0xFFFFC000  }
0x42: {  	[tilespmem:s10], [sflag:$0x1] =	stream.indirect.gather [hbm4b:s7+s8], $0x80, s1, s8, $0xb8;
	[tilespmem:$0x16000] =	vst v63  }
0x43: {  	s1 =	simm.s32 $0x900  }
0x44: {  	[spmem:s3] =	stream.indirect.scatter.add.f32 [tilespmem:s16], [sflag:$0x3], $0x80, s1, s8, $0xb8;
	[tilespmem:$0x16000] =	vst v63  }
0x45: {  	_ =	swait.ge [sflag:s14], $0x4000  }
0x46: {  	[sflag:s14] =	ssyncset.done $0x0  }
0x47: {  	[sflag:s14] =	ssyncadd.s32 $0xFFFFC000  }
0x48: {  	_ =	swait.ge [sflag:s12], $0x4000  }
0x49: {  	[sflag:s12] =	ssyncset.done $0x0  }
0x4a: {  	[sflag:s12] =	ssyncadd.s32 $0xFFFFC000  }
0x4b: {  	[tilespmem:s9], [sflag:$0x2] =	stream.indirect.gather [hbm4b:s7+s8], $0x80, s29, s8, $0xb8;
	[tilespmem:$0x16000] =	vst v63  }
0x4c: {  	_ = 	snop  }
0x4d: {  	[spmem:s3] =	stream.indirect.scatter.add.f32 [tilespmem:s15], [sflag:$0x4], $0x80, s31, s8, $0xb8;
	[tilespmem:$0x16000] =	vst v63  }
0x4e: {  	_ =	swait.ge [sflag:s13], $0x4000  }
0x4f: {  	[sflag:s13] =	ssyncset.done $0x0  }
0x50: {  	[sflag:s13] =	ssyncadd.s32 $0xFFFFC000  }
0x51: {  	_ =	swait.ge [sflag:s11], $0x4000  }
0x52: {  	[sflag:s11] =	ssyncset.done $0x0  }
0x53: {  	[sflag:s11] =	ssyncadd.s32 $0xFFFFC000  }
0x54: {  	[tilespmem:s16], [sflag:$0x1] =	stream.indirect.gather [hbm4b:s7+s8], $0x80, s26, s8, $0xb8;
	[tilespmem:$0x16000] =	vst v63  }
0x55: {  	_ = 	snop  }
0x56: {  	[spmem:s3] =	stream.indirect.scatter.add.f32 [tilespmem:s10], [sflag:$0x3], $0x80, s28, s8, $0xb8;
	[tilespmem:$0x16000] =	vst v63  }
0x57: {  	_ =	swait.ge [sflag:s14], $0x4000  }
0x58: {  	[sflag:s14] =	ssyncset.done $0x0  }
0x59: {  	[sflag:s14] =	ssyncadd.s32 $0xFFFFC000  }
0x5a: {  	_ =	swait.ge [sflag:s12], $0x4000  }
0x5b: {  	[sflag:s12] =	ssyncset.done $0x0  }
0x5c: {  	[sflag:s12] =	ssyncadd.s32 $0xFFFFC000  }
0x5d: {  	[tilespmem:s15], [sflag:$0x2] =	stream.indirect.gather [hbm4b:s7+s8], $0x80, s24, s8, $0xb8;
	[tilespmem:$0x16000] =	vst v63  }
0x5e: {  	_ = 	snop  }
0x5f: {  	[spmem:s3] =	stream.indirect.scatter.add.f32 [tilespmem:s9], [sflag:$0x4], $0x80, s25, s8, $0xb8;
	[tilespmem:$0x16000] =	vst v63  }
0x60: {  	_ =	swait.ge [sflag:s13], $0x4000  }
0x61: {  	[sflag:s13] =	ssyncset.done $0x0  }
0x62: {  	[sflag:s13] =	ssyncadd.s32 $0xFFFFC000  }
0x63: {  	_ =	swait.ge [sflag:s11], $0x4000  }
0x64: {  	[sflag:s11] =	ssyncset.done $0x0  }
0x65: {  	[sflag:s11] =	ssyncadd.s32 $0xFFFFC000  }
0x66: {  	[tilespmem:s10], [sflag:$0x1] =	stream.indirect.gather [hbm4b:s7+s8], $0x80, s22, s8, $0xb8;
	[tilespmem:$0x16000] =	vst v63  }
0x67: {  	_ = 	snop  }
0x68: {  	[spmem:s3] =	stream.indirect.scatter.add.f32 [tilespmem:s16], [sflag:$0x3], $0x80, s23, s8, $0xb8;
	[tilespmem:$0x16000] =	vst v63  }
0x69: {  	_ =	swait.ge [sflag:s14], $0x4000  }
0x6a: {  	[sflag:s14] =	ssyncset.done $0x0  }
0x6b: {  	[sflag:s14] =	ssyncadd.s32 $0xFFFFC000  }
0x6c: {  	_ =	swait.ge [sflag:s12], $0x4000  }
0x6d: {  	[sflag:s12] =	ssyncset.done $0x0  }
0x6e: {  	[sflag:s12] =	ssyncadd.s32 $0xFFFFC000  }
0x6f: {  	[tilespmem:s9], [sflag:$0x2] =	stream.indirect.gather [hbm4b:s7+s8], $0x80, s20, s8, $0xb8;
	[tilespmem:$0x16000] =	vst v63  }
0x70: {  	_ = 	snop  }
0x71: {  	[spmem:s3] =	stream.indirect.scatter.add.f32 [tilespmem:s15], [sflag:$0x4], $0x80, s21, s8, $0xb8;
	[tilespmem:$0x16000] =	vst v63  }
0x72: {  	_ =	swait.ge [sflag:s13], $0x4000  }
0x73: {  	[sflag:s13] =	ssyncset.done $0x0  }
0x74: {  	[sflag:s13] =	ssyncadd.s32 $0xFFFFC000  }
0x75: {  	[spmem:s3] =	stream.indirect.scatter.add.f32 [tilespmem:s10], [sflag:$0x3], $0x80, s19, s8, $0xb8;
	[tilespmem:$0x16000] =	vst v63  }
0x76: {  	_ =	swait.ge [sflag:s14], $0x4000  }
0x77: {  	[sflag:s14] =	ssyncset.done $0x0  }
0x78: {  	[sflag:s14] =	ssyncadd.s32 $0xFFFFC000  }
0x79: {  	[spmem:s3] =	stream.indirect.scatter.add.f32 [tilespmem:s9], [sflag:$0x4], $0x80, s18, s8, $0xb8;
	[tilespmem:$0x16000] =	vst v63  }
0x7a: {  	_ =	swait.ge [sflag:s11], $0x4000  }
0x7b: {  	[sflag:s11] =	ssyncset.done $0x0  }
0x7c: {  	[sflag:s11] =	ssyncadd.s32 $0xFFFFC000  }
0x7d: {  	_ =	swait.ge [sflag:s12], $0x4000  }
0x7e: {  	[sflag:s12] =	ssyncset.done $0x0  }
0x7f: {  	[sflag:s12] =	ssyncadd.s32 $0xFFFFC000  }
0x80: {  	_ =	swait.ge [sflag:s11], $0x4000  }
0x81: {  	[sflag:s11] =	ssyncset.done $0x0  }
0x82: {  	[sflag:s11] =	ssyncadd.s32 $0xFFFFC000  }
0x83: {  	_ =	swait.ge [sflag:s12], $0x4000  }
0x84: {  	[sflag:s12] =	ssyncset.done $0x0  }
0x85: {  	[sflag:s12] =	ssyncadd.s32 $0xFFFFC000  }
0x86: {  	[bflag:$0x0] =	sbarrier.arrive $0xFFFF  }
0x87: {  	[tilespmem:s6], [sflag:$0x5] =	stream.linear.gather [spmem:s5], $0x2800, $0x38;
	[tilespmem:$0x16000] =	vst v63  }
0x88: {  	p1 =	sne.s32 s17, $0x1;
	_ =	swait.ge [sflag:s4], $0x2800  }
.Ltmp1:
0x89: {  	[sflag:s4] =	ssyncset.done $0x0;
	(pc) =	sbr.rel @!p1 .LBB2_3-.Ltmp1, $4  }
0x8a: {  	s1 =	rddreg [dreg:$0x7];
	[sflag:s4] =	ssyncadd.s32 $0xFFFFD800  }
0x8b: {  	[hbm4b:s1+s2] =	stream.linear.scatter [tilespmem:s6], [sflag:$0x5], $0x2800, $0x38;
	[tilespmem:$0x16000] =	vst v63  }
0x8c: {  	p0 =	por $0x1, $0x1;
	_ =	swait.ge [sflag:s4], $0x2800  }
0x8d: {  	s0 =	sadd.s32 $0xFFFFFFFF, s17;
	s1 =	rddreg [dreg:$0x4];
	[sflag:s4] =	ssyncset.done $0x0  }
.LBB2_4:
0x8e: {  	[sflag:s4] =	ssyncadd.s32 $0xFFFFD800  }
0x8f: {  	[tilespmem:s6], [sflag:$0x5] =	stream.linear.gather [hbm4b:s1+s2], $0x2800, $0x38;
	[tilespmem:$0x16000] =	vst v63  }
0x90: {  	_ =	swait.ge [sflag:s4], $0x2800  }
0x91: {  	[sflag:s4] =	ssyncset.done $0x0  }
0x92: {  	[sflag:s4] =	ssyncadd.s32 $0xFFFFD800  }
0x93: {  	[spmem:s5] =	stream.linear.scatter [tilespmem:s6], [sflag:$0x5], $0x2800, $0x38;
	[tilespmem:$0x16000] =	vst v63  }
0x94: {  	_ =	swait.ge [sflag:s4], $0x2800  }
0x95: {  	[sflag:s4] =	ssyncset.done $0x0  }
0x96: {  	s17 =	rddreg [dreg:$0x5];
	[sflag:s4] =	ssyncadd.s32 $0xFFFFD800  }
0x97: {  	[tilespmem:s2], [sflag:$0x5] =	stream.linear.gather [hbm4b:s17+s2], $0x500, $0x38;
	[tilespmem:$0x16000] =	vst v63  }
0x98: {  	_ =	swait.ge [sflag:s4], $0x500  }
0x99: {  	[sflag:s4] =	ssyncset.done $0x0  }
0x9a: {  	s17 =	rddreg [dreg:$0x6];
	[sflag:s4] =	ssyncadd.s32 $0xFFFFFB00  }
0x9b: {  	[tilespmem:s30], [sflag:$0x5] =	stream.linear.gather [hbm4b:s17+s2], $0x500, $0x38;
	[tilespmem:$0x16000] =	vst v63  }
0x9c: {  	_ =	swait.ge [sflag:s4], $0x500  }
0x9d: {  	[sflag:s4] =	ssyncset.done $0x0  }
0x9e: {  	[sflag:s4] =	ssyncadd.s32 $0xFFFFFB00  }
0x9f: {  	[bflag:$0x0] =	sbarrier.arrive $0xFFFF  }
0xa0: {  	[tilespmem:s10], [sflag:$0x1] =	stream.indirect.gather [hbm4b:s7+s8], $0x80, s2, s8, $0xb8;
	[tilespmem:$0x16000] =	vst v63  }
0xa1: {  	_ = 	snop  }
0xa2: {  	[tilespmem:s9], [sflag:$0x2] =	stream.indirect.gather [hbm4b:s7+s8], $0x80, s8, s8, $0xb8;
	[tilespmem:$0x16000] =	vst v63  }
0xa3: {  	_ =	swait.ge [sflag:s13], $0x4000  }
0xa4: {  	[sflag:s13] =	ssyncset.done $0x0  }
0xa5: {  	s17 =	rddreg [dreg:$0x8];
	[sflag:s13] =	ssyncadd.s32 $0xFFFFC000  }
0xa6: {  	[tilespmem:s16], [sflag:$0x1] =	stream.indirect.gather [hbm4b:s7+s8], $0x80, s17, s8, $0xb8;
	[tilespmem:$0x16000] =	vst v63  }
0xa7: {  	_ = 	snop  }
0xa8: {  	[spmem:s3] =	stream.indirect.scatter.add.f32 [tilespmem:s10], [sflag:$0x3], $0x80, s30, s8, $0xb8;
	[tilespmem:$0x16000] =	vst v63  }
0xa9: {  	_ =	swait.ge [sflag:s14], $0x4000  }
0xaa: {  	[sflag:s14] =	ssyncset.done $0x0  }
0xab: {  	s1 =	rddreg [dreg:$0x9];
	[sflag:s14] =	ssyncadd.s32 $0xFFFFC000  }
0xac: {  	[tilespmem:s15], [sflag:$0x2] =	stream.indirect.gather [hbm4b:s7+s8], $0x80, s1, s8, $0xb8;
	[tilespmem:$0x16000] =	vst v63  }
0xad: {  	s17 =	rddreg [dreg:$0xa]  }
0xae: {  	[spmem:s3] =	stream.indirect.scatter.add.f32 [tilespmem:s9], [sflag:$0x4], $0x80, s17, s8, $0xb8;
	[tilespmem:$0x16000] =	vst v63  }
0xaf: {  	_ =	swait.ge [sflag:s13], $0x4000  }
0xb0: {  	[sflag:s13] =	ssyncset.done $0x0  }
0xb1: {  	[sflag:s13] =	ssyncadd.s32 $0xFFFFC000  }
0xb2: {  	_ =	swait.ge [sflag:s11], $0x4000  }
0xb3: {  	[sflag:s11] =	ssyncset.done $0x0  }
0xb4: {  	s17 =	rddreg [dreg:$0xb];
	[sflag:s11] =	ssyncadd.s32 $0xFFFFC000  }
0xb5: {  	[tilespmem:s10], [sflag:$0x1] =	stream.indirect.gather [hbm4b:s7+s8], $0x80, s17, s8, $0xb8;
	[tilespmem:$0x16000] =	vst v63  }
0xb6: {  	s17 =	simm.s32 $0x900  }
0xb7: {  	[spmem:s3] =	stream.indirect.scatter.add.f32 [tilespmem:s16], [sflag:$0x3], $0x80, s17, s8, $0xb8;
	[tilespmem:$0x16000] =	vst v63  }
0xb8: {  	_ =	swait.ge [sflag:s14], $0x4000  }
0xb9: {  	[sflag:s14] =	ssyncset.done $0x0  }
0xba: {  	[sflag:s14] =	ssyncadd.s32 $0xFFFFC000  }
0xbb: {  	_ =	swait.ge [sflag:s12], $0x4000  }
0xbc: {  	[sflag:s12] =	ssyncset.done $0x0  }
0xbd: {  	[sflag:s12] =	ssyncadd.s32 $0xFFFFC000  }
0xbe: {  	[tilespmem:s9], [sflag:$0x2] =	stream.indirect.gather [hbm4b:s7+s8], $0x80, s29, s8, $0xb8;
	[tilespmem:$0x16000] =	vst v63  }
0xbf: {  	_ = 	snop  }
0xc0: {  	[spmem:s3] =	stream.indirect.scatter.add.f32 [tilespmem:s15], [sflag:$0x4], $0x80, s31, s8, $0xb8;
	[tilespmem:$0x16000] =	vst v63  }
0xc1: {  	_ =	swait.ge [sflag:s13], $0x4000  }
0xc2: {  	[sflag:s13] =	ssyncset.done $0x0  }
0xc3: {  	[sflag:s13] =	ssyncadd.s32 $0xFFFFC000  }
0xc4: {  	_ =	swait.ge [sflag:s11], $0x4000  }
0xc5: {  	[sflag:s11] =	ssyncset.done $0x0  }
0xc6: {  	[sflag:s11] =	ssyncadd.s32 $0xFFFFC000  }
0xc7: {  	[tilespmem:s16], [sflag:$0x1] =	stream.indirect.gather [hbm4b:s7+s8], $0x80, s26, s8, $0xb8;
	[tilespmem:$0x16000] =	vst v63  }
0xc8: {  	_ = 	snop  }
0xc9: {  	[spmem:s3] =	stream.indirect.scatter.add.f32 [tilespmem:s10], [sflag:$0x3], $0x80, s28, s8, $0xb8;
	[tilespmem:$0x16000] =	vst v63  }
0xca: {  	_ =	swait.ge [sflag:s14], $0x4000  }
0xcb: {  	[sflag:s14] =	ssyncset.done $0x0  }
0xcc: {  	[sflag:s14] =	ssyncadd.s32 $0xFFFFC000  }
0xcd: {  	_ =	swait.ge [sflag:s12], $0x4000  }
0xce: {  	[sflag:s12] =	ssyncset.done $0x0  }
0xcf: {  	[sflag:s12] =	ssyncadd.s32 $0xFFFFC000  }
0xd0: {  	[tilespmem:s15], [sflag:$0x2] =	stream.indirect.gather [hbm4b:s7+s8], $0x80, s24, s8, $0xb8;
	[tilespmem:$0x16000] =	vst v63  }
0xd1: {  	_ = 	snop  }
0xd2: {  	[spmem:s3] =	stream.indirect.scatter.add.f32 [tilespmem:s9], [sflag:$0x4], $0x80, s25, s8, $0xb8;
	[tilespmem:$0x16000] =	vst v63  }
0xd3: {  	_ =	swait.ge [sflag:s13], $0x4000  }
0xd4: {  	[sflag:s13] =	ssyncset.done $0x0  }
0xd5: {  	[sflag:s13] =	ssyncadd.s32 $0xFFFFC000  }
0xd6: {  	_ =	swait.ge [sflag:s11], $0x4000  }
0xd7: {  	[sflag:s11] =	ssyncset.done $0x0  }
0xd8: {  	[sflag:s11] =	ssyncadd.s32 $0xFFFFC000  }
0xd9: {  	[tilespmem:s10], [sflag:$0x1] =	stream.indirect.gather [hbm4b:s7+s8], $0x80, s22, s8, $0xb8;
	[tilespmem:$0x16000] =	vst v63  }
0xda: {  	_ = 	snop  }
0xdb: {  	[spmem:s3] =	stream.indirect.scatter.add.f32 [tilespmem:s16], [sflag:$0x3], $0x80, s23, s8, $0xb8;
	[tilespmem:$0x16000] =	vst v63  }
0xdc: {  	_ =	swait.ge [sflag:s14], $0x4000  }
0xdd: {  	[sflag:s14] =	ssyncset.done $0x0  }
0xde: {  	[sflag:s14] =	ssyncadd.s32 $0xFFFFC000  }
0xdf: {  	_ =	swait.ge [sflag:s12], $0x4000  }
0xe0: {  	[sflag:s12] =	ssyncset.done $0x0  }
0xe1: {  	[sflag:s12] =	ssyncadd.s32 $0xFFFFC000  }
0xe2: {  	[tilespmem:s9], [sflag:$0x2] =	stream.indirect.gather [hbm4b:s7+s8], $0x80, s20, s8, $0xb8;
	[tilespmem:$0x16000] =	vst v63  }
0xe3: {  	_ = 	snop  }
0xe4: {  	[spmem:s3] =	stream.indirect.scatter.add.f32 [tilespmem:s15], [sflag:$0x4], $0x80, s21, s8, $0xb8;
	[tilespmem:$0x16000] =	vst v63  }
0xe5: {  	_ =	swait.ge [sflag:s13], $0x4000  }
0xe6: {  	[sflag:s13] =	ssyncset.done $0x0  }
0xe7: {  	[sflag:s13] =	ssyncadd.s32 $0xFFFFC000  }
0xe8: {  	[spmem:s3] =	stream.indirect.scatter.add.f32 [tilespmem:s10], [sflag:$0x3], $0x80, s19, s8, $0xb8;
	[tilespmem:$0x16000] =	vst v63  }
0xe9: {  	_ =	swait.ge [sflag:s14], $0x4000  }
0xea: {  	[sflag:s14] =	ssyncset.done $0x0  }
0xeb: {  	[sflag:s14] =	ssyncadd.s32 $0xFFFFC000  }
0xec: {  	[spmem:s3] =	stream.indirect.scatter.add.f32 [tilespmem:s9], [sflag:$0x4], $0x80, s18, s8, $0xb8;
	[tilespmem:$0x16000] =	vst v63  }
0xed: {  	_ =	swait.ge [sflag:s11], $0x4000  }
0xee: {  	[sflag:s11] =	ssyncset.done $0x0  }
0xef: {  	[sflag:s11] =	ssyncadd.s32 $0xFFFFC000  }
0xf0: {  	_ =	swait.ge [sflag:s12], $0x4000  }
0xf1: {  	[sflag:s12] =	ssyncset.done $0x0  }
0xf2: {  	[sflag:s12] =	ssyncadd.s32 $0xFFFFC000  }
0xf3: {  	_ =	swait.ge [sflag:s11], $0x4000  }
0xf4: {  	[sflag:s11] =	ssyncset.done $0x0  }
0xf5: {  	[sflag:s11] =	ssyncadd.s32 $0xFFFFC000  }
0xf6: {  	_ =	swait.ge [sflag:s12], $0x4000  }
0xf7: {  	[sflag:s12] =	ssyncset.done $0x0  }
0xf8: {  	[sflag:s12] =	ssyncadd.s32 $0xFFFFC000  }
0xf9: {  	[bflag:$0x0] =	sbarrier.arrive $0xFFFF  }
0xfa: {  	[tilespmem:s6], [sflag:$0x5] =	stream.linear.gather [spmem:s5], $0x2800, $0x38;
	[tilespmem:$0x16000] =	vst v63  }
0xfb: {  	p1 =	sne.s32 s0, $0x1;
	_ =	swait.ge [sflag:s4], $0x2800  }
.Ltmp2:
0xfc: {  	[sflag:s4] =	ssyncset.done $0x0;
	(pc) =	sbr.rel @p1 .LBB2_4-.Ltmp2, $4  }
0xfd: {  	s17 =	rddreg [dreg:$0x7];
	[sflag:s4] =	ssyncadd.s32 $0xFFFFD800  }
0xfe: {  	[hbm4b:s17+s2] =	stream.linear.scatter [tilespmem:s6], [sflag:$0x5], $0x2800, $0x38;
	[tilespmem:$0x16000] =	vst v63  }
0xff: {  	_ =	swait.ge [sflag:s4], $0x2800  }
0x100: {  	s0 =	sadd.s32 $0xFFFFFFFF, s0;
	s1 =	rddreg [dreg:$0x4];
	[sflag:s4] =	ssyncset.done $0x0  }
0x101: {  	s18 =	simm.s32 $0x900  }
0x102: {  	s31 =	simm.s32 $0x980;
	s29 =	simm.s32 $0x280;
	s28 =	simm.s32 $0xA00  }
0x103: {  	s26 =	simm.s32 $0x300;
	s25 =	simm.s32 $0xA80;
	s24 =	simm.s32 $0x380  }
0x104: {  	s23 =	simm.s32 $0xB00;
	s22 =	simm.s32 $0x400;
	s21 =	simm.s32 $0xB80  }
0x105: {  	s20 =	simm.s32 $0x480;
	s19 =	simm.s32 $0xC00;
	s17 =	rddreg [dreg:$0x3]  }
.LBB2_6:
0x106: {  	[sflag:s4] =	ssyncadd.s32 @p0 $0xFFFFD800  }
0x107: {  	[tilespmem:s6], [sflag:$0x5] =	stream.linear.gather [hbm4b:s1+s2], $0x2800, $0x38;
	[tilespmem:$0x16000] =	vst v63  }
0x108: {  	_ =	swait.ge [sflag:s4], $0x2800  }
0x109: {  	[sflag:s4] =	ssyncset.done $0x0  }
0x10a: {  	[sflag:s4] =	ssyncadd.s32 $0xFFFFD800  }
0x10b: {  	[spmem:s5] =	stream.linear.scatter [tilespmem:s6], [sflag:$0x5], $0x2800, $0x38;
	[tilespmem:$0x16000] =	vst v63  }
0x10c: {  	_ =	swait.ge [sflag:s4], $0x2800  }
0x10d: {  	[sflag:s4] =	ssyncset.done $0x0  }
0x10e: {  	s0 =	rddreg [dreg:$0x5];
	[sflag:s4] =	ssyncadd.s32 $0xFFFFD800  }
0x10f: {  	[tilespmem:s2], [sflag:$0x5] =	stream.linear.gather [hbm4b:s0+s2], $0x500, $0x38;
	[tilespmem:$0x16000] =	vst v63  }
0x110: {  	_ =	swait.ge [sflag:s4], $0x500  }
0x111: {  	[sflag:s4] =	ssyncset.done $0x0  }
0x112: {  	s1 =	rddreg [dreg:$0x6];
	[sflag:s4] =	ssyncadd.s32 $0xFFFFFB00  }
0x113: {  	[tilespmem:s30], [sflag:$0x5] =	stream.linear.gather [hbm4b:s1+s2], $0x500, $0x38;
	[tilespmem:$0x16000] =	vst v63  }
0x114: {  	_ =	swait.ge [sflag:s4], $0x500  }
0x115: {  	[sflag:s4] =	ssyncset.done $0x0  }
0x116: {  	[sflag:s4] =	ssyncadd.s32 $0xFFFFFB00  }
0x117: {  	[bflag:$0x0] =	sbarrier.arrive $0xFFFF  }
0x118: {  	[tilespmem:s10], [sflag:$0x1] =	stream.indirect.gather [hbm4b:s7+s8], $0x80, s2, s8, $0xb8;
	[tilespmem:$0x16000] =	vst v63  }
0x119: {  	_ = 	snop  }
0x11a: {  	[tilespmem:s9], [sflag:$0x2] =	stream.indirect.gather [hbm4b:s7+s8], $0x80, s8, s8, $0xb8;
	[tilespmem:$0x16000] =	vst v63  }
0x11b: {  	_ =	swait.ge [sflag:s13], $0x4000  }
0x11c: {  	[sflag:s13] =	ssyncset.done $0x0  }
0x11d: {  	s1 =	rddreg [dreg:$0x8];
	[sflag:s13] =	ssyncadd.s32 $0xFFFFC000  }
0x11e: {  	[tilespmem:s16], [sflag:$0x1] =	stream.indirect.gather [hbm4b:s7+s8], $0x80, s1, s8, $0xb8;
	[tilespmem:$0x16000] =	vst v63  }
0x11f: {  	_ = 	snop  }
0x120: {  	[spmem:s3] =	stream.indirect.scatter.add.f32 [tilespmem:s10], [sflag:$0x3], $0x80, s30, s8, $0xb8;
	[tilespmem:$0x16000] =	vst v63  }
0x121: {  	_ =	swait.ge [sflag:s14], $0x4000  }
0x122: {  	[sflag:s14] =	ssyncset.done $0x0  }
0x123: {  	s1 =	rddreg [dreg:$0x9];
	[sflag:s14] =	ssyncadd.s32 $0xFFFFC000  }
0x124: {  	[tilespmem:s15], [sflag:$0x2] =	stream.indirect.gather [hbm4b:s7+s8], $0x80, s1, s8, $0xb8;
	[tilespmem:$0x16000] =	vst v63  }
0x125: {  	s30 =	rddreg [dreg:$0xa]  }
0x126: {  	[spmem:s3] =	stream.indirect.scatter.add.f32 [tilespmem:s9], [sflag:$0x4], $0x80, s30, s8, $0xb8;
	[tilespmem:$0x16000] =	vst v63  }
0x127: {  	_ =	swait.ge [sflag:s13], $0x4000  }
0x128: {  	[sflag:s13] =	ssyncset.done $0x0  }
0x129: {  	[sflag:s13] =	ssyncadd.s32 $0xFFFFC000  }
0x12a: {  	_ =	swait.ge [sflag:s11], $0x4000  }
0x12b: {  	[sflag:s11] =	ssyncset.done $0x0  }
0x12c: {  	s1 =	rddreg [dreg:$0xb];
	[sflag:s11] =	ssyncadd.s32 $0xFFFFC000  }
0x12d: {  	[tilespmem:s10], [sflag:$0x1] =	stream.indirect.gather [hbm4b:s7+s8], $0x80, s1, s8, $0xb8;
	[tilespmem:$0x16000] =	vst v63  }
0x12e: {  	_ = 	snop  }
0x12f: {  	[spmem:s3] =	stream.indirect.scatter.add.f32 [tilespmem:s16], [sflag:$0x3], $0x80, s18, s8, $0xb8;
	[tilespmem:$0x16000] =	vst v63  }
0x130: {  	_ =	swait.ge [sflag:s14], $0x4000  }
0x131: {  	[sflag:s14] =	ssyncset.done $0x0  }
0x132: {  	[sflag:s14] =	ssyncadd.s32 $0xFFFFC000  }
0x133: {  	_ =	swait.ge [sflag:s12], $0x4000  }
0x134: {  	[sflag:s12] =	ssyncset.done $0x0  }
0x135: {  	[sflag:s12] =	ssyncadd.s32 $0xFFFFC000  }
0x136: {  	[tilespmem:s9], [sflag:$0x2] =	stream.indirect.gather [hbm4b:s7+s8], $0x80, s29, s8, $0xb8;
	[tilespmem:$0x16000] =	vst v63  }
0x137: {  	_ = 	snop  }
0x138: {  	[spmem:s3] =	stream.indirect.scatter.add.f32 [tilespmem:s15], [sflag:$0x4], $0x80, s31, s8, $0xb8;
	[tilespmem:$0x16000] =	vst v63  }
0x139: {  	_ =	swait.ge [sflag:s13], $0x4000  }
0x13a: {  	[sflag:s13] =	ssyncset.done $0x0  }
0x13b: {  	[sflag:s13] =	ssyncadd.s32 $0xFFFFC000  }
0x13c: {  	_ =	swait.ge [sflag:s11], $0x4000  }
0x13d: {  	[sflag:s11] =	ssyncset.done $0x0  }
0x13e: {  	[sflag:s11] =	ssyncadd.s32 $0xFFFFC000  }
0x13f: {  	[tilespmem:s16], [sflag:$0x1] =	stream.indirect.gather [hbm4b:s7+s8], $0x80, s26, s8, $0xb8;
	[tilespmem:$0x16000] =	vst v63  }
0x140: {  	_ = 	snop  }
0x141: {  	[spmem:s3] =	stream.indirect.scatter.add.f32 [tilespmem:s10], [sflag:$0x3], $0x80, s28, s8, $0xb8;
	[tilespmem:$0x16000] =	vst v63  }
0x142: {  	_ =	swait.ge [sflag:s14], $0x4000  }
0x143: {  	[sflag:s14] =	ssyncset.done $0x0  }
0x144: {  	[sflag:s14] =	ssyncadd.s32 $0xFFFFC000  }
0x145: {  	_ =	swait.ge [sflag:s12], $0x4000  }
0x146: {  	[sflag:s12] =	ssyncset.done $0x0  }
0x147: {  	[sflag:s12] =	ssyncadd.s32 $0xFFFFC000  }
0x148: {  	[tilespmem:s15], [sflag:$0x2] =	stream.indirect.gather [hbm4b:s7+s8], $0x80, s24, s8, $0xb8;
	[tilespmem:$0x16000] =	vst v63  }
0x149: {  	_ = 	snop  }
0x14a: {  	[spmem:s3] =	stream.indirect.scatter.add.f32 [tilespmem:s9], [sflag:$0x4], $0x80, s25, s8, $0xb8;
	[tilespmem:$0x16000] =	vst v63  }
0x14b: {  	_ =	swait.ge [sflag:s13], $0x4000  }
0x14c: {  	[sflag:s13] =	ssyncset.done $0x0  }
0x14d: {  	[sflag:s13] =	ssyncadd.s32 $0xFFFFC000  }
0x14e: {  	_ =	swait.ge [sflag:s11], $0x4000  }
0x14f: {  	[sflag:s11] =	ssyncset.done $0x0  }
0x150: {  	[sflag:s11] =	ssyncadd.s32 $0xFFFFC000  }
0x151: {  	[tilespmem:s10], [sflag:$0x1] =	stream.indirect.gather [hbm4b:s7+s8], $0x80, s22, s8, $0xb8;
	[tilespmem:$0x16000] =	vst v63  }
0x152: {  	_ = 	snop  }
0x153: {  	[spmem:s3] =	stream.indirect.scatter.add.f32 [tilespmem:s16], [sflag:$0x3], $0x80, s23, s8, $0xb8;
	[tilespmem:$0x16000] =	vst v63  }
0x154: {  	_ =	swait.ge [sflag:s14], $0x4000  }
0x155: {  	[sflag:s14] =	ssyncset.done $0x0  }
0x156: {  	[sflag:s14] =	ssyncadd.s32 $0xFFFFC000  }
0x157: {  	_ =	swait.ge [sflag:s12], $0x4000  }
0x158: {  	[sflag:s12] =	ssyncset.done $0x0  }
0x159: {  	[sflag:s12] =	ssyncadd.s32 $0xFFFFC000  }
0x15a: {  	[tilespmem:s9], [sflag:$0x2] =	stream.indirect.gather [hbm4b:s7+s8], $0x80, s20, s8, $0xb8;
	[tilespmem:$0x16000] =	vst v63  }
0x15b: {  	_ = 	snop  }
0x15c: {  	[spmem:s3] =	stream.indirect.scatter.add.f32 [tilespmem:s15], [sflag:$0x4], $0x80, s21, s8, $0xb8;
	[tilespmem:$0x16000] =	vst v63  }
0x15d: {  	_ =	swait.ge [sflag:s13], $0x4000  }
0x15e: {  	[sflag:s13] =	ssyncset.done $0x0  }
0x15f: {  	[sflag:s13] =	ssyncadd.s32 $0xFFFFC000  }
0x160: {  	[spmem:s3] =	stream.indirect.scatter.add.f32 [tilespmem:s10], [sflag:$0x3], $0x80, s19, s8, $0xb8;
	[tilespmem:$0x16000] =	vst v63  }
0x161: {  	_ =	swait.ge [sflag:s14], $0x4000  }
0x162: {  	[sflag:s14] =	ssyncset.done $0x0  }
0x163: {  	s29 =	simm.s32 $0xC80;
	[sflag:s14] =	ssyncadd.s32 $0xFFFFC000  }
0x164: {  	[spmem:s3] =	stream.indirect.scatter.add.f32 [tilespmem:s9], [sflag:$0x4], $0x80, s29, s8, $0xb8;
	[tilespmem:$0x16000] =	vst v63  }
0x165: {  	_ =	swait.ge [sflag:s11], $0x4000  }
0x166: {  	[sflag:s11] =	ssyncset.done $0x0  }
0x167: {  	[sflag:s11] =	ssyncadd.s32 $0xFFFFC000  }
0x168: {  	_ =	swait.ge [sflag:s12], $0x4000  }
0x169: {  	[sflag:s12] =	ssyncset.done $0x0  }
0x16a: {  	[sflag:s12] =	ssyncadd.s32 $0xFFFFC000  }
0x16b: {  	_ =	swait.ge [sflag:s11], $0x4000  }
0x16c: {  	[sflag:s11] =	ssyncset.done $0x0  }
0x16d: {  	[sflag:s11] =	ssyncadd.s32 $0xFFFFC000  }
0x16e: {  	_ =	swait.ge [sflag:s12], $0x4000  }
0x16f: {  	[sflag:s12] =	ssyncset.done $0x0  }
0x170: {  	[sflag:s12] =	ssyncadd.s32 $0xFFFFC000  }
0x171: {  	[bflag:$0x0] =	sbarrier.arrive $0xFFFF  }
0x172: {  	[tilespmem:s6], [sflag:$0x5] =	stream.linear.gather [spmem:s5], $0x2800, $0x38;
	[tilespmem:$0x16000] =	vst v63  }
0x173: {  	_ =	swait.ge [sflag:s4], $0x2800  }
0x174: {  	[sflag:s4] =	ssyncset.done $0x0  }
0x175: {  	s30 =	rddreg [dreg:$0x7];
	[sflag:s4] =	ssyncadd.s32 $0xFFFFD800  }
0x176: {  	[hbm4b:s30+s2] =	stream.linear.scatter [tilespmem:s6], [sflag:$0x5], $0x2800, $0x38;
	[tilespmem:$0x16000] =	vst v63  }
0x177: {  	_ =	swait.ge [sflag:s4], $0x2800  }
0x178: {  	[sflag:s4] =	ssyncset.done $0x0  }
0x179: {  	[sflag:s4] =	ssyncadd.s32 $0xFFFFD800  }
0x17a: {  	_ =	sfence.sel $0x180000  }
0x17b: {  	s31 =	stileid.u32;
	[bflag:$0x0] =	sbarrier.arrive $0xFFFF  }
0x17c: {  	p0 =	sne.s32 s31, $0x0;
	_ =	strace $0x90000047  }
0x17d: {  	s0 =	sadd.s32 @!p0 $0x100000, s17;
	[bflag:$0x2] =	sbarrier.arrive $0xFFFF  }
0x17e: {  	[sflag:s0] =	ssyncadd.tile.s32 @!p0 $0x1;
	_ =	shalt  }
.LBB2_1:
.Ltmp3:
0x17f: {  	(pc) =	sbr.rel .LBB2_6-.Ltmp3, $4  }
0x180: {  	s18 =	simm.s32 $0x900;
	s31 =	simm.s32 $0x980;
	s29 =	simm.s32 $0x280  }
0x181: {  	s28 =	simm.s32 $0xA00;
	s26 =	simm.s32 $0x300;
	s25 =	simm.s32 $0xA80  }
0x182: {  	s24 =	simm.s32 $0x380;
	s23 =	simm.s32 $0xB00;
	s22 =	simm.s32 $0x400  }
0x183: {  	s21 =	simm.s32 $0xB80;
	s20 =	simm.s32 $0x480;
	s19 =	simm.s32 $0xC00  }
.LBB2_3:
.Ltmp4:
0x184: {  	s18 =	simm.s32 $0x900;
	(pc) =	sbr.rel .LBB2_6-.Ltmp4, $4  }
0x185: {  	s31 =	simm.s32 $0x980;
	s29 =	simm.s32 $0x280;
	s28 =	simm.s32 $0xA00  }
0x186: {  	s26 =	simm.s32 $0x300;
	s25 =	simm.s32 $0xA80;
	s24 =	simm.s32 $0x380  }
0x187: {  	s23 =	simm.s32 $0xB00;
	s22 =	simm.s32 $0x400;
	s21 =	simm.s32 $0xB80  }
0x188: {  	s20 =	simm.s32 $0x480;
	s19 =	simm.s32 $0xC00;
	s17 =	rddreg [dreg:$0x3]  }
.Lfunc_end2:
_tile_overlayer_lowered:
.L_overlay_start_2:
0x189: {  	(tag) =	ssettag $0x2  }
0x18a: {  	s0 =	rddreg [dreg:$0x0];
	s2 =	stileid.u32  }
0x18b: {  	s1 =	rddreg [dreg:$0x1];
	p0 =	sne.s32 s2, $0x0  }
0x18c: {  	s3 =	rddreg [dreg:$0x2];
	[bflag:$0x3] =	sbarrier.arrive $0xFFFF;
	s2 =	simm.s32 @!p0 $0x1C05  }
0x18d: {  	[timem:s3], [sflag:s2] =	dma.local @!p0 [hbm:s0], s1  }
0x18e: {  	s0 =	simm.s32 @!p0 $0x5  }
0x18f: {  	_ =	swait.ge @!p0 [sflag:s0], s1  }
0x190: {  	s1 =	ssub.s32 @!p0 $0x0, s1;
	[sflag:s0] =	ssyncset.done @!p0 $0x0  }
0x191: {  	[sflag:s0] =	ssyncadd.s32 @!p0 s1  }
0x192: {  	[bflag:$0x3] =	sbarrier.arrive $0xFFFF  }
0x193: {  	_ =	shalt  }

</sc_bundles>
